<compile_context>
chip_gen: v7x
topology: tpu7x:2x2x1
jax: 0.10.2.dev20260603
libtpu: 0.0.44.dev20260713+nightly
codegen_flags: <defaults>
</compile_context>

<pallas_src>
import functools

import jax
import jax.numpy as jnp
from jax import lax
from jax.experimental import pallas as pl
from jax.experimental.pallas import tpu as pltpu
from jax.experimental.pallas import tpu_sc as plsc

N = 10000
E = 320000
D_IN = 128
H1 = 16
H2 = 32
G = 128

NC = 2
NS = 16
TILES = NC * NS
LANE = 128
NCHUNK = 2560
CPT0 = 152
CPT1 = 2 * (NCHUNK // NC) // NS - CPT0
NCHUNK_ALLOC = 2816
PAD_IDX = N
NBUF = 8
LEAD = 4
R = 10240
RPT = R // NS

_MESH = plsc.VectorSubcoreMesh(core_axis_name="c", subcore_axis_name="s",
                               num_cores=NC)
_MESH1 = plsc.VectorSubcoreMesh(core_axis_name="c", subcore_axis_name="s",
                                num_cores=1)


def _make_agg(width):

    @functools.partial(
        pl.kernel,
        mesh=_MESH,
        out_type=jax.ShapeDtypeStruct((NC, R, width), jnp.float32),
        compiler_params=pltpu.CompilerParams(use_tc_tiling_on_sc=False),
        scratch_types=[
            pltpu.VMEM((CPT0, LANE), jnp.int32),
            pltpu.VMEM((CPT0, LANE), jnp.int32),
            pltpu.VMEM((NBUF, LANE, width), jnp.float32),
            pltpu.SemaphoreType.DMA((NBUF,)),
            pltpu.SemaphoreType.DMA((NBUF,)),
            pltpu.VMEM_SHARED((R, width), jnp.float32),
        ],
    )
    def agg(src_hbm, dst_hbm, g_hbm, zeros_hbm, out_hbm,
            src_v, dst_v, rows_v, gsem, ssem, acc_sh):
        c = lax.axis_index("c")
        s = lax.axis_index("s")
        cpt = jnp.where(c == 0, CPT0, CPT1)
        base = jnp.where(c == 0, s * CPT0, NS * CPT0 + s * CPT1)
        pltpu.sync_copy(zeros_hbm.at[pl.ds(s * RPT, RPT)],
                        acc_sh.at[pl.ds(s * RPT, RPT)])
        pltpu.sync_copy(src_hbm.at[pl.ds(base, CPT0)], src_v)
        pltpu.sync_copy(dst_hbm.at[pl.ds(base, CPT0)], dst_v)
        plsc.subcore_barrier()

        for b in range(LEAD):
            pltpu.async_copy(g_hbm.at[src_v.at[b]], rows_v.at[b], gsem.at[b])

        def slot(chunk, b):
            bf = (b + LEAD) % NBUF

            @pl.when(chunk >= LEAD)
            def _():
                pltpu.make_async_copy(rows_v.at[bf],
                                      acc_sh.at[dst_v.at[0]],
                                      ssem.at[bf]).wait()

            @pl.when(chunk + LEAD < cpt)
            def _():
                pltpu.async_copy(g_hbm.at[src_v.at[chunk + LEAD]],
                                 rows_v.at[bf], gsem.at[bf])

            pltpu.make_async_copy(g_hbm.at[src_v.at[0]],
                                  rows_v.at[b], gsem.at[b]).wait()
            pltpu.async_copy(rows_v.at[b], acc_sh.at[dst_v.at[chunk]],
                             ssem.at[b], add=True)

        def step(j, carry):
            for b in range(NBUF):
                slot(NBUF * j + b, b)
            return carry

        lax.fori_loop(0, cpt // NBUF, step, 0)
        for b in range(NBUF - LEAD, NBUF):
            pltpu.make_async_copy(rows_v.at[b], acc_sh.at[dst_v.at[0]],
                                  ssem.at[b]).wait()
        plsc.subcore_barrier()
        pltpu.sync_copy(acc_sh.at[pl.ds(s * RPT, RPT)],
                        out_hbm.at[c].at[pl.ds(s * RPT, RPT)])

    return agg


_agg16 = _make_agg(H1)
_agg32 = _make_agg(H2)

DEG_CPT = NCHUNK // TILES


@functools.partial(
    pl.kernel,
    mesh=_MESH,
    out_type=jax.ShapeDtypeStruct((NC, R), jnp.float32),
    scratch_types=[
        pltpu.VMEM((DEG_CPT, LANE), jnp.int32),
        pltpu.VMEM((LANE,), jnp.float32),
        pltpu.VMEM_SHARED((R,), jnp.float32),
        pltpu.SemaphoreType.DMA,
    ],
)
def _deg_kernel(dst_hbm, ones_hbm, zeros_hbm, out_hbm,
                dst_v, ones_v, acc_sh, sem):
    c = lax.axis_index("c")
    s = lax.axis_index("s")
    t = c * NS + s
    pltpu.sync_copy(zeros_hbm.at[pl.ds(s * RPT, RPT)],
                    acc_sh.at[pl.ds(s * RPT, RPT)])
    pltpu.sync_copy(ones_hbm, ones_v)
    pltpu.sync_copy(dst_hbm.at[pl.ds(t * DEG_CPT, DEG_CPT)], dst_v)
    plsc.subcore_barrier()

    def step(j, carry):
        pltpu.sync_copy(ones_v, acc_sh.at[dst_v.at[j]], add=True)
        return carry

    lax.fori_loop(0, DEG_CPT, step, 0)
    plsc.subcore_barrier()
    pltpu.sync_copy(acc_sh.at[pl.ds(s * RPT, RPT)],
                    out_hbm.at[c].at[pl.ds(s * RPT, RPT)])


def _tc1_body(x_ref, w_ref, degp_ref, g_ref, dinv_ref):
    deg = degp_ref[0] + degp_ref[1] + 1.0
    dinv = lax.rsqrt(deg)
    h = jnp.dot(x_ref[...], w_ref[...], preferred_element_type=jnp.float32)
    g_ref[...] = h * dinv[:, None]
    dinv_ref[...] = dinv


def _tc2_body(accp_ref, g1_ref, dinv_ref, b1_ref, w2_ref, g2_ref):
    dinv = dinv_ref[...]
    acc = accp_ref[0] + accp_ref[1] + g1_ref[...]
    h1 = jnp.maximum(acc * dinv[:, None] + b1_ref[...], 0.0)
    g2_ref[...] = jnp.dot(h1, w2_ref[...],
                          preferred_element_type=jnp.float32) * dinv[:, None]


def _tc3_body(accp_ref, g2_ref, dinv_ref, b2_ref, batch_ref, fcw_ref,
              fcb_ref, out_ref):
    dinv = dinv_ref[...]
    acc = accp_ref[0] + accp_ref[1] + g2_ref[...]
    h2 = jnp.maximum(acc * dinv[:, None] + b2_ref[...], 0.0)[:N]
    ids = batch_ref[...]
    onehot = (ids[None, :] ==
              lax.broadcasted_iota(jnp.int32, (G, 1), 0)).astype(jnp.float32)
    sums = jnp.dot(onehot, h2, preferred_element_type=jnp.float32)
    cnt = jnp.sum(onehot, axis=1)
    pooled = sums / jnp.maximum(cnt, 1.0)[:, None]
    logits = jnp.dot(pooled, fcw_ref[...],
                     preferred_element_type=jnp.float32) + fcb_ref[...]
    m = jnp.max(logits, axis=1, keepdims=True)
    sh = logits - m
    out_ref[...] = sh - jnp.log(jnp.sum(jnp.exp(sh), axis=1, keepdims=True))


def kernel(x, edge_index, batch, W1, b1, W2, b2, fcW, fcb):
    src = edge_index[0].astype(jnp.int32)
    dst = edge_index[1].astype(jnp.int32)
    batch32 = batch.astype(jnp.int32)
    pad = jnp.full((NCHUNK_ALLOC * LANE - E,), PAD_IDX, jnp.int32)
    src_t = jnp.concatenate([src, pad]).reshape(NCHUNK_ALLOC, LANE)
    dst_t = jnp.concatenate([dst, pad]).reshape(NCHUNK_ALLOC, LANE)
    x_pad = jnp.pad(x, ((0, R - N), (0, 0)))
    zeros_r = jnp.zeros((R,), jnp.float32)
    zeros16 = jnp.zeros((R, H1), jnp.float32)
    zeros32 = jnp.zeros((R, H2), jnp.float32)
    ones_l = jnp.ones((LANE,), jnp.float32)

    degp = _deg_kernel(dst_t, ones_l, zeros_r)

    g1, dinv = pl.pallas_call(
        _tc1_body,
        out_shape=[jax.ShapeDtypeStruct((R, H1), jnp.float32),
                   jax.ShapeDtypeStruct((R,), jnp.float32)],
    )(x_pad, W1, degp)

    acc1 = _agg16(src_t, dst_t, g1, zeros16)

    g2 = pl.pallas_call(
        _tc2_body,
        out_shape=jax.ShapeDtypeStruct((R, H2), jnp.float32),
    )(acc1, g1, dinv, b1, W2)

    acc2 = _agg32(src_t, dst_t, g2, zeros32)

    out = pl.pallas_call(
        _tc3_body,
        out_shape=jax.ShapeDtypeStruct((G, 2), jnp.float32),
    )(acc2, g2, dinv, b2, batch32, fcW, fcb)
    return out

# --- scband reference (transcript-rebuilt; emitter-appended) ---
"""Pipeline reference for scband-document-gnn-39453569581539 (READ-ONLY COPY).

The authoritative reference and input builder live on the scoring server;
editing this copy changes nothing except your own understanding.
"""

import jax, jax.numpy as jnp
import numpy as np

N_NODES = 10000
N_EDGES = 320000
D_IN = 128
H1 = 16
H2 = 32
N_CLASSES = 2
N_GRAPHS = 128


def setup_inputs(seed: int = 0) -> dict:
    key = jax.random.key(seed)
    ks = jax.random.split(key, 10)
    x = jax.random.normal(ks[0], (N_NODES, D_IN), dtype=jnp.float32)
    edge_index = jax.random.randint(ks[1], (2, N_EDGES), 0, N_NODES, dtype=jnp.int64)
    batch = jnp.sort(jax.random.randint(ks[2], (N_NODES,), 0, N_GRAPHS, dtype=jnp.int64))
    W1 = jax.random.normal(ks[3], (D_IN, H1), dtype=jnp.float32) / np.sqrt(D_IN)
    b1 = jnp.zeros((H1,), dtype=jnp.float32)
    W2 = jax.random.normal(ks[4], (H1, H2), dtype=jnp.float32) / np.sqrt(H1)
    b2 = jnp.zeros((H2,), dtype=jnp.float32)
    fcW = jax.random.normal(ks[5], (H2, N_CLASSES), dtype=jnp.float32) / np.sqrt(H2)
    fcb = jnp.zeros((N_CLASSES,), dtype=jnp.float32)
    return {"x": x, "edge_index": edge_index, "batch": batch,
            "W1": W1, "b1": b1, "W2": W2, "b2": b2, "fcW": fcW, "fcb": fcb}


def _gcn_conv(x, src, dst, W, b, num_nodes):
    # PyG GCNConv: add self-loops, symmetric normalization D^-1/2 (A+I) D^-1/2, linear first
    loop = jnp.arange(num_nodes, dtype=src.dtype)
    s = jnp.concatenate([src, loop])
    d = jnp.concatenate([dst, loop])
    deg = jnp.zeros((num_nodes,), dtype=x.dtype).at[d].add(1.0)
    dinv = jnp.where(deg > 0, 1.0 / jnp.sqrt(deg), 0.0)
    norm = dinv[s] * dinv[d]
    h = x @ W
    msg = h[s] * norm[:, None]
    out = jnp.zeros((num_nodes, h.shape[1]), dtype=h.dtype).at[d].add(msg)
    return out + b


def reference(x, edge_index, batch, W1, b1, W2, b2, fcW, fcb):
    num_nodes = x.shape[0]
    src, dst = edge_index[0], edge_index[1]
    h = jax.nn.relu(_gcn_conv(x, src, dst, W1, b1, num_nodes))
    h = jax.nn.relu(_gcn_conv(h, src, dst, W2, b2, num_nodes))
    # global_mean_pool over batch ids
    sums = jax.ops.segment_sum(h, batch, num_segments=N_GRAPHS)
    cnt = jax.ops.segment_sum(jnp.ones((num_nodes,), dtype=h.dtype), batch, num_segments=N_GRAPHS)
    pooled = sums / jnp.maximum(cnt, 1.0)[:, None]
    logits = pooled @ fcW + fcb
    return jax.nn.log_softmax(logits, axis=1)

if __name__ == "__main__":
    import jax
    _d = setup_inputs()
    print(jax.jit(kernel)(*tuple(_d.values())))

</pallas_src>

<mosaic_0001>
#map = affine_map<(d0, d1) -> (0, 0)>
#map1 = affine_map<(d0, d1) -> (0, 0, 0)>
module attributes {stable_mosaic.version = 14 : i64} {
  func.func @agg(%arg0: i32, %arg1: i32, %arg2: memref<2816x128xi32, #tpu.memory_space<hbm>>, %arg3: memref<2816x128xi32, #tpu.memory_space<hbm>>, %arg4: memref<10240x32xf32, #tpu.memory_space<hbm>>, %arg5: memref<10240x32xf32, #tpu.memory_space<hbm>>, %arg6: memref<2x10240x32xf32, #tpu.memory_space<hbm>>, %arg7: memref<152x128xi32, #tpu.memory_space<vmem>>, %arg8: memref<152x128xi32, #tpu.memory_space<vmem>>, %arg9: memref<8x128x32xf32, #tpu.memory_space<vmem>>, %arg10: memref<8x!tpu.dma_semaphore, #tpu.memory_space<semaphore_mem>>, %arg11: memref<8x!tpu.dma_semaphore, #tpu.memory_space<semaphore_mem>>, %arg12: memref<10240x32xf32, #tpu.memory_space<vmem_shared>>) attributes {dimension_semantics = [#tpu.dimension_semantics<core_parallel>, #tpu.dimension_semantics<subcore_parallel>], iteration_bounds = array<i64: 2, 16>, scalar_prefetch = 0 : i64, scratch_operands = 6 : i64, tpu.core_type = #tpu.core_type<sc_vector_subcore>, window_params = [{transform_indices = #map}, {transform_indices = #map}, {transform_indices = #map}, {transform_indices = #map}, {transform_indices = #map1}]} {
    %eq3A = arith.constant 0 : i32
    %eq3A_0 = arith.cmpi eq, %arg0, %eq3A : i32
    %jit3A = arith.constant 152 : i32
    %jit3A_1 = arith.constant 8 : i32
    %select_n3A = arith.select %eq3A_0, %jit3A, %jit3A_1 : i32
    %eq3A_2 = arith.constant 0 : i32
    %eq3A_3 = arith.cmpi eq, %arg0, %eq3A_2 : i32
    %mul3A = arith.constant 152 : i32
    %mul3A_4 = arith.muli %arg1, %mul3A : i32
    %mul3A_5 = arith.constant 8 : i32
    %mul3A_6 = arith.muli %arg1, %mul3A_5 : i32
    %add3A = arith.constant 2432 : i32
    %add3A_7 = arith.addi %add3A, %mul3A_6 : i32
    %select_n3A_8 = arith.select %eq3A_3, %mul3A_4, %add3A_7 : i32
    %mul3A_9 = arith.constant 640 : i32
    %mul3A_10 = arith.muli %arg1, %mul3A_9 : i32
    %mul3A_11 = arith.constant 640 : i32
    %mul3A_12 = arith.muli %arg1, %mul3A_11 : i32
    "tpu.region"() ({
      %run_scoped3A = tpu.sem_alloc : memref<!tpu.dma_semaphore, #tpu.memory_space<semaphore_mem>>
      %dma_start3A_163 = arith.constant 0 : i32
      %dma_start3A_164 = tpu.memref_slice %arg12[%mul3A_12, %dma_start3A_163] : memref<10240x32xf32, #tpu.memory_space<vmem_shared>> -> memref<640x32xf32, #tpu.memory_space<vmem_shared>>
      %dma_start3A_165 = arith.constant 0 : i32
      %dma_start3A_166 = tpu.memref_slice %arg5[%mul3A_10, %dma_start3A_165] : memref<10240x32xf32, #tpu.memory_space<hbm>> -> memref<640x32xf32, #tpu.memory_space<hbm>>
      tpu.enqueue_dma source(%dma_start3A_166 : memref<640x32xf32, #tpu.memory_space<hbm>>) target(%dma_start3A_164 : memref<640x32xf32, #tpu.memory_space<vmem_shared>>) target_semaphore(%run_scoped3A : memref<!tpu.dma_semaphore, #tpu.memory_space<semaphore_mem>>)
      %dma_wait3A_167 = arith.constant 0 : i32
      %dma_wait3A_168 = tpu.memref_slice %arg12[%mul3A_12, %dma_wait3A_167] : memref<10240x32xf32, #tpu.memory_space<vmem_shared>> -> memref<640x32xf32, #tpu.memory_space<vmem_shared>>
      %dma_wait3A_169 = arith.constant 0 : i32
      %dma_wait3A_170 = tpu.memref_slice %arg5[%mul3A_10, %dma_wait3A_169] : memref<10240x32xf32, #tpu.memory_space<hbm>> -> memref<640x32xf32, #tpu.memory_space<hbm>>
      tpu.wait_dma2 semaphore(%run_scoped3A : memref<!tpu.dma_semaphore, #tpu.memory_space<semaphore_mem>>) src(%dma_wait3A_170 : memref<640x32xf32, #tpu.memory_space<hbm>>) dst(%dma_wait3A_168 : memref<640x32xf32, #tpu.memory_space<vmem_shared>>)
      tpu.yield
    }) : () -> ()
    "tpu.region"() ({
      %run_scoped3A = tpu.sem_alloc : memref<!tpu.dma_semaphore, #tpu.memory_space<semaphore_mem>>
      %dma_start3A_163 = arith.constant 0 : i32
      %dma_start3A_164 = tpu.memref_slice %arg2[%select_n3A_8, %dma_start3A_163] : memref<2816x128xi32, #tpu.memory_space<hbm>> -> memref<152x128xi32, #tpu.memory_space<hbm>>
      %dma_start3A_165 = arith.constant 0 : i32
      %dma_start3A_166 = tpu.memref_slice %arg2[%select_n3A_8, %dma_start3A_165] : memref<2816x128xi32, #tpu.memory_space<hbm>> -> memref<152x128xi32, #tpu.memory_space<hbm>>
      tpu.enqueue_dma source(%dma_start3A_166 : memref<152x128xi32, #tpu.memory_space<hbm>>) target(%arg7 : memref<152x128xi32, #tpu.memory_space<vmem>>) target_semaphore(%run_scoped3A : memref<!tpu.dma_semaphore, #tpu.memory_space<semaphore_mem>>)
      %dma_wait3A_167 = arith.constant 0 : i32
      %dma_wait3A_168 = tpu.memref_slice %arg2[%select_n3A_8, %dma_wait3A_167] : memref<2816x128xi32, #tpu.memory_space<hbm>> -> memref<152x128xi32, #tpu.memory_space<hbm>>
      %dma_wait3A_169 = arith.constant 0 : i32
      %dma_wait3A_170 = tpu.memref_slice %arg2[%select_n3A_8, %dma_wait3A_169] : memref<2816x128xi32, #tpu.memory_space<hbm>> -> memref<152x128xi32, #tpu.memory_space<hbm>>
      tpu.wait_dma2 semaphore(%run_scoped3A : memref<!tpu.dma_semaphore, #tpu.memory_space<semaphore_mem>>) src(%dma_wait3A_170 : memref<152x128xi32, #tpu.memory_space<hbm>>) dst(%arg7 : memref<152x128xi32, #tpu.memory_space<vmem>>)
      tpu.yield
    }) : () -> ()
    "tpu.region"() ({
      %run_scoped3A = tpu.sem_alloc : memref<!tpu.dma_semaphore, #tpu.memory_space<semaphore_mem>>
      %dma_start3A_163 = arith.constant 0 : i32
      %dma_start3A_164 = tpu.memref_slice %arg3[%select_n3A_8, %dma_start3A_163] : memref<2816x128xi32, #tpu.memory_space<hbm>> -> memref<152x128xi32, #tpu.memory_space<hbm>>
      %dma_start3A_165 = arith.constant 0 : i32
      %dma_start3A_166 = tpu.memref_slice %arg3[%select_n3A_8, %dma_start3A_165] : memref<2816x128xi32, #tpu.memory_space<hbm>> -> memref<152x128xi32, #tpu.memory_space<hbm>>
      tpu.enqueue_dma source(%dma_start3A_166 : memref<152x128xi32, #tpu.memory_space<hbm>>) target(%arg8 : memref<152x128xi32, #tpu.memory_space<vmem>>) target_semaphore(%run_scoped3A : memref<!tpu.dma_semaphore, #tpu.memory_space<semaphore_mem>>)
      %dma_wait3A_167 = arith.constant 0 : i32
      %dma_wait3A_168 = tpu.memref_slice %arg3[%select_n3A_8, %dma_wait3A_167] : memref<2816x128xi32, #tpu.memory_space<hbm>> -> memref<152x128xi32, #tpu.memory_space<hbm>>
      %dma_wait3A_169 = arith.constant 0 : i32
      %dma_wait3A_170 = tpu.memref_slice %arg3[%select_n3A_8, %dma_wait3A_169] : memref<2816x128xi32, #tpu.memory_space<hbm>> -> memref<152x128xi32, #tpu.memory_space<hbm>>
      tpu.wait_dma2 semaphore(%run_scoped3A : memref<!tpu.dma_semaphore, #tpu.memory_space<semaphore_mem>>) src(%dma_wait3A_170 : memref<152x128xi32, #tpu.memory_space<hbm>>) dst(%arg8 : memref<152x128xi32, #tpu.memory_space<vmem>>)
      tpu.yield
    }) : () -> ()
    %barrier3A = arith.constant 0 : index
    tpu.barrier barrier_id(%barrier3A)
    %dma_start3A = arith.constant 0 : i32
    %dma_start3A_13 = arith.constant 0 : i32
    %dma_start3A_14 = arith.constant 0 : i32
    %dma_start3A_15 = arith.constant 0 : i32
    %dma_start3A_16 = arith.constant 0 : i32
    %dma_start3A_17 = tpu.memref_slice %arg9[%dma_start3A_13, %dma_start3A_15, %dma_start3A_16] : memref<8x128x32xf32, #tpu.memory_space<vmem>> -> memref<1x128x32xf32, #tpu.memory_space<vmem>>
    %dma_start3A_18 = tpu.memref_squeeze %dma_start3A_17 : memref<1x128x32xf32, #tpu.memory_space<vmem>> -> memref<128x32xf32, #tpu.memory_space<vmem>>
    %dma_start3A_19 = arith.constant 0 : i32
    %dma_start3A_20 = tpu.memref_slice %arg7[%dma_start3A, %dma_start3A_19] : memref<152x128xi32, #tpu.memory_space<vmem>> -> memref<1x128xi32, #tpu.memory_space<vmem>>
    %dma_start3A_21 = tpu.memref_squeeze %dma_start3A_20 : memref<1x128xi32, #tpu.memory_space<vmem>> -> memref<128xi32, #tpu.memory_space<vmem>>
    %dma_start3A_22 = arith.constant 0 : i32
    %dma_start3A_23 = arith.constant 0 : i32
    %dma_start3A_24 = tpu.memref_slice %arg4[%dma_start3A_22, %dma_start3A_23] : memref<10240x32xf32, #tpu.memory_space<hbm>> -> memref<10240x32xf32, #tpu.memory_space<hbm>>
    %dma_start3A_25 = tpu.memref_slice %arg10[%dma_start3A_14] : memref<8x!tpu.dma_semaphore, #tpu.memory_space<semaphore_mem>> -> memref<1x!tpu.dma_semaphore, #tpu.memory_space<semaphore_mem>>
    %dma_start3A_26 = tpu.memref_squeeze %dma_start3A_25 : memref<1x!tpu.dma_semaphore, #tpu.memory_space<semaphore_mem>> -> memref<!tpu.dma_semaphore, #tpu.memory_space<semaphore_mem>>
    tpu.enqueue_indirect_dma source(%dma_start3A_24 : memref<10240x32xf32, #tpu.memory_space<hbm>>) target(%dma_start3A_18 : memref<128x32xf32, #tpu.memory_space<vmem>>) offsets(%dma_start3A_21 : memref<128xi32, #tpu.memory_space<vmem>>) semaphore(%dma_start3A_26 : memref<!tpu.dma_semaphore, #tpu.memory_space<semaphore_mem>>)
    %dma_start3A_27 = arith.constant 1 : i32
    %dma_start3A_28 = arith.constant 1 : i32
    %dma_start3A_29 = arith.constant 1 : i32
    %dma_start3A_30 = arith.constant 0 : i32
    %dma_start3A_31 = arith.constant 0 : i32
    %dma_start3A_32 = tpu.memref_slice %arg9[%dma_start3A_28, %dma_start3A_30, %dma_start3A_31] : memref<8x128x32xf32, #tpu.memory_space<vmem>> -> memref<1x128x32xf32, #tpu.memory_space<vmem>>
    %dma_start3A_33 = tpu.memref_squeeze %dma_start3A_32 : memref<1x128x32xf32, #tpu.memory_space<vmem>> -> memref<128x32xf32, #tpu.memory_space<vmem>>
    %dma_start3A_34 = arith.constant 0 : i32
    %dma_start3A_35 = tpu.memref_slice %arg7[%dma_start3A_27, %dma_start3A_34] : memref<152x128xi32, #tpu.memory_space<vmem>> -> memref<1x128xi32, #tpu.memory_space<vmem>>
    %dma_start3A_36 = tpu.memref_squeeze %dma_start3A_35 : memref<1x128xi32, #tpu.memory_space<vmem>> -> memref<128xi32, #tpu.memory_space<vmem>>
    %dma_start3A_37 = arith.constant 0 : i32
    %dma_start3A_38 = arith.constant 0 : i32
    %dma_start3A_39 = tpu.memref_slice %arg4[%dma_start3A_37, %dma_start3A_38] : memref<10240x32xf32, #tpu.memory_space<hbm>> -> memref<10240x32xf32, #tpu.memory_space<hbm>>
    %dma_start3A_40 = tpu.memref_slice %arg10[%dma_start3A_29] : memref<8x!tpu.dma_semaphore, #tpu.memory_space<semaphore_mem>> -> memref<1x!tpu.dma_semaphore, #tpu.memory_space<semaphore_mem>>
    %dma_start3A_41 = tpu.memref_squeeze %dma_start3A_40 : memref<1x!tpu.dma_semaphore, #tpu.memory_space<semaphore_mem>> -> memref<!tpu.dma_semaphore, #tpu.memory_space<semaphore_mem>>
    tpu.enqueue_indirect_dma source(%dma_start3A_39 : memref<10240x32xf32, #tpu.memory_space<hbm>>) target(%dma_start3A_33 : memref<128x32xf32, #tpu.memory_space<vmem>>) offsets(%dma_start3A_36 : memref<128xi32, #tpu.memory_space<vmem>>) semaphore(%dma_start3A_41 : memref<!tpu.dma_semaphore, #tpu.memory_space<semaphore_mem>>)
    %dma_start3A_42 = arith.constant 2 : i32
    %dma_start3A_43 = arith.constant 2 : i32
    %dma_start3A_44 = arith.constant 2 : i32
    %dma_start3A_45 = arith.constant 0 : i32
    %dma_start3A_46 = arith.constant 0 : i32
    %dma_start3A_47 = tpu.memref_slice %arg9[%dma_start3A_43, %dma_start3A_45, %dma_start3A_46] : memref<8x128x32xf32, #tpu.memory_space<vmem>> -> memref<1x128x32xf32, #tpu.memory_space<vmem>>
    %dma_start3A_48 = tpu.memref_squeeze %dma_start3A_47 : memref<1x128x32xf32, #tpu.memory_space<vmem>> -> memref<128x32xf32, #tpu.memory_space<vmem>>
    %dma_start3A_49 = arith.constant 0 : i32
    %dma_start3A_50 = tpu.memref_slice %arg7[%dma_start3A_42, %dma_start3A_49] : memref<152x128xi32, #tpu.memory_space<vmem>> -> memref<1x128xi32, #tpu.memory_space<vmem>>
    %dma_start3A_51 = tpu.memref_squeeze %dma_start3A_50 : memref<1x128xi32, #tpu.memory_space<vmem>> -> memref<128xi32, #tpu.memory_space<vmem>>
    %dma_start3A_52 = arith.constant 0 : i32
    %dma_start3A_53 = arith.constant 0 : i32
    %dma_start3A_54 = tpu.memref_slice %arg4[%dma_start3A_52, %dma_start3A_53] : memref<10240x32xf32, #tpu.memory_space<hbm>> -> memref<10240x32xf32, #tpu.memory_space<hbm>>
    %dma_start3A_55 = tpu.memref_slice %arg10[%dma_start3A_44] : memref<8x!tpu.dma_semaphore, #tpu.memory_space<semaphore_mem>> -> memref<1x!tpu.dma_semaphore, #tpu.memory_space<semaphore_mem>>
    %dma_start3A_56 = tpu.memref_squeeze %dma_start3A_55 : memref<1x!tpu.dma_semaphore, #tpu.memory_space<semaphore_mem>> -> memref<!tpu.dma_semaphore, #tpu.memory_space<semaphore_mem>>
    tpu.enqueue_indirect_dma source(%dma_start3A_54 : memref<10240x32xf32, #tpu.memory_space<hbm>>) target(%dma_start3A_48 : memref<128x32xf32, #tpu.memory_space<vmem>>) offsets(%dma_start3A_51 : memref<128xi32, #tpu.memory_space<vmem>>) semaphore(%dma_start3A_56 : memref<!tpu.dma_semaphore, #tpu.memory_space<semaphore_mem>>)
    %dma_start3A_57 = arith.constant 3 : i32
    %dma_start3A_58 = arith.constant 3 : i32
    %dma_start3A_59 = arith.constant 3 : i32
    %dma_start3A_60 = arith.constant 0 : i32
    %dma_start3A_61 = arith.constant 0 : i32
    %dma_start3A_62 = tpu.memref_slice %arg9[%dma_start3A_58, %dma_start3A_60, %dma_start3A_61] : memref<8x128x32xf32, #tpu.memory_space<vmem>> -> memref<1x128x32xf32, #tpu.memory_space<vmem>>
    %dma_start3A_63 = tpu.memref_squeeze %dma_start3A_62 : memref<1x128x32xf32, #tpu.memory_space<vmem>> -> memref<128x32xf32, #tpu.memory_space<vmem>>
    %dma_start3A_64 = arith.constant 0 : i32
    %dma_start3A_65 = tpu.memref_slice %arg7[%dma_start3A_57, %dma_start3A_64] : memref<152x128xi32, #tpu.memory_space<vmem>> -> memref<1x128xi32, #tpu.memory_space<vmem>>
    %dma_start3A_66 = tpu.memref_squeeze %dma_start3A_65 : memref<1x128xi32, #tpu.memory_space<vmem>> -> memref<128xi32, #tpu.memory_space<vmem>>
    %dma_start3A_67 = arith.constant 0 : i32
    %dma_start3A_68 = arith.constant 0 : i32
    %dma_start3A_69 = tpu.memref_slice %arg4[%dma_start3A_67, %dma_start3A_68] : memref<10240x32xf32, #tpu.memory_space<hbm>> -> memref<10240x32xf32, #tpu.memory_space<hbm>>
    %dma_start3A_70 = tpu.memref_slice %arg10[%dma_start3A_59] : memref<8x!tpu.dma_semaphore, #tpu.memory_space<semaphore_mem>> -> memref<1x!tpu.dma_semaphore, #tpu.memory_space<semaphore_mem>>
    %dma_start3A_71 = tpu.memref_squeeze %dma_start3A_70 : memref<1x!tpu.dma_semaphore, #tpu.memory_space<semaphore_mem>> -> memref<!tpu.dma_semaphore, #tpu.memory_space<semaphore_mem>>
    tpu.enqueue_indirect_dma source(%dma_start3A_69 : memref<10240x32xf32, #tpu.memory_space<hbm>>) target(%dma_start3A_63 : memref<128x32xf32, #tpu.memory_space<vmem>>) offsets(%dma_start3A_66 : memref<128xi32, #tpu.memory_space<vmem>>) semaphore(%dma_start3A_71 : memref<!tpu.dma_semaphore, #tpu.memory_space<semaphore_mem>>)
    %jit3A_72 = arith.constant 8 : i32
    %div3A = arith.divsi %select_n3A, %jit3A_72 : i32
    %sign3A = arith.constant 0 : i32
    %sign3A_73 = arith.cmpi sgt, %select_n3A, %sign3A : i32
    %sign3A_74 = arith.extui %sign3A_73 : i1 to i32
    %sign3A_75 = arith.constant 0 : i32
    %sign3A_76 = arith.cmpi slt, %select_n3A, %sign3A_75 : i32
    %sign3A_77 = arith.extui %sign3A_76 : i1 to i32
    %sign3A_78 = arith.subi %sign3A_74, %sign3A_77 : i32
    %sign3A_79 = arith.constant 0 : i32
    %sign3A_80 = arith.cmpi sgt, %jit3A_72, %sign3A_79 : i32
    %sign3A_81 = arith.extui %sign3A_80 : i1 to i32
    %sign3A_82 = arith.constant 0 : i32
    %sign3A_83 = arith.cmpi slt, %jit3A_72, %sign3A_82 : i32
    %sign3A_84 = arith.extui %sign3A_83 : i1 to i32
    %sign3A_85 = arith.subi %sign3A_81, %sign3A_84 : i32
    %ne3A = arith.cmpi ne, %sign3A_78, %sign3A_85 : i32
    %rem3A = arith.remsi %select_n3A, %jit3A_72 : i32
    %ne3A_86 = arith.constant 0 : i32
    %ne3A_87 = arith.cmpi ne, %rem3A, %ne3A_86 : i32
    %and3A = arith.andi %ne3A, %ne3A_87 : i1
    %sub3A = arith.constant 1 : i32
    %sub3A_88 = arith.subi %div3A, %sub3A : i32
    %select_n3A_89 = arith.select %and3A, %sub3A_88, %div3A : i32
    %while3A = arith.constant 0 : i32
    %while3A_90 = arith.constant 0 : i32
    %while3A_91 = arith.subi %select_n3A_89, %while3A_90 : i32
    %while3A_92 = arith.addi %while3A_90, %while3A_91 : i32
    %while3A_93 = arith.constant 1 : i32
    %while3A_94 = arith.divsi %while3A_91, %while3A_93 : i32
    %while3A_95 = arith.muli %while3A_94, %while3A_93 : i32
    %while3A_96 = arith.addi %while3A_90, %while3A_95 : i32
    %while3A_97 = arith.constant 1 : i32
    scf.for %while3A_163 = %while3A_90 to %while3A_96 step %while3A_97  : i32 {
      %mul3A_164 = arith.constant 8 : i32
      %mul3A_165 = arith.muli %mul3A_164, %while3A_163 : i32
      %add3A_166 = arith.constant 0 : i32
      %add3A_167 = arith.addi %mul3A_165, %add3A_166 : i32
      %ge3A = arith.constant 4 : i32
      %ge3A_168 = arith.cmpi sge, %add3A_167, %ge3A : i32
      %convert_element_type3A = arith.extui %ge3A_168 : i1 to i32
      %cond3A = arith.constant 0 : i32
      %cond3A_169 = arith.cmpi ne, %convert_element_type3A, %cond3A : i32
      scf.if %cond3A_169 {
        %dma_wait3A_512 = arith.constant 4 : i32
        %dma_wait3A_513 = arith.constant 0 : i32
        %dma_wait3A_514 = arith.constant 4 : i32
        %dma_wait3A_515 = arith.constant 0 : i32
        %dma_wait3A_516 = arith.constant 0 : i32
        %dma_wait3A_517 = tpu.memref_slice %arg9[%dma_wait3A_512, %dma_wait3A_515, %dma_wait3A_516] : memref<8x128x32xf32, #tpu.memory_space<vmem>> -> memref<1x128x32xf32, #tpu.memory_space<vmem>>
        %dma_wait3A_518 = tpu.memref_squeeze %dma_wait3A_517 : memref<1x128x32xf32, #tpu.memory_space<vmem>> -> memref<128x32xf32, #tpu.memory_space<vmem>>
        %dma_wait3A_519 = arith.constant 0 : i32
        %dma_wait3A_520 = tpu.memref_slice %arg8[%dma_wait3A_513, %dma_wait3A_519] : memref<152x128xi32, #tpu.memory_space<vmem>> -> memref<1x128xi32, #tpu.memory_space<vmem>>
        %dma_wait3A_521 = tpu.memref_squeeze %dma_wait3A_520 : memref<1x128xi32, #tpu.memory_space<vmem>> -> memref<128xi32, #tpu.memory_space<vmem>>
        %dma_wait3A_522 = arith.constant 0 : i32
        %dma_wait3A_523 = arith.constant 0 : i32
        %dma_wait3A_524 = tpu.memref_slice %arg12[%dma_wait3A_522, %dma_wait3A_523] : memref<10240x32xf32, #tpu.memory_space<vmem_shared>> -> memref<10240x32xf32, #tpu.memory_space<vmem_shared>>
        %dma_wait3A_525 = tpu.memref_slice %arg11[%dma_wait3A_514] : memref<8x!tpu.dma_semaphore, #tpu.memory_space<semaphore_mem>> -> memref<1x!tpu.dma_semaphore, #tpu.memory_space<semaphore_mem>>
        %dma_wait3A_526 = tpu.memref_squeeze %dma_wait3A_525 : memref<1x!tpu.dma_semaphore, #tpu.memory_space<semaphore_mem>> -> memref<!tpu.dma_semaphore, #tpu.memory_space<semaphore_mem>>
        tpu.wait_indirect_dma semaphore(%dma_wait3A_526 : memref<!tpu.dma_semaphore, #tpu.memory_space<semaphore_mem>>) src(%dma_wait3A_518 : memref<128x32xf32, #tpu.memory_space<vmem>>) dst(%dma_wait3A_524 : memref<10240x32xf32, #tpu.memory_space<vmem_shared>>)
      } else {
      }
      %add3A_170 = arith.constant 4 : i32
      %add3A_171 = arith.addi %add3A_167, %add3A_170 : i32
      %lt3A = arith.cmpi slt, %add3A_171, %select_n3A : i32
      %convert_element_type3A_172 = arith.extui %lt3A : i1 to i32
      %cond3A_173 = arith.constant 0 : i32
      %cond3A_174 = arith.cmpi ne, %convert_element_type3A_172, %cond3A_173 : i32
      scf.if %cond3A_174 {
        %add3A_512 = arith.constant 4 : i32
        %add3A_513 = arith.addi %add3A_167, %add3A_512 : i32
        %dma_start3A_514 = arith.constant 4 : i32
        %dma_start3A_515 = arith.constant 4 : i32
        %dma_start3A_516 = arith.constant 0 : i32
        %dma_start3A_517 = arith.constant 0 : i32
        %dma_start3A_518 = tpu.memref_slice %arg9[%dma_start3A_514, %dma_start3A_516, %dma_start3A_517] : memref<8x128x32xf32, #tpu.memory_space<vmem>> -> memref<1x128x32xf32, #tpu.memory_space<vmem>>
        %dma_start3A_519 = tpu.memref_squeeze %dma_start3A_518 : memref<1x128x32xf32, #tpu.memory_space<vmem>> -> memref<128x32xf32, #tpu.memory_space<vmem>>
        %dma_start3A_520 = arith.constant 0 : i32
        %dma_start3A_521 = tpu.memref_slice %arg7[%add3A_513, %dma_start3A_520] : memref<152x128xi32, #tpu.memory_space<vmem>> -> memref<1x128xi32, #tpu.memory_space<vmem>>
        %dma_start3A_522 = tpu.memref_squeeze %dma_start3A_521 : memref<1x128xi32, #tpu.memory_space<vmem>> -> memref<128xi32, #tpu.memory_space<vmem>>
        %dma_start3A_523 = arith.constant 0 : i32
        %dma_start3A_524 = arith.constant 0 : i32
        %dma_start3A_525 = tpu.memref_slice %arg4[%dma_start3A_523, %dma_start3A_524] : memref<10240x32xf32, #tpu.memory_space<hbm>> -> memref<10240x32xf32, #tpu.memory_space<hbm>>
        %dma_start3A_526 = tpu.memref_slice %arg10[%dma_start3A_515] : memref<8x!tpu.dma_semaphore, #tpu.memory_space<semaphore_mem>> -> memref<1x!tpu.dma_semaphore, #tpu.memory_space<semaphore_mem>>
        %dma_start3A_527 = tpu.memref_squeeze %dma_start3A_526 : memref<1x!tpu.dma_semaphore, #tpu.memory_space<semaphore_mem>> -> memref<!tpu.dma_semaphore, #tpu.memory_space<semaphore_mem>>
        tpu.enqueue_indirect_dma source(%dma_start3A_525 : memref<10240x32xf32, #tpu.memory_space<hbm>>) target(%dma_start3A_519 : memref<128x32xf32, #tpu.memory_space<vmem>>) offsets(%dma_start3A_522 : memref<128xi32, #tpu.memory_space<vmem>>) semaphore(%dma_start3A_527 : memref<!tpu.dma_semaphore, #tpu.memory_space<semaphore_mem>>)
      } else {
      }
      %dma_wait3A_175 = arith.constant 0 : i32
      %dma_wait3A_176 = arith.constant 0 : i32
      %dma_wait3A_177 = arith.constant 0 : i32
      %dma_wait3A_178 = arith.constant 0 : i32
      %dma_wait3A_179 = arith.constant 0 : i32
      %dma_wait3A_180 = tpu.memref_slice %arg9[%dma_wait3A_176, %dma_wait3A_178, %dma_wait3A_179] : memref<8x128x32xf32, #tpu.memory_space<vmem>> -> memref<1x128x32xf32, #tpu.memory_space<vmem>>
      %dma_wait3A_181 = tpu.memref_squeeze %dma_wait3A_180 : memref<1x128x32xf32, #tpu.memory_space<vmem>> -> memref<128x32xf32, #tpu.memory_space<vmem>>
      %dma_wait3A_182 = arith.constant 0 : i32
      %dma_wait3A_183 = tpu.memref_slice %arg7[%dma_wait3A_175, %dma_wait3A_182] : memref<152x128xi32, #tpu.memory_space<vmem>> -> memref<1x128xi32, #tpu.memory_space<vmem>>
      %dma_wait3A_184 = tpu.memref_squeeze %dma_wait3A_183 : memref<1x128xi32, #tpu.memory_space<vmem>> -> memref<128xi32, #tpu.memory_space<vmem>>
      %dma_wait3A_185 = arith.constant 0 : i32
      %dma_wait3A_186 = arith.constant 0 : i32
      %dma_wait3A_187 = tpu.memref_slice %arg4[%dma_wait3A_185, %dma_wait3A_186] : memref<10240x32xf32, #tpu.memory_space<hbm>> -> memref<10240x32xf32, #tpu.memory_space<hbm>>
      %dma_wait3A_188 = tpu.memref_slice %arg10[%dma_wait3A_177] : memref<8x!tpu.dma_semaphore, #tpu.memory_space<semaphore_mem>> -> memref<1x!tpu.dma_semaphore, #tpu.memory_space<semaphore_mem>>
      %dma_wait3A_189 = tpu.memref_squeeze %dma_wait3A_188 : memref<1x!tpu.dma_semaphore, #tpu.memory_space<semaphore_mem>> -> memref<!tpu.dma_semaphore, #tpu.memory_space<semaphore_mem>>
      tpu.wait_indirect_dma semaphore(%dma_wait3A_189 : memref<!tpu.dma_semaphore, #tpu.memory_space<semaphore_mem>>) src(%dma_wait3A_187 : memref<10240x32xf32, #tpu.memory_space<hbm>>) dst(%dma_wait3A_181 : memref<128x32xf32, #tpu.memory_space<vmem>>)
      %dma_start3A_190 = arith.constant 0 : i32
      %dma_start3A_191 = arith.constant 0 : i32
      %dma_start3A_192 = arith.constant 0 : i32
      %dma_start3A_193 = arith.constant 0 : i32
      %dma_start3A_194 = tpu.memref_slice %arg9[%dma_start3A_190, %dma_start3A_192, %dma_start3A_193] : memref<8x128x32xf32, #tpu.memory_space<vmem>> -> memref<1x128x32xf32, #tpu.memory_space<vmem>>
      %dma_start3A_195 = tpu.memref_squeeze %dma_start3A_194 : memref<1x128x32xf32, #tpu.memory_space<vmem>> -> memref<128x32xf32, #tpu.memory_space<vmem>>
      %dma_start3A_196 = arith.constant 0 : i32
      %dma_start3A_197 = tpu.memref_slice %arg8[%add3A_167, %dma_start3A_196] : memref<152x128xi32, #tpu.memory_space<vmem>> -> memref<1x128xi32, #tpu.memory_space<vmem>>
      %dma_start3A_198 = tpu.memref_squeeze %dma_start3A_197 : memref<1x128xi32, #tpu.memory_space<vmem>> -> memref<128xi32, #tpu.memory_space<vmem>>
      %dma_start3A_199 = arith.constant 0 : i32
      %dma_start3A_200 = arith.constant 0 : i32
      %dma_start3A_201 = tpu.memref_slice %arg12[%dma_start3A_199, %dma_start3A_200] : memref<10240x32xf32, #tpu.memory_space<vmem_shared>> -> memref<10240x32xf32, #tpu.memory_space<vmem_shared>>
      %dma_start3A_202 = tpu.memref_slice %arg11[%dma_start3A_191] : memref<8x!tpu.dma_semaphore, #tpu.memory_space<semaphore_mem>> -> memref<1x!tpu.dma_semaphore, #tpu.memory_space<semaphore_mem>>
      %dma_start3A_203 = tpu.memref_squeeze %dma_start3A_202 : memref<1x!tpu.dma_semaphore, #tpu.memory_space<semaphore_mem>> -> memref<!tpu.dma_semaphore, #tpu.memory_space<semaphore_mem>>
      tpu.enqueue_indirect_dma source(%dma_start3A_195 : memref<128x32xf32, #tpu.memory_space<vmem>>) target(%dma_start3A_201 : memref<10240x32xf32, #tpu.memory_space<vmem_shared>>) offsets(%dma_start3A_198 : memref<128xi32, #tpu.memory_space<vmem>>) semaphore(%dma_start3A_203 : memref<!tpu.dma_semaphore, #tpu.memory_space<semaphore_mem>>) {add = true}
      %mul3A_204 = arith.constant 8 : i32
      %mul3A_205 = arith.muli %mul3A_204, %while3A_163 : i32
      %add3A_206 = arith.constant 1 : i32
      %add3A_207 = arith.addi %mul3A_205, %add3A_206 : i32
      %ge3A_208 = arith.constant 4 : i32
      %ge3A_209 = arith.cmpi sge, %add3A_207, %ge3A_208 : i32
      %convert_element_type3A_210 = arith.extui %ge3A_209 : i1 to i32
      %cond3A_211 = arith.constant 0 : i32
      %cond3A_212 = arith.cmpi ne, %convert_element_type3A_210, %cond3A_211 : i32
      scf.if %cond3A_212 {
        %dma_wait3A_512 = arith.constant 5 : i32
        %dma_wait3A_513 = arith.constant 0 : i32
        %dma_wait3A_514 = arith.constant 5 : i32
        %dma_wait3A_515 = arith.constant 0 : i32
        %dma_wait3A_516 = arith.constant 0 : i32
        %dma_wait3A_517 = tpu.memref_slice %arg9[%dma_wait3A_512, %dma_wait3A_515, %dma_wait3A_516] : memref<8x128x32xf32, #tpu.memory_space<vmem>> -> memref<1x128x32xf32, #tpu.memory_space<vmem>>
        %dma_wait3A_518 = tpu.memref_squeeze %dma_wait3A_517 : memref<1x128x32xf32, #tpu.memory_space<vmem>> -> memref<128x32xf32, #tpu.memory_space<vmem>>
        %dma_wait3A_519 = arith.constant 0 : i32
        %dma_wait3A_520 = tpu.memref_slice %arg8[%dma_wait3A_513, %dma_wait3A_519] : memref<152x128xi32, #tpu.memory_space<vmem>> -> memref<1x128xi32, #tpu.memory_space<vmem>>
        %dma_wait3A_521 = tpu.memref_squeeze %dma_wait3A_520 : memref<1x128xi32, #tpu.memory_space<vmem>> -> memref<128xi32, #tpu.memory_space<vmem>>
        %dma_wait3A_522 = arith.constant 0 : i32
        %dma_wait3A_523 = arith.constant 0 : i32
        %dma_wait3A_524 = tpu.memref_slice %arg12[%dma_wait3A_522, %dma_wait3A_523] : memref<10240x32xf32, #tpu.memory_space<vmem_shared>> -> memref<10240x32xf32, #tpu.memory_space<vmem_shared>>
        %dma_wait3A_525 = tpu.memref_slice %arg11[%dma_wait3A_514] : memref<8x!tpu.dma_semaphore, #tpu.memory_space<semaphore_mem>> -> memref<1x!tpu.dma_semaphore, #tpu.memory_space<semaphore_mem>>
        %dma_wait3A_526 = tpu.memref_squeeze %dma_wait3A_525 : memref<1x!tpu.dma_semaphore, #tpu.memory_space<semaphore_mem>> -> memref<!tpu.dma_semaphore, #tpu.memory_space<semaphore_mem>>
        tpu.wait_indirect_dma semaphore(%dma_wait3A_526 : memref<!tpu.dma_semaphore, #tpu.memory_space<semaphore_mem>>) src(%dma_wait3A_518 : memref<128x32xf32, #tpu.memory_space<vmem>>) dst(%dma_wait3A_524 : memref<10240x32xf32, #tpu.memory_space<vmem_shared>>)
      } else {
      }
      %add3A_213 = arith.constant 4 : i32
      %add3A_214 = arith.addi %add3A_207, %add3A_213 : i32
      %lt3A_215 = arith.cmpi slt, %add3A_214, %select_n3A : i32
      %convert_element_type3A_216 = arith.extui %lt3A_215 : i1 to i32
      %cond3A_217 = arith.constant 0 : i32
      %cond3A_218 = arith.cmpi ne, %convert_element_type3A_216, %cond3A_217 : i32
      scf.if %cond3A_218 {
        %add3A_512 = arith.constant 4 : i32
        %add3A_513 = arith.addi %add3A_207, %add3A_512 : i32
        %dma_start3A_514 = arith.constant 5 : i32
        %dma_start3A_515 = arith.constant 5 : i32
        %dma_start3A_516 = arith.constant 0 : i32
        %dma_start3A_517 = arith.constant 0 : i32
        %dma_start3A_518 = tpu.memref_slice %arg9[%dma_start3A_514, %dma_start3A_516, %dma_start3A_517] : memref<8x128x32xf32, #tpu.memory_space<vmem>> -> memref<1x128x32xf32, #tpu.memory_space<vmem>>
        %dma_start3A_519 = tpu.memref_squeeze %dma_start3A_518 : memref<1x128x32xf32, #tpu.memory_space<vmem>> -> memref<128x32xf32, #tpu.memory_space<vmem>>
        %dma_start3A_520 = arith.constant 0 : i32
        %dma_start3A_521 = tpu.memref_slice %arg7[%add3A_513, %dma_start3A_520] : memref<152x128xi32, #tpu.memory_space<vmem>> -> memref<1x128xi32, #tpu.memory_space<vmem>>
        %dma_start3A_522 = tpu.memref_squeeze %dma_start3A_521 : memref<1x128xi32, #tpu.memory_space<vmem>> -> memref<128xi32, #tpu.memory_space<vmem>>
        %dma_start3A_523 = arith.constant 0 : i32
        %dma_start3A_524 = arith.constant 0 : i32
        %dma_start3A_525 = tpu.memref_slice %arg4[%dma_start3A_523, %dma_start3A_524] : memref<10240x32xf32, #tpu.memory_space<hbm>> -> memref<10240x32xf32, #tpu.memory_space<hbm>>
        %dma_start3A_526 = tpu.memref_slice %arg10[%dma_start3A_515] : memref<8x!tpu.dma_semaphore, #tpu.memory_space<semaphore_mem>> -> memref<1x!tpu.dma_semaphore, #tpu.memory_space<semaphore_mem>>
        %dma_start3A_527 = tpu.memref_squeeze %dma_start3A_526 : memref<1x!tpu.dma_semaphore, #tpu.memory_space<semaphore_mem>> -> memref<!tpu.dma_semaphore, #tpu.memory_space<semaphore_mem>>
        tpu.enqueue_indirect_dma source(%dma_start3A_525 : memref<10240x32xf32, #tpu.memory_space<hbm>>) target(%dma_start3A_519 : memref<128x32xf32, #tpu.memory_space<vmem>>) offsets(%dma_start3A_522 : memref<128xi32, #tpu.memory_space<vmem>>) semaphore(%dma_start3A_527 : memref<!tpu.dma_semaphore, #tpu.memory_space<semaphore_mem>>)
      } else {
      }
      %dma_wait3A_219 = arith.constant 0 : i32
      %dma_wait3A_220 = arith.constant 1 : i32
      %dma_wait3A_221 = arith.constant 1 : i32
      %dma_wait3A_222 = arith.constant 0 : i32
      %dma_wait3A_223 = arith.constant 0 : i32
      %dma_wait3A_224 = tpu.memref_slice %arg9[%dma_wait3A_220, %dma_wait3A_222, %dma_wait3A_223] : memref<8x128x32xf32, #tpu.memory_space<vmem>> -> memref<1x128x32xf32, #tpu.memory_space<vmem>>
      %dma_wait3A_225 = tpu.memref_squeeze %dma_wait3A_224 : memref<1x128x32xf32, #tpu.memory_space<vmem>> -> memref<128x32xf32, #tpu.memory_space<vmem>>
      %dma_wait3A_226 = arith.constant 0 : i32
      %dma_wait3A_227 = tpu.memref_slice %arg7[%dma_wait3A_219, %dma_wait3A_226] : memref<152x128xi32, #tpu.memory_space<vmem>> -> memref<1x128xi32, #tpu.memory_space<vmem>>
      %dma_wait3A_228 = tpu.memref_squeeze %dma_wait3A_227 : memref<1x128xi32, #tpu.memory_space<vmem>> -> memref<128xi32, #tpu.memory_space<vmem>>
      %dma_wait3A_229 = arith.constant 0 : i32
      %dma_wait3A_230 = arith.constant 0 : i32
      %dma_wait3A_231 = tpu.memref_slice %arg4[%dma_wait3A_229, %dma_wait3A_230] : memref<10240x32xf32, #tpu.memory_space<hbm>> -> memref<10240x32xf32, #tpu.memory_space<hbm>>
      %dma_wait3A_232 = tpu.memref_slice %arg10[%dma_wait3A_221] : memref<8x!tpu.dma_semaphore, #tpu.memory_space<semaphore_mem>> -> memref<1x!tpu.dma_semaphore, #tpu.memory_space<semaphore_mem>>
      %dma_wait3A_233 = tpu.memref_squeeze %dma_wait3A_232 : memref<1x!tpu.dma_semaphore, #tpu.memory_space<semaphore_mem>> -> memref<!tpu.dma_semaphore, #tpu.memory_space<semaphore_mem>>
      tpu.wait_indirect_dma semaphore(%dma_wait3A_233 : memref<!tpu.dma_semaphore, #tpu.memory_space<semaphore_mem>>) src(%dma_wait3A_231 : memref<10240x32xf32, #tpu.memory_space<hbm>>) dst(%dma_wait3A_225 : memref<128x32xf32, #tpu.memory_space<vmem>>)
      %dma_start3A_234 = arith.constant 1 : i32
      %dma_start3A_235 = arith.constant 1 : i32
      %dma_start3A_236 = arith.constant 0 : i32
      %dma_start3A_237 = arith.constant 0 : i32
      %dma_start3A_238 = tpu.memref_slice %arg9[%dma_start3A_234, %dma_start3A_236, %dma_start3A_237] : memref<8x128x32xf32, #tpu.memory_space<vmem>> -> memref<1x128x32xf32, #tpu.memory_space<vmem>>
      %dma_start3A_239 = tpu.memref_squeeze %dma_start3A_238 : memref<1x128x32xf32, #tpu.memory_space<vmem>> -> memref<128x32xf32, #tpu.memory_space<vmem>>
      %dma_start3A_240 = arith.constant 0 : i32
      %dma_start3A_241 = tpu.memref_slice %arg8[%add3A_207, %dma_start3A_240] : memref<152x128xi32, #tpu.memory_space<vmem>> -> memref<1x128xi32, #tpu.memory_space<vmem>>
      %dma_start3A_242 = tpu.memref_squeeze %dma_start3A_241 : memref<1x128xi32, #tpu.memory_space<vmem>> -> memref<128xi32, #tpu.memory_space<vmem>>
      %dma_start3A_243 = arith.constant 0 : i32
      %dma_start3A_244 = arith.constant 0 : i32
      %dma_start3A_245 = tpu.memref_slice %arg12[%dma_start3A_243, %dma_start3A_244] : memref<10240x32xf32, #tpu.memory_space<vmem_shared>> -> memref<10240x32xf32, #tpu.memory_space<vmem_shared>>
      %dma_start3A_246 = tpu.memref_slice %arg11[%dma_start3A_235] : memref<8x!tpu.dma_semaphore, #tpu.memory_space<semaphore_mem>> -> memref<1x!tpu.dma_semaphore, #tpu.memory_space<semaphore_mem>>
      %dma_start3A_247 = tpu.memref_squeeze %dma_start3A_246 : memref<1x!tpu.dma_semaphore, #tpu.memory_space<semaphore_mem>> -> memref<!tpu.dma_semaphore, #tpu.memory_space<semaphore_mem>>
      tpu.enqueue_indirect_dma source(%dma_start3A_239 : memref<128x32xf32, #tpu.memory_space<vmem>>) target(%dma_start3A_245 : memref<10240x32xf32, #tpu.memory_space<vmem_shared>>) offsets(%dma_start3A_242 : memref<128xi32, #tpu.memory_space<vmem>>) semaphore(%dma_start3A_247 : memref<!tpu.dma_semaphore, #tpu.memory_space<semaphore_mem>>) {add = true}
      %mul3A_248 = arith.constant 8 : i32
      %mul3A_249 = arith.muli %mul3A_248, %while3A_163 : i32
      %add3A_250 = arith.constant 2 : i32
      %add3A_251 = arith.addi %mul3A_249, %add3A_250 : i32
      %ge3A_252 = arith.constant 4 : i32
      %ge3A_253 = arith.cmpi sge, %add3A_251, %ge3A_252 : i32
      %convert_element_type3A_254 = arith.extui %ge3A_253 : i1 to i32
      %cond3A_255 = arith.constant 0 : i32
      %cond3A_256 = arith.cmpi ne, %convert_element_type3A_254, %cond3A_255 : i32
      scf.if %cond3A_256 {
        %dma_wait3A_512 = arith.constant 6 : i32
        %dma_wait3A_513 = arith.constant 0 : i32
        %dma_wait3A_514 = arith.constant 6 : i32
        %dma_wait3A_515 = arith.constant 0 : i32
        %dma_wait3A_516 = arith.constant 0 : i32
        %dma_wait3A_517 = tpu.memref_slice %arg9[%dma_wait3A_512, %dma_wait3A_515, %dma_wait3A_516] : memref<8x128x32xf32, #tpu.memory_space<vmem>> -> memref<1x128x32xf32, #tpu.memory_space<vmem>>
        %dma_wait3A_518 = tpu.memref_squeeze %dma_wait3A_517 : memref<1x128x32xf32, #tpu.memory_space<vmem>> -> memref<128x32xf32, #tpu.memory_space<vmem>>
        %dma_wait3A_519 = arith.constant 0 : i32
        %dma_wait3A_520 = tpu.memref_slice %arg8[%dma_wait3A_513, %dma_wait3A_519] : memref<152x128xi32, #tpu.memory_space<vmem>> -> memref<1x128xi32, #tpu.memory_space<vmem>>
        %dma_wait3A_521 = tpu.memref_squeeze %dma_wait3A_520 : memref<1x128xi32, #tpu.memory_space<vmem>> -> memref<128xi32, #tpu.memory_space<vmem>>
        %dma_wait3A_522 = arith.constant 0 : i32
        %dma_wait3A_523 = arith.constant 0 : i32
        %dma_wait3A_524 = tpu.memref_slice %arg12[%dma_wait3A_522, %dma_wait3A_523] : memref<10240x32xf32, #tpu.memory_space<vmem_shared>> -> memref<10240x32xf32, #tpu.memory_space<vmem_shared>>
        %dma_wait3A_525 = tpu.memref_slice %arg11[%dma_wait3A_514] : memref<8x!tpu.dma_semaphore, #tpu.memory_space<semaphore_mem>> -> memref<1x!tpu.dma_semaphore, #tpu.memory_space<semaphore_mem>>
        %dma_wait3A_526 = tpu.memref_squeeze %dma_wait3A_525 : memref<1x!tpu.dma_semaphore, #tpu.memory_space<semaphore_mem>> -> memref<!tpu.dma_semaphore, #tpu.memory_space<semaphore_mem>>
        tpu.wait_indirect_dma semaphore(%dma_wait3A_526 : memref<!tpu.dma_semaphore, #tpu.memory_space<semaphore_mem>>) src(%dma_wait3A_518 : memref<128x32xf32, #tpu.memory_space<vmem>>) dst(%dma_wait3A_524 : memref<10240x32xf32, #tpu.memory_space<vmem_shared>>)
      } else {
      }
      %add3A_257 = arith.constant 4 : i32
      %add3A_258 = arith.addi %add3A_251, %add3A_257 : i32
      %lt3A_259 = arith.cmpi slt, %add3A_258, %select_n3A : i32
      %convert_element_type3A_260 = arith.extui %lt3A_259 : i1 to i32
      %cond3A_261 = arith.constant 0 : i32
      %cond3A_262 = arith.cmpi ne, %convert_element_type3A_260, %cond3A_261 : i32
      scf.if %cond3A_262 {
        %add3A_512 = arith.constant 4 : i32
        %add3A_513 = arith.addi %add3A_251, %add3A_512 : i32
        %dma_start3A_514 = arith.constant 6 : i32
        %dma_start3A_515 = arith.constant 6 : i32
        %dma_start3A_516 = arith.constant 0 : i32
        %dma_start3A_517 = arith.constant 0 : i32
        %dma_start3A_518 = tpu.memref_slice %arg9[%dma_start3A_514, %dma_start3A_516, %dma_start3A_517] : memref<8x128x32xf32, #tpu.memory_space<vmem>> -> memref<1x128x32xf32, #tpu.memory_space<vmem>>
        %dma_start3A_519 = tpu.memref_squeeze %dma_start3A_518 : memref<1x128x32xf32, #tpu.memory_space<vmem>> -> memref<128x32xf32, #tpu.memory_space<vmem>>
        %dma_start3A_520 = arith.constant 0 : i32
        %dma_start3A_521 = tpu.memref_slice %arg7[%add3A_513, %dma_start3A_520] : memref<152x128xi32, #tpu.memory_space<vmem>> -> memref<1x128xi32, #tpu.memory_space<vmem>>
        %dma_start3A_522 = tpu.memref_squeeze %dma_start3A_521 : memref<1x128xi32, #tpu.memory_space<vmem>> -> memref<128xi32, #tpu.memory_space<vmem>>
        %dma_start3A_523 = arith.constant 0 : i32
        %dma_start3A_524 = arith.constant 0 : i32
        %dma_start3A_525 = tpu.memref_slice %arg4[%dma_start3A_523, %dma_start3A_524] : memref<10240x32xf32, #tpu.memory_space<hbm>> -> memref<10240x32xf32, #tpu.memory_space<hbm>>
        %dma_start3A_526 = tpu.memref_slice %arg10[%dma_start3A_515] : memref<8x!tpu.dma_semaphore, #tpu.memory_space<semaphore_mem>> -> memref<1x!tpu.dma_semaphore, #tpu.memory_space<semaphore_mem>>
        %dma_start3A_527 = tpu.memref_squeeze %dma_start3A_526 : memref<1x!tpu.dma_semaphore, #tpu.memory_space<semaphore_mem>> -> memref<!tpu.dma_semaphore, #tpu.memory_space<semaphore_mem>>
        tpu.enqueue_indirect_dma source(%dma_start3A_525 : memref<10240x32xf32, #tpu.memory_space<hbm>>) target(%dma_start3A_519 : memref<128x32xf32, #tpu.memory_space<vmem>>) offsets(%dma_start3A_522 : memref<128xi32, #tpu.memory_space<vmem>>) semaphore(%dma_start3A_527 : memref<!tpu.dma_semaphore, #tpu.memory_space<semaphore_mem>>)
      } else {
      }
      %dma_wait3A_263 = arith.constant 0 : i32
      %dma_wait3A_264 = arith.constant 2 : i32
      %dma_wait3A_265 = arith.constant 2 : i32
      %dma_wait3A_266 = arith.constant 0 : i32
      %dma_wait3A_267 = arith.constant 0 : i32
      %dma_wait3A_268 = tpu.memref_slice %arg9[%dma_wait3A_264, %dma_wait3A_266, %dma_wait3A_267] : memref<8x128x32xf32, #tpu.memory_space<vmem>> -> memref<1x128x32xf32, #tpu.memory_space<vmem>>
      %dma_wait3A_269 = tpu.memref_squeeze %dma_wait3A_268 : memref<1x128x32xf32, #tpu.memory_space<vmem>> -> memref<128x32xf32, #tpu.memory_space<vmem>>
      %dma_wait3A_270 = arith.constant 0 : i32
      %dma_wait3A_271 = tpu.memref_slice %arg7[%dma_wait3A_263, %dma_wait3A_270] : memref<152x128xi32, #tpu.memory_space<vmem>> -> memref<1x128xi32, #tpu.memory_space<vmem>>
      %dma_wait3A_272 = tpu.memref_squeeze %dma_wait3A_271 : memref<1x128xi32, #tpu.memory_space<vmem>> -> memref<128xi32, #tpu.memory_space<vmem>>
      %dma_wait3A_273 = arith.constant 0 : i32
      %dma_wait3A_274 = arith.constant 0 : i32
      %dma_wait3A_275 = tpu.memref_slice %arg4[%dma_wait3A_273, %dma_wait3A_274] : memref<10240x32xf32, #tpu.memory_space<hbm>> -> memref<10240x32xf32, #tpu.memory_space<hbm>>
      %dma_wait3A_276 = tpu.memref_slice %arg10[%dma_wait3A_265] : memref<8x!tpu.dma_semaphore, #tpu.memory_space<semaphore_mem>> -> memref<1x!tpu.dma_semaphore, #tpu.memory_space<semaphore_mem>>
      %dma_wait3A_277 = tpu.memref_squeeze %dma_wait3A_276 : memref<1x!tpu.dma_semaphore, #tpu.memory_space<semaphore_mem>> -> memref<!tpu.dma_semaphore, #tpu.memory_space<semaphore_mem>>
      tpu.wait_indirect_dma semaphore(%dma_wait3A_277 : memref<!tpu.dma_semaphore, #tpu.memory_space<semaphore_mem>>) src(%dma_wait3A_275 : memref<10240x32xf32, #tpu.memory_space<hbm>>) dst(%dma_wait3A_269 : memref<128x32xf32, #tpu.memory_space<vmem>>)
      %dma_start3A_278 = arith.constant 2 : i32
      %dma_start3A_279 = arith.constant 2 : i32
      %dma_start3A_280 = arith.constant 0 : i32
      %dma_start3A_281 = arith.constant 0 : i32
      %dma_start3A_282 = tpu.memref_slice %arg9[%dma_start3A_278, %dma_start3A_280, %dma_start3A_281] : memref<8x128x32xf32, #tpu.memory_space<vmem>> -> memref<1x128x32xf32, #tpu.memory_space<vmem>>
      %dma_start3A_283 = tpu.memref_squeeze %dma_start3A_282 : memref<1x128x32xf32, #tpu.memory_space<vmem>> -> memref<128x32xf32, #tpu.memory_space<vmem>>
      %dma_start3A_284 = arith.constant 0 : i32
      %dma_start3A_285 = tpu.memref_slice %arg8[%add3A_251, %dma_start3A_284] : memref<152x128xi32, #tpu.memory_space<vmem>> -> memref<1x128xi32, #tpu.memory_space<vmem>>
      %dma_start3A_286 = tpu.memref_squeeze %dma_start3A_285 : memref<1x128xi32, #tpu.memory_space<vmem>> -> memref<128xi32, #tpu.memory_space<vmem>>
      %dma_start3A_287 = arith.constant 0 : i32
      %dma_start3A_288 = arith.constant 0 : i32
      %dma_start3A_289 = tpu.memref_slice %arg12[%dma_start3A_287, %dma_start3A_288] : memref<10240x32xf32, #tpu.memory_space<vmem_shared>> -> memref<10240x32xf32, #tpu.memory_space<vmem_shared>>
      %dma_start3A_290 = tpu.memref_slice %arg11[%dma_start3A_279] : memref<8x!tpu.dma_semaphore, #tpu.memory_space<semaphore_mem>> -> memref<1x!tpu.dma_semaphore, #tpu.memory_space<semaphore_mem>>
      %dma_start3A_291 = tpu.memref_squeeze %dma_start3A_290 : memref<1x!tpu.dma_semaphore, #tpu.memory_space<semaphore_mem>> -> memref<!tpu.dma_semaphore, #tpu.memory_space<semaphore_mem>>
      tpu.enqueue_indirect_dma source(%dma_start3A_283 : memref<128x32xf32, #tpu.memory_space<vmem>>) target(%dma_start3A_289 : memref<10240x32xf32, #tpu.memory_space<vmem_shared>>) offsets(%dma_start3A_286 : memref<128xi32, #tpu.memory_space<vmem>>) semaphore(%dma_start3A_291 : memref<!tpu.dma_semaphore, #tpu.memory_space<semaphore_mem>>) {add = true}
      %mul3A_292 = arith.constant 8 : i32
      %mul3A_293 = arith.muli %mul3A_292, %while3A_163 : i32
      %add3A_294 = arith.constant 3 : i32
      %add3A_295 = arith.addi %mul3A_293, %add3A_294 : i32
      %ge3A_296 = arith.constant 4 : i32
      %ge3A_297 = arith.cmpi sge, %add3A_295, %ge3A_296 : i32
      %convert_element_type3A_298 = arith.extui %ge3A_297 : i1 to i32
      %cond3A_299 = arith.constant 0 : i32
      %cond3A_300 = arith.cmpi ne, %convert_element_type3A_298, %cond3A_299 : i32
      scf.if %cond3A_300 {
        %dma_wait3A_512 = arith.constant 7 : i32
        %dma_wait3A_513 = arith.constant 0 : i32
        %dma_wait3A_514 = arith.constant 7 : i32
        %dma_wait3A_515 = arith.constant 0 : i32
        %dma_wait3A_516 = arith.constant 0 : i32
        %dma_wait3A_517 = tpu.memref_slice %arg9[%dma_wait3A_512, %dma_wait3A_515, %dma_wait3A_516] : memref<8x128x32xf32, #tpu.memory_space<vmem>> -> memref<1x128x32xf32, #tpu.memory_space<vmem>>
        %dma_wait3A_518 = tpu.memref_squeeze %dma_wait3A_517 : memref<1x128x32xf32, #tpu.memory_space<vmem>> -> memref<128x32xf32, #tpu.memory_space<vmem>>
        %dma_wait3A_519 = arith.constant 0 : i32
        %dma_wait3A_520 = tpu.memref_slice %arg8[%dma_wait3A_513, %dma_wait3A_519] : memref<152x128xi32, #tpu.memory_space<vmem>> -> memref<1x128xi32, #tpu.memory_space<vmem>>
        %dma_wait3A_521 = tpu.memref_squeeze %dma_wait3A_520 : memref<1x128xi32, #tpu.memory_space<vmem>> -> memref<128xi32, #tpu.memory_space<vmem>>
        %dma_wait3A_522 = arith.constant 0 : i32
        %dma_wait3A_523 = arith.constant 0 : i32
        %dma_wait3A_524 = tpu.memref_slice %arg12[%dma_wait3A_522, %dma_wait3A_523] : memref<10240x32xf32, #tpu.memory_space<vmem_shared>> -> memref<10240x32xf32, #tpu.memory_space<vmem_shared>>
        %dma_wait3A_525 = tpu.memref_slice %arg11[%dma_wait3A_514] : memref<8x!tpu.dma_semaphore, #tpu.memory_space<semaphore_mem>> -> memref<1x!tpu.dma_semaphore, #tpu.memory_space<semaphore_mem>>
        %dma_wait3A_526 = tpu.memref_squeeze %dma_wait3A_525 : memref<1x!tpu.dma_semaphore, #tpu.memory_space<semaphore_mem>> -> memref<!tpu.dma_semaphore, #tpu.memory_space<semaphore_mem>>
        tpu.wait_indirect_dma semaphore(%dma_wait3A_526 : memref<!tpu.dma_semaphore, #tpu.memory_space<semaphore_mem>>) src(%dma_wait3A_518 : memref<128x32xf32, #tpu.memory_space<vmem>>) dst(%dma_wait3A_524 : memref<10240x32xf32, #tpu.memory_space<vmem_shared>>)
      } else {
      }
      %add3A_301 = arith.constant 4 : i32
      %add3A_302 = arith.addi %add3A_295, %add3A_301 : i32
      %lt3A_303 = arith.cmpi slt, %add3A_302, %select_n3A : i32
      %convert_element_type3A_304 = arith.extui %lt3A_303 : i1 to i32
      %cond3A_305 = arith.constant 0 : i32
      %cond3A_306 = arith.cmpi ne, %convert_element_type3A_304, %cond3A_305 : i32
      scf.if %cond3A_306 {
        %add3A_512 = arith.constant 4 : i32
        %add3A_513 = arith.addi %add3A_295, %add3A_512 : i32
        %dma_start3A_514 = arith.constant 7 : i32
        %dma_start3A_515 = arith.constant 7 : i32
        %dma_start3A_516 = arith.constant 0 : i32
        %dma_start3A_517 = arith.constant 0 : i32
        %dma_start3A_518 = tpu.memref_slice %arg9[%dma_start3A_514, %dma_start3A_516, %dma_start3A_517] : memref<8x128x32xf32, #tpu.memory_space<vmem>> -> memref<1x128x32xf32, #tpu.memory_space<vmem>>
        %dma_start3A_519 = tpu.memref_squeeze %dma_start3A_518 : memref<1x128x32xf32, #tpu.memory_space<vmem>> -> memref<128x32xf32, #tpu.memory_space<vmem>>
        %dma_start3A_520 = arith.constant 0 : i32
        %dma_start3A_521 = tpu.memref_slice %arg7[%add3A_513, %dma_start3A_520] : memref<152x128xi32, #tpu.memory_space<vmem>> -> memref<1x128xi32, #tpu.memory_space<vmem>>
        %dma_start3A_522 = tpu.memref_squeeze %dma_start3A_521 : memref<1x128xi32, #tpu.memory_space<vmem>> -> memref<128xi32, #tpu.memory_space<vmem>>
        %dma_start3A_523 = arith.constant 0 : i32
        %dma_start3A_524 = arith.constant 0 : i32
        %dma_start3A_525 = tpu.memref_slice %arg4[%dma_start3A_523, %dma_start3A_524] : memref<10240x32xf32, #tpu.memory_space<hbm>> -> memref<10240x32xf32, #tpu.memory_space<hbm>>
        %dma_start3A_526 = tpu.memref_slice %arg10[%dma_start3A_515] : memref<8x!tpu.dma_semaphore, #tpu.memory_space<semaphore_mem>> -> memref<1x!tpu.dma_semaphore, #tpu.memory_space<semaphore_mem>>
        %dma_start3A_527 = tpu.memref_squeeze %dma_start3A_526 : memref<1x!tpu.dma_semaphore, #tpu.memory_space<semaphore_mem>> -> memref<!tpu.dma_semaphore, #tpu.memory_space<semaphore_mem>>
        tpu.enqueue_indirect_dma source(%dma_start3A_525 : memref<10240x32xf32, #tpu.memory_space<hbm>>) target(%dma_start3A_519 : memref<128x32xf32, #tpu.memory_space<vmem>>) offsets(%dma_start3A_522 : memref<128xi32, #tpu.memory_space<vmem>>) semaphore(%dma_start3A_527 : memref<!tpu.dma_semaphore, #tpu.memory_space<semaphore_mem>>)
      } else {
      }
      %dma_wait3A_307 = arith.constant 0 : i32
      %dma_wait3A_308 = arith.constant 3 : i32
      %dma_wait3A_309 = arith.constant 3 : i32
      %dma_wait3A_310 = arith.constant 0 : i32
      %dma_wait3A_311 = arith.constant 0 : i32
      %dma_wait3A_312 = tpu.memref_slice %arg9[%dma_wait3A_308, %dma_wait3A_310, %dma_wait3A_311] : memref<8x128x32xf32, #tpu.memory_space<vmem>> -> memref<1x128x32xf32, #tpu.memory_space<vmem>>
      %dma_wait3A_313 = tpu.memref_squeeze %dma_wait3A_312 : memref<1x128x32xf32, #tpu.memory_space<vmem>> -> memref<128x32xf32, #tpu.memory_space<vmem>>
      %dma_wait3A_314 = arith.constant 0 : i32
      %dma_wait3A_315 = tpu.memref_slice %arg7[%dma_wait3A_307, %dma_wait3A_314] : memref<152x128xi32, #tpu.memory_space<vmem>> -> memref<1x128xi32, #tpu.memory_space<vmem>>
      %dma_wait3A_316 = tpu.memref_squeeze %dma_wait3A_315 : memref<1x128xi32, #tpu.memory_space<vmem>> -> memref<128xi32, #tpu.memory_space<vmem>>
      %dma_wait3A_317 = arith.constant 0 : i32
      %dma_wait3A_318 = arith.constant 0 : i32
      %dma_wait3A_319 = tpu.memref_slice %arg4[%dma_wait3A_317, %dma_wait3A_318] : memref<10240x32xf32, #tpu.memory_space<hbm>> -> memref<10240x32xf32, #tpu.memory_space<hbm>>
      %dma_wait3A_320 = tpu.memref_slice %arg10[%dma_wait3A_309] : memref<8x!tpu.dma_semaphore, #tpu.memory_space<semaphore_mem>> -> memref<1x!tpu.dma_semaphore, #tpu.memory_space<semaphore_mem>>
      %dma_wait3A_321 = tpu.memref_squeeze %dma_wait3A_320 : memref<1x!tpu.dma_semaphore, #tpu.memory_space<semaphore_mem>> -> memref<!tpu.dma_semaphore, #tpu.memory_space<semaphore_mem>>
      tpu.wait_indirect_dma semaphore(%dma_wait3A_321 : memref<!tpu.dma_semaphore, #tpu.memory_space<semaphore_mem>>) src(%dma_wait3A_319 : memref<10240x32xf32, #tpu.memory_space<hbm>>) dst(%dma_wait3A_313 : memref<128x32xf32, #tpu.memory_space<vmem>>)
      %dma_start3A_322 = arith.constant 3 : i32
      %dma_start3A_323 = arith.constant 3 : i32
      %dma_start3A_324 = arith.constant 0 : i32
      %dma_start3A_325 = arith.constant 0 : i32
      %dma_start3A_326 = tpu.memref_slice %arg9[%dma_start3A_322, %dma_start3A_324, %dma_start3A_325] : memref<8x128x32xf32, #tpu.memory_space<vmem>> -> memref<1x128x32xf32, #tpu.memory_space<vmem>>
      %dma_start3A_327 = tpu.memref_squeeze %dma_start3A_326 : memref<1x128x32xf32, #tpu.memory_space<vmem>> -> memref<128x32xf32, #tpu.memory_space<vmem>>
      %dma_start3A_328 = arith.constant 0 : i32
      %dma_start3A_329 = tpu.memref_slice %arg8[%add3A_295, %dma_start3A_328] : memref<152x128xi32, #tpu.memory_space<vmem>> -> memref<1x128xi32, #tpu.memory_space<vmem>>
      %dma_start3A_330 = tpu.memref_squeeze %dma_start3A_329 : memref<1x128xi32, #tpu.memory_space<vmem>> -> memref<128xi32, #tpu.memory_space<vmem>>
      %dma_start3A_331 = arith.constant 0 : i32
      %dma_start3A_332 = arith.constant 0 : i32
      %dma_start3A_333 = tpu.memref_slice %arg12[%dma_start3A_331, %dma_start3A_332] : memref<10240x32xf32, #tpu.memory_space<vmem_shared>> -> memref<10240x32xf32, #tpu.memory_space<vmem_shared>>
      %dma_start3A_334 = tpu.memref_slice %arg11[%dma_start3A_323] : memref<8x!tpu.dma_semaphore, #tpu.memory_space<semaphore_mem>> -> memref<1x!tpu.dma_semaphore, #tpu.memory_space<semaphore_mem>>
      %dma_start3A_335 = tpu.memref_squeeze %dma_start3A_334 : memref<1x!tpu.dma_semaphore, #tpu.memory_space<semaphore_mem>> -> memref<!tpu.dma_semaphore, #tpu.memory_space<semaphore_mem>>
      tpu.enqueue_indirect_dma source(%dma_start3A_327 : memref<128x32xf32, #tpu.memory_space<vmem>>) target(%dma_start3A_333 : memref<10240x32xf32, #tpu.memory_space<vmem_shared>>) offsets(%dma_start3A_330 : memref<128xi32, #tpu.memory_space<vmem>>) semaphore(%dma_start3A_335 : memref<!tpu.dma_semaphore, #tpu.memory_space<semaphore_mem>>) {add = true}
      %mul3A_336 = arith.constant 8 : i32
      %mul3A_337 = arith.muli %mul3A_336, %while3A_163 : i32
      %add3A_338 = arith.constant 4 : i32
      %add3A_339 = arith.addi %mul3A_337, %add3A_338 : i32
      %ge3A_340 = arith.constant 4 : i32
      %ge3A_341 = arith.cmpi sge, %add3A_339, %ge3A_340 : i32
      %convert_element_type3A_342 = arith.extui %ge3A_341 : i1 to i32
      %cond3A_343 = arith.constant 0 : i32
      %cond3A_344 = arith.cmpi ne, %convert_element_type3A_342, %cond3A_343 : i32
      scf.if %cond3A_344 {
        %dma_wait3A_512 = arith.constant 0 : i32
        %dma_wait3A_513 = arith.constant 0 : i32
        %dma_wait3A_514 = arith.constant 0 : i32
        %dma_wait3A_515 = arith.constant 0 : i32
        %dma_wait3A_516 = arith.constant 0 : i32
        %dma_wait3A_517 = tpu.memref_slice %arg9[%dma_wait3A_512, %dma_wait3A_515, %dma_wait3A_516] : memref<8x128x32xf32, #tpu.memory_space<vmem>> -> memref<1x128x32xf32, #tpu.memory_space<vmem>>
        %dma_wait3A_518 = tpu.memref_squeeze %dma_wait3A_517 : memref<1x128x32xf32, #tpu.memory_space<vmem>> -> memref<128x32xf32, #tpu.memory_space<vmem>>
        %dma_wait3A_519 = arith.constant 0 : i32
        %dma_wait3A_520 = tpu.memref_slice %arg8[%dma_wait3A_513, %dma_wait3A_519] : memref<152x128xi32, #tpu.memory_space<vmem>> -> memref<1x128xi32, #tpu.memory_space<vmem>>
        %dma_wait3A_521 = tpu.memref_squeeze %dma_wait3A_520 : memref<1x128xi32, #tpu.memory_space<vmem>> -> memref<128xi32, #tpu.memory_space<vmem>>
        %dma_wait3A_522 = arith.constant 0 : i32
        %dma_wait3A_523 = arith.constant 0 : i32
        %dma_wait3A_524 = tpu.memref_slice %arg12[%dma_wait3A_522, %dma_wait3A_523] : memref<10240x32xf32, #tpu.memory_space<vmem_shared>> -> memref<10240x32xf32, #tpu.memory_space<vmem_shared>>
        %dma_wait3A_525 = tpu.memref_slice %arg11[%dma_wait3A_514] : memref<8x!tpu.dma_semaphore, #tpu.memory_space<semaphore_mem>> -> memref<1x!tpu.dma_semaphore, #tpu.memory_space<semaphore_mem>>
        %dma_wait3A_526 = tpu.memref_squeeze %dma_wait3A_525 : memref<1x!tpu.dma_semaphore, #tpu.memory_space<semaphore_mem>> -> memref<!tpu.dma_semaphore, #tpu.memory_space<semaphore_mem>>
        tpu.wait_indirect_dma semaphore(%dma_wait3A_526 : memref<!tpu.dma_semaphore, #tpu.memory_space<semaphore_mem>>) src(%dma_wait3A_518 : memref<128x32xf32, #tpu.memory_space<vmem>>) dst(%dma_wait3A_524 : memref<10240x32xf32, #tpu.memory_space<vmem_shared>>)
      } else {
      }
      %add3A_345 = arith.constant 4 : i32
      %add3A_346 = arith.addi %add3A_339, %add3A_345 : i32
      %lt3A_347 = arith.cmpi slt, %add3A_346, %select_n3A : i32
      %convert_element_type3A_348 = arith.extui %lt3A_347 : i1 to i32
      %cond3A_349 = arith.constant 0 : i32
      %cond3A_350 = arith.cmpi ne, %convert_element_type3A_348, %cond3A_349 : i32
      scf.if %cond3A_350 {
        %add3A_512 = arith.constant 4 : i32
        %add3A_513 = arith.addi %add3A_339, %add3A_512 : i32
        %dma_start3A_514 = arith.constant 0 : i32
        %dma_start3A_515 = arith.constant 0 : i32
        %dma_start3A_516 = arith.constant 0 : i32
        %dma_start3A_517 = arith.constant 0 : i32
        %dma_start3A_518 = tpu.memref_slice %arg9[%dma_start3A_514, %dma_start3A_516, %dma_start3A_517] : memref<8x128x32xf32, #tpu.memory_space<vmem>> -> memref<1x128x32xf32, #tpu.memory_space<vmem>>
        %dma_start3A_519 = tpu.memref_squeeze %dma_start3A_518 : memref<1x128x32xf32, #tpu.memory_space<vmem>> -> memref<128x32xf32, #tpu.memory_space<vmem>>
        %dma_start3A_520 = arith.constant 0 : i32
        %dma_start3A_521 = tpu.memref_slice %arg7[%add3A_513, %dma_start3A_520] : memref<152x128xi32, #tpu.memory_space<vmem>> -> memref<1x128xi32, #tpu.memory_space<vmem>>
        %dma_start3A_522 = tpu.memref_squeeze %dma_start3A_521 : memref<1x128xi32, #tpu.memory_space<vmem>> -> memref<128xi32, #tpu.memory_space<vmem>>
        %dma_start3A_523 = arith.constant 0 : i32
        %dma_start3A_524 = arith.constant 0 : i32
        %dma_start3A_525 = tpu.memref_slice %arg4[%dma_start3A_523, %dma_start3A_524] : memref<10240x32xf32, #tpu.memory_space<hbm>> -> memref<10240x32xf32, #tpu.memory_space<hbm>>
        %dma_start3A_526 = tpu.memref_slice %arg10[%dma_start3A_515] : memref<8x!tpu.dma_semaphore, #tpu.memory_space<semaphore_mem>> -> memref<1x!tpu.dma_semaphore, #tpu.memory_space<semaphore_mem>>
        %dma_start3A_527 = tpu.memref_squeeze %dma_start3A_526 : memref<1x!tpu.dma_semaphore, #tpu.memory_space<semaphore_mem>> -> memref<!tpu.dma_semaphore, #tpu.memory_space<semaphore_mem>>
        tpu.enqueue_indirect_dma source(%dma_start3A_525 : memref<10240x32xf32, #tpu.memory_space<hbm>>) target(%dma_start3A_519 : memref<128x32xf32, #tpu.memory_space<vmem>>) offsets(%dma_start3A_522 : memref<128xi32, #tpu.memory_space<vmem>>) semaphore(%dma_start3A_527 : memref<!tpu.dma_semaphore, #tpu.memory_space<semaphore_mem>>)
      } else {
      }
      %dma_wait3A_351 = arith.constant 0 : i32
      %dma_wait3A_352 = arith.constant 4 : i32
      %dma_wait3A_353 = arith.constant 4 : i32
      %dma_wait3A_354 = arith.constant 0 : i32
      %dma_wait3A_355 = arith.constant 0 : i32
      %dma_wait3A_356 = tpu.memref_slice %arg9[%dma_wait3A_352, %dma_wait3A_354, %dma_wait3A_355] : memref<8x128x32xf32, #tpu.memory_space<vmem>> -> memref<1x128x32xf32, #tpu.memory_space<vmem>>
      %dma_wait3A_357 = tpu.memref_squeeze %dma_wait3A_356 : memref<1x128x32xf32, #tpu.memory_space<vmem>> -> memref<128x32xf32, #tpu.memory_space<vmem>>
      %dma_wait3A_358 = arith.constant 0 : i32
      %dma_wait3A_359 = tpu.memref_slice %arg7[%dma_wait3A_351, %dma_wait3A_358] : memref<152x128xi32, #tpu.memory_space<vmem>> -> memref<1x128xi32, #tpu.memory_space<vmem>>
      %dma_wait3A_360 = tpu.memref_squeeze %dma_wait3A_359 : memref<1x128xi32, #tpu.memory_space<vmem>> -> memref<128xi32, #tpu.memory_space<vmem>>
      %dma_wait3A_361 = arith.constant 0 : i32
      %dma_wait3A_362 = arith.constant 0 : i32
      %dma_wait3A_363 = tpu.memref_slice %arg4[%dma_wait3A_361, %dma_wait3A_362] : memref<10240x32xf32, #tpu.memory_space<hbm>> -> memref<10240x32xf32, #tpu.memory_space<hbm>>
      %dma_wait3A_364 = tpu.memref_slice %arg10[%dma_wait3A_353] : memref<8x!tpu.dma_semaphore, #tpu.memory_space<semaphore_mem>> -> memref<1x!tpu.dma_semaphore, #tpu.memory_space<semaphore_mem>>
      %dma_wait3A_365 = tpu.memref_squeeze %dma_wait3A_364 : memref<1x!tpu.dma_semaphore, #tpu.memory_space<semaphore_mem>> -> memref<!tpu.dma_semaphore, #tpu.memory_space<semaphore_mem>>
      tpu.wait_indirect_dma semaphore(%dma_wait3A_365 : memref<!tpu.dma_semaphore, #tpu.memory_space<semaphore_mem>>) src(%dma_wait3A_363 : memref<10240x32xf32, #tpu.memory_space<hbm>>) dst(%dma_wait3A_357 : memref<128x32xf32, #tpu.memory_space<vmem>>)
      %dma_start3A_366 = arith.constant 4 : i32
      %dma_start3A_367 = arith.constant 4 : i32
      %dma_start3A_368 = arith.constant 0 : i32
      %dma_start3A_369 = arith.constant 0 : i32
      %dma_start3A_370 = tpu.memref_slice %arg9[%dma_start3A_366, %dma_start3A_368, %dma_start3A_369] : memref<8x128x32xf32, #tpu.memory_space<vmem>> -> memref<1x128x32xf32, #tpu.memory_space<vmem>>
      %dma_start3A_371 = tpu.memref_squeeze %dma_start3A_370 : memref<1x128x32xf32, #tpu.memory_space<vmem>> -> memref<128x32xf32, #tpu.memory_space<vmem>>
      %dma_start3A_372 = arith.constant 0 : i32
      %dma_start3A_373 = tpu.memref_slice %arg8[%add3A_339, %dma_start3A_372] : memref<152x128xi32, #tpu.memory_space<vmem>> -> memref<1x128xi32, #tpu.memory_space<vmem>>
      %dma_start3A_374 = tpu.memref_squeeze %dma_start3A_373 : memref<1x128xi32, #tpu.memory_space<vmem>> -> memref<128xi32, #tpu.memory_space<vmem>>
      %dma_start3A_375 = arith.constant 0 : i32
      %dma_start3A_376 = arith.constant 0 : i32
      %dma_start3A_377 = tpu.memref_slice %arg12[%dma_start3A_375, %dma_start3A_376] : memref<10240x32xf32, #tpu.memory_space<vmem_shared>> -> memref<10240x32xf32, #tpu.memory_space<vmem_shared>>
      %dma_start3A_378 = tpu.memref_slice %arg11[%dma_start3A_367] : memref<8x!tpu.dma_semaphore, #tpu.memory_space<semaphore_mem>> -> memref<1x!tpu.dma_semaphore, #tpu.memory_space<semaphore_mem>>
      %dma_start3A_379 = tpu.memref_squeeze %dma_start3A_378 : memref<1x!tpu.dma_semaphore, #tpu.memory_space<semaphore_mem>> -> memref<!tpu.dma_semaphore, #tpu.memory_space<semaphore_mem>>
      tpu.enqueue_indirect_dma source(%dma_start3A_371 : memref<128x32xf32, #tpu.memory_space<vmem>>) target(%dma_start3A_377 : memref<10240x32xf32, #tpu.memory_space<vmem_shared>>) offsets(%dma_start3A_374 : memref<128xi32, #tpu.memory_space<vmem>>) semaphore(%dma_start3A_379 : memref<!tpu.dma_semaphore, #tpu.memory_space<semaphore_mem>>) {add = true}
      %mul3A_380 = arith.constant 8 : i32
      %mul3A_381 = arith.muli %mul3A_380, %while3A_163 : i32
      %add3A_382 = arith.constant 5 : i32
      %add3A_383 = arith.addi %mul3A_381, %add3A_382 : i32
      %ge3A_384 = arith.constant 4 : i32
      %ge3A_385 = arith.cmpi sge, %add3A_383, %ge3A_384 : i32
      %convert_element_type3A_386 = arith.extui %ge3A_385 : i1 to i32
      %cond3A_387 = arith.constant 0 : i32
      %cond3A_388 = arith.cmpi ne, %convert_element_type3A_386, %cond3A_387 : i32
      scf.if %cond3A_388 {
        %dma_wait3A_512 = arith.constant 1 : i32
        %dma_wait3A_513 = arith.constant 0 : i32
        %dma_wait3A_514 = arith.constant 1 : i32
        %dma_wait3A_515 = arith.constant 0 : i32
        %dma_wait3A_516 = arith.constant 0 : i32
        %dma_wait3A_517 = tpu.memref_slice %arg9[%dma_wait3A_512, %dma_wait3A_515, %dma_wait3A_516] : memref<8x128x32xf32, #tpu.memory_space<vmem>> -> memref<1x128x32xf32, #tpu.memory_space<vmem>>
        %dma_wait3A_518 = tpu.memref_squeeze %dma_wait3A_517 : memref<1x128x32xf32, #tpu.memory_space<vmem>> -> memref<128x32xf32, #tpu.memory_space<vmem>>
        %dma_wait3A_519 = arith.constant 0 : i32
        %dma_wait3A_520 = tpu.memref_slice %arg8[%dma_wait3A_513, %dma_wait3A_519] : memref<152x128xi32, #tpu.memory_space<vmem>> -> memref<1x128xi32, #tpu.memory_space<vmem>>
        %dma_wait3A_521 = tpu.memref_squeeze %dma_wait3A_520 : memref<1x128xi32, #tpu.memory_space<vmem>> -> memref<128xi32, #tpu.memory_space<vmem>>
        %dma_wait3A_522 = arith.constant 0 : i32
        %dma_wait3A_523 = arith.constant 0 : i32
        %dma_wait3A_524 = tpu.memref_slice %arg12[%dma_wait3A_522, %dma_wait3A_523] : memref<10240x32xf32, #tpu.memory_space<vmem_shared>> -> memref<10240x32xf32, #tpu.memory_space<vmem_shared>>
        %dma_wait3A_525 = tpu.memref_slice %arg11[%dma_wait3A_514] : memref<8x!tpu.dma_semaphore, #tpu.memory_space<semaphore_mem>> -> memref<1x!tpu.dma_semaphore, #tpu.memory_space<semaphore_mem>>
        %dma_wait3A_526 = tpu.memref_squeeze %dma_wait3A_525 : memref<1x!tpu.dma_semaphore, #tpu.memory_space<semaphore_mem>> -> memref<!tpu.dma_semaphore, #tpu.memory_space<semaphore_mem>>
        tpu.wait_indirect_dma semaphore(%dma_wait3A_526 : memref<!tpu.dma_semaphore, #tpu.memory_space<semaphore_mem>>) src(%dma_wait3A_518 : memref<128x32xf32, #tpu.memory_space<vmem>>) dst(%dma_wait3A_524 : memref<10240x32xf32, #tpu.memory_space<vmem_shared>>)
      } else {
      }
      %add3A_389 = arith.constant 4 : i32
      %add3A_390 = arith.addi %add3A_383, %add3A_389 : i32
      %lt3A_391 = arith.cmpi slt, %add3A_390, %select_n3A : i32
      %convert_element_type3A_392 = arith.extui %lt3A_391 : i1 to i32
      %cond3A_393 = arith.constant 0 : i32
      %cond3A_394 = arith.cmpi ne, %convert_element_type3A_392, %cond3A_393 : i32
      scf.if %cond3A_394 {
        %add3A_512 = arith.constant 4 : i32
        %add3A_513 = arith.addi %add3A_383, %add3A_512 : i32
        %dma_start3A_514 = arith.constant 1 : i32
        %dma_start3A_515 = arith.constant 1 : i32
        %dma_start3A_516 = arith.constant 0 : i32
        %dma_start3A_517 = arith.constant 0 : i32
        %dma_start3A_518 = tpu.memref_slice %arg9[%dma_start3A_514, %dma_start3A_516, %dma_start3A_517] : memref<8x128x32xf32, #tpu.memory_space<vmem>> -> memref<1x128x32xf32, #tpu.memory_space<vmem>>
        %dma_start3A_519 = tpu.memref_squeeze %dma_start3A_518 : memref<1x128x32xf32, #tpu.memory_space<vmem>> -> memref<128x32xf32, #tpu.memory_space<vmem>>
        %dma_start3A_520 = arith.constant 0 : i32
        %dma_start3A_521 = tpu.memref_slice %arg7[%add3A_513, %dma_start3A_520] : memref<152x128xi32, #tpu.memory_space<vmem>> -> memref<1x128xi32, #tpu.memory_space<vmem>>
        %dma_start3A_522 = tpu.memref_squeeze %dma_start3A_521 : memref<1x128xi32, #tpu.memory_space<vmem>> -> memref<128xi32, #tpu.memory_space<vmem>>
        %dma_start3A_523 = arith.constant 0 : i32
        %dma_start3A_524 = arith.constant 0 : i32
        %dma_start3A_525 = tpu.memref_slice %arg4[%dma_start3A_523, %dma_start3A_524] : memref<10240x32xf32, #tpu.memory_space<hbm>> -> memref<10240x32xf32, #tpu.memory_space<hbm>>
        %dma_start3A_526 = tpu.memref_slice %arg10[%dma_start3A_515] : memref<8x!tpu.dma_semaphore, #tpu.memory_space<semaphore_mem>> -> memref<1x!tpu.dma_semaphore, #tpu.memory_space<semaphore_mem>>
        %dma_start3A_527 = tpu.memref_squeeze %dma_start3A_526 : memref<1x!tpu.dma_semaphore, #tpu.memory_space<semaphore_mem>> -> memref<!tpu.dma_semaphore, #tpu.memory_space<semaphore_mem>>
        tpu.enqueue_indirect_dma source(%dma_start3A_525 : memref<10240x32xf32, #tpu.memory_space<hbm>>) target(%dma_start3A_519 : memref<128x32xf32, #tpu.memory_space<vmem>>) offsets(%dma_start3A_522 : memref<128xi32, #tpu.memory_space<vmem>>) semaphore(%dma_start3A_527 : memref<!tpu.dma_semaphore, #tpu.memory_space<semaphore_mem>>)
      } else {
      }
      %dma_wait3A_395 = arith.constant 0 : i32
      %dma_wait3A_396 = arith.constant 5 : i32
      %dma_wait3A_397 = arith.constant 5 : i32
      %dma_wait3A_398 = arith.constant 0 : i32
      %dma_wait3A_399 = arith.constant 0 : i32
      %dma_wait3A_400 = tpu.memref_slice %arg9[%dma_wait3A_396, %dma_wait3A_398, %dma_wait3A_399] : memref<8x128x32xf32, #tpu.memory_space<vmem>> -> memref<1x128x32xf32, #tpu.memory_space<vmem>>
      %dma_wait3A_401 = tpu.memref_squeeze %dma_wait3A_400 : memref<1x128x32xf32, #tpu.memory_space<vmem>> -> memref<128x32xf32, #tpu.memory_space<vmem>>
      %dma_wait3A_402 = arith.constant 0 : i32
      %dma_wait3A_403 = tpu.memref_slice %arg7[%dma_wait3A_395, %dma_wait3A_402] : memref<152x128xi32, #tpu.memory_space<vmem>> -> memref<1x128xi32, #tpu.memory_space<vmem>>
      %dma_wait3A_404 = tpu.memref_squeeze %dma_wait3A_403 : memref<1x128xi32, #tpu.memory_space<vmem>> -> memref<128xi32, #tpu.memory_space<vmem>>
      %dma_wait3A_405 = arith.constant 0 : i32
      %dma_wait3A_406 = arith.constant 0 : i32
      %dma_wait3A_407 = tpu.memref_slice %arg4[%dma_wait3A_405, %dma_wait3A_406] : memref<10240x32xf32, #tpu.memory_space<hbm>> -> memref<10240x32xf32, #tpu.memory_space<hbm>>
      %dma_wait3A_408 = tpu.memref_slice %arg10[%dma_wait3A_397] : memref<8x!tpu.dma_semaphore, #tpu.memory_space<semaphore_mem>> -> memref<1x!tpu.dma_semaphore, #tpu.memory_space<semaphore_mem>>
      %dma_wait3A_409 = tpu.memref_squeeze %dma_wait3A_408 : memref<1x!tpu.dma_semaphore, #tpu.memory_space<semaphore_mem>> -> memref<!tpu.dma_semaphore, #tpu.memory_space<semaphore_mem>>
      tpu.wait_indirect_dma semaphore(%dma_wait3A_409 : memref<!tpu.dma_semaphore, #tpu.memory_space<semaphore_mem>>) src(%dma_wait3A_407 : memref<10240x32xf32, #tpu.memory_space<hbm>>) dst(%dma_wait3A_401 : memref<128x32xf32, #tpu.memory_space<vmem>>)
      %dma_start3A_410 = arith.constant 5 : i32
      %dma_start3A_411 = arith.constant 5 : i32
      %dma_start3A_412 = arith.constant 0 : i32
      %dma_start3A_413 = arith.constant 0 : i32
      %dma_start3A_414 = tpu.memref_slice %arg9[%dma_start3A_410, %dma_start3A_412, %dma_start3A_413] : memref<8x128x32xf32, #tpu.memory_space<vmem>> -> memref<1x128x32xf32, #tpu.memory_space<vmem>>
      %dma_start3A_415 = tpu.memref_squeeze %dma_start3A_414 : memref<1x128x32xf32, #tpu.memory_space<vmem>> -> memref<128x32xf32, #tpu.memory_space<vmem>>
      %dma_start3A_416 = arith.constant 0 : i32
      %dma_start3A_417 = tpu.memref_slice %arg8[%add3A_383, %dma_start3A_416] : memref<152x128xi32, #tpu.memory_space<vmem>> -> memref<1x128xi32, #tpu.memory_space<vmem>>
      %dma_start3A_418 = tpu.memref_squeeze %dma_start3A_417 : memref<1x128xi32, #tpu.memory_space<vmem>> -> memref<128xi32, #tpu.memory_space<vmem>>
      %dma_start3A_419 = arith.constant 0 : i32
      %dma_start3A_420 = arith.constant 0 : i32
      %dma_start3A_421 = tpu.memref_slice %arg12[%dma_start3A_419, %dma_start3A_420] : memref<10240x32xf32, #tpu.memory_space<vmem_shared>> -> memref<10240x32xf32, #tpu.memory_space<vmem_shared>>
      %dma_start3A_422 = tpu.memref_slice %arg11[%dma_start3A_411] : memref<8x!tpu.dma_semaphore, #tpu.memory_space<semaphore_mem>> -> memref<1x!tpu.dma_semaphore, #tpu.memory_space<semaphore_mem>>
      %dma_start3A_423 = tpu.memref_squeeze %dma_start3A_422 : memref<1x!tpu.dma_semaphore, #tpu.memory_space<semaphore_mem>> -> memref<!tpu.dma_semaphore, #tpu.memory_space<semaphore_mem>>
      tpu.enqueue_indirect_dma source(%dma_start3A_415 : memref<128x32xf32, #tpu.memory_space<vmem>>) target(%dma_start3A_421 : memref<10240x32xf32, #tpu.memory_space<vmem_shared>>) offsets(%dma_start3A_418 : memref<128xi32, #tpu.memory_space<vmem>>) semaphore(%dma_start3A_423 : memref<!tpu.dma_semaphore, #tpu.memory_space<semaphore_mem>>) {add = true}
      %mul3A_424 = arith.constant 8 : i32
      %mul3A_425 = arith.muli %mul3A_424, %while3A_163 : i32
      %add3A_426 = arith.constant 6 : i32
      %add3A_427 = arith.addi %mul3A_425, %add3A_426 : i32
      %ge3A_428 = arith.constant 4 : i32
      %ge3A_429 = arith.cmpi sge, %add3A_427, %ge3A_428 : i32
      %convert_element_type3A_430 = arith.extui %ge3A_429 : i1 to i32
      %cond3A_431 = arith.constant 0 : i32
      %cond3A_432 = arith.cmpi ne, %convert_element_type3A_430, %cond3A_431 : i32
      scf.if %cond3A_432 {
        %dma_wait3A_512 = arith.constant 2 : i32
        %dma_wait3A_513 = arith.constant 0 : i32
        %dma_wait3A_514 = arith.constant 2 : i32
        %dma_wait3A_515 = arith.constant 0 : i32
        %dma_wait3A_516 = arith.constant 0 : i32
        %dma_wait3A_517 = tpu.memref_slice %arg9[%dma_wait3A_512, %dma_wait3A_515, %dma_wait3A_516] : memref<8x128x32xf32, #tpu.memory_space<vmem>> -> memref<1x128x32xf32, #tpu.memory_space<vmem>>
        %dma_wait3A_518 = tpu.memref_squeeze %dma_wait3A_517 : memref<1x128x32xf32, #tpu.memory_space<vmem>> -> memref<128x32xf32, #tpu.memory_space<vmem>>
        %dma_wait3A_519 = arith.constant 0 : i32
        %dma_wait3A_520 = tpu.memref_slice %arg8[%dma_wait3A_513, %dma_wait3A_519] : memref<152x128xi32, #tpu.memory_space<vmem>> -> memref<1x128xi32, #tpu.memory_space<vmem>>
        %dma_wait3A_521 = tpu.memref_squeeze %dma_wait3A_520 : memref<1x128xi32, #tpu.memory_space<vmem>> -> memref<128xi32, #tpu.memory_space<vmem>>
        %dma_wait3A_522 = arith.constant 0 : i32
        %dma_wait3A_523 = arith.constant 0 : i32
        %dma_wait3A_524 = tpu.memref_slice %arg12[%dma_wait3A_522, %dma_wait3A_523] : memref<10240x32xf32, #tpu.memory_space<vmem_shared>> -> memref<10240x32xf32, #tpu.memory_space<vmem_shared>>
        %dma_wait3A_525 = tpu.memref_slice %arg11[%dma_wait3A_514] : memref<8x!tpu.dma_semaphore, #tpu.memory_space<semaphore_mem>> -> memref<1x!tpu.dma_semaphore, #tpu.memory_space<semaphore_mem>>
        %dma_wait3A_526 = tpu.memref_squeeze %dma_wait3A_525 : memref<1x!tpu.dma_semaphore, #tpu.memory_space<semaphore_mem>> -> memref<!tpu.dma_semaphore, #tpu.memory_space<semaphore_mem>>
        tpu.wait_indirect_dma semaphore(%dma_wait3A_526 : memref<!tpu.dma_semaphore, #tpu.memory_space<semaphore_mem>>) src(%dma_wait3A_518 : memref<128x32xf32, #tpu.memory_space<vmem>>) dst(%dma_wait3A_524 : memref<10240x32xf32, #tpu.memory_space<vmem_shared>>)
      } else {
      }
      %add3A_433 = arith.constant 4 : i32
      %add3A_434 = arith.addi %add3A_427, %add3A_433 : i32
      %lt3A_435 = arith.cmpi slt, %add3A_434, %select_n3A : i32
      %convert_element_type3A_436 = arith.extui %lt3A_435 : i1 to i32
      %cond3A_437 = arith.constant 0 : i32
      %cond3A_438 = arith.cmpi ne, %convert_element_type3A_436, %cond3A_437 : i32
      scf.if %cond3A_438 {
        %add3A_512 = arith.constant 4 : i32
        %add3A_513 = arith.addi %add3A_427, %add3A_512 : i32
        %dma_start3A_514 = arith.constant 2 : i32
        %dma_start3A_515 = arith.constant 2 : i32
        %dma_start3A_516 = arith.constant 0 : i32
        %dma_start3A_517 = arith.constant 0 : i32
        %dma_start3A_518 = tpu.memref_slice %arg9[%dma_start3A_514, %dma_start3A_516, %dma_start3A_517] : memref<8x128x32xf32, #tpu.memory_space<vmem>> -> memref<1x128x32xf32, #tpu.memory_space<vmem>>
        %dma_start3A_519 = tpu.memref_squeeze %dma_start3A_518 : memref<1x128x32xf32, #tpu.memory_space<vmem>> -> memref<128x32xf32, #tpu.memory_space<vmem>>
        %dma_start3A_520 = arith.constant 0 : i32
        %dma_start3A_521 = tpu.memref_slice %arg7[%add3A_513, %dma_start3A_520] : memref<152x128xi32, #tpu.memory_space<vmem>> -> memref<1x128xi32, #tpu.memory_space<vmem>>
        %dma_start3A_522 = tpu.memref_squeeze %dma_start3A_521 : memref<1x128xi32, #tpu.memory_space<vmem>> -> memref<128xi32, #tpu.memory_space<vmem>>
        %dma_start3A_523 = arith.constant 0 : i32
        %dma_start3A_524 = arith.constant 0 : i32
        %dma_start3A_525 = tpu.memref_slice %arg4[%dma_start3A_523, %dma_start3A_524] : memref<10240x32xf32, #tpu.memory_space<hbm>> -> memref<10240x32xf32, #tpu.memory_space<hbm>>
        %dma_start3A_526 = tpu.memref_slice %arg10[%dma_start3A_515] : memref<8x!tpu.dma_semaphore, #tpu.memory_space<semaphore_mem>> -> memref<1x!tpu.dma_semaphore, #tpu.memory_space<semaphore_mem>>
        %dma_start3A_527 = tpu.memref_squeeze %dma_start3A_526 : memref<1x!tpu.dma_semaphore, #tpu.memory_space<semaphore_mem>> -> memref<!tpu.dma_semaphore, #tpu.memory_space<semaphore_mem>>
        tpu.enqueue_indirect_dma source(%dma_start3A_525 : memref<10240x32xf32, #tpu.memory_space<hbm>>) target(%dma_start3A_519 : memref<128x32xf32, #tpu.memory_space<vmem>>) offsets(%dma_start3A_522 : memref<128xi32, #tpu.memory_space<vmem>>) semaphore(%dma_start3A_527 : memref<!tpu.dma_semaphore, #tpu.memory_space<semaphore_mem>>)
      } else {
      }
      %dma_wait3A_439 = arith.constant 0 : i32
      %dma_wait3A_440 = arith.constant 6 : i32
      %dma_wait3A_441 = arith.constant 6 : i32
      %dma_wait3A_442 = arith.constant 0 : i32
      %dma_wait3A_443 = arith.constant 0 : i32
      %dma_wait3A_444 = tpu.memref_slice %arg9[%dma_wait3A_440, %dma_wait3A_442, %dma_wait3A_443] : memref<8x128x32xf32, #tpu.memory_space<vmem>> -> memref<1x128x32xf32, #tpu.memory_space<vmem>>
      %dma_wait3A_445 = tpu.memref_squeeze %dma_wait3A_444 : memref<1x128x32xf32, #tpu.memory_space<vmem>> -> memref<128x32xf32, #tpu.memory_space<vmem>>
      %dma_wait3A_446 = arith.constant 0 : i32
      %dma_wait3A_447 = tpu.memref_slice %arg7[%dma_wait3A_439, %dma_wait3A_446] : memref<152x128xi32, #tpu.memory_space<vmem>> -> memref<1x128xi32, #tpu.memory_space<vmem>>
      %dma_wait3A_448 = tpu.memref_squeeze %dma_wait3A_447 : memref<1x128xi32, #tpu.memory_space<vmem>> -> memref<128xi32, #tpu.memory_space<vmem>>
      %dma_wait3A_449 = arith.constant 0 : i32
      %dma_wait3A_450 = arith.constant 0 : i32
      %dma_wait3A_451 = tpu.memref_slice %arg4[%dma_wait3A_449, %dma_wait3A_450] : memref<10240x32xf32, #tpu.memory_space<hbm>> -> memref<10240x32xf32, #tpu.memory_space<hbm>>
      %dma_wait3A_452 = tpu.memref_slice %arg10[%dma_wait3A_441] : memref<8x!tpu.dma_semaphore, #tpu.memory_space<semaphore_mem>> -> memref<1x!tpu.dma_semaphore, #tpu.memory_space<semaphore_mem>>
      %dma_wait3A_453 = tpu.memref_squeeze %dma_wait3A_452 : memref<1x!tpu.dma_semaphore, #tpu.memory_space<semaphore_mem>> -> memref<!tpu.dma_semaphore, #tpu.memory_space<semaphore_mem>>
      tpu.wait_indirect_dma semaphore(%dma_wait3A_453 : memref<!tpu.dma_semaphore, #tpu.memory_space<semaphore_mem>>) src(%dma_wait3A_451 : memref<10240x32xf32, #tpu.memory_space<hbm>>) dst(%dma_wait3A_445 : memref<128x32xf32, #tpu.memory_space<vmem>>)
      %dma_start3A_454 = arith.constant 6 : i32
      %dma_start3A_455 = arith.constant 6 : i32
      %dma_start3A_456 = arith.constant 0 : i32
      %dma_start3A_457 = arith.constant 0 : i32
      %dma_start3A_458 = tpu.memref_slice %arg9[%dma_start3A_454, %dma_start3A_456, %dma_start3A_457] : memref<8x128x32xf32, #tpu.memory_space<vmem>> -> memref<1x128x32xf32, #tpu.memory_space<vmem>>
      %dma_start3A_459 = tpu.memref_squeeze %dma_start3A_458 : memref<1x128x32xf32, #tpu.memory_space<vmem>> -> memref<128x32xf32, #tpu.memory_space<vmem>>
      %dma_start3A_460 = arith.constant 0 : i32
      %dma_start3A_461 = tpu.memref_slice %arg8[%add3A_427, %dma_start3A_460] : memref<152x128xi32, #tpu.memory_space<vmem>> -> memref<1x128xi32, #tpu.memory_space<vmem>>
      %dma_start3A_462 = tpu.memref_squeeze %dma_start3A_461 : memref<1x128xi32, #tpu.memory_space<vmem>> -> memref<128xi32, #tpu.memory_space<vmem>>
      %dma_start3A_463 = arith.constant 0 : i32
      %dma_start3A_464 = arith.constant 0 : i32
      %dma_start3A_465 = tpu.memref_slice %arg12[%dma_start3A_463, %dma_start3A_464] : memref<10240x32xf32, #tpu.memory_space<vmem_shared>> -> memref<10240x32xf32, #tpu.memory_space<vmem_shared>>
      %dma_start3A_466 = tpu.memref_slice %arg11[%dma_start3A_455] : memref<8x!tpu.dma_semaphore, #tpu.memory_space<semaphore_mem>> -> memref<1x!tpu.dma_semaphore, #tpu.memory_space<semaphore_mem>>
      %dma_start3A_467 = tpu.memref_squeeze %dma_start3A_466 : memref<1x!tpu.dma_semaphore, #tpu.memory_space<semaphore_mem>> -> memref<!tpu.dma_semaphore, #tpu.memory_space<semaphore_mem>>
      tpu.enqueue_indirect_dma source(%dma_start3A_459 : memref<128x32xf32, #tpu.memory_space<vmem>>) target(%dma_start3A_465 : memref<10240x32xf32, #tpu.memory_space<vmem_shared>>) offsets(%dma_start3A_462 : memref<128xi32, #tpu.memory_space<vmem>>) semaphore(%dma_start3A_467 : memref<!tpu.dma_semaphore, #tpu.memory_space<semaphore_mem>>) {add = true}
      %mul3A_468 = arith.constant 8 : i32
      %mul3A_469 = arith.muli %mul3A_468, %while3A_163 : i32
      %add3A_470 = arith.constant 7 : i32
      %add3A_471 = arith.addi %mul3A_469, %add3A_470 : i32
      %ge3A_472 = arith.constant 4 : i32
      %ge3A_473 = arith.cmpi sge, %add3A_471, %ge3A_472 : i32
      %convert_element_type3A_474 = arith.extui %ge3A_473 : i1 to i32
      %cond3A_475 = arith.constant 0 : i32
      %cond3A_476 = arith.cmpi ne, %convert_element_type3A_474, %cond3A_475 : i32
      scf.if %cond3A_476 {
        %dma_wait3A_512 = arith.constant 3 : i32
        %dma_wait3A_513 = arith.constant 0 : i32
        %dma_wait3A_514 = arith.constant 3 : i32
        %dma_wait3A_515 = arith.constant 0 : i32
        %dma_wait3A_516 = arith.constant 0 : i32
        %dma_wait3A_517 = tpu.memref_slice %arg9[%dma_wait3A_512, %dma_wait3A_515, %dma_wait3A_516] : memref<8x128x32xf32, #tpu.memory_space<vmem>> -> memref<1x128x32xf32, #tpu.memory_space<vmem>>
        %dma_wait3A_518 = tpu.memref_squeeze %dma_wait3A_517 : memref<1x128x32xf32, #tpu.memory_space<vmem>> -> memref<128x32xf32, #tpu.memory_space<vmem>>
        %dma_wait3A_519 = arith.constant 0 : i32
        %dma_wait3A_520 = tpu.memref_slice %arg8[%dma_wait3A_513, %dma_wait3A_519] : memref<152x128xi32, #tpu.memory_space<vmem>> -> memref<1x128xi32, #tpu.memory_space<vmem>>
        %dma_wait3A_521 = tpu.memref_squeeze %dma_wait3A_520 : memref<1x128xi32, #tpu.memory_space<vmem>> -> memref<128xi32, #tpu.memory_space<vmem>>
        %dma_wait3A_522 = arith.constant 0 : i32
        %dma_wait3A_523 = arith.constant 0 : i32
        %dma_wait3A_524 = tpu.memref_slice %arg12[%dma_wait3A_522, %dma_wait3A_523] : memref<10240x32xf32, #tpu.memory_space<vmem_shared>> -> memref<10240x32xf32, #tpu.memory_space<vmem_shared>>
        %dma_wait3A_525 = tpu.memref_slice %arg11[%dma_wait3A_514] : memref<8x!tpu.dma_semaphore, #tpu.memory_space<semaphore_mem>> -> memref<1x!tpu.dma_semaphore, #tpu.memory_space<semaphore_mem>>
        %dma_wait3A_526 = tpu.memref_squeeze %dma_wait3A_525 : memref<1x!tpu.dma_semaphore, #tpu.memory_space<semaphore_mem>> -> memref<!tpu.dma_semaphore, #tpu.memory_space<semaphore_mem>>
        tpu.wait_indirect_dma semaphore(%dma_wait3A_526 : memref<!tpu.dma_semaphore, #tpu.memory_space<semaphore_mem>>) src(%dma_wait3A_518 : memref<128x32xf32, #tpu.memory_space<vmem>>) dst(%dma_wait3A_524 : memref<10240x32xf32, #tpu.memory_space<vmem_shared>>)
      } else {
      }
      %add3A_477 = arith.constant 4 : i32
      %add3A_478 = arith.addi %add3A_471, %add3A_477 : i32
      %lt3A_479 = arith.cmpi slt, %add3A_478, %select_n3A : i32
      %convert_element_type3A_480 = arith.extui %lt3A_479 : i1 to i32
      %cond3A_481 = arith.constant 0 : i32
      %cond3A_482 = arith.cmpi ne, %convert_element_type3A_480, %cond3A_481 : i32
      scf.if %cond3A_482 {
        %add3A_512 = arith.constant 4 : i32
        %add3A_513 = arith.addi %add3A_471, %add3A_512 : i32
        %dma_start3A_514 = arith.constant 3 : i32
        %dma_start3A_515 = arith.constant 3 : i32
        %dma_start3A_516 = arith.constant 0 : i32
        %dma_start3A_517 = arith.constant 0 : i32
        %dma_start3A_518 = tpu.memref_slice %arg9[%dma_start3A_514, %dma_start3A_516, %dma_start3A_517] : memref<8x128x32xf32, #tpu.memory_space<vmem>> -> memref<1x128x32xf32, #tpu.memory_space<vmem>>
        %dma_start3A_519 = tpu.memref_squeeze %dma_start3A_518 : memref<1x128x32xf32, #tpu.memory_space<vmem>> -> memref<128x32xf32, #tpu.memory_space<vmem>>
        %dma_start3A_520 = arith.constant 0 : i32
        %dma_start3A_521 = tpu.memref_slice %arg7[%add3A_513, %dma_start3A_520] : memref<152x128xi32, #tpu.memory_space<vmem>> -> memref<1x128xi32, #tpu.memory_space<vmem>>
        %dma_start3A_522 = tpu.memref_squeeze %dma_start3A_521 : memref<1x128xi32, #tpu.memory_space<vmem>> -> memref<128xi32, #tpu.memory_space<vmem>>
        %dma_start3A_523 = arith.constant 0 : i32
        %dma_start3A_524 = arith.constant 0 : i32
        %dma_start3A_525 = tpu.memref_slice %arg4[%dma_start3A_523, %dma_start3A_524] : memref<10240x32xf32, #tpu.memory_space<hbm>> -> memref<10240x32xf32, #tpu.memory_space<hbm>>
        %dma_start3A_526 = tpu.memref_slice %arg10[%dma_start3A_515] : memref<8x!tpu.dma_semaphore, #tpu.memory_space<semaphore_mem>> -> memref<1x!tpu.dma_semaphore, #tpu.memory_space<semaphore_mem>>
        %dma_start3A_527 = tpu.memref_squeeze %dma_start3A_526 : memref<1x!tpu.dma_semaphore, #tpu.memory_space<semaphore_mem>> -> memref<!tpu.dma_semaphore, #tpu.memory_space<semaphore_mem>>
        tpu.enqueue_indirect_dma source(%dma_start3A_525 : memref<10240x32xf32, #tpu.memory_space<hbm>>) target(%dma_start3A_519 : memref<128x32xf32, #tpu.memory_space<vmem>>) offsets(%dma_start3A_522 : memref<128xi32, #tpu.memory_space<vmem>>) semaphore(%dma_start3A_527 : memref<!tpu.dma_semaphore, #tpu.memory_space<semaphore_mem>>)
      } else {
      }
      %dma_wait3A_483 = arith.constant 0 : i32
      %dma_wait3A_484 = arith.constant 7 : i32
      %dma_wait3A_485 = arith.constant 7 : i32
      %dma_wait3A_486 = arith.constant 0 : i32
      %dma_wait3A_487 = arith.constant 0 : i32
      %dma_wait3A_488 = tpu.memref_slice %arg9[%dma_wait3A_484, %dma_wait3A_486, %dma_wait3A_487] : memref<8x128x32xf32, #tpu.memory_space<vmem>> -> memref<1x128x32xf32, #tpu.memory_space<vmem>>
      %dma_wait3A_489 = tpu.memref_squeeze %dma_wait3A_488 : memref<1x128x32xf32, #tpu.memory_space<vmem>> -> memref<128x32xf32, #tpu.memory_space<vmem>>
      %dma_wait3A_490 = arith.constant 0 : i32
      %dma_wait3A_491 = tpu.memref_slice %arg7[%dma_wait3A_483, %dma_wait3A_490] : memref<152x128xi32, #tpu.memory_space<vmem>> -> memref<1x128xi32, #tpu.memory_space<vmem>>
      %dma_wait3A_492 = tpu.memref_squeeze %dma_wait3A_491 : memref<1x128xi32, #tpu.memory_space<vmem>> -> memref<128xi32, #tpu.memory_space<vmem>>
      %dma_wait3A_493 = arith.constant 0 : i32
      %dma_wait3A_494 = arith.constant 0 : i32
      %dma_wait3A_495 = tpu.memref_slice %arg4[%dma_wait3A_493, %dma_wait3A_494] : memref<10240x32xf32, #tpu.memory_space<hbm>> -> memref<10240x32xf32, #tpu.memory_space<hbm>>
      %dma_wait3A_496 = tpu.memref_slice %arg10[%dma_wait3A_485] : memref<8x!tpu.dma_semaphore, #tpu.memory_space<semaphore_mem>> -> memref<1x!tpu.dma_semaphore, #tpu.memory_space<semaphore_mem>>
      %dma_wait3A_497 = tpu.memref_squeeze %dma_wait3A_496 : memref<1x!tpu.dma_semaphore, #tpu.memory_space<semaphore_mem>> -> memref<!tpu.dma_semaphore, #tpu.memory_space<semaphore_mem>>
      tpu.wait_indirect_dma semaphore(%dma_wait3A_497 : memref<!tpu.dma_semaphore, #tpu.memory_space<semaphore_mem>>) src(%dma_wait3A_495 : memref<10240x32xf32, #tpu.memory_space<hbm>>) dst(%dma_wait3A_489 : memref<128x32xf32, #tpu.memory_space<vmem>>)
      %dma_start3A_498 = arith.constant 7 : i32
      %dma_start3A_499 = arith.constant 7 : i32
      %dma_start3A_500 = arith.constant 0 : i32
      %dma_start3A_501 = arith.constant 0 : i32
      %dma_start3A_502 = tpu.memref_slice %arg9[%dma_start3A_498, %dma_start3A_500, %dma_start3A_501] : memref<8x128x32xf32, #tpu.memory_space<vmem>> -> memref<1x128x32xf32, #tpu.memory_space<vmem>>
      %dma_start3A_503 = tpu.memref_squeeze %dma_start3A_502 : memref<1x128x32xf32, #tpu.memory_space<vmem>> -> memref<128x32xf32, #tpu.memory_space<vmem>>
      %dma_start3A_504 = arith.constant 0 : i32
      %dma_start3A_505 = tpu.memref_slice %arg8[%add3A_471, %dma_start3A_504] : memref<152x128xi32, #tpu.memory_space<vmem>> -> memref<1x128xi32, #tpu.memory_space<vmem>>
      %dma_start3A_506 = tpu.memref_squeeze %dma_start3A_505 : memref<1x128xi32, #tpu.memory_space<vmem>> -> memref<128xi32, #tpu.memory_space<vmem>>
      %dma_start3A_507 = arith.constant 0 : i32
      %dma_start3A_508 = arith.constant 0 : i32
      %dma_start3A_509 = tpu.memref_slice %arg12[%dma_start3A_507, %dma_start3A_508] : memref<10240x32xf32, #tpu.memory_space<vmem_shared>> -> memref<10240x32xf32, #tpu.memory_space<vmem_shared>>
      %dma_start3A_510 = tpu.memref_slice %arg11[%dma_start3A_499] : memref<8x!tpu.dma_semaphore, #tpu.memory_space<semaphore_mem>> -> memref<1x!tpu.dma_semaphore, #tpu.memory_space<semaphore_mem>>
      %dma_start3A_511 = tpu.memref_squeeze %dma_start3A_510 : memref<1x!tpu.dma_semaphore, #tpu.memory_space<semaphore_mem>> -> memref<!tpu.dma_semaphore, #tpu.memory_space<semaphore_mem>>
      tpu.enqueue_indirect_dma source(%dma_start3A_503 : memref<128x32xf32, #tpu.memory_space<vmem>>) target(%dma_start3A_509 : memref<10240x32xf32, #tpu.memory_space<vmem_shared>>) offsets(%dma_start3A_506 : memref<128xi32, #tpu.memory_space<vmem>>) semaphore(%dma_start3A_511 : memref<!tpu.dma_semaphore, #tpu.memory_space<semaphore_mem>>) {add = true}
    }
    %while3A_98 = arith.constant 1 : i32
    scf.for %while3A_163 = %while3A_96 to %while3A_92 step %while3A_98  : i32 {
      %mul3A_164 = arith.constant 8 : i32
      %mul3A_165 = arith.muli %mul3A_164, %while3A_163 : i32
      %add3A_166 = arith.constant 0 : i32
      %add3A_167 = arith.addi %mul3A_165, %add3A_166 : i32
      %ge3A = arith.constant 4 : i32
      %ge3A_168 = arith.cmpi sge, %add3A_167, %ge3A : i32
      %convert_element_type3A = arith.extui %ge3A_168 : i1 to i32
      %cond3A = arith.constant 0 : i32
      %cond3A_169 = arith.cmpi ne, %convert_element_type3A, %cond3A : i32
      scf.if %cond3A_169 {
        %dma_wait3A_512 = arith.constant 4 : i32
        %dma_wait3A_513 = arith.constant 0 : i32
        %dma_wait3A_514 = arith.constant 4 : i32
        %dma_wait3A_515 = arith.constant 0 : i32
        %dma_wait3A_516 = arith.constant 0 : i32
        %dma_wait3A_517 = tpu.memref_slice %arg9[%dma_wait3A_512, %dma_wait3A_515, %dma_wait3A_516] : memref<8x128x32xf32, #tpu.memory_space<vmem>> -> memref<1x128x32xf32, #tpu.memory_space<vmem>>
        %dma_wait3A_518 = tpu.memref_squeeze %dma_wait3A_517 : memref<1x128x32xf32, #tpu.memory_space<vmem>> -> memref<128x32xf32, #tpu.memory_space<vmem>>
        %dma_wait3A_519 = arith.constant 0 : i32
        %dma_wait3A_520 = tpu.memref_slice %arg8[%dma_wait3A_513, %dma_wait3A_519] : memref<152x128xi32, #tpu.memory_space<vmem>> -> memref<1x128xi32, #tpu.memory_space<vmem>>
        %dma_wait3A_521 = tpu.memref_squeeze %dma_wait3A_520 : memref<1x128xi32, #tpu.memory_space<vmem>> -> memref<128xi32, #tpu.memory_space<vmem>>
        %dma_wait3A_522 = arith.constant 0 : i32
        %dma_wait3A_523 = arith.constant 0 : i32
        %dma_wait3A_524 = tpu.memref_slice %arg12[%dma_wait3A_522, %dma_wait3A_523] : memref<10240x32xf32, #tpu.memory_space<vmem_shared>> -> memref<10240x32xf32, #tpu.memory_space<vmem_shared>>
        %dma_wait3A_525 = tpu.memref_slice %arg11[%dma_wait3A_514] : memref<8x!tpu.dma_semaphore, #tpu.memory_space<semaphore_mem>> -> memref<1x!tpu.dma_semaphore, #tpu.memory_space<semaphore_mem>>
        %dma_wait3A_526 = tpu.memref_squeeze %dma_wait3A_525 : memref<1x!tpu.dma_semaphore, #tpu.memory_space<semaphore_mem>> -> memref<!tpu.dma_semaphore, #tpu.memory_space<semaphore_mem>>
        tpu.wait_indirect_dma semaphore(%dma_wait3A_526 : memref<!tpu.dma_semaphore, #tpu.memory_space<semaphore_mem>>) src(%dma_wait3A_518 : memref<128x32xf32, #tpu.memory_space<vmem>>) dst(%dma_wait3A_524 : memref<10240x32xf32, #tpu.memory_space<vmem_shared>>)
      } else {
      }
      %add3A_170 = arith.constant 4 : i32
      %add3A_171 = arith.addi %add3A_167, %add3A_170 : i32
      %lt3A = arith.cmpi slt, %add3A_171, %select_n3A : i32
      %convert_element_type3A_172 = arith.extui %lt3A : i1 to i32
      %cond3A_173 = arith.constant 0 : i32
      %cond3A_174 = arith.cmpi ne, %convert_element_type3A_172, %cond3A_173 : i32
      scf.if %cond3A_174 {
        %add3A_512 = arith.constant 4 : i32
        %add3A_513 = arith.addi %add3A_167, %add3A_512 : i32
        %dma_start3A_514 = arith.constant 4 : i32
        %dma_start3A_515 = arith.constant 4 : i32
        %dma_start3A_516 = arith.constant 0 : i32
        %dma_start3A_517 = arith.constant 0 : i32
        %dma_start3A_518 = tpu.memref_slice %arg9[%dma_start3A_514, %dma_start3A_516, %dma_start3A_517] : memref<8x128x32xf32, #tpu.memory_space<vmem>> -> memref<1x128x32xf32, #tpu.memory_space<vmem>>
        %dma_start3A_519 = tpu.memref_squeeze %dma_start3A_518 : memref<1x128x32xf32, #tpu.memory_space<vmem>> -> memref<128x32xf32, #tpu.memory_space<vmem>>
        %dma_start3A_520 = arith.constant 0 : i32
        %dma_start3A_521 = tpu.memref_slice %arg7[%add3A_513, %dma_start3A_520] : memref<152x128xi32, #tpu.memory_space<vmem>> -> memref<1x128xi32, #tpu.memory_space<vmem>>
        %dma_start3A_522 = tpu.memref_squeeze %dma_start3A_521 : memref<1x128xi32, #tpu.memory_space<vmem>> -> memref<128xi32, #tpu.memory_space<vmem>>
        %dma_start3A_523 = arith.constant 0 : i32
        %dma_start3A_524 = arith.constant 0 : i32
        %dma_start3A_525 = tpu.memref_slice %arg4[%dma_start3A_523, %dma_start3A_524] : memref<10240x32xf32, #tpu.memory_space<hbm>> -> memref<10240x32xf32, #tpu.memory_space<hbm>>
        %dma_start3A_526 = tpu.memref_slice %arg10[%dma_start3A_515] : memref<8x!tpu.dma_semaphore, #tpu.memory_space<semaphore_mem>> -> memref<1x!tpu.dma_semaphore, #tpu.memory_space<semaphore_mem>>
        %dma_start3A_527 = tpu.memref_squeeze %dma_start3A_526 : memref<1x!tpu.dma_semaphore, #tpu.memory_space<semaphore_mem>> -> memref<!tpu.dma_semaphore, #tpu.memory_space<semaphore_mem>>
        tpu.enqueue_indirect_dma source(%dma_start3A_525 : memref<10240x32xf32, #tpu.memory_space<hbm>>) target(%dma_start3A_519 : memref<128x32xf32, #tpu.memory_space<vmem>>) offsets(%dma_start3A_522 : memref<128xi32, #tpu.memory_space<vmem>>) semaphore(%dma_start3A_527 : memref<!tpu.dma_semaphore, #tpu.memory_space<semaphore_mem>>)
      } else {
      }
      %dma_wait3A_175 = arith.constant 0 : i32
      %dma_wait3A_176 = arith.constant 0 : i32
      %dma_wait3A_177 = arith.constant 0 : i32
      %dma_wait3A_178 = arith.constant 0 : i32
      %dma_wait3A_179 = arith.constant 0 : i32
      %dma_wait3A_180 = tpu.memref_slice %arg9[%dma_wait3A_176, %dma_wait3A_178, %dma_wait3A_179] : memref<8x128x32xf32, #tpu.memory_space<vmem>> -> memref<1x128x32xf32, #tpu.memory_space<vmem>>
      %dma_wait3A_181 = tpu.memref_squeeze %dma_wait3A_180 : memref<1x128x32xf32, #tpu.memory_space<vmem>> -> memref<128x32xf32, #tpu.memory_space<vmem>>
      %dma_wait3A_182 = arith.constant 0 : i32
      %dma_wait3A_183 = tpu.memref_slice %arg7[%dma_wait3A_175, %dma_wait3A_182] : memref<152x128xi32, #tpu.memory_space<vmem>> -> memref<1x128xi32, #tpu.memory_space<vmem>>
      %dma_wait3A_184 = tpu.memref_squeeze %dma_wait3A_183 : memref<1x128xi32, #tpu.memory_space<vmem>> -> memref<128xi32, #tpu.memory_space<vmem>>
      %dma_wait3A_185 = arith.constant 0 : i32
      %dma_wait3A_186 = arith.constant 0 : i32
      %dma_wait3A_187 = tpu.memref_slice %arg4[%dma_wait3A_185, %dma_wait3A_186] : memref<10240x32xf32, #tpu.memory_space<hbm>> -> memref<10240x32xf32, #tpu.memory_space<hbm>>
      %dma_wait3A_188 = tpu.memref_slice %arg10[%dma_wait3A_177] : memref<8x!tpu.dma_semaphore, #tpu.memory_space<semaphore_mem>> -> memref<1x!tpu.dma_semaphore, #tpu.memory_space<semaphore_mem>>
      %dma_wait3A_189 = tpu.memref_squeeze %dma_wait3A_188 : memref<1x!tpu.dma_semaphore, #tpu.memory_space<semaphore_mem>> -> memref<!tpu.dma_semaphore, #tpu.memory_space<semaphore_mem>>
      tpu.wait_indirect_dma semaphore(%dma_wait3A_189 : memref<!tpu.dma_semaphore, #tpu.memory_space<semaphore_mem>>) src(%dma_wait3A_187 : memref<10240x32xf32, #tpu.memory_space<hbm>>) dst(%dma_wait3A_181 : memref<128x32xf32, #tpu.memory_space<vmem>>)
      %dma_start3A_190 = arith.constant 0 : i32
      %dma_start3A_191 = arith.constant 0 : i32
      %dma_start3A_192 = arith.constant 0 : i32
      %dma_start3A_193 = arith.constant 0 : i32
      %dma_start3A_194 = tpu.memref_slice %arg9[%dma_start3A_190, %dma_start3A_192, %dma_start3A_193] : memref<8x128x32xf32, #tpu.memory_space<vmem>> -> memref<1x128x32xf32, #tpu.memory_space<vmem>>
      %dma_start3A_195 = tpu.memref_squeeze %dma_start3A_194 : memref<1x128x32xf32, #tpu.memory_space<vmem>> -> memref<128x32xf32, #tpu.memory_space<vmem>>
      %dma_start3A_196 = arith.constant 0 : i32
      %dma_start3A_197 = tpu.memref_slice %arg8[%add3A_167, %dma_start3A_196] : memref<152x128xi32, #tpu.memory_space<vmem>> -> memref<1x128xi32, #tpu.memory_space<vmem>>
      %dma_start3A_198 = tpu.memref_squeeze %dma_start3A_197 : memref<1x128xi32, #tpu.memory_space<vmem>> -> memref<128xi32, #tpu.memory_space<vmem>>
      %dma_start3A_199 = arith.constant 0 : i32
      %dma_start3A_200 = arith.constant 0 : i32
      %dma_start3A_201 = tpu.memref_slice %arg12[%dma_start3A_199, %dma_start3A_200] : memref<10240x32xf32, #tpu.memory_space<vmem_shared>> -> memref<10240x32xf32, #tpu.memory_space<vmem_shared>>
      %dma_start3A_202 = tpu.memref_slice %arg11[%dma_start3A_191] : memref<8x!tpu.dma_semaphore, #tpu.memory_space<semaphore_mem>> -> memref<1x!tpu.dma_semaphore, #tpu.memory_space<semaphore_mem>>
      %dma_start3A_203 = tpu.memref_squeeze %dma_start3A_202 : memref<1x!tpu.dma_semaphore, #tpu.memory_space<semaphore_mem>> -> memref<!tpu.dma_semaphore, #tpu.memory_space<semaphore_mem>>
      tpu.enqueue_indirect_dma source(%dma_start3A_195 : memref<128x32xf32, #tpu.memory_space<vmem>>) target(%dma_start3A_201 : memref<10240x32xf32, #tpu.memory_space<vmem_shared>>) offsets(%dma_start3A_198 : memref<128xi32, #tpu.memory_space<vmem>>) semaphore(%dma_start3A_203 : memref<!tpu.dma_semaphore, #tpu.memory_space<semaphore_mem>>) {add = true}
      %mul3A_204 = arith.constant 8 : i32
      %mul3A_205 = arith.muli %mul3A_204, %while3A_163 : i32
      %add3A_206 = arith.constant 1 : i32
      %add3A_207 = arith.addi %mul3A_205, %add3A_206 : i32
      %ge3A_208 = arith.constant 4 : i32
      %ge3A_209 = arith.cmpi sge, %add3A_207, %ge3A_208 : i32
      %convert_element_type3A_210 = arith.extui %ge3A_209 : i1 to i32
      %cond3A_211 = arith.constant 0 : i32
      %cond3A_212 = arith.cmpi ne, %convert_element_type3A_210, %cond3A_211 : i32
      scf.if %cond3A_212 {
        %dma_wait3A_512 = arith.constant 5 : i32
        %dma_wait3A_513 = arith.constant 0 : i32
        %dma_wait3A_514 = arith.constant 5 : i32
        %dma_wait3A_515 = arith.constant 0 : i32
        %dma_wait3A_516 = arith.constant 0 : i32
        %dma_wait3A_517 = tpu.memref_slice %arg9[%dma_wait3A_512, %dma_wait3A_515, %dma_wait3A_516] : memref<8x128x32xf32, #tpu.memory_space<vmem>> -> memref<1x128x32xf32, #tpu.memory_space<vmem>>
        %dma_wait3A_518 = tpu.memref_squeeze %dma_wait3A_517 : memref<1x128x32xf32, #tpu.memory_space<vmem>> -> memref<128x32xf32, #tpu.memory_space<vmem>>
        %dma_wait3A_519 = arith.constant 0 : i32
        %dma_wait3A_520 = tpu.memref_slice %arg8[%dma_wait3A_513, %dma_wait3A_519] : memref<152x128xi32, #tpu.memory_space<vmem>> -> memref<1x128xi32, #tpu.memory_space<vmem>>
        %dma_wait3A_521 = tpu.memref_squeeze %dma_wait3A_520 : memref<1x128xi32, #tpu.memory_space<vmem>> -> memref<128xi32, #tpu.memory_space<vmem>>
        %dma_wait3A_522 = arith.constant 0 : i32
        %dma_wait3A_523 = arith.constant 0 : i32
        %dma_wait3A_524 = tpu.memref_slice %arg12[%dma_wait3A_522, %dma_wait3A_523] : memref<10240x32xf32, #tpu.memory_space<vmem_shared>> -> memref<10240x32xf32, #tpu.memory_space<vmem_shared>>
        %dma_wait3A_525 = tpu.memref_slice %arg11[%dma_wait3A_514] : memref<8x!tpu.dma_semaphore, #tpu.memory_space<semaphore_mem>> -> memref<1x!tpu.dma_semaphore, #tpu.memory_space<semaphore_mem>>
        %dma_wait3A_526 = tpu.memref_squeeze %dma_wait3A_525 : memref<1x!tpu.dma_semaphore, #tpu.memory_space<semaphore_mem>> -> memref<!tpu.dma_semaphore, #tpu.memory_space<semaphore_mem>>
        tpu.wait_indirect_dma semaphore(%dma_wait3A_526 : memref<!tpu.dma_semaphore, #tpu.memory_space<semaphore_mem>>) src(%dma_wait3A_518 : memref<128x32xf32, #tpu.memory_space<vmem>>) dst(%dma_wait3A_524 : memref<10240x32xf32, #tpu.memory_space<vmem_shared>>)
      } else {
      }
      %add3A_213 = arith.constant 4 : i32
      %add3A_214 = arith.addi %add3A_207, %add3A_213 : i32
      %lt3A_215 = arith.cmpi slt, %add3A_214, %select_n3A : i32
      %convert_element_type3A_216 = arith.extui %lt3A_215 : i1 to i32
      %cond3A_217 = arith.constant 0 : i32
      %cond3A_218 = arith.cmpi ne, %convert_element_type3A_216, %cond3A_217 : i32
      scf.if %cond3A_218 {
        %add3A_512 = arith.constant 4 : i32
        %add3A_513 = arith.addi %add3A_207, %add3A_512 : i32
        %dma_start3A_514 = arith.constant 5 : i32
        %dma_start3A_515 = arith.constant 5 : i32
        %dma_start3A_516 = arith.constant 0 : i32
        %dma_start3A_517 = arith.constant 0 : i32
        %dma_start3A_518 = tpu.memref_slice %arg9[%dma_start3A_514, %dma_start3A_516, %dma_start3A_517] : memref<8x128x32xf32, #tpu.memory_space<vmem>> -> memref<1x128x32xf32, #tpu.memory_space<vmem>>
        %dma_start3A_519 = tpu.memref_squeeze %dma_start3A_518 : memref<1x128x32xf32, #tpu.memory_space<vmem>> -> memref<128x32xf32, #tpu.memory_space<vmem>>
        %dma_start3A_520 = arith.constant 0 : i32
        %dma_start3A_521 = tpu.memref_slice %arg7[%add3A_513, %dma_start3A_520] : memref<152x128xi32, #tpu.memory_space<vmem>> -> memref<1x128xi32, #tpu.memory_space<vmem>>
        %dma_start3A_522 = tpu.memref_squeeze %dma_start3A_521 : memref<1x128xi32, #tpu.memory_space<vmem>> -> memref<128xi32, #tpu.memory_space<vmem>>
        %dma_start3A_523 = arith.constant 0 : i32
        %dma_start3A_524 = arith.constant 0 : i32
        %dma_start3A_525 = tpu.memref_slice %arg4[%dma_start3A_523, %dma_start3A_524] : memref<10240x32xf32, #tpu.memory_space<hbm>> -> memref<10240x32xf32, #tpu.memory_space<hbm>>
        %dma_start3A_526 = tpu.memref_slice %arg10[%dma_start3A_515] : memref<8x!tpu.dma_semaphore, #tpu.memory_space<semaphore_mem>> -> memref<1x!tpu.dma_semaphore, #tpu.memory_space<semaphore_mem>>
        %dma_start3A_527 = tpu.memref_squeeze %dma_start3A_526 : memref<1x!tpu.dma_semaphore, #tpu.memory_space<semaphore_mem>> -> memref<!tpu.dma_semaphore, #tpu.memory_space<semaphore_mem>>
        tpu.enqueue_indirect_dma source(%dma_start3A_525 : memref<10240x32xf32, #tpu.memory_space<hbm>>) target(%dma_start3A_519 : memref<128x32xf32, #tpu.memory_space<vmem>>) offsets(%dma_start3A_522 : memref<128xi32, #tpu.memory_space<vmem>>) semaphore(%dma_start3A_527 : memref<!tpu.dma_semaphore, #tpu.memory_space<semaphore_mem>>)
      } else {
      }
      %dma_wait3A_219 = arith.constant 0 : i32
      %dma_wait3A_220 = arith.constant 1 : i32
      %dma_wait3A_221 = arith.constant 1 : i32
      %dma_wait3A_222 = arith.constant 0 : i32
      %dma_wait3A_223 = arith.constant 0 : i32
      %dma_wait3A_224 = tpu.memref_slice %arg9[%dma_wait3A_220, %dma_wait3A_222, %dma_wait3A_223] : memref<8x128x32xf32, #tpu.memory_space<vmem>> -> memref<1x128x32xf32, #tpu.memory_space<vmem>>
      %dma_wait3A_225 = tpu.memref_squeeze %dma_wait3A_224 : memref<1x128x32xf32, #tpu.memory_space<vmem>> -> memref<128x32xf32, #tpu.memory_space<vmem>>
      %dma_wait3A_226 = arith.constant 0 : i32
      %dma_wait3A_227 = tpu.memref_slice %arg7[%dma_wait3A_219, %dma_wait3A_226] : memref<152x128xi32, #tpu.memory_space<vmem>> -> memref<1x128xi32, #tpu.memory_space<vmem>>
      %dma_wait3A_228 = tpu.memref_squeeze %dma_wait3A_227 : memref<1x128xi32, #tpu.memory_space<vmem>> -> memref<128xi32, #tpu.memory_space<vmem>>
      %dma_wait3A_229 = arith.constant 0 : i32
      %dma_wait3A_230 = arith.constant 0 : i32
      %dma_wait3A_231 = tpu.memref_slice %arg4[%dma_wait3A_229, %dma_wait3A_230] : memref<10240x32xf32, #tpu.memory_space<hbm>> -> memref<10240x32xf32, #tpu.memory_space<hbm>>
      %dma_wait3A_232 = tpu.memref_slice %arg10[%dma_wait3A_221] : memref<8x!tpu.dma_semaphore, #tpu.memory_space<semaphore_mem>> -> memref<1x!tpu.dma_semaphore, #tpu.memory_space<semaphore_mem>>
      %dma_wait3A_233 = tpu.memref_squeeze %dma_wait3A_232 : memref<1x!tpu.dma_semaphore, #tpu.memory_space<semaphore_mem>> -> memref<!tpu.dma_semaphore, #tpu.memory_space<semaphore_mem>>
      tpu.wait_indirect_dma semaphore(%dma_wait3A_233 : memref<!tpu.dma_semaphore, #tpu.memory_space<semaphore_mem>>) src(%dma_wait3A_231 : memref<10240x32xf32, #tpu.memory_space<hbm>>) dst(%dma_wait3A_225 : memref<128x32xf32, #tpu.memory_space<vmem>>)
      %dma_start3A_234 = arith.constant 1 : i32
      %dma_start3A_235 = arith.constant 1 : i32
      %dma_start3A_236 = arith.constant 0 : i32
      %dma_start3A_237 = arith.constant 0 : i32
      %dma_start3A_238 = tpu.memref_slice %arg9[%dma_start3A_234, %dma_start3A_236, %dma_start3A_237] : memref<8x128x32xf32, #tpu.memory_space<vmem>> -> memref<1x128x32xf32, #tpu.memory_space<vmem>>
      %dma_start3A_239 = tpu.memref_squeeze %dma_start3A_238 : memref<1x128x32xf32, #tpu.memory_space<vmem>> -> memref<128x32xf32, #tpu.memory_space<vmem>>
      %dma_start3A_240 = arith.constant 0 : i32
      %dma_start3A_241 = tpu.memref_slice %arg8[%add3A_207, %dma_start3A_240] : memref<152x128xi32, #tpu.memory_space<vmem>> -> memref<1x128xi32, #tpu.memory_space<vmem>>
      %dma_start3A_242 = tpu.memref_squeeze %dma_start3A_241 : memref<1x128xi32, #tpu.memory_space<vmem>> -> memref<128xi32, #tpu.memory_space<vmem>>
      %dma_start3A_243 = arith.constant 0 : i32
      %dma_start3A_244 = arith.constant 0 : i32
      %dma_start3A_245 = tpu.memref_slice %arg12[%dma_start3A_243, %dma_start3A_244] : memref<10240x32xf32, #tpu.memory_space<vmem_shared>> -> memref<10240x32xf32, #tpu.memory_space<vmem_shared>>
      %dma_start3A_246 = tpu.memref_slice %arg11[%dma_start3A_235] : memref<8x!tpu.dma_semaphore, #tpu.memory_space<semaphore_mem>> -> memref<1x!tpu.dma_semaphore, #tpu.memory_space<semaphore_mem>>
      %dma_start3A_247 = tpu.memref_squeeze %dma_start3A_246 : memref<1x!tpu.dma_semaphore, #tpu.memory_space<semaphore_mem>> -> memref<!tpu.dma_semaphore, #tpu.memory_space<semaphore_mem>>
      tpu.enqueue_indirect_dma source(%dma_start3A_239 : memref<128x32xf32, #tpu.memory_space<vmem>>) target(%dma_start3A_245 : memref<10240x32xf32, #tpu.memory_space<vmem_shared>>) offsets(%dma_start3A_242 : memref<128xi32, #tpu.memory_space<vmem>>) semaphore(%dma_start3A_247 : memref<!tpu.dma_semaphore, #tpu.memory_space<semaphore_mem>>) {add = true}
      %mul3A_248 = arith.constant 8 : i32
      %mul3A_249 = arith.muli %mul3A_248, %while3A_163 : i32
      %add3A_250 = arith.constant 2 : i32
      %add3A_251 = arith.addi %mul3A_249, %add3A_250 : i32
      %ge3A_252 = arith.constant 4 : i32
      %ge3A_253 = arith.cmpi sge, %add3A_251, %ge3A_252 : i32
      %convert_element_type3A_254 = arith.extui %ge3A_253 : i1 to i32
      %cond3A_255 = arith.constant 0 : i32
      %cond3A_256 = arith.cmpi ne, %convert_element_type3A_254, %cond3A_255 : i32
      scf.if %cond3A_256 {
        %dma_wait3A_512 = arith.constant 6 : i32
        %dma_wait3A_513 = arith.constant 0 : i32
        %dma_wait3A_514 = arith.constant 6 : i32
        %dma_wait3A_515 = arith.constant 0 : i32
        %dma_wait3A_516 = arith.constant 0 : i32
        %dma_wait3A_517 = tpu.memref_slice %arg9[%dma_wait3A_512, %dma_wait3A_515, %dma_wait3A_516] : memref<8x128x32xf32, #tpu.memory_space<vmem>> -> memref<1x128x32xf32, #tpu.memory_space<vmem>>
        %dma_wait3A_518 = tpu.memref_squeeze %dma_wait3A_517 : memref<1x128x32xf32, #tpu.memory_space<vmem>> -> memref<128x32xf32, #tpu.memory_space<vmem>>
        %dma_wait3A_519 = arith.constant 0 : i32
        %dma_wait3A_520 = tpu.memref_slice %arg8[%dma_wait3A_513, %dma_wait3A_519] : memref<152x128xi32, #tpu.memory_space<vmem>> -> memref<1x128xi32, #tpu.memory_space<vmem>>
        %dma_wait3A_521 = tpu.memref_squeeze %dma_wait3A_520 : memref<1x128xi32, #tpu.memory_space<vmem>> -> memref<128xi32, #tpu.memory_space<vmem>>
        %dma_wait3A_522 = arith.constant 0 : i32
        %dma_wait3A_523 = arith.constant 0 : i32
        %dma_wait3A_524 = tpu.memref_slice %arg12[%dma_wait3A_522, %dma_wait3A_523] : memref<10240x32xf32, #tpu.memory_space<vmem_shared>> -> memref<10240x32xf32, #tpu.memory_space<vmem_shared>>
        %dma_wait3A_525 = tpu.memref_slice %arg11[%dma_wait3A_514] : memref<8x!tpu.dma_semaphore, #tpu.memory_space<semaphore_mem>> -> memref<1x!tpu.dma_semaphore, #tpu.memory_space<semaphore_mem>>
        %dma_wait3A_526 = tpu.memref_squeeze %dma_wait3A_525 : memref<1x!tpu.dma_semaphore, #tpu.memory_space<semaphore_mem>> -> memref<!tpu.dma_semaphore, #tpu.memory_space<semaphore_mem>>
        tpu.wait_indirect_dma semaphore(%dma_wait3A_526 : memref<!tpu.dma_semaphore, #tpu.memory_space<semaphore_mem>>) src(%dma_wait3A_518 : memref<128x32xf32, #tpu.memory_space<vmem>>) dst(%dma_wait3A_524 : memref<10240x32xf32, #tpu.memory_space<vmem_shared>>)
      } else {
      }
      %add3A_257 = arith.constant 4 : i32
      %add3A_258 = arith.addi %add3A_251, %add3A_257 : i32
      %lt3A_259 = arith.cmpi slt, %add3A_258, %select_n3A : i32
      %convert_element_type3A_260 = arith.extui %lt3A_259 : i1 to i32
      %cond3A_261 = arith.constant 0 : i32
      %cond3A_262 = arith.cmpi ne, %convert_element_type3A_260, %cond3A_261 : i32
      scf.if %cond3A_262 {
        %add3A_512 = arith.constant 4 : i32
        %add3A_513 = arith.addi %add3A_251, %add3A_512 : i32
        %dma_start3A_514 = arith.constant 6 : i32
        %dma_start3A_515 = arith.constant 6 : i32
        %dma_start3A_516 = arith.constant 0 : i32
        %dma_start3A_517 = arith.constant 0 : i32
        %dma_start3A_518 = tpu.memref_slice %arg9[%dma_start3A_514, %dma_start3A_516, %dma_start3A_517] : memref<8x128x32xf32, #tpu.memory_space<vmem>> -> memref<1x128x32xf32, #tpu.memory_space<vmem>>
        %dma_start3A_519 = tpu.memref_squeeze %dma_start3A_518 : memref<1x128x32xf32, #tpu.memory_space<vmem>> -> memref<128x32xf32, #tpu.memory_space<vmem>>
        %dma_start3A_520 = arith.constant 0 : i32
        %dma_start3A_521 = tpu.memref_slice %arg7[%add3A_513, %dma_start3A_520] : memref<152x128xi32, #tpu.memory_space<vmem>> -> memref<1x128xi32, #tpu.memory_space<vmem>>
        %dma_start3A_522 = tpu.memref_squeeze %dma_start3A_521 : memref<1x128xi32, #tpu.memory_space<vmem>> -> memref<128xi32, #tpu.memory_space<vmem>>
        %dma_start3A_523 = arith.constant 0 : i32
        %dma_start3A_524 = arith.constant 0 : i32
        %dma_start3A_525 = tpu.memref_slice %arg4[%dma_start3A_523, %dma_start3A_524] : memref<10240x32xf32, #tpu.memory_space<hbm>> -> memref<10240x32xf32, #tpu.memory_space<hbm>>
        %dma_start3A_526 = tpu.memref_slice %arg10[%dma_start3A_515] : memref<8x!tpu.dma_semaphore, #tpu.memory_space<semaphore_mem>> -> memref<1x!tpu.dma_semaphore, #tpu.memory_space<semaphore_mem>>
        %dma_start3A_527 = tpu.memref_squeeze %dma_start3A_526 : memref<1x!tpu.dma_semaphore, #tpu.memory_space<semaphore_mem>> -> memref<!tpu.dma_semaphore, #tpu.memory_space<semaphore_mem>>
        tpu.enqueue_indirect_dma source(%dma_start3A_525 : memref<10240x32xf32, #tpu.memory_space<hbm>>) target(%dma_start3A_519 : memref<128x32xf32, #tpu.memory_space<vmem>>) offsets(%dma_start3A_522 : memref<128xi32, #tpu.memory_space<vmem>>) semaphore(%dma_start3A_527 : memref<!tpu.dma_semaphore, #tpu.memory_space<semaphore_mem>>)
      } else {
      }
      %dma_wait3A_263 = arith.constant 0 : i32
      %dma_wait3A_264 = arith.constant 2 : i32
      %dma_wait3A_265 = arith.constant 2 : i32
      %dma_wait3A_266 = arith.constant 0 : i32
      %dma_wait3A_267 = arith.constant 0 : i32
      %dma_wait3A_268 = tpu.memref_slice %arg9[%dma_wait3A_264, %dma_wait3A_266, %dma_wait3A_267] : memref<8x128x32xf32, #tpu.memory_space<vmem>> -> memref<1x128x32xf32, #tpu.memory_space<vmem>>
      %dma_wait3A_269 = tpu.memref_squeeze %dma_wait3A_268 : memref<1x128x32xf32, #tpu.memory_space<vmem>> -> memref<128x32xf32, #tpu.memory_space<vmem>>
      %dma_wait3A_270 = arith.constant 0 : i32
      %dma_wait3A_271 = tpu.memref_slice %arg7[%dma_wait3A_263, %dma_wait3A_270] : memref<152x128xi32, #tpu.memory_space<vmem>> -> memref<1x128xi32, #tpu.memory_space<vmem>>
      %dma_wait3A_272 = tpu.memref_squeeze %dma_wait3A_271 : memref<1x128xi32, #tpu.memory_space<vmem>> -> memref<128xi32, #tpu.memory_space<vmem>>
      %dma_wait3A_273 = arith.constant 0 : i32
      %dma_wait3A_274 = arith.constant 0 : i32
      %dma_wait3A_275 = tpu.memref_slice %arg4[%dma_wait3A_273, %dma_wait3A_274] : memref<10240x32xf32, #tpu.memory_space<hbm>> -> memref<10240x32xf32, #tpu.memory_space<hbm>>
      %dma_wait3A_276 = tpu.memref_slice %arg10[%dma_wait3A_265] : memref<8x!tpu.dma_semaphore, #tpu.memory_space<semaphore_mem>> -> memref<1x!tpu.dma_semaphore, #tpu.memory_space<semaphore_mem>>
      %dma_wait3A_277 = tpu.memref_squeeze %dma_wait3A_276 : memref<1x!tpu.dma_semaphore, #tpu.memory_space<semaphore_mem>> -> memref<!tpu.dma_semaphore, #tpu.memory_space<semaphore_mem>>
      tpu.wait_indirect_dma semaphore(%dma_wait3A_277 : memref<!tpu.dma_semaphore, #tpu.memory_space<semaphore_mem>>) src(%dma_wait3A_275 : memref<10240x32xf32, #tpu.memory_space<hbm>>) dst(%dma_wait3A_269 : memref<128x32xf32, #tpu.memory_space<vmem>>)
      %dma_start3A_278 = arith.constant 2 : i32
      %dma_start3A_279 = arith.constant 2 : i32
      %dma_start3A_280 = arith.constant 0 : i32
      %dma_start3A_281 = arith.constant 0 : i32
      %dma_start3A_282 = tpu.memref_slice %arg9[%dma_start3A_278, %dma_start3A_280, %dma_start3A_281] : memref<8x128x32xf32, #tpu.memory_space<vmem>> -> memref<1x128x32xf32, #tpu.memory_space<vmem>>
      %dma_start3A_283 = tpu.memref_squeeze %dma_start3A_282 : memref<1x128x32xf32, #tpu.memory_space<vmem>> -> memref<128x32xf32, #tpu.memory_space<vmem>>
      %dma_start3A_284 = arith.constant 0 : i32
      %dma_start3A_285 = tpu.memref_slice %arg8[%add3A_251, %dma_start3A_284] : memref<152x128xi32, #tpu.memory_space<vmem>> -> memref<1x128xi32, #tpu.memory_space<vmem>>
      %dma_start3A_286 = tpu.memref_squeeze %dma_start3A_285 : memref<1x128xi32, #tpu.memory_space<vmem>> -> memref<128xi32, #tpu.memory_space<vmem>>
      %dma_start3A_287 = arith.constant 0 : i32
      %dma_start3A_288 = arith.constant 0 : i32
      %dma_start3A_289 = tpu.memref_slice %arg12[%dma_start3A_287, %dma_start3A_288] : memref<10240x32xf32, #tpu.memory_space<vmem_shared>> -> memref<10240x32xf32, #tpu.memory_space<vmem_shared>>
      %dma_start3A_290 = tpu.memref_slice %arg11[%dma_start3A_279] : memref<8x!tpu.dma_semaphore, #tpu.memory_space<semaphore_mem>> -> memref<1x!tpu.dma_semaphore, #tpu.memory_space<semaphore_mem>>
      %dma_start3A_291 = tpu.memref_squeeze %dma_start3A_290 : memref<1x!tpu.dma_semaphore, #tpu.memory_space<semaphore_mem>> -> memref<!tpu.dma_semaphore, #tpu.memory_space<semaphore_mem>>
      tpu.enqueue_indirect_dma source(%dma_start3A_283 : memref<128x32xf32, #tpu.memory_space<vmem>>) target(%dma_start3A_289 : memref<10240x32xf32, #tpu.memory_space<vmem_shared>>) offsets(%dma_start3A_286 : memref<128xi32, #tpu.memory_space<vmem>>) semaphore(%dma_start3A_291 : memref<!tpu.dma_semaphore, #tpu.memory_space<semaphore_mem>>) {add = true}
      %mul3A_292 = arith.constant 8 : i32
      %mul3A_293 = arith.muli %mul3A_292, %while3A_163 : i32
      %add3A_294 = arith.constant 3 : i32
      %add3A_295 = arith.addi %mul3A_293, %add3A_294 : i32
      %ge3A_296 = arith.constant 4 : i32
      %ge3A_297 = arith.cmpi sge, %add3A_295, %ge3A_296 : i32
      %convert_element_type3A_298 = arith.extui %ge3A_297 : i1 to i32
      %cond3A_299 = arith.constant 0 : i32
      %cond3A_300 = arith.cmpi ne, %convert_element_type3A_298, %cond3A_299 : i32
      scf.if %cond3A_300 {
        %dma_wait3A_512 = arith.constant 7 : i32
        %dma_wait3A_513 = arith.constant 0 : i32
        %dma_wait3A_514 = arith.constant 7 : i32
        %dma_wait3A_515 = arith.constant 0 : i32
        %dma_wait3A_516 = arith.constant 0 : i32
        %dma_wait3A_517 = tpu.memref_slice %arg9[%dma_wait3A_512, %dma_wait3A_515, %dma_wait3A_516] : memref<8x128x32xf32, #tpu.memory_space<vmem>> -> memref<1x128x32xf32, #tpu.memory_space<vmem>>
        %dma_wait3A_518 = tpu.memref_squeeze %dma_wait3A_517 : memref<1x128x32xf32, #tpu.memory_space<vmem>> -> memref<128x32xf32, #tpu.memory_space<vmem>>
        %dma_wait3A_519 = arith.constant 0 : i32
        %dma_wait3A_520 = tpu.memref_slice %arg8[%dma_wait3A_513, %dma_wait3A_519] : memref<152x128xi32, #tpu.memory_space<vmem>> -> memref<1x128xi32, #tpu.memory_space<vmem>>
        %dma_wait3A_521 = tpu.memref_squeeze %dma_wait3A_520 : memref<1x128xi32, #tpu.memory_space<vmem>> -> memref<128xi32, #tpu.memory_space<vmem>>
        %dma_wait3A_522 = arith.constant 0 : i32
        %dma_wait3A_523 = arith.constant 0 : i32
        %dma_wait3A_524 = tpu.memref_slice %arg12[%dma_wait3A_522, %dma_wait3A_523] : memref<10240x32xf32, #tpu.memory_space<vmem_shared>> -> memref<10240x32xf32, #tpu.memory_space<vmem_shared>>
        %dma_wait3A_525 = tpu.memref_slice %arg11[%dma_wait3A_514] : memref<8x!tpu.dma_semaphore, #tpu.memory_space<semaphore_mem>> -> memref<1x!tpu.dma_semaphore, #tpu.memory_space<semaphore_mem>>
        %dma_wait3A_526 = tpu.memref_squeeze %dma_wait3A_525 : memref<1x!tpu.dma_semaphore, #tpu.memory_space<semaphore_mem>> -> memref<!tpu.dma_semaphore, #tpu.memory_space<semaphore_mem>>
        tpu.wait_indirect_dma semaphore(%dma_wait3A_526 : memref<!tpu.dma_semaphore, #tpu.memory_space<semaphore_mem>>) src(%dma_wait3A_518 : memref<128x32xf32, #tpu.memory_space<vmem>>) dst(%dma_wait3A_524 : memref<10240x32xf32, #tpu.memory_space<vmem_shared>>)
      } else {
      }
      %add3A_301 = arith.constant 4 : i32
      %add3A_302 = arith.addi %add3A_295, %add3A_301 : i32
      %lt3A_303 = arith.cmpi slt, %add3A_302, %select_n3A : i32
      %convert_element_type3A_304 = arith.extui %lt3A_303 : i1 to i32
      %cond3A_305 = arith.constant 0 : i32
      %cond3A_306 = arith.cmpi ne, %convert_element_type3A_304, %cond3A_305 : i32
      scf.if %cond3A_306 {
        %add3A_512 = arith.constant 4 : i32
        %add3A_513 = arith.addi %add3A_295, %add3A_512 : i32
        %dma_start3A_514 = arith.constant 7 : i32
        %dma_start3A_515 = arith.constant 7 : i32
        %dma_start3A_516 = arith.constant 0 : i32
        %dma_start3A_517 = arith.constant 0 : i32
        %dma_start3A_518 = tpu.memref_slice %arg9[%dma_start3A_514, %dma_start3A_516, %dma_start3A_517] : memref<8x128x32xf32, #tpu.memory_space<vmem>> -> memref<1x128x32xf32, #tpu.memory_space<vmem>>
        %dma_start3A_519 = tpu.memref_squeeze %dma_start3A_518 : memref<1x128x32xf32, #tpu.memory_space<vmem>> -> memref<128x32xf32, #tpu.memory_space<vmem>>
        %dma_start3A_520 = arith.constant 0 : i32
        %dma_start3A_521 = tpu.memref_slice %arg7[%add3A_513, %dma_start3A_520] : memref<152x128xi32, #tpu.memory_space<vmem>> -> memref<1x128xi32, #tpu.memory_space<vmem>>
        %dma_start3A_522 = tpu.memref_squeeze %dma_start3A_521 : memref<1x128xi32, #tpu.memory_space<vmem>> -> memref<128xi32, #tpu.memory_space<vmem>>
        %dma_start3A_523 = arith.constant 0 : i32
        %dma_start3A_524 = arith.constant 0 : i32
        %dma_start3A_525 = tpu.memref_slice %arg4[%dma_start3A_523, %dma_start3A_524] : memref<10240x32xf32, #tpu.memory_space<hbm>> -> memref<10240x32xf32, #tpu.memory_space<hbm>>
        %dma_start3A_526 = tpu.memref_slice %arg10[%dma_start3A_515] : memref<8x!tpu.dma_semaphore, #tpu.memory_space<semaphore_mem>> -> memref<1x!tpu.dma_semaphore, #tpu.memory_space<semaphore_mem>>
        %dma_start3A_527 = tpu.memref_squeeze %dma_start3A_526 : memref<1x!tpu.dma_semaphore, #tpu.memory_space<semaphore_mem>> -> memref<!tpu.dma_semaphore, #tpu.memory_space<semaphore_mem>>
        tpu.enqueue_indirect_dma source(%dma_start3A_525 : memref<10240x32xf32, #tpu.memory_space<hbm>>) target(%dma_start3A_519 : memref<128x32xf32, #tpu.memory_space<vmem>>) offsets(%dma_start3A_522 : memref<128xi32, #tpu.memory_space<vmem>>) semaphore(%dma_start3A_527 : memref<!tpu.dma_semaphore, #tpu.memory_space<semaphore_mem>>)
      } else {
      }
      %dma_wait3A_307 = arith.constant 0 : i32
      %dma_wait3A_308 = arith.constant 3 : i32
      %dma_wait3A_309 = arith.constant 3 : i32
      %dma_wait3A_310 = arith.constant 0 : i32
      %dma_wait3A_311 = arith.constant 0 : i32
      %dma_wait3A_312 = tpu.memref_slice %arg9[%dma_wait3A_308, %dma_wait3A_310, %dma_wait3A_311] : memref<8x128x32xf32, #tpu.memory_space<vmem>> -> memref<1x128x32xf32, #tpu.memory_space<vmem>>
      %dma_wait3A_313 = tpu.memref_squeeze %dma_wait3A_312 : memref<1x128x32xf32, #tpu.memory_space<vmem>> -> memref<128x32xf32, #tpu.memory_space<vmem>>
      %dma_wait3A_314 = arith.constant 0 : i32
      %dma_wait3A_315 = tpu.memref_slice %arg7[%dma_wait3A_307, %dma_wait3A_314] : memref<152x128xi32, #tpu.memory_space<vmem>> -> memref<1x128xi32, #tpu.memory_space<vmem>>
      %dma_wait3A_316 = tpu.memref_squeeze %dma_wait3A_315 : memref<1x128xi32, #tpu.memory_space<vmem>> -> memref<128xi32, #tpu.memory_space<vmem>>
      %dma_wait3A_317 = arith.constant 0 : i32
      %dma_wait3A_318 = arith.constant 0 : i32
      %dma_wait3A_319 = tpu.memref_slice %arg4[%dma_wait3A_317, %dma_wait3A_318] : memref<10240x32xf32, #tpu.memory_space<hbm>> -> memref<10240x32xf32, #tpu.memory_space<hbm>>
      %dma_wait3A_320 = tpu.memref_slice %arg10[%dma_wait3A_309] : memref<8x!tpu.dma_semaphore, #tpu.memory_space<semaphore_mem>> -> memref<1x!tpu.dma_semaphore, #tpu.memory_space<semaphore_mem>>
      %dma_wait3A_321 = tpu.memref_squeeze %dma_wait3A_320 : memref<1x!tpu.dma_semaphore, #tpu.memory_space<semaphore_mem>> -> memref<!tpu.dma_semaphore, #tpu.memory_space<semaphore_mem>>
      tpu.wait_indirect_dma semaphore(%dma_wait3A_321 : memref<!tpu.dma_semaphore, #tpu.memory_space<semaphore_mem>>) src(%dma_wait3A_319 : memref<10240x32xf32, #tpu.memory_space<hbm>>) dst(%dma_wait3A_313 : memref<128x32xf32, #tpu.memory_space<vmem>>)
      %dma_start3A_322 = arith.constant 3 : i32
      %dma_start3A_323 = arith.constant 3 : i32
      %dma_start3A_324 = arith.constant 0 : i32
      %dma_start3A_325 = arith.constant 0 : i32
      %dma_start3A_326 = tpu.memref_slice %arg9[%dma_start3A_322, %dma_start3A_324, %dma_start3A_325] : memref<8x128x32xf32, #tpu.memory_space<vmem>> -> memref<1x128x32xf32, #tpu.memory_space<vmem>>
      %dma_start3A_327 = tpu.memref_squeeze %dma_start3A_326 : memref<1x128x32xf32, #tpu.memory_space<vmem>> -> memref<128x32xf32, #tpu.memory_space<vmem>>
      %dma_start3A_328 = arith.constant 0 : i32
      %dma_start3A_329 = tpu.memref_slice %arg8[%add3A_295, %dma_start3A_328] : memref<152x128xi32, #tpu.memory_space<vmem>> -> memref<1x128xi32, #tpu.memory_space<vmem>>
      %dma_start3A_330 = tpu.memref_squeeze %dma_start3A_329 : memref<1x128xi32, #tpu.memory_space<vmem>> -> memref<128xi32, #tpu.memory_space<vmem>>
      %dma_start3A_331 = arith.constant 0 : i32
      %dma_start3A_332 = arith.constant 0 : i32
      %dma_start3A_333 = tpu.memref_slice %arg12[%dma_start3A_331, %dma_start3A_332] : memref<10240x32xf32, #tpu.memory_space<vmem_shared>> -> memref<10240x32xf32, #tpu.memory_space<vmem_shared>>
      %dma_start3A_334 = tpu.memref_slice %arg11[%dma_start3A_323] : memref<8x!tpu.dma_semaphore, #tpu.memory_space<semaphore_mem>> -> memref<1x!tpu.dma_semaphore, #tpu.memory_space<semaphore_mem>>
      %dma_start3A_335 = tpu.memref_squeeze %dma_start3A_334 : memref<1x!tpu.dma_semaphore, #tpu.memory_space<semaphore_mem>> -> memref<!tpu.dma_semaphore, #tpu.memory_space<semaphore_mem>>
      tpu.enqueue_indirect_dma source(%dma_start3A_327 : memref<128x32xf32, #tpu.memory_space<vmem>>) target(%dma_start3A_333 : memref<10240x32xf32, #tpu.memory_space<vmem_shared>>) offsets(%dma_start3A_330 : memref<128xi32, #tpu.memory_space<vmem>>) semaphore(%dma_start3A_335 : memref<!tpu.dma_semaphore, #tpu.memory_space<semaphore_mem>>) {add = true}
      %mul3A_336 = arith.constant 8 : i32
      %mul3A_337 = arith.muli %mul3A_336, %while3A_163 : i32
      %add3A_338 = arith.constant 4 : i32
      %add3A_339 = arith.addi %mul3A_337, %add3A_338 : i32
      %ge3A_340 = arith.constant 4 : i32
      %ge3A_341 = arith.cmpi sge, %add3A_339, %ge3A_340 : i32
      %convert_element_type3A_342 = arith.extui %ge3A_341 : i1 to i32
      %cond3A_343 = arith.constant 0 : i32
      %cond3A_344 = arith.cmpi ne, %convert_element_type3A_342, %cond3A_343 : i32
      scf.if %cond3A_344 {
        %dma_wait3A_512 = arith.constant 0 : i32
        %dma_wait3A_513 = arith.constant 0 : i32
        %dma_wait3A_514 = arith.constant 0 : i32
        %dma_wait3A_515 = arith.constant 0 : i32
        %dma_wait3A_516 = arith.constant 0 : i32
        %dma_wait3A_517 = tpu.memref_slice %arg9[%dma_wait3A_512, %dma_wait3A_515, %dma_wait3A_516] : memref<8x128x32xf32, #tpu.memory_space<vmem>> -> memref<1x128x32xf32, #tpu.memory_space<vmem>>
        %dma_wait3A_518 = tpu.memref_squeeze %dma_wait3A_517 : memref<1x128x32xf32, #tpu.memory_space<vmem>> -> memref<128x32xf32, #tpu.memory_space<vmem>>
        %dma_wait3A_519 = arith.constant 0 : i32
        %dma_wait3A_520 = tpu.memref_slice %arg8[%dma_wait3A_513, %dma_wait3A_519] : memref<152x128xi32, #tpu.memory_space<vmem>> -> memref<1x128xi32, #tpu.memory_space<vmem>>
        %dma_wait3A_521 = tpu.memref_squeeze %dma_wait3A_520 : memref<1x128xi32, #tpu.memory_space<vmem>> -> memref<128xi32, #tpu.memory_space<vmem>>
        %dma_wait3A_522 = arith.constant 0 : i32
        %dma_wait3A_523 = arith.constant 0 : i32
        %dma_wait3A_524 = tpu.memref_slice %arg12[%dma_wait3A_522, %dma_wait3A_523] : memref<10240x32xf32, #tpu.memory_space<vmem_shared>> -> memref<10240x32xf32, #tpu.memory_space<vmem_shared>>
        %dma_wait3A_525 = tpu.memref_slice %arg11[%dma_wait3A_514] : memref<8x!tpu.dma_semaphore, #tpu.memory_space<semaphore_mem>> -> memref<1x!tpu.dma_semaphore, #tpu.memory_space<semaphore_mem>>
        %dma_wait3A_526 = tpu.memref_squeeze %dma_wait3A_525 : memref<1x!tpu.dma_semaphore, #tpu.memory_space<semaphore_mem>> -> memref<!tpu.dma_semaphore, #tpu.memory_space<semaphore_mem>>
        tpu.wait_indirect_dma semaphore(%dma_wait3A_526 : memref<!tpu.dma_semaphore, #tpu.memory_space<semaphore_mem>>) src(%dma_wait3A_518 : memref<128x32xf32, #tpu.memory_space<vmem>>) dst(%dma_wait3A_524 : memref<10240x32xf32, #tpu.memory_space<vmem_shared>>)
      } else {
      }
      %add3A_345 = arith.constant 4 : i32
      %add3A_346 = arith.addi %add3A_339, %add3A_345 : i32
      %lt3A_347 = arith.cmpi slt, %add3A_346, %select_n3A : i32
      %convert_element_type3A_348 = arith.extui %lt3A_347 : i1 to i32
      %cond3A_349 = arith.constant 0 : i32
      %cond3A_350 = arith.cmpi ne, %convert_element_type3A_348, %cond3A_349 : i32
      scf.if %cond3A_350 {
        %add3A_512 = arith.constant 4 : i32
        %add3A_513 = arith.addi %add3A_339, %add3A_512 : i32
        %dma_start3A_514 = arith.constant 0 : i32
        %dma_start3A_515 = arith.constant 0 : i32
        %dma_start3A_516 = arith.constant 0 : i32
        %dma_start3A_517 = arith.constant 0 : i32
        %dma_start3A_518 = tpu.memref_slice %arg9[%dma_start3A_514, %dma_start3A_516, %dma_start3A_517] : memref<8x128x32xf32, #tpu.memory_space<vmem>> -> memref<1x128x32xf32, #tpu.memory_space<vmem>>
        %dma_start3A_519 = tpu.memref_squeeze %dma_start3A_518 : memref<1x128x32xf32, #tpu.memory_space<vmem>> -> memref<128x32xf32, #tpu.memory_space<vmem>>
        %dma_start3A_520 = arith.constant 0 : i32
        %dma_start3A_521 = tpu.memref_slice %arg7[%add3A_513, %dma_start3A_520] : memref<152x128xi32, #tpu.memory_space<vmem>> -> memref<1x128xi32, #tpu.memory_space<vmem>>
        %dma_start3A_522 = tpu.memref_squeeze %dma_start3A_521 : memref<1x128xi32, #tpu.memory_space<vmem>> -> memref<128xi32, #tpu.memory_space<vmem>>
        %dma_start3A_523 = arith.constant 0 : i32
        %dma_start3A_524 = arith.constant 0 : i32
        %dma_start3A_525 = tpu.memref_slice %arg4[%dma_start3A_523, %dma_start3A_524] : memref<10240x32xf32, #tpu.memory_space<hbm>> -> memref<10240x32xf32, #tpu.memory_space<hbm>>
        %dma_start3A_526 = tpu.memref_slice %arg10[%dma_start3A_515] : memref<8x!tpu.dma_semaphore, #tpu.memory_space<semaphore_mem>> -> memref<1x!tpu.dma_semaphore, #tpu.memory_space<semaphore_mem>>
        %dma_start3A_527 = tpu.memref_squeeze %dma_start3A_526 : memref<1x!tpu.dma_semaphore, #tpu.memory_space<semaphore_mem>> -> memref<!tpu.dma_semaphore, #tpu.memory_space<semaphore_mem>>
        tpu.enqueue_indirect_dma source(%dma_start3A_525 : memref<10240x32xf32, #tpu.memory_space<hbm>>) target(%dma_start3A_519 : memref<128x32xf32, #tpu.memory_space<vmem>>) offsets(%dma_start3A_522 : memref<128xi32, #tpu.memory_space<vmem>>) semaphore(%dma_start3A_527 : memref<!tpu.dma_semaphore, #tpu.memory_space<semaphore_mem>>)
      } else {
      }
      %dma_wait3A_351 = arith.constant 0 : i32
      %dma_wait3A_352 = arith.constant 4 : i32
      %dma_wait3A_353 = arith.constant 4 : i32
      %dma_wait3A_354 = arith.constant 0 : i32
      %dma_wait3A_355 = arith.constant 0 : i32
      %dma_wait3A_356 = tpu.memref_slice %arg9[%dma_wait3A_352, %dma_wait3A_354, %dma_wait3A_355] : memref<8x128x32xf32, #tpu.memory_space<vmem>> -> memref<1x128x32xf32, #tpu.memory_space<vmem>>
      %dma_wait3A_357 = tpu.memref_squeeze %dma_wait3A_356 : memref<1x128x32xf32, #tpu.memory_space<vmem>> -> memref<128x32xf32, #tpu.memory_space<vmem>>
      %dma_wait3A_358 = arith.constant 0 : i32
      %dma_wait3A_359 = tpu.memref_slice %arg7[%dma_wait3A_351, %dma_wait3A_358] : memref<152x128xi32, #tpu.memory_space<vmem>> -> memref<1x128xi32, #tpu.memory_space<vmem>>
      %dma_wait3A_360 = tpu.memref_squeeze %dma_wait3A_359 : memref<1x128xi32, #tpu.memory_space<vmem>> -> memref<128xi32, #tpu.memory_space<vmem>>
      %dma_wait3A_361 = arith.constant 0 : i32
      %dma_wait3A_362 = arith.constant 0 : i32
      %dma_wait3A_363 = tpu.memref_slice %arg4[%dma_wait3A_361, %dma_wait3A_362] : memref<10240x32xf32, #tpu.memory_space<hbm>> -> memref<10240x32xf32, #tpu.memory_space<hbm>>
      %dma_wait3A_364 = tpu.memref_slice %arg10[%dma_wait3A_353] : memref<8x!tpu.dma_semaphore, #tpu.memory_space<semaphore_mem>> -> memref<1x!tpu.dma_semaphore, #tpu.memory_space<semaphore_mem>>
      %dma_wait3A_365 = tpu.memref_squeeze %dma_wait3A_364 : memref<1x!tpu.dma_semaphore, #tpu.memory_space<semaphore_mem>> -> memref<!tpu.dma_semaphore, #tpu.memory_space<semaphore_mem>>
      tpu.wait_indirect_dma semaphore(%dma_wait3A_365 : memref<!tpu.dma_semaphore, #tpu.memory_space<semaphore_mem>>) src(%dma_wait3A_363 : memref<10240x32xf32, #tpu.memory_space<hbm>>) dst(%dma_wait3A_357 : memref<128x32xf32, #tpu.memory_space<vmem>>)
      %dma_start3A_366 = arith.constant 4 : i32
      %dma_start3A_367 = arith.constant 4 : i32
      %dma_start3A_368 = arith.constant 0 : i32
      %dma_start3A_369 = arith.constant 0 : i32
      %dma_start3A_370 = tpu.memref_slice %arg9[%dma_start3A_366, %dma_start3A_368, %dma_start3A_369] : memref<8x128x32xf32, #tpu.memory_space<vmem>> -> memref<1x128x32xf32, #tpu.memory_space<vmem>>
      %dma_start3A_371 = tpu.memref_squeeze %dma_start3A_370 : memref<1x128x32xf32, #tpu.memory_space<vmem>> -> memref<128x32xf32, #tpu.memory_space<vmem>>
      %dma_start3A_372 = arith.constant 0 : i32
      %dma_start3A_373 = tpu.memref_slice %arg8[%add3A_339, %dma_start3A_372] : memref<152x128xi32, #tpu.memory_space<vmem>> -> memref<1x128xi32, #tpu.memory_space<vmem>>
      %dma_start3A_374 = tpu.memref_squeeze %dma_start3A_373 : memref<1x128xi32, #tpu.memory_space<vmem>> -> memref<128xi32, #tpu.memory_space<vmem>>
      %dma_start3A_375 = arith.constant 0 : i32
      %dma_start3A_376 = arith.constant 0 : i32
      %dma_start3A_377 = tpu.memref_slice %arg12[%dma_start3A_375, %dma_start3A_376] : memref<10240x32xf32, #tpu.memory_space<vmem_shared>> -> memref<10240x32xf32, #tpu.memory_space<vmem_shared>>
      %dma_start3A_378 = tpu.memref_slice %arg11[%dma_start3A_367] : memref<8x!tpu.dma_semaphore, #tpu.memory_space<semaphore_mem>> -> memref<1x!tpu.dma_semaphore, #tpu.memory_space<semaphore_mem>>
      %dma_start3A_379 = tpu.memref_squeeze %dma_start3A_378 : memref<1x!tpu.dma_semaphore, #tpu.memory_space<semaphore_mem>> -> memref<!tpu.dma_semaphore, #tpu.memory_space<semaphore_mem>>
      tpu.enqueue_indirect_dma source(%dma_start3A_371 : memref<128x32xf32, #tpu.memory_space<vmem>>) target(%dma_start3A_377 : memref<10240x32xf32, #tpu.memory_space<vmem_shared>>) offsets(%dma_start3A_374 : memref<128xi32, #tpu.memory_space<vmem>>) semaphore(%dma_start3A_379 : memref<!tpu.dma_semaphore, #tpu.memory_space<semaphore_mem>>) {add = true}
      %mul3A_380 = arith.constant 8 : i32
      %mul3A_381 = arith.muli %mul3A_380, %while3A_163 : i32
      %add3A_382 = arith.constant 5 : i32
      %add3A_383 = arith.addi %mul3A_381, %add3A_382 : i32
      %ge3A_384 = arith.constant 4 : i32
      %ge3A_385 = arith.cmpi sge, %add3A_383, %ge3A_384 : i32
      %convert_element_type3A_386 = arith.extui %ge3A_385 : i1 to i32
      %cond3A_387 = arith.constant 0 : i32
      %cond3A_388 = arith.cmpi ne, %convert_element_type3A_386, %cond3A_387 : i32
      scf.if %cond3A_388 {
        %dma_wait3A_512 = arith.constant 1 : i32
        %dma_wait3A_513 = arith.constant 0 : i32
        %dma_wait3A_514 = arith.constant 1 : i32
        %dma_wait3A_515 = arith.constant 0 : i32
        %dma_wait3A_516 = arith.constant 0 : i32
        %dma_wait3A_517 = tpu.memref_slice %arg9[%dma_wait3A_512, %dma_wait3A_515, %dma_wait3A_516] : memref<8x128x32xf32, #tpu.memory_space<vmem>> -> memref<1x128x32xf32, #tpu.memory_space<vmem>>
        %dma_wait3A_518 = tpu.memref_squeeze %dma_wait3A_517 : memref<1x128x32xf32, #tpu.memory_space<vmem>> -> memref<128x32xf32, #tpu.memory_space<vmem>>
        %dma_wait3A_519 = arith.constant 0 : i32
        %dma_wait3A_520 = tpu.memref_slice %arg8[%dma_wait3A_513, %dma_wait3A_519] : memref<152x128xi32, #tpu.memory_space<vmem>> -> memref<1x128xi32, #tpu.memory_space<vmem>>
        %dma_wait3A_521 = tpu.memref_squeeze %dma_wait3A_520 : memref<1x128xi32, #tpu.memory_space<vmem>> -> memref<128xi32, #tpu.memory_space<vmem>>
        %dma_wait3A_522 = arith.constant 0 : i32
        %dma_wait3A_523 = arith.constant 0 : i32
        %dma_wait3A_524 = tpu.memref_slice %arg12[%dma_wait3A_522, %dma_wait3A_523] : memref<10240x32xf32, #tpu.memory_space<vmem_shared>> -> memref<10240x32xf32, #tpu.memory_space<vmem_shared>>
        %dma_wait3A_525 = tpu.memref_slice %arg11[%dma_wait3A_514] : memref<8x!tpu.dma_semaphore, #tpu.memory_space<semaphore_mem>> -> memref<1x!tpu.dma_semaphore, #tpu.memory_space<semaphore_mem>>
        %dma_wait3A_526 = tpu.memref_squeeze %dma_wait3A_525 : memref<1x!tpu.dma_semaphore, #tpu.memory_space<semaphore_mem>> -> memref<!tpu.dma_semaphore, #tpu.memory_space<semaphore_mem>>
        tpu.wait_indirect_dma semaphore(%dma_wait3A_526 : memref<!tpu.dma_semaphore, #tpu.memory_space<semaphore_mem>>) src(%dma_wait3A_518 : memref<128x32xf32, #tpu.memory_space<vmem>>) dst(%dma_wait3A_524 : memref<10240x32xf32, #tpu.memory_space<vmem_shared>>)
      } else {
      }
      %add3A_389 = arith.constant 4 : i32
      %add3A_390 = arith.addi %add3A_383, %add3A_389 : i32
      %lt3A_391 = arith.cmpi slt, %add3A_390, %select_n3A : i32
      %convert_element_type3A_392 = arith.extui %lt3A_391 : i1 to i32
      %cond3A_393 = arith.constant 0 : i32
      %cond3A_394 = arith.cmpi ne, %convert_element_type3A_392, %cond3A_393 : i32
      scf.if %cond3A_394 {
        %add3A_512 = arith.constant 4 : i32
        %add3A_513 = arith.addi %add3A_383, %add3A_512 : i32
        %dma_start3A_514 = arith.constant 1 : i32
        %dma_start3A_515 = arith.constant 1 : i32
        %dma_start3A_516 = arith.constant 0 : i32
        %dma_start3A_517 = arith.constant 0 : i32
        %dma_start3A_518 = tpu.memref_slice %arg9[%dma_start3A_514, %dma_start3A_516, %dma_start3A_517] : memref<8x128x32xf32, #tpu.memory_space<vmem>> -> memref<1x128x32xf32, #tpu.memory_space<vmem>>
        %dma_start3A_519 = tpu.memref_squeeze %dma_start3A_518 : memref<1x128x32xf32, #tpu.memory_space<vmem>> -> memref<128x32xf32, #tpu.memory_space<vmem>>
        %dma_start3A_520 = arith.constant 0 : i32
        %dma_start3A_521 = tpu.memref_slice %arg7[%add3A_513, %dma_start3A_520] : memref<152x128xi32, #tpu.memory_space<vmem>> -> memref<1x128xi32, #tpu.memory_space<vmem>>
        %dma_start3A_522 = tpu.memref_squeeze %dma_start3A_521 : memref<1x128xi32, #tpu.memory_space<vmem>> -> memref<128xi32, #tpu.memory_space<vmem>>
        %dma_start3A_523 = arith.constant 0 : i32
        %dma_start3A_524 = arith.constant 0 : i32
        %dma_start3A_525 = tpu.memref_slice %arg4[%dma_start3A_523, %dma_start3A_524] : memref<10240x32xf32, #tpu.memory_space<hbm>> -> memref<10240x32xf32, #tpu.memory_space<hbm>>
        %dma_start3A_526 = tpu.memref_slice %arg10[%dma_start3A_515] : memref<8x!tpu.dma_semaphore, #tpu.memory_space<semaphore_mem>> -> memref<1x!tpu.dma_semaphore, #tpu.memory_space<semaphore_mem>>
        %dma_start3A_527 = tpu.memref_squeeze %dma_start3A_526 : memref<1x!tpu.dma_semaphore, #tpu.memory_space<semaphore_mem>> -> memref<!tpu.dma_semaphore, #tpu.memory_space<semaphore_mem>>
        tpu.enqueue_indirect_dma source(%dma_start3A_525 : memref<10240x32xf32, #tpu.memory_space<hbm>>) target(%dma_start3A_519 : memref<128x32xf32, #tpu.memory_space<vmem>>) offsets(%dma_start3A_522 : memref<128xi32, #tpu.memory_space<vmem>>) semaphore(%dma_start3A_527 : memref<!tpu.dma_semaphore, #tpu.memory_space<semaphore_mem>>)
      } else {
      }
      %dma_wait3A_395 = arith.constant 0 : i32
      %dma_wait3A_396 = arith.constant 5 : i32
      %dma_wait3A_397 = arith.constant 5 : i32
      %dma_wait3A_398 = arith.constant 0 : i32
      %dma_wait3A_399 = arith.constant 0 : i32
      %dma_wait3A_400 = tpu.memref_slice %arg9[%dma_wait3A_396, %dma_wait3A_398, %dma_wait3A_399] : memref<8x128x32xf32, #tpu.memory_space<vmem>> -> memref<1x128x32xf32, #tpu.memory_space<vmem>>
      %dma_wait3A_401 = tpu.memref_squeeze %dma_wait3A_400 : memref<1x128x32xf32, #tpu.memory_space<vmem>> -> memref<128x32xf32, #tpu.memory_space<vmem>>
      %dma_wait3A_402 = arith.constant 0 : i32
      %dma_wait3A_403 = tpu.memref_slice %arg7[%dma_wait3A_395, %dma_wait3A_402] : memref<152x128xi32, #tpu.memory_space<vmem>> -> memref<1x128xi32, #tpu.memory_space<vmem>>
      %dma_wait3A_404 = tpu.memref_squeeze %dma_wait3A_403 : memref<1x128xi32, #tpu.memory_space<vmem>> -> memref<128xi32, #tpu.memory_space<vmem>>
      %dma_wait3A_405 = arith.constant 0 : i32
      %dma_wait3A_406 = arith.constant 0 : i32
      %dma_wait3A_407 = tpu.memref_slice %arg4[%dma_wait3A_405, %dma_wait3A_406] : memref<10240x32xf32, #tpu.memory_space<hbm>> -> memref<10240x32xf32, #tpu.memory_space<hbm>>
      %dma_wait3A_408 = tpu.memref_slice %arg10[%dma_wait3A_397] : memref<8x!tpu.dma_semaphore, #tpu.memory_space<semaphore_mem>> -> memref<1x!tpu.dma_semaphore, #tpu.memory_space<semaphore_mem>>
      %dma_wait3A_409 = tpu.memref_squeeze %dma_wait3A_408 : memref<1x!tpu.dma_semaphore, #tpu.memory_space<semaphore_mem>> -> memref<!tpu.dma_semaphore, #tpu.memory_space<semaphore_mem>>
      tpu.wait_indirect_dma semaphore(%dma_wait3A_409 : memref<!tpu.dma_semaphore, #tpu.memory_space<semaphore_mem>>) src(%dma_wait3A_407 : memref<10240x32xf32, #tpu.memory_space<hbm>>) dst(%dma_wait3A_401 : memref<128x32xf32, #tpu.memory_space<vmem>>)
      %dma_start3A_410 = arith.constant 5 : i32
      %dma_start3A_411 = arith.constant 5 : i32
      %dma_start3A_412 = arith.constant 0 : i32
      %dma_start3A_413 = arith.constant 0 : i32
      %dma_start3A_414 = tpu.memref_slice %arg9[%dma_start3A_410, %dma_start3A_412, %dma_start3A_413] : memref<8x128x32xf32, #tpu.memory_space<vmem>> -> memref<1x128x32xf32, #tpu.memory_space<vmem>>
      %dma_start3A_415 = tpu.memref_squeeze %dma_start3A_414 : memref<1x128x32xf32, #tpu.memory_space<vmem>> -> memref<128x32xf32, #tpu.memory_space<vmem>>
      %dma_start3A_416 = arith.constant 0 : i32
      %dma_start3A_417 = tpu.memref_slice %arg8[%add3A_383, %dma_start3A_416] : memref<152x128xi32, #tpu.memory_space<vmem>> -> memref<1x128xi32, #tpu.memory_space<vmem>>
      %dma_start3A_418 = tpu.memref_squeeze %dma_start3A_417 : memref<1x128xi32, #tpu.memory_space<vmem>> -> memref<128xi32, #tpu.memory_space<vmem>>
      %dma_start3A_419 = arith.constant 0 : i32
      %dma_start3A_420 = arith.constant 0 : i32
      %dma_start3A_421 = tpu.memref_slice %arg12[%dma_start3A_419, %dma_start3A_420] : memref<10240x32xf32, #tpu.memory_space<vmem_shared>> -> memref<10240x32xf32, #tpu.memory_space<vmem_shared>>
      %dma_start3A_422 = tpu.memref_slice %arg11[%dma_start3A_411] : memref<8x!tpu.dma_semaphore, #tpu.memory_space<semaphore_mem>> -> memref<1x!tpu.dma_semaphore, #tpu.memory_space<semaphore_mem>>
      %dma_start3A_423 = tpu.memref_squeeze %dma_start3A_422 : memref<1x!tpu.dma_semaphore, #tpu.memory_space<semaphore_mem>> -> memref<!tpu.dma_semaphore, #tpu.memory_space<semaphore_mem>>
      tpu.enqueue_indirect_dma source(%dma_start3A_415 : memref<128x32xf32, #tpu.memory_space<vmem>>) target(%dma_start3A_421 : memref<10240x32xf32, #tpu.memory_space<vmem_shared>>) offsets(%dma_start3A_418 : memref<128xi32, #tpu.memory_space<vmem>>) semaphore(%dma_start3A_423 : memref<!tpu.dma_semaphore, #tpu.memory_space<semaphore_mem>>) {add = true}
      %mul3A_424 = arith.constant 8 : i32
      %mul3A_425 = arith.muli %mul3A_424, %while3A_163 : i32
      %add3A_426 = arith.constant 6 : i32
      %add3A_427 = arith.addi %mul3A_425, %add3A_426 : i32
      %ge3A_428 = arith.constant 4 : i32
      %ge3A_429 = arith.cmpi sge, %add3A_427, %ge3A_428 : i32
      %convert_element_type3A_430 = arith.extui %ge3A_429 : i1 to i32
      %cond3A_431 = arith.constant 0 : i32
      %cond3A_432 = arith.cmpi ne, %convert_element_type3A_430, %cond3A_431 : i32
      scf.if %cond3A_432 {
        %dma_wait3A_512 = arith.constant 2 : i32
        %dma_wait3A_513 = arith.constant 0 : i32
        %dma_wait3A_514 = arith.constant 2 : i32
        %dma_wait3A_515 = arith.constant 0 : i32
        %dma_wait3A_516 = arith.constant 0 : i32
        %dma_wait3A_517 = tpu.memref_slice %arg9[%dma_wait3A_512, %dma_wait3A_515, %dma_wait3A_516] : memref<8x128x32xf32, #tpu.memory_space<vmem>> -> memref<1x128x32xf32, #tpu.memory_space<vmem>>
        %dma_wait3A_518 = tpu.memref_squeeze %dma_wait3A_517 : memref<1x128x32xf32, #tpu.memory_space<vmem>> -> memref<128x32xf32, #tpu.memory_space<vmem>>
        %dma_wait3A_519 = arith.constant 0 : i32
        %dma_wait3A_520 = tpu.memref_slice %arg8[%dma_wait3A_513, %dma_wait3A_519] : memref<152x128xi32, #tpu.memory_space<vmem>> -> memref<1x128xi32, #tpu.memory_space<vmem>>
        %dma_wait3A_521 = tpu.memref_squeeze %dma_wait3A_520 : memref<1x128xi32, #tpu.memory_space<vmem>> -> memref<128xi32, #tpu.memory_space<vmem>>
        %dma_wait3A_522 = arith.constant 0 : i32
        %dma_wait3A_523 = arith.constant 0 : i32
        %dma_wait3A_524 = tpu.memref_slice %arg12[%dma_wait3A_522, %dma_wait3A_523] : memref<10240x32xf32, #tpu.memory_space<vmem_shared>> -> memref<10240x32xf32, #tpu.memory_space<vmem_shared>>
        %dma_wait3A_525 = tpu.memref_slice %arg11[%dma_wait3A_514] : memref<8x!tpu.dma_semaphore, #tpu.memory_space<semaphore_mem>> -> memref<1x!tpu.dma_semaphore, #tpu.memory_space<semaphore_mem>>
        %dma_wait3A_526 = tpu.memref_squeeze %dma_wait3A_525 : memref<1x!tpu.dma_semaphore, #tpu.memory_space<semaphore_mem>> -> memref<!tpu.dma_semaphore, #tpu.memory_space<semaphore_mem>>
        tpu.wait_indirect_dma semaphore(%dma_wait3A_526 : memref<!tpu.dma_semaphore, #tpu.memory_space<semaphore_mem>>) src(%dma_wait3A_518 : memref<128x32xf32, #tpu.memory_space<vmem>>) dst(%dma_wait3A_524 : memref<10240x32xf32, #tpu.memory_space<vmem_shared>>)
      } else {
      }
      %add3A_433 = arith.constant 4 : i32
      %add3A_434 = arith.addi %add3A_427, %add3A_433 : i32
      %lt3A_435 = arith.cmpi slt, %add3A_434, %select_n3A : i32
      %convert_element_type3A_436 = arith.extui %lt3A_435 : i1 to i32
      %cond3A_437 = arith.constant 0 : i32
      %cond3A_438 = arith.cmpi ne, %convert_element_type3A_436, %cond3A_437 : i32
      scf.if %cond3A_438 {
        %add3A_512 = arith.constant 4 : i32
        %add3A_513 = arith.addi %add3A_427, %add3A_512 : i32
        %dma_start3A_514 = arith.constant 2 : i32
        %dma_start3A_515 = arith.constant 2 : i32
        %dma_start3A_516 = arith.constant 0 : i32
        %dma_start3A_517 = arith.constant 0 : i32
        %dma_start3A_518 = tpu.memref_slice %arg9[%dma_start3A_514, %dma_start3A_516, %dma_start3A_517] : memref<8x128x32xf32, #tpu.memory_space<vmem>> -> memref<1x128x32xf32, #tpu.memory_space<vmem>>
        %dma_start3A_519 = tpu.memref_squeeze %dma_start3A_518 : memref<1x128x32xf32, #tpu.memory_space<vmem>> -> memref<128x32xf32, #tpu.memory_space<vmem>>
        %dma_start3A_520 = arith.constant 0 : i32
        %dma_start3A_521 = tpu.memref_slice %arg7[%add3A_513, %dma_start3A_520] : memref<152x128xi32, #tpu.memory_space<vmem>> -> memref<1x128xi32, #tpu.memory_space<vmem>>
        %dma_start3A_522 = tpu.memref_squeeze %dma_start3A_521 : memref<1x128xi32, #tpu.memory_space<vmem>> -> memref<128xi32, #tpu.memory_space<vmem>>
        %dma_start3A_523 = arith.constant 0 : i32
        %dma_start3A_524 = arith.constant 0 : i32
        %dma_start3A_525 = tpu.memref_slice %arg4[%dma_start3A_523, %dma_start3A_524] : memref<10240x32xf32, #tpu.memory_space<hbm>> -> memref<10240x32xf32, #tpu.memory_space<hbm>>
        %dma_start3A_526 = tpu.memref_slice %arg10[%dma_start3A_515] : memref<8x!tpu.dma_semaphore, #tpu.memory_space<semaphore_mem>> -> memref<1x!tpu.dma_semaphore, #tpu.memory_space<semaphore_mem>>
        %dma_start3A_527 = tpu.memref_squeeze %dma_start3A_526 : memref<1x!tpu.dma_semaphore, #tpu.memory_space<semaphore_mem>> -> memref<!tpu.dma_semaphore, #tpu.memory_space<semaphore_mem>>
        tpu.enqueue_indirect_dma source(%dma_start3A_525 : memref<10240x32xf32, #tpu.memory_space<hbm>>) target(%dma_start3A_519 : memref<128x32xf32, #tpu.memory_space<vmem>>) offsets(%dma_start3A_522 : memref<128xi32, #tpu.memory_space<vmem>>) semaphore(%dma_start3A_527 : memref<!tpu.dma_semaphore, #tpu.memory_space<semaphore_mem>>)
      } else {
      }
      %dma_wait3A_439 = arith.constant 0 : i32
      %dma_wait3A_440 = arith.constant 6 : i32
      %dma_wait3A_441 = arith.constant 6 : i32
      %dma_wait3A_442 = arith.constant 0 : i32
      %dma_wait3A_443 = arith.constant 0 : i32
      %dma_wait3A_444 = tpu.memref_slice %arg9[%dma_wait3A_440, %dma_wait3A_442, %dma_wait3A_443] : memref<8x128x32xf32, #tpu.memory_space<vmem>> -> memref<1x128x32xf32, #tpu.memory_space<vmem>>
      %dma_wait3A_445 = tpu.memref_squeeze %dma_wait3A_444 : memref<1x128x32xf32, #tpu.memory_space<vmem>> -> memref<128x32xf32, #tpu.memory_space<vmem>>
      %dma_wait3A_446 = arith.constant 0 : i32
      %dma_wait3A_447 = tpu.memref_slice %arg7[%dma_wait3A_439, %dma_wait3A_446] : memref<152x128xi32, #tpu.memory_space<vmem>> -> memref<1x128xi32, #tpu.memory_space<vmem>>
      %dma_wait3A_448 = tpu.memref_squeeze %dma_wait3A_447 : memref<1x128xi32, #tpu.memory_space<vmem>> -> memref<128xi32, #tpu.memory_space<vmem>>
      %dma_wait3A_449 = arith.constant 0 : i32
      %dma_wait3A_450 = arith.constant 0 : i32
      %dma_wait3A_451 = tpu.memref_slice %arg4[%dma_wait3A_449, %dma_wait3A_450] : memref<10240x32xf32, #tpu.memory_space<hbm>> -> memref<10240x32xf32, #tpu.memory_space<hbm>>
      %dma_wait3A_452 = tpu.memref_slice %arg10[%dma_wait3A_441] : memref<8x!tpu.dma_semaphore, #tpu.memory_space<semaphore_mem>> -> memref<1x!tpu.dma_semaphore, #tpu.memory_space<semaphore_mem>>
      %dma_wait3A_453 = tpu.memref_squeeze %dma_wait3A_452 : memref<1x!tpu.dma_semaphore, #tpu.memory_space<semaphore_mem>> -> memref<!tpu.dma_semaphore, #tpu.memory_space<semaphore_mem>>
      tpu.wait_indirect_dma semaphore(%dma_wait3A_453 : memref<!tpu.dma_semaphore, #tpu.memory_space<semaphore_mem>>) src(%dma_wait3A_451 : memref<10240x32xf32, #tpu.memory_space<hbm>>) dst(%dma_wait3A_445 : memref<128x32xf32, #tpu.memory_space<vmem>>)
      %dma_start3A_454 = arith.constant 6 : i32
      %dma_start3A_455 = arith.constant 6 : i32
      %dma_start3A_456 = arith.constant 0 : i32
      %dma_start3A_457 = arith.constant 0 : i32
      %dma_start3A_458 = tpu.memref_slice %arg9[%dma_start3A_454, %dma_start3A_456, %dma_start3A_457] : memref<8x128x32xf32, #tpu.memory_space<vmem>> -> memref<1x128x32xf32, #tpu.memory_space<vmem>>
      %dma_start3A_459 = tpu.memref_squeeze %dma_start3A_458 : memref<1x128x32xf32, #tpu.memory_space<vmem>> -> memref<128x32xf32, #tpu.memory_space<vmem>>
      %dma_start3A_460 = arith.constant 0 : i32
      %dma_start3A_461 = tpu.memref_slice %arg8[%add3A_427, %dma_start3A_460] : memref<152x128xi32, #tpu.memory_space<vmem>> -> memref<1x128xi32, #tpu.memory_space<vmem>>
      %dma_start3A_462 = tpu.memref_squeeze %dma_start3A_461 : memref<1x128xi32, #tpu.memory_space<vmem>> -> memref<128xi32, #tpu.memory_space<vmem>>
      %dma_start3A_463 = arith.constant 0 : i32
      %dma_start3A_464 = arith.constant 0 : i32
      %dma_start3A_465 = tpu.memref_slice %arg12[%dma_start3A_463, %dma_start3A_464] : memref<10240x32xf32, #tpu.memory_space<vmem_shared>> -> memref<10240x32xf32, #tpu.memory_space<vmem_shared>>
      %dma_start3A_466 = tpu.memref_slice %arg11[%dma_start3A_455] : memref<8x!tpu.dma_semaphore, #tpu.memory_space<semaphore_mem>> -> memref<1x!tpu.dma_semaphore, #tpu.memory_space<semaphore_mem>>
      %dma_start3A_467 = tpu.memref_squeeze %dma_start3A_466 : memref<1x!tpu.dma_semaphore, #tpu.memory_space<semaphore_mem>> -> memref<!tpu.dma_semaphore, #tpu.memory_space<semaphore_mem>>
      tpu.enqueue_indirect_dma source(%dma_start3A_459 : memref<128x32xf32, #tpu.memory_space<vmem>>) target(%dma_start3A_465 : memref<10240x32xf32, #tpu.memory_space<vmem_shared>>) offsets(%dma_start3A_462 : memref<128xi32, #tpu.memory_space<vmem>>) semaphore(%dma_start3A_467 : memref<!tpu.dma_semaphore, #tpu.memory_space<semaphore_mem>>) {add = true}
      %mul3A_468 = arith.constant 8 : i32
      %mul3A_469 = arith.muli %mul3A_468, %while3A_163 : i32
      %add3A_470 = arith.constant 7 : i32
      %add3A_471 = arith.addi %mul3A_469, %add3A_470 : i32
      %ge3A_472 = arith.constant 4 : i32
      %ge3A_473 = arith.cmpi sge, %add3A_471, %ge3A_472 : i32
      %convert_element_type3A_474 = arith.extui %ge3A_473 : i1 to i32
      %cond3A_475 = arith.constant 0 : i32
      %cond3A_476 = arith.cmpi ne, %convert_element_type3A_474, %cond3A_475 : i32
      scf.if %cond3A_476 {
        %dma_wait3A_512 = arith.constant 3 : i32
        %dma_wait3A_513 = arith.constant 0 : i32
        %dma_wait3A_514 = arith.constant 3 : i32
        %dma_wait3A_515 = arith.constant 0 : i32
        %dma_wait3A_516 = arith.constant 0 : i32
        %dma_wait3A_517 = tpu.memref_slice %arg9[%dma_wait3A_512, %dma_wait3A_515, %dma_wait3A_516] : memref<8x128x32xf32, #tpu.memory_space<vmem>> -> memref<1x128x32xf32, #tpu.memory_space<vmem>>
        %dma_wait3A_518 = tpu.memref_squeeze %dma_wait3A_517 : memref<1x128x32xf32, #tpu.memory_space<vmem>> -> memref<128x32xf32, #tpu.memory_space<vmem>>
        %dma_wait3A_519 = arith.constant 0 : i32
        %dma_wait3A_520 = tpu.memref_slice %arg8[%dma_wait3A_513, %dma_wait3A_519] : memref<152x128xi32, #tpu.memory_space<vmem>> -> memref<1x128xi32, #tpu.memory_space<vmem>>
        %dma_wait3A_521 = tpu.memref_squeeze %dma_wait3A_520 : memref<1x128xi32, #tpu.memory_space<vmem>> -> memref<128xi32, #tpu.memory_space<vmem>>
        %dma_wait3A_522 = arith.constant 0 : i32
        %dma_wait3A_523 = arith.constant 0 : i32
        %dma_wait3A_524 = tpu.memref_slice %arg12[%dma_wait3A_522, %dma_wait3A_523] : memref<10240x32xf32, #tpu.memory_space<vmem_shared>> -> memref<10240x32xf32, #tpu.memory_space<vmem_shared>>
        %dma_wait3A_525 = tpu.memref_slice %arg11[%dma_wait3A_514] : memref<8x!tpu.dma_semaphore, #tpu.memory_space<semaphore_mem>> -> memref<1x!tpu.dma_semaphore, #tpu.memory_space<semaphore_mem>>
        %dma_wait3A_526 = tpu.memref_squeeze %dma_wait3A_525 : memref<1x!tpu.dma_semaphore, #tpu.memory_space<semaphore_mem>> -> memref<!tpu.dma_semaphore, #tpu.memory_space<semaphore_mem>>
        tpu.wait_indirect_dma semaphore(%dma_wait3A_526 : memref<!tpu.dma_semaphore, #tpu.memory_space<semaphore_mem>>) src(%dma_wait3A_518 : memref<128x32xf32, #tpu.memory_space<vmem>>) dst(%dma_wait3A_524 : memref<10240x32xf32, #tpu.memory_space<vmem_shared>>)
      } else {
      }
      %add3A_477 = arith.constant 4 : i32
      %add3A_478 = arith.addi %add3A_471, %add3A_477 : i32
      %lt3A_479 = arith.cmpi slt, %add3A_478, %select_n3A : i32
      %convert_element_type3A_480 = arith.extui %lt3A_479 : i1 to i32
      %cond3A_481 = arith.constant 0 : i32
      %cond3A_482 = arith.cmpi ne, %convert_element_type3A_480, %cond3A_481 : i32
      scf.if %cond3A_482 {
        %add3A_512 = arith.constant 4 : i32
        %add3A_513 = arith.addi %add3A_471, %add3A_512 : i32
        %dma_start3A_514 = arith.constant 3 : i32
        %dma_start3A_515 = arith.constant 3 : i32
        %dma_start3A_516 = arith.constant 0 : i32
        %dma_start3A_517 = arith.constant 0 : i32
        %dma_start3A_518 = tpu.memref_slice %arg9[%dma_start3A_514, %dma_start3A_516, %dma_start3A_517] : memref<8x128x32xf32, #tpu.memory_space<vmem>> -> memref<1x128x32xf32, #tpu.memory_space<vmem>>
        %dma_start3A_519 = tpu.memref_squeeze %dma_start3A_518 : memref<1x128x32xf32, #tpu.memory_space<vmem>> -> memref<128x32xf32, #tpu.memory_space<vmem>>
        %dma_start3A_520 = arith.constant 0 : i32
        %dma_start3A_521 = tpu.memref_slice %arg7[%add3A_513, %dma_start3A_520] : memref<152x128xi32, #tpu.memory_space<vmem>> -> memref<1x128xi32, #tpu.memory_space<vmem>>
        %dma_start3A_522 = tpu.memref_squeeze %dma_start3A_521 : memref<1x128xi32, #tpu.memory_space<vmem>> -> memref<128xi32, #tpu.memory_space<vmem>>
        %dma_start3A_523 = arith.constant 0 : i32
        %dma_start3A_524 = arith.constant 0 : i32
        %dma_start3A_525 = tpu.memref_slice %arg4[%dma_start3A_523, %dma_start3A_524] : memref<10240x32xf32, #tpu.memory_space<hbm>> -> memref<10240x32xf32, #tpu.memory_space<hbm>>
        %dma_start3A_526 = tpu.memref_slice %arg10[%dma_start3A_515] : memref<8x!tpu.dma_semaphore, #tpu.memory_space<semaphore_mem>> -> memref<1x!tpu.dma_semaphore, #tpu.memory_space<semaphore_mem>>
        %dma_start3A_527 = tpu.memref_squeeze %dma_start3A_526 : memref<1x!tpu.dma_semaphore, #tpu.memory_space<semaphore_mem>> -> memref<!tpu.dma_semaphore, #tpu.memory_space<semaphore_mem>>
        tpu.enqueue_indirect_dma source(%dma_start3A_525 : memref<10240x32xf32, #tpu.memory_space<hbm>>) target(%dma_start3A_519 : memref<128x32xf32, #tpu.memory_space<vmem>>) offsets(%dma_start3A_522 : memref<128xi32, #tpu.memory_space<vmem>>) semaphore(%dma_start3A_527 : memref<!tpu.dma_semaphore, #tpu.memory_space<semaphore_mem>>)
      } else {
      }
      %dma_wait3A_483 = arith.constant 0 : i32
      %dma_wait3A_484 = arith.constant 7 : i32
      %dma_wait3A_485 = arith.constant 7 : i32
      %dma_wait3A_486 = arith.constant 0 : i32
      %dma_wait3A_487 = arith.constant 0 : i32
      %dma_wait3A_488 = tpu.memref_slice %arg9[%dma_wait3A_484, %dma_wait3A_486, %dma_wait3A_487] : memref<8x128x32xf32, #tpu.memory_space<vmem>> -> memref<1x128x32xf32, #tpu.memory_space<vmem>>
      %dma_wait3A_489 = tpu.memref_squeeze %dma_wait3A_488 : memref<1x128x32xf32, #tpu.memory_space<vmem>> -> memref<128x32xf32, #tpu.memory_space<vmem>>
      %dma_wait3A_490 = arith.constant 0 : i32
      %dma_wait3A_491 = tpu.memref_slice %arg7[%dma_wait3A_483, %dma_wait3A_490] : memref<152x128xi32, #tpu.memory_space<vmem>> -> memref<1x128xi32, #tpu.memory_space<vmem>>
      %dma_wait3A_492 = tpu.memref_squeeze %dma_wait3A_491 : memref<1x128xi32, #tpu.memory_space<vmem>> -> memref<128xi32, #tpu.memory_space<vmem>>
      %dma_wait3A_493 = arith.constant 0 : i32
      %dma_wait3A_494 = arith.constant 0 : i32
      %dma_wait3A_495 = tpu.memref_slice %arg4[%dma_wait3A_493, %dma_wait3A_494] : memref<10240x32xf32, #tpu.memory_space<hbm>> -> memref<10240x32xf32, #tpu.memory_space<hbm>>
      %dma_wait3A_496 = tpu.memref_slice %arg10[%dma_wait3A_485] : memref<8x!tpu.dma_semaphore, #tpu.memory_space<semaphore_mem>> -> memref<1x!tpu.dma_semaphore, #tpu.memory_space<semaphore_mem>>
      %dma_wait3A_497 = tpu.memref_squeeze %dma_wait3A_496 : memref<1x!tpu.dma_semaphore, #tpu.memory_space<semaphore_mem>> -> memref<!tpu.dma_semaphore, #tpu.memory_space<semaphore_mem>>
      tpu.wait_indirect_dma semaphore(%dma_wait3A_497 : memref<!tpu.dma_semaphore, #tpu.memory_space<semaphore_mem>>) src(%dma_wait3A_495 : memref<10240x32xf32, #tpu.memory_space<hbm>>) dst(%dma_wait3A_489 : memref<128x32xf32, #tpu.memory_space<vmem>>)
      %dma_start3A_498 = arith.constant 7 : i32
      %dma_start3A_499 = arith.constant 7 : i32
      %dma_start3A_500 = arith.constant 0 : i32
      %dma_start3A_501 = arith.constant 0 : i32
      %dma_start3A_502 = tpu.memref_slice %arg9[%dma_start3A_498, %dma_start3A_500, %dma_start3A_501] : memref<8x128x32xf32, #tpu.memory_space<vmem>> -> memref<1x128x32xf32, #tpu.memory_space<vmem>>
      %dma_start3A_503 = tpu.memref_squeeze %dma_start3A_502 : memref<1x128x32xf32, #tpu.memory_space<vmem>> -> memref<128x32xf32, #tpu.memory_space<vmem>>
      %dma_start3A_504 = arith.constant 0 : i32
      %dma_start3A_505 = tpu.memref_slice %arg8[%add3A_471, %dma_start3A_504] : memref<152x128xi32, #tpu.memory_space<vmem>> -> memref<1x128xi32, #tpu.memory_space<vmem>>
      %dma_start3A_506 = tpu.memref_squeeze %dma_start3A_505 : memref<1x128xi32, #tpu.memory_space<vmem>> -> memref<128xi32, #tpu.memory_space<vmem>>
      %dma_start3A_507 = arith.constant 0 : i32
      %dma_start3A_508 = arith.constant 0 : i32
      %dma_start3A_509 = tpu.memref_slice %arg12[%dma_start3A_507, %dma_start3A_508] : memref<10240x32xf32, #tpu.memory_space<vmem_shared>> -> memref<10240x32xf32, #tpu.memory_space<vmem_shared>>
      %dma_start3A_510 = tpu.memref_slice %arg11[%dma_start3A_499] : memref<8x!tpu.dma_semaphore, #tpu.memory_space<semaphore_mem>> -> memref<1x!tpu.dma_semaphore, #tpu.memory_space<semaphore_mem>>
      %dma_start3A_511 = tpu.memref_squeeze %dma_start3A_510 : memref<1x!tpu.dma_semaphore, #tpu.memory_space<semaphore_mem>> -> memref<!tpu.dma_semaphore, #tpu.memory_space<semaphore_mem>>
      tpu.enqueue_indirect_dma source(%dma_start3A_503 : memref<128x32xf32, #tpu.memory_space<vmem>>) target(%dma_start3A_509 : memref<10240x32xf32, #tpu.memory_space<vmem_shared>>) offsets(%dma_start3A_506 : memref<128xi32, #tpu.memory_space<vmem>>) semaphore(%dma_start3A_511 : memref<!tpu.dma_semaphore, #tpu.memory_space<semaphore_mem>>) {add = true}
    }
    %dma_wait3A = arith.constant 4 : i32
    %dma_wait3A_99 = arith.constant 0 : i32
    %dma_wait3A_100 = arith.constant 4 : i32
    %dma_wait3A_101 = arith.constant 0 : i32
    %dma_wait3A_102 = arith.constant 0 : i32
    %dma_wait3A_103 = tpu.memref_slice %arg9[%dma_wait3A, %dma_wait3A_101, %dma_wait3A_102] : memref<8x128x32xf32, #tpu.memory_space<vmem>> -> memref<1x128x32xf32, #tpu.memory_space<vmem>>
    %dma_wait3A_104 = tpu.memref_squeeze %dma_wait3A_103 : memref<1x128x32xf32, #tpu.memory_space<vmem>> -> memref<128x32xf32, #tpu.memory_space<vmem>>
    %dma_wait3A_105 = arith.constant 0 : i32
    %dma_wait3A_106 = tpu.memref_slice %arg8[%dma_wait3A_99, %dma_wait3A_105] : memref<152x128xi32, #tpu.memory_space<vmem>> -> memref<1x128xi32, #tpu.memory_space<vmem>>
    %dma_wait3A_107 = tpu.memref_squeeze %dma_wait3A_106 : memref<1x128xi32, #tpu.memory_space<vmem>> -> memref<128xi32, #tpu.memory_space<vmem>>
    %dma_wait3A_108 = arith.constant 0 : i32
    %dma_wait3A_109 = arith.constant 0 : i32
    %dma_wait3A_110 = tpu.memref_slice %arg12[%dma_wait3A_108, %dma_wait3A_109] : memref<10240x32xf32, #tpu.memory_space<vmem_shared>> -> memref<10240x32xf32, #tpu.memory_space<vmem_shared>>
    %dma_wait3A_111 = tpu.memref_slice %arg11[%dma_wait3A_100] : memref<8x!tpu.dma_semaphore, #tpu.memory_space<semaphore_mem>> -> memref<1x!tpu.dma_semaphore, #tpu.memory_space<semaphore_mem>>
    %dma_wait3A_112 = tpu.memref_squeeze %dma_wait3A_111 : memref<1x!tpu.dma_semaphore, #tpu.memory_space<semaphore_mem>> -> memref<!tpu.dma_semaphore, #tpu.memory_space<semaphore_mem>>
    tpu.wait_indirect_dma semaphore(%dma_wait3A_112 : memref<!tpu.dma_semaphore, #tpu.memory_space<semaphore_mem>>) src(%dma_wait3A_104 : memref<128x32xf32, #tpu.memory_space<vmem>>) dst(%dma_wait3A_110 : memref<10240x32xf32, #tpu.memory_space<vmem_shared>>)
    %dma_wait3A_113 = arith.constant 5 : i32
    %dma_wait3A_114 = arith.constant 0 : i32
    %dma_wait3A_115 = arith.constant 5 : i32
    %dma_wait3A_116 = arith.constant 0 : i32
    %dma_wait3A_117 = arith.constant 0 : i32
    %dma_wait3A_118 = tpu.memref_slice %arg9[%dma_wait3A_113, %dma_wait3A_116, %dma_wait3A_117] : memref<8x128x32xf32, #tpu.memory_space<vmem>> -> memref<1x128x32xf32, #tpu.memory_space<vmem>>
    %dma_wait3A_119 = tpu.memref_squeeze %dma_wait3A_118 : memref<1x128x32xf32, #tpu.memory_space<vmem>> -> memref<128x32xf32, #tpu.memory_space<vmem>>
    %dma_wait3A_120 = arith.constant 0 : i32
    %dma_wait3A_121 = tpu.memref_slice %arg8[%dma_wait3A_114, %dma_wait3A_120] : memref<152x128xi32, #tpu.memory_space<vmem>> -> memref<1x128xi32, #tpu.memory_space<vmem>>
    %dma_wait3A_122 = tpu.memref_squeeze %dma_wait3A_121 : memref<1x128xi32, #tpu.memory_space<vmem>> -> memref<128xi32, #tpu.memory_space<vmem>>
    %dma_wait3A_123 = arith.constant 0 : i32
    %dma_wait3A_124 = arith.constant 0 : i32
    %dma_wait3A_125 = tpu.memref_slice %arg12[%dma_wait3A_123, %dma_wait3A_124] : memref<10240x32xf32, #tpu.memory_space<vmem_shared>> -> memref<10240x32xf32, #tpu.memory_space<vmem_shared>>
    %dma_wait3A_126 = tpu.memref_slice %arg11[%dma_wait3A_115] : memref<8x!tpu.dma_semaphore, #tpu.memory_space<semaphore_mem>> -> memref<1x!tpu.dma_semaphore, #tpu.memory_space<semaphore_mem>>
    %dma_wait3A_127 = tpu.memref_squeeze %dma_wait3A_126 : memref<1x!tpu.dma_semaphore, #tpu.memory_space<semaphore_mem>> -> memref<!tpu.dma_semaphore, #tpu.memory_space<semaphore_mem>>
    tpu.wait_indirect_dma semaphore(%dma_wait3A_127 : memref<!tpu.dma_semaphore, #tpu.memory_space<semaphore_mem>>) src(%dma_wait3A_119 : memref<128x32xf32, #tpu.memory_space<vmem>>) dst(%dma_wait3A_125 : memref<10240x32xf32, #tpu.memory_space<vmem_shared>>)
    %dma_wait3A_128 = arith.constant 6 : i32
    %dma_wait3A_129 = arith.constant 0 : i32
    %dma_wait3A_130 = arith.constant 6 : i32
    %dma_wait3A_131 = arith.constant 0 : i32
    %dma_wait3A_132 = arith.constant 0 : i32
    %dma_wait3A_133 = tpu.memref_slice %arg9[%dma_wait3A_128, %dma_wait3A_131, %dma_wait3A_132] : memref<8x128x32xf32, #tpu.memory_space<vmem>> -> memref<1x128x32xf32, #tpu.memory_space<vmem>>
    %dma_wait3A_134 = tpu.memref_squeeze %dma_wait3A_133 : memref<1x128x32xf32, #tpu.memory_space<vmem>> -> memref<128x32xf32, #tpu.memory_space<vmem>>
    %dma_wait3A_135 = arith.constant 0 : i32
    %dma_wait3A_136 = tpu.memref_slice %arg8[%dma_wait3A_129, %dma_wait3A_135] : memref<152x128xi32, #tpu.memory_space<vmem>> -> memref<1x128xi32, #tpu.memory_space<vmem>>
    %dma_wait3A_137 = tpu.memref_squeeze %dma_wait3A_136 : memref<1x128xi32, #tpu.memory_space<vmem>> -> memref<128xi32, #tpu.memory_space<vmem>>
    %dma_wait3A_138 = arith.constant 0 : i32
    %dma_wait3A_139 = arith.constant 0 : i32
    %dma_wait3A_140 = tpu.memref_slice %arg12[%dma_wait3A_138, %dma_wait3A_139] : memref<10240x32xf32, #tpu.memory_space<vmem_shared>> -> memref<10240x32xf32, #tpu.memory_space<vmem_shared>>
    %dma_wait3A_141 = tpu.memref_slice %arg11[%dma_wait3A_130] : memref<8x!tpu.dma_semaphore, #tpu.memory_space<semaphore_mem>> -> memref<1x!tpu.dma_semaphore, #tpu.memory_space<semaphore_mem>>
    %dma_wait3A_142 = tpu.memref_squeeze %dma_wait3A_141 : memref<1x!tpu.dma_semaphore, #tpu.memory_space<semaphore_mem>> -> memref<!tpu.dma_semaphore, #tpu.memory_space<semaphore_mem>>
    tpu.wait_indirect_dma semaphore(%dma_wait3A_142 : memref<!tpu.dma_semaphore, #tpu.memory_space<semaphore_mem>>) src(%dma_wait3A_134 : memref<128x32xf32, #tpu.memory_space<vmem>>) dst(%dma_wait3A_140 : memref<10240x32xf32, #tpu.memory_space<vmem_shared>>)
    %dma_wait3A_143 = arith.constant 7 : i32
    %dma_wait3A_144 = arith.constant 0 : i32
    %dma_wait3A_145 = arith.constant 7 : i32
    %dma_wait3A_146 = arith.constant 0 : i32
    %dma_wait3A_147 = arith.constant 0 : i32
    %dma_wait3A_148 = tpu.memref_slice %arg9[%dma_wait3A_143, %dma_wait3A_146, %dma_wait3A_147] : memref<8x128x32xf32, #tpu.memory_space<vmem>> -> memref<1x128x32xf32, #tpu.memory_space<vmem>>
    %dma_wait3A_149 = tpu.memref_squeeze %dma_wait3A_148 : memref<1x128x32xf32, #tpu.memory_space<vmem>> -> memref<128x32xf32, #tpu.memory_space<vmem>>
    %dma_wait3A_150 = arith.constant 0 : i32
    %dma_wait3A_151 = tpu.memref_slice %arg8[%dma_wait3A_144, %dma_wait3A_150] : memref<152x128xi32, #tpu.memory_space<vmem>> -> memref<1x128xi32, #tpu.memory_space<vmem>>
    %dma_wait3A_152 = tpu.memref_squeeze %dma_wait3A_151 : memref<1x128xi32, #tpu.memory_space<vmem>> -> memref<128xi32, #tpu.memory_space<vmem>>
    %dma_wait3A_153 = arith.constant 0 : i32
    %dma_wait3A_154 = arith.constant 0 : i32
    %dma_wait3A_155 = tpu.memref_slice %arg12[%dma_wait3A_153, %dma_wait3A_154] : memref<10240x32xf32, #tpu.memory_space<vmem_shared>> -> memref<10240x32xf32, #tpu.memory_space<vmem_shared>>
    %dma_wait3A_156 = tpu.memref_slice %arg11[%dma_wait3A_145] : memref<8x!tpu.dma_semaphore, #tpu.memory_space<semaphore_mem>> -> memref<1x!tpu.dma_semaphore, #tpu.memory_space<semaphore_mem>>
    %dma_wait3A_157 = tpu.memref_squeeze %dma_wait3A_156 : memref<1x!tpu.dma_semaphore, #tpu.memory_space<semaphore_mem>> -> memref<!tpu.dma_semaphore, #tpu.memory_space<semaphore_mem>>
    tpu.wait_indirect_dma semaphore(%dma_wait3A_157 : memref<!tpu.dma_semaphore, #tpu.memory_space<semaphore_mem>>) src(%dma_wait3A_149 : memref<128x32xf32, #tpu.memory_space<vmem>>) dst(%dma_wait3A_155 : memref<10240x32xf32, #tpu.memory_space<vmem_shared>>)
    %barrier3A_158 = arith.constant 0 : index
    tpu.barrier barrier_id(%barrier3A_158)
    %mul3A_159 = arith.constant 640 : i32
    %mul3A_160 = arith.muli %arg1, %mul3A_159 : i32
    %mul3A_161 = arith.constant 640 : i32
    %mul3A_162 = arith.muli %arg1, %mul3A_161 : i32
    "tpu.region"() ({
      %run_scoped3A = tpu.sem_alloc : memref<!tpu.dma_semaphore, #tpu.memory_space<semaphore_mem>>
      %dma_start3A_163 = arith.constant 0 : i32
      %dma_start3A_164 = arith.constant 0 : i32
      %dma_start3A_165 = tpu.memref_slice %arg6[%arg0, %dma_start3A_163, %dma_start3A_164] : memref<2x10240x32xf32, #tpu.memory_space<hbm>> -> memref<1x10240x32xf32, #tpu.memory_space<hbm>>
      %dma_start3A_166 = tpu.memref_squeeze %dma_start3A_165 : memref<1x10240x32xf32, #tpu.memory_space<hbm>> -> memref<10240x32xf32, #tpu.memory_space<hbm>>
      %dma_start3A_167 = arith.constant 0 : i32
      %dma_start3A_168 = tpu.memref_slice %dma_start3A_166[%mul3A_162, %dma_start3A_167] : memref<10240x32xf32, #tpu.memory_space<hbm>> -> memref<640x32xf32, #tpu.memory_space<hbm>>
      %dma_start3A_169 = arith.constant 0 : i32
      %dma_start3A_170 = tpu.memref_slice %arg12[%mul3A_160, %dma_start3A_169] : memref<10240x32xf32, #tpu.memory_space<vmem_shared>> -> memref<640x32xf32, #tpu.memory_space<vmem_shared>>
      tpu.enqueue_dma source(%dma_start3A_170 : memref<640x32xf32, #tpu.memory_space<vmem_shared>>) target(%dma_start3A_168 : memref<640x32xf32, #tpu.memory_space<hbm>>) target_semaphore(%run_scoped3A : memref<!tpu.dma_semaphore, #tpu.memory_space<semaphore_mem>>)
      %dma_wait3A_171 = arith.constant 0 : i32
      %dma_wait3A_172 = arith.constant 0 : i32
      %dma_wait3A_173 = tpu.memref_slice %arg6[%arg0, %dma_wait3A_171, %dma_wait3A_172] : memref<2x10240x32xf32, #tpu.memory_space<hbm>> -> memref<1x10240x32xf32, #tpu.memory_space<hbm>>
      %dma_wait3A_174 = tpu.memref_squeeze %dma_wait3A_173 : memref<1x10240x32xf32, #tpu.memory_space<hbm>> -> memref<10240x32xf32, #tpu.memory_space<hbm>>
      %dma_wait3A_175 = arith.constant 0 : i32
      %dma_wait3A_176 = tpu.memref_slice %dma_wait3A_174[%mul3A_162, %dma_wait3A_175] : memref<10240x32xf32, #tpu.memory_space<hbm>> -> memref<640x32xf32, #tpu.memory_space<hbm>>
      %dma_wait3A_177 = arith.constant 0 : i32
      %dma_wait3A_178 = tpu.memref_slice %arg12[%mul3A_160, %dma_wait3A_177] : memref<10240x32xf32, #tpu.memory_space<vmem_shared>> -> memref<640x32xf32, #tpu.memory_space<vmem_shared>>
      tpu.wait_dma2 semaphore(%run_scoped3A : memref<!tpu.dma_semaphore, #tpu.memory_space<semaphore_mem>>) src(%dma_wait3A_178 : memref<640x32xf32, #tpu.memory_space<vmem_shared>>) dst(%dma_wait3A_176 : memref<640x32xf32, #tpu.memory_space<hbm>>)
      tpu.yield
    }) : () -> ()
    return
  }
}

#map = affine_map<(d0, d1) -> (0, 0)>
#map1 = affine_map<(d0, d1) -> (0)>
module attributes {stable_mosaic.version = 14 : i64} {
  func.func @_deg_kernel(%arg0: i32, %arg1: i32, %arg2: memref<2816x128xi32, #tpu.memory_space<hbm>>, %arg3: memref<128xf32, #tpu.memory_space<hbm>>, %arg4: memref<10240xf32, #tpu.memory_space<hbm>>, %arg5: memref<2x10240xf32, #tpu.memory_space<hbm>>, %arg6: memref<80x128xi32, #tpu.memory_space<vmem>>, %arg7: memref<128xf32, #tpu.memory_space<vmem>>, %arg8: memref<10240xf32, #tpu.memory_space<vmem_shared>>, %arg9: memref<!tpu.dma_semaphore, #tpu.memory_space<semaphore_mem>>) attributes {dimension_semantics = [#tpu.dimension_semantics<core_parallel>, #tpu.dimension_semantics<subcore_parallel>], iteration_bounds = array<i64: 2, 16>, scalar_prefetch = 0 : i64, scratch_operands = 4 : i64, tpu.core_type = #tpu.core_type<sc_vector_subcore>, window_params = [{transform_indices = #map}, {transform_indices = #map1}, {transform_indices = #map1}, {transform_indices = #map}]} {
    %mul3A = arith.constant 16 : i32
    %mul3A_0 = arith.muli %arg0, %mul3A : i32
    %add3A = arith.addi %mul3A_0, %arg1 : i32
    %mul3A_1 = arith.constant 640 : i32
    %mul3A_2 = arith.muli %arg1, %mul3A_1 : i32
    %mul3A_3 = arith.constant 640 : i32
    %mul3A_4 = arith.muli %arg1, %mul3A_3 : i32
    "tpu.region"() ({
      %run_scoped3A = tpu.sem_alloc : memref<!tpu.dma_semaphore, #tpu.memory_space<semaphore_mem>>
      %dma_start3A = tpu.memref_slice %arg8[%mul3A_4] : memref<10240xf32, #tpu.memory_space<vmem_shared>> -> memref<640xf32, #tpu.memory_space<vmem_shared>>
      %dma_start3A_17 = tpu.memref_slice %arg4[%mul3A_2] : memref<10240xf32, #tpu.memory_space<hbm>> -> memref<640xf32, #tpu.memory_space<hbm>>
      tpu.enqueue_dma source(%dma_start3A_17 : memref<640xf32, #tpu.memory_space<hbm>>) target(%dma_start3A : memref<640xf32, #tpu.memory_space<vmem_shared>>) target_semaphore(%run_scoped3A : memref<!tpu.dma_semaphore, #tpu.memory_space<semaphore_mem>>)
      %dma_wait3A = tpu.memref_slice %arg8[%mul3A_4] : memref<10240xf32, #tpu.memory_space<vmem_shared>> -> memref<640xf32, #tpu.memory_space<vmem_shared>>
      %dma_wait3A_18 = tpu.memref_slice %arg4[%mul3A_2] : memref<10240xf32, #tpu.memory_space<hbm>> -> memref<640xf32, #tpu.memory_space<hbm>>
      tpu.wait_dma2 semaphore(%run_scoped3A : memref<!tpu.dma_semaphore, #tpu.memory_space<semaphore_mem>>) src(%dma_wait3A_18 : memref<640xf32, #tpu.memory_space<hbm>>) dst(%dma_wait3A : memref<640xf32, #tpu.memory_space<vmem_shared>>)
      tpu.yield
    }) : () -> ()
    "tpu.region"() ({
      %run_scoped3A = tpu.sem_alloc : memref<!tpu.dma_semaphore, #tpu.memory_space<semaphore_mem>>
      tpu.enqueue_dma source(%arg3 : memref<128xf32, #tpu.memory_space<hbm>>) target(%arg7 : memref<128xf32, #tpu.memory_space<vmem>>) target_semaphore(%run_scoped3A : memref<!tpu.dma_semaphore, #tpu.memory_space<semaphore_mem>>)
      tpu.wait_dma2 semaphore(%run_scoped3A : memref<!tpu.dma_semaphore, #tpu.memory_space<semaphore_mem>>) src(%arg3 : memref<128xf32, #tpu.memory_space<hbm>>) dst(%arg7 : memref<128xf32, #tpu.memory_space<vmem>>)
      tpu.yield
    }) : () -> ()
    %mul3A_5 = arith.constant 80 : i32
    %mul3A_6 = arith.muli %add3A, %mul3A_5 : i32
    "tpu.region"() ({
      %run_scoped3A = tpu.sem_alloc : memref<!tpu.dma_semaphore, #tpu.memory_space<semaphore_mem>>
      %dma_start3A = arith.constant 0 : i32
      %dma_start3A_17 = tpu.memref_slice %arg2[%mul3A_6, %dma_start3A] : memref<2816x128xi32, #tpu.memory_space<hbm>> -> memref<80x128xi32, #tpu.memory_space<hbm>>
      %dma_start3A_18 = arith.constant 0 : i32
      %dma_start3A_19 = tpu.memref_slice %arg2[%mul3A_6, %dma_start3A_18] : memref<2816x128xi32, #tpu.memory_space<hbm>> -> memref<80x128xi32, #tpu.memory_space<hbm>>
      tpu.enqueue_dma source(%dma_start3A_19 : memref<80x128xi32, #tpu.memory_space<hbm>>) target(%arg6 : memref<80x128xi32, #tpu.memory_space<vmem>>) target_semaphore(%run_scoped3A : memref<!tpu.dma_semaphore, #tpu.memory_space<semaphore_mem>>)
      %dma_wait3A = arith.constant 0 : i32
      %dma_wait3A_20 = tpu.memref_slice %arg2[%mul3A_6, %dma_wait3A] : memref<2816x128xi32, #tpu.memory_space<hbm>> -> memref<80x128xi32, #tpu.memory_space<hbm>>
      %dma_wait3A_21 = arith.constant 0 : i32
      %dma_wait3A_22 = tpu.memref_slice %arg2[%mul3A_6, %dma_wait3A_21] : memref<2816x128xi32, #tpu.memory_space<hbm>> -> memref<80x128xi32, #tpu.memory_space<hbm>>
      tpu.wait_dma2 semaphore(%run_scoped3A : memref<!tpu.dma_semaphore, #tpu.memory_space<semaphore_mem>>) src(%dma_wait3A_22 : memref<80x128xi32, #tpu.memory_space<hbm>>) dst(%arg6 : memref<80x128xi32, #tpu.memory_space<vmem>>)
      tpu.yield
    }) : () -> ()
    %barrier3A = arith.constant 0 : index
    tpu.barrier barrier_id(%barrier3A)
    %scan3A = arith.constant 0 : i32
    %scan3A_7 = arith.constant 0 : i32
    %scan3A_8 = arith.constant 80 : i32
    %scan3A_9 = arith.addi %scan3A_7, %scan3A_8 : i32
    %scan3A_10 = arith.constant 1 : i32
    scf.for %scan3A_17 = %scan3A_7 to %scan3A_9 step %scan3A_10  : i32 {
      "tpu.region"() ({
        %run_scoped3A = tpu.sem_alloc : memref<!tpu.dma_semaphore, #tpu.memory_space<semaphore_mem>>
        %dma_start3A = arith.constant 0 : i32
        %dma_start3A_18 = tpu.memref_slice %arg6[%scan3A_17, %dma_start3A] : memref<80x128xi32, #tpu.memory_space<vmem>> -> memref<1x128xi32, #tpu.memory_space<vmem>>
        %dma_start3A_19 = tpu.memref_squeeze %dma_start3A_18 : memref<1x128xi32, #tpu.memory_space<vmem>> -> memref<128xi32, #tpu.memory_space<vmem>>
        %dma_start3A_20 = arith.constant 0 : i32
        %dma_start3A_21 = tpu.memref_slice %arg8[%dma_start3A_20] : memref<10240xf32, #tpu.memory_space<vmem_shared>> -> memref<10240xf32, #tpu.memory_space<vmem_shared>>
        tpu.enqueue_indirect_dma source(%arg7 : memref<128xf32, #tpu.memory_space<vmem>>) target(%dma_start3A_21 : memref<10240xf32, #tpu.memory_space<vmem_shared>>) offsets(%dma_start3A_19 : memref<128xi32, #tpu.memory_space<vmem>>) semaphore(%run_scoped3A : memref<!tpu.dma_semaphore, #tpu.memory_space<semaphore_mem>>) {add = true}
        %dma_wait3A = arith.constant 0 : i32
        %dma_wait3A_22 = tpu.memref_slice %arg6[%scan3A_17, %dma_wait3A] : memref<80x128xi32, #tpu.memory_space<vmem>> -> memref<1x128xi32, #tpu.memory_space<vmem>>
        %dma_wait3A_23 = tpu.memref_squeeze %dma_wait3A_22 : memref<1x128xi32, #tpu.memory_space<vmem>> -> memref<128xi32, #tpu.memory_space<vmem>>
        %dma_wait3A_24 = arith.constant 0 : i32
        %dma_wait3A_25 = tpu.memref_slice %arg8[%dma_wait3A_24] : memref<10240xf32, #tpu.memory_space<vmem_shared>> -> memref<10240xf32, #tpu.memory_space<vmem_shared>>
        tpu.wait_indirect_dma semaphore(%run_scoped3A : memref<!tpu.dma_semaphore, #tpu.memory_space<semaphore_mem>>) src(%arg7 : memref<128xf32, #tpu.memory_space<vmem>>) dst(%dma_wait3A_25 : memref<10240xf32, #tpu.memory_space<vmem_shared>>)
        tpu.yield
      }) : () -> ()
    }
    %scan3A_11 = arith.constant 80 : i32
    %barrier3A_12 = arith.constant 0 : index
    tpu.barrier barrier_id(%barrier3A_12)
    %mul3A_13 = arith.constant 640 : i32
    %mul3A_14 = arith.muli %arg1, %mul3A_13 : i32
    %mul3A_15 = arith.constant 640 : i32
    %mul3A_16 = arith.muli %arg1, %mul3A_15 : i32
    "tpu.region"() ({
      %run_scoped3A = tpu.sem_alloc : memref<!tpu.dma_semaphore, #tpu.memory_space<semaphore_mem>>
      %dma_start3A = arith.constant 0 : i32
      %dma_start3A_17 = tpu.memref_slice %arg5[%arg0, %dma_start3A] : memref<2x10240xf32, #tpu.memory_space<hbm>> -> memref<1x10240xf32, #tpu.memory_space<hbm>>
      %dma_start3A_18 = tpu.memref_squeeze %dma_start3A_17 : memref<1x10240xf32, #tpu.memory_space<hbm>> -> memref<10240xf32, #tpu.memory_space<hbm>>
      %dma_start3A_19 = tpu.memref_slice %dma_start3A_18[%mul3A_16] : memref<10240xf32, #tpu.memory_space<hbm>> -> memref<640xf32, #tpu.memory_space<hbm>>
      %dma_start3A_20 = tpu.memref_slice %arg8[%mul3A_14] : memref<10240xf32, #tpu.memory_space<vmem_shared>> -> memref<640xf32, #tpu.memory_space<vmem_shared>>
      tpu.enqueue_dma source(%dma_start3A_20 : memref<640xf32, #tpu.memory_space<vmem_shared>>) target(%dma_start3A_19 : memref<640xf32, #tpu.memory_space<hbm>>) target_semaphore(%run_scoped3A : memref<!tpu.dma_semaphore, #tpu.memory_space<semaphore_mem>>)
      %dma_wait3A = arith.constant 0 : i32
      %dma_wait3A_21 = tpu.memref_slice %arg5[%arg0, %dma_wait3A] : memref<2x10240xf32, #tpu.memory_space<hbm>> -> memref<1x10240xf32, #tpu.memory_space<hbm>>
      %dma_wait3A_22 = tpu.memref_squeeze %dma_wait3A_21 : memref<1x10240xf32, #tpu.memory_space<hbm>> -> memref<10240xf32, #tpu.memory_space<hbm>>
      %dma_wait3A_23 = tpu.memref_slice %dma_wait3A_22[%mul3A_16] : memref<10240xf32, #tpu.memory_space<hbm>> -> memref<640xf32, #tpu.memory_space<hbm>>
      %dma_wait3A_24 = tpu.memref_slice %arg8[%mul3A_14] : memref<10240xf32, #tpu.memory_space<vmem_shared>> -> memref<640xf32, #tpu.memory_space<vmem_shared>>
      tpu.wait_dma2 semaphore(%run_scoped3A : memref<!tpu.dma_semaphore, #tpu.memory_space<semaphore_mem>>) src(%dma_wait3A_24 : memref<640xf32, #tpu.memory_space<vmem_shared>>) dst(%dma_wait3A_23 : memref<640xf32, #tpu.memory_space<hbm>>)
      tpu.yield
    }) : () -> ()
    return
  }
}

#map = affine_map<(d0, d1) -> (0, 0)>
#map1 = affine_map<(d0, d1) -> (0, 0, 0)>
module attributes {stable_mosaic.version = 14 : i64} {
  func.func @agg(%arg0: i32, %arg1: i32, %arg2: memref<2816x128xi32, #tpu.memory_space<hbm>>, %arg3: memref<2816x128xi32, #tpu.memory_space<hbm>>, %arg4: memref<10240x16xf32, #tpu.memory_space<hbm>>, %arg5: memref<10240x16xf32, #tpu.memory_space<hbm>>, %arg6: memref<2x10240x16xf32, #tpu.memory_space<hbm>>, %arg7: memref<152x128xi32, #tpu.memory_space<vmem>>, %arg8: memref<152x128xi32, #tpu.memory_space<vmem>>, %arg9: memref<8x128x16xf32, #tpu.memory_space<vmem>>, %arg10: memref<8x!tpu.dma_semaphore, #tpu.memory_space<semaphore_mem>>, %arg11: memref<8x!tpu.dma_semaphore, #tpu.memory_space<semaphore_mem>>, %arg12: memref<10240x16xf32, #tpu.memory_space<vmem_shared>>) attributes {dimension_semantics = [#tpu.dimension_semantics<core_parallel>, #tpu.dimension_semantics<subcore_parallel>], iteration_bounds = array<i64: 2, 16>, scalar_prefetch = 0 : i64, scratch_operands = 6 : i64, tpu.core_type = #tpu.core_type<sc_vector_subcore>, window_params = [{transform_indices = #map}, {transform_indices = #map}, {transform_indices = #map}, {transform_indices = #map}, {transform_indices = #map1}]} {
    %eq3A = arith.constant 0 : i32
    %eq3A_0 = arith.cmpi eq, %arg0, %eq3A : i32
    %jit3A = arith.constant 152 : i32
    %jit3A_1 = arith.constant 8 : i32
    %select_n3A = arith.select %eq3A_0, %jit3A, %jit3A_1 : i32
    %eq3A_2 = arith.constant 0 : i32
    %eq3A_3 = arith.cmpi eq, %arg0, %eq3A_2 : i32
    %mul3A = arith.constant 152 : i32
    %mul3A_4 = arith.muli %arg1, %mul3A : i32
    %mul3A_5 = arith.constant 8 : i32
    %mul3A_6 = arith.muli %arg1, %mul3A_5 : i32
    %add3A = arith.constant 2432 : i32
    %add3A_7 = arith.addi %add3A, %mul3A_6 : i32
    %select_n3A_8 = arith.select %eq3A_3, %mul3A_4, %add3A_7 : i32
    %mul3A_9 = arith.constant 640 : i32
    %mul3A_10 = arith.muli %arg1, %mul3A_9 : i32
    %mul3A_11 = arith.constant 640 : i32
    %mul3A_12 = arith.muli %arg1, %mul3A_11 : i32
    "tpu.region"() ({
      %run_scoped3A = tpu.sem_alloc : memref<!tpu.dma_semaphore, #tpu.memory_space<semaphore_mem>>
      %dma_start3A_163 = arith.constant 0 : i32
      %dma_start3A_164 = tpu.memref_slice %arg12[%mul3A_12, %dma_start3A_163] : memref<10240x16xf32, #tpu.memory_space<vmem_shared>> -> memref<640x16xf32, #tpu.memory_space<vmem_shared>>
      %dma_start3A_165 = arith.constant 0 : i32
      %dma_start3A_166 = tpu.memref_slice %arg5[%mul3A_10, %dma_start3A_165] : memref<10240x16xf32, #tpu.memory_space<hbm>> -> memref<640x16xf32, #tpu.memory_space<hbm>>
      tpu.enqueue_dma source(%dma_start3A_166 : memref<640x16xf32, #tpu.memory_space<hbm>>) target(%dma_start3A_164 : memref<640x16xf32, #tpu.memory_space<vmem_shared>>) target_semaphore(%run_scoped3A : memref<!tpu.dma_semaphore, #tpu.memory_space<semaphore_mem>>)
      %dma_wait3A_167 = arith.constant 0 : i32
      %dma_wait3A_168 = tpu.memref_slice %arg12[%mul3A_12, %dma_wait3A_167] : memref<10240x16xf32, #tpu.memory_space<vmem_shared>> -> memref<640x16xf32, #tpu.memory_space<vmem_shared>>
      %dma_wait3A_169 = arith.constant 0 : i32
      %dma_wait3A_170 = tpu.memref_slice %arg5[%mul3A_10, %dma_wait3A_169] : memref<10240x16xf32, #tpu.memory_space<hbm>> -> memref<640x16xf32, #tpu.memory_space<hbm>>
      tpu.wait_dma2 semaphore(%run_scoped3A : memref<!tpu.dma_semaphore, #tpu.memory_space<semaphore_mem>>) src(%dma_wait3A_170 : memref<640x16xf32, #tpu.memory_space<hbm>>) dst(%dma_wait3A_168 : memref<640x16xf32, #tpu.memory_space<vmem_shared>>)
      tpu.yield
    }) : () -> ()
    "tpu.region"() ({
      %run_scoped3A = tpu.sem_alloc : memref<!tpu.dma_semaphore, #tpu.memory_space<semaphore_mem>>
      %dma_start3A_163 = arith.constant 0 : i32
      %dma_start3A_164 = tpu.memref_slice %arg2[%select_n3A_8, %dma_start3A_163] : memref<2816x128xi32, #tpu.memory_space<hbm>> -> memref<152x128xi32, #tpu.memory_space<hbm>>
      %dma_start3A_165 = arith.constant 0 : i32
      %dma_start3A_166 = tpu.memref_slice %arg2[%select_n3A_8, %dma_start3A_165] : memref<2816x128xi32, #tpu.memory_space<hbm>> -> memref<152x128xi32, #tpu.memory_space<hbm>>
      tpu.enqueue_dma source(%dma_start3A_166 : memref<152x128xi32, #tpu.memory_space<hbm>>) target(%arg7 : memref<152x128xi32, #tpu.memory_space<vmem>>) target_semaphore(%run_scoped3A : memref<!tpu.dma_semaphore, #tpu.memory_space<semaphore_mem>>)
      %dma_wait3A_167 = arith.constant 0 : i32
      %dma_wait3A_168 = tpu.memref_slice %arg2[%select_n3A_8, %dma_wait3A_167] : memref<2816x128xi32, #tpu.memory_space<hbm>> -> memref<152x128xi32, #tpu.memory_space<hbm>>
      %dma_wait3A_169 = arith.constant 0 : i32
      %dma_wait3A_170 = tpu.memref_slice %arg2[%select_n3A_8, %dma_wait3A_169] : memref<2816x128xi32, #tpu.memory_space<hbm>> -> memref<152x128xi32, #tpu.memory_space<hbm>>
      tpu.wait_dma2 semaphore(%run_scoped3A : memref<!tpu.dma_semaphore, #tpu.memory_space<semaphore_mem>>) src(%dma_wait3A_170 : memref<152x128xi32, #tpu.memory_space<hbm>>) dst(%arg7 : memref<152x128xi32, #tpu.memory_space<vmem>>)
      tpu.yield
    }) : () -> ()
    "tpu.region"() ({
      %run_scoped3A = tpu.sem_alloc : memref<!tpu.dma_semaphore, #tpu.memory_space<semaphore_mem>>
      %dma_start3A_163 = arith.constant 0 : i32
      %dma_start3A_164 = tpu.memref_slice %arg3[%select_n3A_8, %dma_start3A_163] : memref<2816x128xi32, #tpu.memory_space<hbm>> -> memref<152x128xi32, #tpu.memory_space<hbm>>
      %dma_start3A_165 = arith.constant 0 : i32
      %dma_start3A_166 = tpu.memref_slice %arg3[%select_n3A_8, %dma_start3A_165] : memref<2816x128xi32, #tpu.memory_space<hbm>> -> memref<152x128xi32, #tpu.memory_space<hbm>>
      tpu.enqueue_dma source(%dma_start3A_166 : memref<152x128xi32, #tpu.memory_space<hbm>>) target(%arg8 : memref<152x128xi32, #tpu.memory_space<vmem>>) target_semaphore(%run_scoped3A : memref<!tpu.dma_semaphore, #tpu.memory_space<semaphore_mem>>)
      %dma_wait3A_167 = arith.constant 0 : i32
      %dma_wait3A_168 = tpu.memref_slice %arg3[%select_n3A_8, %dma_wait3A_167] : memref<2816x128xi32, #tpu.memory_space<hbm>> -> memref<152x128xi32, #tpu.memory_space<hbm>>
      %dma_wait3A_169 = arith.constant 0 : i32
      %dma_wait3A_170 = tpu.memref_slice %arg3[%select_n3A_8, %dma_wait3A_169] : memref<2816x128xi32, #tpu.memory_space<hbm>> -> memref<152x128xi32, #tpu.memory_space<hbm>>
      tpu.wait_dma2 semaphore(%run_scoped3A : memref<!tpu.dma_semaphore, #tpu.memory_space<semaphore_mem>>) src(%dma_wait3A_170 : memref<152x128xi32, #tpu.memory_space<hbm>>) dst(%arg8 : memref<152x128xi32, #tpu.memory_space<vmem>>)
      tpu.yield
    }) : () -> ()
    %barrier3A = arith.constant 0 : index
    tpu.barrier barrier_id(%barrier3A)
    %dma_start3A = arith.constant 0 : i32
    %dma_start3A_13 = arith.constant 0 : i32
    %dma_start3A_14 = arith.constant 0 : i32
    %dma_start3A_15 = arith.constant 0 : i32
    %dma_start3A_16 = arith.constant 0 : i32
    %dma_start3A_17 = tpu.memref_slice %arg9[%dma_start3A_13, %dma_start3A_15, %dma_start3A_16] : memref<8x128x16xf32, #tpu.memory_space<vmem>> -> memref<1x128x16xf32, #tpu.memory_space<vmem>>
    %dma_start3A_18 = tpu.memref_squeeze %dma_start3A_17 : memref<1x128x16xf32, #tpu.memory_space<vmem>> -> memref<128x16xf32, #tpu.memory_space<vmem>>
    %dma_start3A_19 = arith.constant 0 : i32
    %dma_start3A_20 = tpu.memref_slice %arg7[%dma_start3A, %dma_start3A_19] : memref<152x128xi32, #tpu.memory_space<vmem>> -> memref<1x128xi32, #tpu.memory_space<vmem>>
    %dma_start3A_21 = tpu.memref_squeeze %dma_start3A_20 : memref<1x128xi32, #tpu.memory_space<vmem>> -> memref<128xi32, #tpu.memory_space<vmem>>
    %dma_start3A_22 = arith.constant 0 : i32
    %dma_start3A_23 = arith.constant 0 : i32
    %dma_start3A_24 = tpu.memref_slice %arg4[%dma_start3A_22, %dma_start3A_23] : memref<10240x16xf32, #tpu.memory_space<hbm>> -> memref<10240x16xf32, #tpu.memory_space<hbm>>
    %dma_start3A_25 = tpu.memref_slice %arg10[%dma_start3A_14] : memref<8x!tpu.dma_semaphore, #tpu.memory_space<semaphore_mem>> -> memref<1x!tpu.dma_semaphore, #tpu.memory_space<semaphore_mem>>
    %dma_start3A_26 = tpu.memref_squeeze %dma_start3A_25 : memref<1x!tpu.dma_semaphore, #tpu.memory_space<semaphore_mem>> -> memref<!tpu.dma_semaphore, #tpu.memory_space<semaphore_mem>>
    tpu.enqueue_indirect_dma source(%dma_start3A_24 : memref<10240x16xf32, #tpu.memory_space<hbm>>) target(%dma_start3A_18 : memref<128x16xf32, #tpu.memory_space<vmem>>) offsets(%dma_start3A_21 : memref<128xi32, #tpu.memory_space<vmem>>) semaphore(%dma_start3A_26 : memref<!tpu.dma_semaphore, #tpu.memory_space<semaphore_mem>>)
    %dma_start3A_27 = arith.constant 1 : i32
    %dma_start3A_28 = arith.constant 1 : i32
    %dma_start3A_29 = arith.constant 1 : i32
    %dma_start3A_30 = arith.constant 0 : i32
    %dma_start3A_31 = arith.constant 0 : i32
    %dma_start3A_32 = tpu.memref_slice %arg9[%dma_start3A_28, %dma_start3A_30, %dma_start3A_31] : memref<8x128x16xf32, #tpu.memory_space<vmem>> -> memref<1x128x16xf32, #tpu.memory_space<vmem>>
    %dma_start3A_33 = tpu.memref_squeeze %dma_start3A_32 : memref<1x128x16xf32, #tpu.memory_space<vmem>> -> memref<128x16xf32, #tpu.memory_space<vmem>>
    %dma_start3A_34 = arith.constant 0 : i32
    %dma_start3A_35 = tpu.memref_slice %arg7[%dma_start3A_27, %dma_start3A_34] : memref<152x128xi32, #tpu.memory_space<vmem>> -> memref<1x128xi32, #tpu.memory_space<vmem>>
    %dma_start3A_36 = tpu.memref_squeeze %dma_start3A_35 : memref<1x128xi32, #tpu.memory_space<vmem>> -> memref<128xi32, #tpu.memory_space<vmem>>
    %dma_start3A_37 = arith.constant 0 : i32
    %dma_start3A_38 = arith.constant 0 : i32
    %dma_start3A_39 = tpu.memref_slice %arg4[%dma_start3A_37, %dma_start3A_38] : memref<10240x16xf32, #tpu.memory_space<hbm>> -> memref<10240x16xf32, #tpu.memory_space<hbm>>
    %dma_start3A_40 = tpu.memref_slice %arg10[%dma_start3A_29] : memref<8x!tpu.dma_semaphore, #tpu.memory_space<semaphore_mem>> -> memref<1x!tpu.dma_semaphore, #tpu.memory_space<semaphore_mem>>
    %dma_start3A_41 = tpu.memref_squeeze %dma_start3A_40 : memref<1x!tpu.dma_semaphore, #tpu.memory_space<semaphore_mem>> -> memref<!tpu.dma_semaphore, #tpu.memory_space<semaphore_mem>>
    tpu.enqueue_indirect_dma source(%dma_start3A_39 : memref<10240x16xf32, #tpu.memory_space<hbm>>) target(%dma_start3A_33 : memref<128x16xf32, #tpu.memory_space<vmem>>) offsets(%dma_start3A_36 : memref<128xi32, #tpu.memory_space<vmem>>) semaphore(%dma_start3A_41 : memref<!tpu.dma_semaphore, #tpu.memory_space<semaphore_mem>>)
    %dma_start3A_42 = arith.constant 2 : i32
    %dma_start3A_43 = arith.constant 2 : i32
    %dma_start3A_44 = arith.constant 2 : i32
    %dma_start3A_45 = arith.constant 0 : i32
    %dma_start3A_46 = arith.constant 0 : i32
    %dma_start3A_47 = tpu.memref_slice %arg9[%dma_start3A_43, %dma_start3A_45, %dma_start3A_46] : memref<8x128x16xf32, #tpu.memory_space<vmem>> -> memref<1x128x16xf32, #tpu.memory_space<vmem>>
    %dma_start3A_48 = tpu.memref_squeeze %dma_start3A_47 : memref<1x128x16xf32, #tpu.memory_space<vmem>> -> memref<128x16xf32, #tpu.memory_space<vmem>>
    %dma_start3A_49 = arith.constant 0 : i32
    %dma_start3A_50 = tpu.memref_slice %arg7[%dma_start3A_42, %dma_start3A_49] : memref<152x128xi32, #tpu.memory_space<vmem>> -> memref<1x128xi32, #tpu.memory_space<vmem>>
    %dma_start3A_51 = tpu.memref_squeeze %dma_start3A_50 : memref<1x128xi32, #tpu.memory_space<vmem>> -> memref<128xi32, #tpu.memory_space<vmem>>
    %dma_start3A_52 = arith.constant 0 : i32
    %dma_start3A_53 = arith.constant 0 : i32
    %dma_start3A_54 = tpu.memref_slice %arg4[%dma_start3A_52, %dma_start3A_53] : memref<10240x16xf32, #tpu.memory_space<hbm>> -> memref<10240x16xf32, #tpu.memory_space<hbm>>
    %dma_start3A_55 = tpu.memref_slice %arg10[%dma_start3A_44] : memref<8x!tpu.dma_semaphore, #tpu.memory_space<semaphore_mem>> -> memref<1x!tpu.dma_semaphore, #tpu.memory_space<semaphore_mem>>
    %dma_start3A_56 = tpu.memref_squeeze %dma_start3A_55 : memref<1x!tpu.dma_semaphore, #tpu.memory_space<semaphore_mem>> -> memref<!tpu.dma_semaphore, #tpu.memory_space<semaphore_mem>>
    tpu.enqueue_indirect_dma source(%dma_start3A_54 : memref<10240x16xf32, #tpu.memory_space<hbm>>) target(%dma_start3A_48 : memref<128x16xf32, #tpu.memory_space<vmem>>) offsets(%dma_start3A_51 : memref<128xi32, #tpu.memory_space<vmem>>) semaphore(%dma_start3A_56 : memref<!tpu.dma_semaphore, #tpu.memory_space<semaphore_mem>>)
    %dma_start3A_57 = arith.constant 3 : i32
    %dma_start3A_58 = arith.constant 3 : i32
    %dma_start3A_59 = arith.constant 3 : i32
    %dma_start3A_60 = arith.constant 0 : i32
    %dma_start3A_61 = arith.constant 0 : i32
    %dma_start3A_62 = tpu.memref_slice %arg9[%dma_start3A_58, %dma_start3A_60, %dma_start3A_61] : memref<8x128x16xf32, #tpu.memory_space<vmem>> -> memref<1x128x16xf32, #tpu.memory_space<vmem>>
    %dma_start3A_63 = tpu.memref_squeeze %dma_start3A_62 : memref<1x128x16xf32, #tpu.memory_space<vmem>> -> memref<128x16xf32, #tpu.memory_space<vmem>>
    %dma_start3A_64 = arith.constant 0 : i32
    %dma_start3A_65 = tpu.memref_slice %arg7[%dma_start3A_57, %dma_start3A_64] : memref<152x128xi32, #tpu.memory_space<vmem>> -> memref<1x128xi32, #tpu.memory_space<vmem>>
    %dma_start3A_66 = tpu.memref_squeeze %dma_start3A_65 : memref<1x128xi32, #tpu.memory_space<vmem>> -> memref<128xi32, #tpu.memory_space<vmem>>
    %dma_start3A_67 = arith.constant 0 : i32
    %dma_start3A_68 = arith.constant 0 : i32
    %dma_start3A_69 = tpu.memref_slice %arg4[%dma_start3A_67, %dma_start3A_68] : memref<10240x16xf32, #tpu.memory_space<hbm>> -> memref<10240x16xf32, #tpu.memory_space<hbm>>
    %dma_start3A_70 = tpu.memref_slice %arg10[%dma_start3A_59] : memref<8x!tpu.dma_semaphore, #tpu.memory_space<semaphore_mem>> -> memref<1x!tpu.dma_semaphore, #tpu.memory_space<semaphore_mem>>
    %dma_start3A_71 = tpu.memref_squeeze %dma_start3A_70 : memref<1x!tpu.dma_semaphore, #tpu.memory_space<semaphore_mem>> -> memref<!tpu.dma_semaphore, #tpu.memory_space<semaphore_mem>>
    tpu.enqueue_indirect_dma source(%dma_start3A_69 : memref<10240x16xf32, #tpu.memory_space<hbm>>) target(%dma_start3A_63 : memref<128x16xf32, #tpu.memory_space<vmem>>) offsets(%dma_start3A_66 : memref<128xi32, #tpu.memory_space<vmem>>) semaphore(%dma_start3A_71 : memref<!tpu.dma_semaphore, #tpu.memory_space<semaphore_mem>>)
    %jit3A_72 = arith.constant 8 : i32
    %div3A = arith.divsi %select_n3A, %jit3A_72 : i32
    %sign3A = arith.constant 0 : i32
    %sign3A_73 = arith.cmpi sgt, %select_n3A, %sign3A : i32
    %sign3A_74 = arith.extui %sign3A_73 : i1 to i32
    %sign3A_75 = arith.constant 0 : i32
    %sign3A_76 = arith.cmpi slt, %select_n3A, %sign3A_75 : i32
    %sign3A_77 = arith.extui %sign3A_76 : i1 to i32
    %sign3A_78 = arith.subi %sign3A_74, %sign3A_77 : i32
    %sign3A_79 = arith.constant 0 : i32
    %sign3A_80 = arith.cmpi sgt, %jit3A_72, %sign3A_79 : i32
    %sign3A_81 = arith.extui %sign3A_80 : i1 to i32
    %sign3A_82 = arith.constant 0 : i32
    %sign3A_83 = arith.cmpi slt, %jit3A_72, %sign3A_82 : i32
    %sign3A_84 = arith.extui %sign3A_83 : i1 to i32
    %sign3A_85 = arith.subi %sign3A_81, %sign3A_84 : i32
    %ne3A = arith.cmpi ne, %sign3A_78, %sign3A_85 : i32
    %rem3A = arith.remsi %select_n3A, %jit3A_72 : i32
    %ne3A_86 = arith.constant 0 : i32
    %ne3A_87 = arith.cmpi ne, %rem3A, %ne3A_86 : i32
    %and3A = arith.andi %ne3A, %ne3A_87 : i1
    %sub3A = arith.constant 1 : i32
    %sub3A_88 = arith.subi %div3A, %sub3A : i32
    %select_n3A_89 = arith.select %and3A, %sub3A_88, %div3A : i32
    %while3A = arith.constant 0 : i32
    %while3A_90 = arith.constant 0 : i32
    %while3A_91 = arith.subi %select_n3A_89, %while3A_90 : i32
    %while3A_92 = arith.addi %while3A_90, %while3A_91 : i32
    %while3A_93 = arith.constant 1 : i32
    %while3A_94 = arith.divsi %while3A_91, %while3A_93 : i32
    %while3A_95 = arith.muli %while3A_94, %while3A_93 : i32
    %while3A_96 = arith.addi %while3A_90, %while3A_95 : i32
    %while3A_97 = arith.constant 1 : i32
    scf.for %while3A_163 = %while3A_90 to %while3A_96 step %while3A_97  : i32 {
      %mul3A_164 = arith.constant 8 : i32
      %mul3A_165 = arith.muli %mul3A_164, %while3A_163 : i32
      %add3A_166 = arith.constant 0 : i32
      %add3A_167 = arith.addi %mul3A_165, %add3A_166 : i32
      %ge3A = arith.constant 4 : i32
      %ge3A_168 = arith.cmpi sge, %add3A_167, %ge3A : i32
      %convert_element_type3A = arith.extui %ge3A_168 : i1 to i32
      %cond3A = arith.constant 0 : i32
      %cond3A_169 = arith.cmpi ne, %convert_element_type3A, %cond3A : i32
      scf.if %cond3A_169 {
        %dma_wait3A_512 = arith.constant 4 : i32
        %dma_wait3A_513 = arith.constant 0 : i32
        %dma_wait3A_514 = arith.constant 4 : i32
        %dma_wait3A_515 = arith.constant 0 : i32
        %dma_wait3A_516 = arith.constant 0 : i32
        %dma_wait3A_517 = tpu.memref_slice %arg9[%dma_wait3A_512, %dma_wait3A_515, %dma_wait3A_516] : memref<8x128x16xf32, #tpu.memory_space<vmem>> -> memref<1x128x16xf32, #tpu.memory_space<vmem>>
        %dma_wait3A_518 = tpu.memref_squeeze %dma_wait3A_517 : memref<1x128x16xf32, #tpu.memory_space<vmem>> -> memref<128x16xf32, #tpu.memory_space<vmem>>
        %dma_wait3A_519 = arith.constant 0 : i32
        %dma_wait3A_520 = tpu.memref_slice %arg8[%dma_wait3A_513, %dma_wait3A_519] : memref<152x128xi32, #tpu.memory_space<vmem>> -> memref<1x128xi32, #tpu.memory_space<vmem>>
        %dma_wait3A_521 = tpu.memref_squeeze %dma_wait3A_520 : memref<1x128xi32, #tpu.memory_space<vmem>> -> memref<128xi32, #tpu.memory_space<vmem>>
        %dma_wait3A_522 = arith.constant 0 : i32
        %dma_wait3A_523 = arith.constant 0 : i32
        %dma_wait3A_524 = tpu.memref_slice %arg12[%dma_wait3A_522, %dma_wait3A_523] : memref<10240x16xf32, #tpu.memory_space<vmem_shared>> -> memref<10240x16xf32, #tpu.memory_space<vmem_shared>>
        %dma_wait3A_525 = tpu.memref_slice %arg11[%dma_wait3A_514] : memref<8x!tpu.dma_semaphore, #tpu.memory_space<semaphore_mem>> -> memref<1x!tpu.dma_semaphore, #tpu.memory_space<semaphore_mem>>
        %dma_wait3A_526 = tpu.memref_squeeze %dma_wait3A_525 : memref<1x!tpu.dma_semaphore, #tpu.memory_space<semaphore_mem>> -> memref<!tpu.dma_semaphore, #tpu.memory_space<semaphore_mem>>
        tpu.wait_indirect_dma semaphore(%dma_wait3A_526 : memref<!tpu.dma_semaphore, #tpu.memory_space<semaphore_mem>>) src(%dma_wait3A_518 : memref<128x16xf32, #tpu.memory_space<vmem>>) dst(%dma_wait3A_524 : memref<10240x16xf32, #tpu.memory_space<vmem_shared>>)
      } else {
      }
      %add3A_170 = arith.constant 4 : i32
      %add3A_171 = arith.addi %add3A_167, %add3A_170 : i32
      %lt3A = arith.cmpi slt, %add3A_171, %select_n3A : i32
      %convert_element_type3A_172 = arith.extui %lt3A : i1 to i32
      %cond3A_173 = arith.constant 0 : i32
      %cond3A_174 = arith.cmpi ne, %convert_element_type3A_172, %cond3A_173 : i32
      scf.if %cond3A_174 {
        %add3A_512 = arith.constant 4 : i32
        %add3A_513 = arith.addi %add3A_167, %add3A_512 : i32
        %dma_start3A_514 = arith.constant 4 : i32
        %dma_start3A_515 = arith.constant 4 : i32
        %dma_start3A_516 = arith.constant 0 : i32
        %dma_start3A_517 = arith.constant 0 : i32
        %dma_start3A_518 = tpu.memref_slice %arg9[%dma_start3A_514, %dma_start3A_516, %dma_start3A_517] : memref<8x128x16xf32, #tpu.memory_space<vmem>> -> memref<1x128x16xf32, #tpu.memory_space<vmem>>
        %dma_start3A_519 = tpu.memref_squeeze %dma_start3A_518 : memref<1x128x16xf32, #tpu.memory_space<vmem>> -> memref<128x16xf32, #tpu.memory_space<vmem>>
        %dma_start3A_520 = arith.constant 0 : i32
        %dma_start3A_521 = tpu.memref_slice %arg7[%add3A_513, %dma_start3A_520] : memref<152x128xi32, #tpu.memory_space<vmem>> -> memref<1x128xi32, #tpu.memory_space<vmem>>
        %dma_start3A_522 = tpu.memref_squeeze %dma_start3A_521 : memref<1x128xi32, #tpu.memory_space<vmem>> -> memref<128xi32, #tpu.memory_space<vmem>>
        %dma_start3A_523 = arith.constant 0 : i32
        %dma_start3A_524 = arith.constant 0 : i32
        %dma_start3A_525 = tpu.memref_slice %arg4[%dma_start3A_523, %dma_start3A_524] : memref<10240x16xf32, #tpu.memory_space<hbm>> -> memref<10240x16xf32, #tpu.memory_space<hbm>>
        %dma_start3A_526 = tpu.memref_slice %arg10[%dma_start3A_515] : memref<8x!tpu.dma_semaphore, #tpu.memory_space<semaphore_mem>> -> memref<1x!tpu.dma_semaphore, #tpu.memory_space<semaphore_mem>>
        %dma_start3A_527 = tpu.memref_squeeze %dma_start3A_526 : memref<1x!tpu.dma_semaphore, #tpu.memory_space<semaphore_mem>> -> memref<!tpu.dma_semaphore, #tpu.memory_space<semaphore_mem>>
        tpu.enqueue_indirect_dma source(%dma_start3A_525 : memref<10240x16xf32, #tpu.memory_space<hbm>>) target(%dma_start3A_519 : memref<128x16xf32, #tpu.memory_space<vmem>>) offsets(%dma_start3A_522 : memref<128xi32, #tpu.memory_space<vmem>>) semaphore(%dma_start3A_527 : memref<!tpu.dma_semaphore, #tpu.memory_space<semaphore_mem>>)
      } else {
      }
      %dma_wait3A_175 = arith.constant 0 : i32
      %dma_wait3A_176 = arith.constant 0 : i32
      %dma_wait3A_177 = arith.constant 0 : i32
      %dma_wait3A_178 = arith.constant 0 : i32
      %dma_wait3A_179 = arith.constant 0 : i32
      %dma_wait3A_180 = tpu.memref_slice %arg9[%dma_wait3A_176, %dma_wait3A_178, %dma_wait3A_179] : memref<8x128x16xf32, #tpu.memory_space<vmem>> -> memref<1x128x16xf32, #tpu.memory_space<vmem>>
      %dma_wait3A_181 = tpu.memref_squeeze %dma_wait3A_180 : memref<1x128x16xf32, #tpu.memory_space<vmem>> -> memref<128x16xf32, #tpu.memory_space<vmem>>
      %dma_wait3A_182 = arith.constant 0 : i32
      %dma_wait3A_183 = tpu.memref_slice %arg7[%dma_wait3A_175, %dma_wait3A_182] : memref<152x128xi32, #tpu.memory_space<vmem>> -> memref<1x128xi32, #tpu.memory_space<vmem>>
      %dma_wait3A_184 = tpu.memref_squeeze %dma_wait3A_183 : memref<1x128xi32, #tpu.memory_space<vmem>> -> memref<128xi32, #tpu.memory_space<vmem>>
      %dma_wait3A_185 = arith.constant 0 : i32
      %dma_wait3A_186 = arith.constant 0 : i32
      %dma_wait3A_187 = tpu.memref_slice %arg4[%dma_wait3A_185, %dma_wait3A_186] : memref<10240x16xf32, #tpu.memory_space<hbm>> -> memref<10240x16xf32, #tpu.memory_space<hbm>>
      %dma_wait3A_188 = tpu.memref_slice %arg10[%dma_wait3A_177] : memref<8x!tpu.dma_semaphore, #tpu.memory_space<semaphore_mem>> -> memref<1x!tpu.dma_semaphore, #tpu.memory_space<semaphore_mem>>
      %dma_wait3A_189 = tpu.memref_squeeze %dma_wait3A_188 : memref<1x!tpu.dma_semaphore, #tpu.memory_space<semaphore_mem>> -> memref<!tpu.dma_semaphore, #tpu.memory_space<semaphore_mem>>
      tpu.wait_indirect_dma semaphore(%dma_wait3A_189 : memref<!tpu.dma_semaphore, #tpu.memory_space<semaphore_mem>>) src(%dma_wait3A_187 : memref<10240x16xf32, #tpu.memory_space<hbm>>) dst(%dma_wait3A_181 : memref<128x16xf32, #tpu.memory_space<vmem>>)
      %dma_start3A_190 = arith.constant 0 : i32
      %dma_start3A_191 = arith.constant 0 : i32
      %dma_start3A_192 = arith.constant 0 : i32
      %dma_start3A_193 = arith.constant 0 : i32
      %dma_start3A_194 = tpu.memref_slice %arg9[%dma_start3A_190, %dma_start3A_192, %dma_start3A_193] : memref<8x128x16xf32, #tpu.memory_space<vmem>> -> memref<1x128x16xf32, #tpu.memory_space<vmem>>
      %dma_start3A_195 = tpu.memref_squeeze %dma_start3A_194 : memref<1x128x16xf32, #tpu.memory_space<vmem>> -> memref<128x16xf32, #tpu.memory_space<vmem>>
      %dma_start3A_196 = arith.constant 0 : i32
      %dma_start3A_197 = tpu.memref_slice %arg8[%add3A_167, %dma_start3A_196] : memref<152x128xi32, #tpu.memory_space<vmem>> -> memref<1x128xi32, #tpu.memory_space<vmem>>
      %dma_start3A_198 = tpu.memref_squeeze %dma_start3A_197 : memref<1x128xi32, #tpu.memory_space<vmem>> -> memref<128xi32, #tpu.memory_space<vmem>>
      %dma_start3A_199 = arith.constant 0 : i32
      %dma_start3A_200 = arith.constant 0 : i32
      %dma_start3A_201 = tpu.memref_slice %arg12[%dma_start3A_199, %dma_start3A_200] : memref<10240x16xf32, #tpu.memory_space<vmem_shared>> -> memref<10240x16xf32, #tpu.memory_space<vmem_shared>>
      %dma_start3A_202 = tpu.memref_slice %arg11[%dma_start3A_191] : memref<8x!tpu.dma_semaphore, #tpu.memory_space<semaphore_mem>> -> memref<1x!tpu.dma_semaphore, #tpu.memory_space<semaphore_mem>>
      %dma_start3A_203 = tpu.memref_squeeze %dma_start3A_202 : memref<1x!tpu.dma_semaphore, #tpu.memory_space<semaphore_mem>> -> memref<!tpu.dma_semaphore, #tpu.memory_space<semaphore_mem>>
      tpu.enqueue_indirect_dma source(%dma_start3A_195 : memref<128x16xf32, #tpu.memory_space<vmem>>) target(%dma_start3A_201 : memref<10240x16xf32, #tpu.memory_space<vmem_shared>>) offsets(%dma_start3A_198 : memref<128xi32, #tpu.memory_space<vmem>>) semaphore(%dma_start3A_203 : memref<!tpu.dma_semaphore, #tpu.memory_space<semaphore_mem>>) {add = true}
      %mul3A_204 = arith.constant 8 : i32
      %mul3A_205 = arith.muli %mul3A_204, %while3A_163 : i32
      %add3A_206 = arith.constant 1 : i32
      %add3A_207 = arith.addi %mul3A_205, %add3A_206 : i32
      %ge3A_208 = arith.constant 4 : i32
      %ge3A_209 = arith.cmpi sge, %add3A_207, %ge3A_208 : i32
      %convert_element_type3A_210 = arith.extui %ge3A_209 : i1 to i32
      %cond3A_211 = arith.constant 0 : i32
      %cond3A_212 = arith.cmpi ne, %convert_element_type3A_210, %cond3A_211 : i32
      scf.if %cond3A_212 {
        %dma_wait3A_512 = arith.constant 5 : i32
        %dma_wait3A_513 = arith.constant 0 : i32
        %dma_wait3A_514 = arith.constant 5 : i32
        %dma_wait3A_515 = arith.constant 0 : i32
        %dma_wait3A_516 = arith.constant 0 : i32
        %dma_wait3A_517 = tpu.memref_slice %arg9[%dma_wait3A_512, %dma_wait3A_515, %dma_wait3A_516] : memref<8x128x16xf32, #tpu.memory_space<vmem>> -> memref<1x128x16xf32, #tpu.memory_space<vmem>>
        %dma_wait3A_518 = tpu.memref_squeeze %dma_wait3A_517 : memref<1x128x16xf32, #tpu.memory_space<vmem>> -> memref<128x16xf32, #tpu.memory_space<vmem>>
        %dma_wait3A_519 = arith.constant 0 : i32
        %dma_wait3A_520 = tpu.memref_slice %arg8[%dma_wait3A_513, %dma_wait3A_519] : memref<152x128xi32, #tpu.memory_space<vmem>> -> memref<1x128xi32, #tpu.memory_space<vmem>>
        %dma_wait3A_521 = tpu.memref_squeeze %dma_wait3A_520 : memref<1x128xi32, #tpu.memory_space<vmem>> -> memref<128xi32, #tpu.memory_space<vmem>>
        %dma_wait3A_522 = arith.constant 0 : i32
        %dma_wait3A_523 = arith.constant 0 : i32
        %dma_wait3A_524 = tpu.memref_slice %arg12[%dma_wait3A_522, %dma_wait3A_523] : memref<10240x16xf32, #tpu.memory_space<vmem_shared>> -> memref<10240x16xf32, #tpu.memory_space<vmem_shared>>
        %dma_wait3A_525 = tpu.memref_slice %arg11[%dma_wait3A_514] : memref<8x!tpu.dma_semaphore, #tpu.memory_space<semaphore_mem>> -> memref<1x!tpu.dma_semaphore, #tpu.memory_space<semaphore_mem>>
        %dma_wait3A_526 = tpu.memref_squeeze %dma_wait3A_525 : memref<1x!tpu.dma_semaphore, #tpu.memory_space<semaphore_mem>> -> memref<!tpu.dma_semaphore, #tpu.memory_space<semaphore_mem>>
        tpu.wait_indirect_dma semaphore(%dma_wait3A_526 : memref<!tpu.dma_semaphore, #tpu.memory_space<semaphore_mem>>) src(%dma_wait3A_518 : memref<128x16xf32, #tpu.memory_space<vmem>>) dst(%dma_wait3A_524 : memref<10240x16xf32, #tpu.memory_space<vmem_shared>>)
      } else {
      }
      %add3A_213 = arith.constant 4 : i32
      %add3A_214 = arith.addi %add3A_207, %add3A_213 : i32
      %lt3A_215 = arith.cmpi slt, %add3A_214, %select_n3A : i32
      %convert_element_type3A_216 = arith.extui %lt3A_215 : i1 to i32
      %cond3A_217 = arith.constant 0 : i32
      %cond3A_218 = arith.cmpi ne, %convert_element_type3A_216, %cond3A_217 : i32
      scf.if %cond3A_218 {
        %add3A_512 = arith.constant 4 : i32
        %add3A_513 = arith.addi %add3A_207, %add3A_512 : i32
        %dma_start3A_514 = arith.constant 5 : i32
        %dma_start3A_515 = arith.constant 5 : i32
        %dma_start3A_516 = arith.constant 0 : i32
        %dma_start3A_517 = arith.constant 0 : i32
        %dma_start3A_518 = tpu.memref_slice %arg9[%dma_start3A_514, %dma_start3A_516, %dma_start3A_517] : memref<8x128x16xf32, #tpu.memory_space<vmem>> -> memref<1x128x16xf32, #tpu.memory_space<vmem>>
        %dma_start3A_519 = tpu.memref_squeeze %dma_start3A_518 : memref<1x128x16xf32, #tpu.memory_space<vmem>> -> memref<128x16xf32, #tpu.memory_space<vmem>>
        %dma_start3A_520 = arith.constant 0 : i32
        %dma_start3A_521 = tpu.memref_slice %arg7[%add3A_513, %dma_start3A_520] : memref<152x128xi32, #tpu.memory_space<vmem>> -> memref<1x128xi32, #tpu.memory_space<vmem>>
        %dma_start3A_522 = tpu.memref_squeeze %dma_start3A_521 : memref<1x128xi32, #tpu.memory_space<vmem>> -> memref<128xi32, #tpu.memory_space<vmem>>
        %dma_start3A_523 = arith.constant 0 : i32
        %dma_start3A_524 = arith.constant 0 : i32
        %dma_start3A_525 = tpu.memref_slice %arg4[%dma_start3A_523, %dma_start3A_524] : memref<10240x16xf32, #tpu.memory_space<hbm>> -> memref<10240x16xf32, #tpu.memory_space<hbm>>
        %dma_start3A_526 = tpu.memref_slice %arg10[%dma_start3A_515] : memref<8x!tpu.dma_semaphore, #tpu.memory_space<semaphore_mem>> -> memref<1x!tpu.dma_semaphore, #tpu.memory_space<semaphore_mem>>
        %dma_start3A_527 = tpu.memref_squeeze %dma_start3A_526 : memref<1x!tpu.dma_semaphore, #tpu.memory_space<semaphore_mem>> -> memref<!tpu.dma_semaphore, #tpu.memory_space<semaphore_mem>>
        tpu.enqueue_indirect_dma source(%dma_start3A_525 : memref<10240x16xf32, #tpu.memory_space<hbm>>) target(%dma_start3A_519 : memref<128x16xf32, #tpu.memory_space<vmem>>) offsets(%dma_start3A_522 : memref<128xi32, #tpu.memory_space<vmem>>) semaphore(%dma_start3A_527 : memref<!tpu.dma_semaphore, #tpu.memory_space<semaphore_mem>>)
      } else {
      }
      %dma_wait3A_219 = arith.constant 0 : i32
      %dma_wait3A_220 = arith.constant 1 : i32
      %dma_wait3A_221 = arith.constant 1 : i32
      %dma_wait3A_222 = arith.constant 0 : i32
      %dma_wait3A_223 = arith.constant 0 : i32
      %dma_wait3A_224 = tpu.memref_slice %arg9[%dma_wait3A_220, %dma_wait3A_222, %dma_wait3A_223] : memref<8x128x16xf32, #tpu.memory_space<vmem>> -> memref<1x128x16xf32, #tpu.memory_space<vmem>>
      %dma_wait3A_225 = tpu.memref_squeeze %dma_wait3A_224 : memref<1x128x16xf32, #tpu.memory_space<vmem>> -> memref<128x16xf32, #tpu.memory_space<vmem>>
      %dma_wait3A_226 = arith.constant 0 : i32
      %dma_wait3A_227 = tpu.memref_slice %arg7[%dma_wait3A_219, %dma_wait3A_226] : memref<152x128xi32, #tpu.memory_space<vmem>> -> memref<1x128xi32, #tpu.memory_space<vmem>>
      %dma_wait3A_228 = tpu.memref_squeeze %dma_wait3A_227 : memref<1x128xi32, #tpu.memory_space<vmem>> -> memref<128xi32, #tpu.memory_space<vmem>>
      %dma_wait3A_229 = arith.constant 0 : i32
      %dma_wait3A_230 = arith.constant 0 : i32
      %dma_wait3A_231 = tpu.memref_slice %arg4[%dma_wait3A_229, %dma_wait3A_230] : memref<10240x16xf32, #tpu.memory_space<hbm>> -> memref<10240x16xf32, #tpu.memory_space<hbm>>
      %dma_wait3A_232 = tpu.memref_slice %arg10[%dma_wait3A_221] : memref<8x!tpu.dma_semaphore, #tpu.memory_space<semaphore_mem>> -> memref<1x!tpu.dma_semaphore, #tpu.memory_space<semaphore_mem>>
      %dma_wait3A_233 = tpu.memref_squeeze %dma_wait3A_232 : memref<1x!tpu.dma_semaphore, #tpu.memory_space<semaphore_mem>> -> memref<!tpu.dma_semaphore, #tpu.memory_space<semaphore_mem>>
      tpu.wait_indirect_dma semaphore(%dma_wait3A_233 : memref<!tpu.dma_semaphore, #tpu.memory_space<semaphore_mem>>) src(%dma_wait3A_231 : memref<10240x16xf32, #tpu.memory_space<hbm>>) dst(%dma_wait3A_225 : memref<128x16xf32, #tpu.memory_space<vmem>>)
      %dma_start3A_234 = arith.constant 1 : i32
      %dma_start3A_235 = arith.constant 1 : i32
      %dma_start3A_236 = arith.constant 0 : i32
      %dma_start3A_237 = arith.constant 0 : i32
      %dma_start3A_238 = tpu.memref_slice %arg9[%dma_start3A_234, %dma_start3A_236, %dma_start3A_237] : memref<8x128x16xf32, #tpu.memory_space<vmem>> -> memref<1x128x16xf32, #tpu.memory_space<vmem>>
      %dma_start3A_239 = tpu.memref_squeeze %dma_start3A_238 : memref<1x128x16xf32, #tpu.memory_space<vmem>> -> memref<128x16xf32, #tpu.memory_space<vmem>>
      %dma_start3A_240 = arith.constant 0 : i32
      %dma_start3A_241 = tpu.memref_slice %arg8[%add3A_207, %dma_start3A_240] : memref<152x128xi32, #tpu.memory_space<vmem>> -> memref<1x128xi32, #tpu.memory_space<vmem>>
      %dma_start3A_242 = tpu.memref_squeeze %dma_start3A_241 : memref<1x128xi32, #tpu.memory_space<vmem>> -> memref<128xi32, #tpu.memory_space<vmem>>
      %dma_start3A_243 = arith.constant 0 : i32
      %dma_start3A_244 = arith.constant 0 : i32
      %dma_start3A_245 = tpu.memref_slice %arg12[%dma_start3A_243, %dma_start3A_244] : memref<10240x16xf32, #tpu.memory_space<vmem_shared>> -> memref<10240x16xf32, #tpu.memory_space<vmem_shared>>
      %dma_start3A_246 = tpu.memref_slice %arg11[%dma_start3A_235] : memref<8x!tpu.dma_semaphore, #tpu.memory_space<semaphore_mem>> -> memref<1x!tpu.dma_semaphore, #tpu.memory_space<semaphore_mem>>
      %dma_start3A_247 = tpu.memref_squeeze %dma_start3A_246 : memref<1x!tpu.dma_semaphore, #tpu.memory_space<semaphore_mem>> -> memref<!tpu.dma_semaphore, #tpu.memory_space<semaphore_mem>>
      tpu.enqueue_indirect_dma source(%dma_start3A_239 : memref<128x16xf32, #tpu.memory_space<vmem>>) target(%dma_start3A_245 : memref<10240x16xf32, #tpu.memory_space<vmem_shared>>) offsets(%dma_start3A_242 : memref<128xi32, #tpu.memory_space<vmem>>) semaphore(%dma_start3A_247 : memref<!tpu.dma_semaphore, #tpu.memory_space<semaphore_mem>>) {add = true}
      %mul3A_248 = arith.constant 8 : i32
      %mul3A_249 = arith.muli %mul3A_248, %while3A_163 : i32
      %add3A_250 = arith.constant 2 : i32
      %add3A_251 = arith.addi %mul3A_249, %add3A_250 : i32
      %ge3A_252 = arith.constant 4 : i32
      %ge3A_253 = arith.cmpi sge, %add3A_251, %ge3A_252 : i32
      %convert_element_type3A_254 = arith.extui %ge3A_253 : i1 to i32
      %cond3A_255 = arith.constant 0 : i32
      %cond3A_256 = arith.cmpi ne, %convert_element_type3A_254, %cond3A_255 : i32
      scf.if %cond3A_256 {
        %dma_wait3A_512 = arith.constant 6 : i32
        %dma_wait3A_513 = arith.constant 0 : i32
        %dma_wait3A_514 = arith.constant 6 : i32
        %dma_wait3A_515 = arith.constant 0 : i32
        %dma_wait3A_516 = arith.constant 0 : i32
        %dma_wait3A_517 = tpu.memref_slice %arg9[%dma_wait3A_512, %dma_wait3A_515, %dma_wait3A_516] : memref<8x128x16xf32, #tpu.memory_space<vmem>> -> memref<1x128x16xf32, #tpu.memory_space<vmem>>
        %dma_wait3A_518 = tpu.memref_squeeze %dma_wait3A_517 : memref<1x128x16xf32, #tpu.memory_space<vmem>> -> memref<128x16xf32, #tpu.memory_space<vmem>>
        %dma_wait3A_519 = arith.constant 0 : i32
        %dma_wait3A_520 = tpu.memref_slice %arg8[%dma_wait3A_513, %dma_wait3A_519] : memref<152x128xi32, #tpu.memory_space<vmem>> -> memref<1x128xi32, #tpu.memory_space<vmem>>
        %dma_wait3A_521 = tpu.memref_squeeze %dma_wait3A_520 : memref<1x128xi32, #tpu.memory_space<vmem>> -> memref<128xi32, #tpu.memory_space<vmem>>
        %dma_wait3A_522 = arith.constant 0 : i32
        %dma_wait3A_523 = arith.constant 0 : i32
        %dma_wait3A_524 = tpu.memref_slice %arg12[%dma_wait3A_522, %dma_wait3A_523] : memref<10240x16xf32, #tpu.memory_space<vmem_shared>> -> memref<10240x16xf32, #tpu.memory_space<vmem_shared>>
        %dma_wait3A_525 = tpu.memref_slice %arg11[%dma_wait3A_514] : memref<8x!tpu.dma_semaphore, #tpu.memory_space<semaphore_mem>> -> memref<1x!tpu.dma_semaphore, #tpu.memory_space<semaphore_mem>>
        %dma_wait3A_526 = tpu.memref_squeeze %dma_wait3A_525 : memref<1x!tpu.dma_semaphore, #tpu.memory_space<semaphore_mem>> -> memref<!tpu.dma_semaphore, #tpu.memory_space<semaphore_mem>>
        tpu.wait_indirect_dma semaphore(%dma_wait3A_526 : memref<!tpu.dma_semaphore, #tpu.memory_space<semaphore_mem>>) src(%dma_wait3A_518 : memref<128x16xf32, #tpu.memory_space<vmem>>) dst(%dma_wait3A_524 : memref<10240x16xf32, #tpu.memory_space<vmem_shared>>)
      } else {
      }
      %add3A_257 = arith.constant 4 : i32
      %add3A_258 = arith.addi %add3A_251, %add3A_257 : i32
      %lt3A_259 = arith.cmpi slt, %add3A_258, %select_n3A : i32
      %convert_element_type3A_260 = arith.extui %lt3A_259 : i1 to i32
      %cond3A_261 = arith.constant 0 : i32
      %cond3A_262 = arith.cmpi ne, %convert_element_type3A_260, %cond3A_261 : i32
      scf.if %cond3A_262 {
        %add3A_512 = arith.constant 4 : i32
        %add3A_513 = arith.addi %add3A_251, %add3A_512 : i32
        %dma_start3A_514 = arith.constant 6 : i32
        %dma_start3A_515 = arith.constant 6 : i32
        %dma_start3A_516 = arith.constant 0 : i32
        %dma_start3A_517 = arith.constant 0 : i32
        %dma_start3A_518 = tpu.memref_slice %arg9[%dma_start3A_514, %dma_start3A_516, %dma_start3A_517] : memref<8x128x16xf32, #tpu.memory_space<vmem>> -> memref<1x128x16xf32, #tpu.memory_space<vmem>>
        %dma_start3A_519 = tpu.memref_squeeze %dma_start3A_518 : memref<1x128x16xf32, #tpu.memory_space<vmem>> -> memref<128x16xf32, #tpu.memory_space<vmem>>
        %dma_start3A_520 = arith.constant 0 : i32
        %dma_start3A_521 = tpu.memref_slice %arg7[%add3A_513, %dma_start3A_520] : memref<152x128xi32, #tpu.memory_space<vmem>> -> memref<1x128xi32, #tpu.memory_space<vmem>>
        %dma_start3A_522 = tpu.memref_squeeze %dma_start3A_521 : memref<1x128xi32, #tpu.memory_space<vmem>> -> memref<128xi32, #tpu.memory_space<vmem>>
        %dma_start3A_523 = arith.constant 0 : i32
        %dma_start3A_524 = arith.constant 0 : i32
        %dma_start3A_525 = tpu.memref_slice %arg4[%dma_start3A_523, %dma_start3A_524] : memref<10240x16xf32, #tpu.memory_space<hbm>> -> memref<10240x16xf32, #tpu.memory_space<hbm>>
        %dma_start3A_526 = tpu.memref_slice %arg10[%dma_start3A_515] : memref<8x!tpu.dma_semaphore, #tpu.memory_space<semaphore_mem>> -> memref<1x!tpu.dma_semaphore, #tpu.memory_space<semaphore_mem>>
        %dma_start3A_527 = tpu.memref_squeeze %dma_start3A_526 : memref<1x!tpu.dma_semaphore, #tpu.memory_space<semaphore_mem>> -> memref<!tpu.dma_semaphore, #tpu.memory_space<semaphore_mem>>
        tpu.enqueue_indirect_dma source(%dma_start3A_525 : memref<10240x16xf32, #tpu.memory_space<hbm>>) target(%dma_start3A_519 : memref<128x16xf32, #tpu.memory_space<vmem>>) offsets(%dma_start3A_522 : memref<128xi32, #tpu.memory_space<vmem>>) semaphore(%dma_start3A_527 : memref<!tpu.dma_semaphore, #tpu.memory_space<semaphore_mem>>)
      } else {
      }
      %dma_wait3A_263 = arith.constant 0 : i32
      %dma_wait3A_264 = arith.constant 2 : i32
      %dma_wait3A_265 = arith.constant 2 : i32
      %dma_wait3A_266 = arith.constant 0 : i32
      %dma_wait3A_267 = arith.constant 0 : i32
      %dma_wait3A_268 = tpu.memref_slice %arg9[%dma_wait3A_264, %dma_wait3A_266, %dma_wait3A_267] : memref<8x128x16xf32, #tpu.memory_space<vmem>> -> memref<1x128x16xf32, #tpu.memory_space<vmem>>
      %dma_wait3A_269 = tpu.memref_squeeze %dma_wait3A_268 : memref<1x128x16xf32, #tpu.memory_space<vmem>> -> memref<128x16xf32, #tpu.memory_space<vmem>>
      %dma_wait3A_270 = arith.constant 0 : i32
      %dma_wait3A_271 = tpu.memref_slice %arg7[%dma_wait3A_263, %dma_wait3A_270] : memref<152x128xi32, #tpu.memory_space<vmem>> -> memref<1x128xi32, #tpu.memory_space<vmem>>
      %dma_wait3A_272 = tpu.memref_squeeze %dma_wait3A_271 : memref<1x128xi32, #tpu.memory_space<vmem>> -> memref<128xi32, #tpu.memory_space<vmem>>
      %dma_wait3A_273 = arith.constant 0 : i32
      %dma_wait3A_274 = arith.constant 0 : i32
      %dma_wait3A_275 = tpu.memref_slice %arg4[%dma_wait3A_273, %dma_wait3A_274] : memref<10240x16xf32, #tpu.memory_space<hbm>> -> memref<10240x16xf32, #tpu.memory_space<hbm>>
      %dma_wait3A_276 = tpu.memref_slice %arg10[%dma_wait3A_265] : memref<8x!tpu.dma_semaphore, #tpu.memory_space<semaphore_mem>> -> memref<1x!tpu.dma_semaphore, #tpu.memory_space<semaphore_mem>>
      %dma_wait3A_277 = tpu.memref_squeeze %dma_wait3A_276 : memref<1x!tpu.dma_semaphore, #tpu.memory_space<semaphore_mem>> -> memref<!tpu.dma_semaphore, #tpu.memory_space<semaphore_mem>>
      tpu.wait_indirect_dma semaphore(%dma_wait3A_277 : memref<!tpu.dma_semaphore, #tpu.memory_space<semaphore_mem>>) src(%dma_wait3A_275 : memref<10240x16xf32, #tpu.memory_space<hbm>>) dst(%dma_wait3A_269 : memref<128x16xf32, #tpu.memory_space<vmem>>)
      %dma_start3A_278 = arith.constant 2 : i32
      %dma_start3A_279 = arith.constant 2 : i32
      %dma_start3A_280 = arith.constant 0 : i32
      %dma_start3A_281 = arith.constant 0 : i32
      %dma_start3A_282 = tpu.memref_slice %arg9[%dma_start3A_278, %dma_start3A_280, %dma_start3A_281] : memref<8x128x16xf32, #tpu.memory_space<vmem>> -> memref<1x128x16xf32, #tpu.memory_space<vmem>>
      %dma_start3A_283 = tpu.memref_squeeze %dma_start3A_282 : memref<1x128x16xf32, #tpu.memory_space<vmem>> -> memref<128x16xf32, #tpu.memory_space<vmem>>
      %dma_start3A_284 = arith.constant 0 : i32
      %dma_start3A_285 = tpu.memref_slice %arg8[%add3A_251, %dma_start3A_284] : memref<152x128xi32, #tpu.memory_space<vmem>> -> memref<1x128xi32, #tpu.memory_space<vmem>>
      %dma_start3A_286 = tpu.memref_squeeze %dma_start3A_285 : memref<1x128xi32, #tpu.memory_space<vmem>> -> memref<128xi32, #tpu.memory_space<vmem>>
      %dma_start3A_287 = arith.constant 0 : i32
      %dma_start3A_288 = arith.constant 0 : i32
      %dma_start3A_289 = tpu.memref_slice %arg12[%dma_start3A_287, %dma_start3A_288] : memref<10240x16xf32, #tpu.memory_space<vmem_shared>> -> memref<10240x16xf32, #tpu.memory_space<vmem_shared>>
      %dma_start3A_290 = tpu.memref_slice %arg11[%dma_start3A_279] : memref<8x!tpu.dma_semaphore, #tpu.memory_space<semaphore_mem>> -> memref<1x!tpu.dma_semaphore, #tpu.memory_space<semaphore_mem>>
      %dma_start3A_291 = tpu.memref_squeeze %dma_start3A_290 : memref<1x!tpu.dma_semaphore, #tpu.memory_space<semaphore_mem>> -> memref<!tpu.dma_semaphore, #tpu.memory_space<semaphore_mem>>
      tpu.enqueue_indirect_dma source(%dma_start3A_283 : memref<128x16xf32, #tpu.memory_space<vmem>>) target(%dma_start3A_289 : memref<10240x16xf32, #tpu.memory_space<vmem_shared>>) offsets(%dma_start3A_286 : memref<128xi32, #tpu.memory_space<vmem>>) semaphore(%dma_start3A_291 : memref<!tpu.dma_semaphore, #tpu.memory_space<semaphore_mem>>) {add = true}
      %mul3A_292 = arith.constant 8 : i32
      %mul3A_293 = arith.muli %mul3A_292, %while3A_163 : i32
      %add3A_294 = arith.constant 3 : i32
      %add3A_295 = arith.addi %mul3A_293, %add3A_294 : i32
      %ge3A_296 = arith.constant 4 : i32
      %ge3A_297 = arith.cmpi sge, %add3A_295, %ge3A_296 : i32
      %convert_element_type3A_298 = arith.extui %ge3A_297 : i1 to i32
      %cond3A_299 = arith.constant 0 : i32
      %cond3A_300 = arith.cmpi ne, %convert_element_type3A_298, %cond3A_299 : i32
      scf.if %cond3A_300 {
        %dma_wait3A_512 = arith.constant 7 : i32
        %dma_wait3A_513 = arith.constant 0 : i32
        %dma_wait3A_514 = arith.constant 7 : i32
        %dma_wait3A_515 = arith.constant 0 : i32
        %dma_wait3A_516 = arith.constant 0 : i32
        %dma_wait3A_517 = tpu.memref_slice %arg9[%dma_wait3A_512, %dma_wait3A_515, %dma_wait3A_516] : memref<8x128x16xf32, #tpu.memory_space<vmem>> -> memref<1x128x16xf32, #tpu.memory_space<vmem>>
        %dma_wait3A_518 = tpu.memref_squeeze %dma_wait3A_517 : memref<1x128x16xf32, #tpu.memory_space<vmem>> -> memref<128x16xf32, #tpu.memory_space<vmem>>
        %dma_wait3A_519 = arith.constant 0 : i32
        %dma_wait3A_520 = tpu.memref_slice %arg8[%dma_wait3A_513, %dma_wait3A_519] : memref<152x128xi32, #tpu.memory_space<vmem>> -> memref<1x128xi32, #tpu.memory_space<vmem>>
        %dma_wait3A_521 = tpu.memref_squeeze %dma_wait3A_520 : memref<1x128xi32, #tpu.memory_space<vmem>> -> memref<128xi32, #tpu.memory_space<vmem>>
        %dma_wait3A_522 = arith.constant 0 : i32
        %dma_wait3A_523 = arith.constant 0 : i32
        %dma_wait3A_524 = tpu.memref_slice %arg12[%dma_wait3A_522, %dma_wait3A_523] : memref<10240x16xf32, #tpu.memory_space<vmem_shared>> -> memref<10240x16xf32, #tpu.memory_space<vmem_shared>>
        %dma_wait3A_525 = tpu.memref_slice %arg11[%dma_wait3A_514] : memref<8x!tpu.dma_semaphore, #tpu.memory_space<semaphore_mem>> -> memref<1x!tpu.dma_semaphore, #tpu.memory_space<semaphore_mem>>
        %dma_wait3A_526 = tpu.memref_squeeze %dma_wait3A_525 : memref<1x!tpu.dma_semaphore, #tpu.memory_space<semaphore_mem>> -> memref<!tpu.dma_semaphore, #tpu.memory_space<semaphore_mem>>
        tpu.wait_indirect_dma semaphore(%dma_wait3A_526 : memref<!tpu.dma_semaphore, #tpu.memory_space<semaphore_mem>>) src(%dma_wait3A_518 : memref<128x16xf32, #tpu.memory_space<vmem>>) dst(%dma_wait3A_524 : memref<10240x16xf32, #tpu.memory_space<vmem_shared>>)
      } else {
      }
      %add3A_301 = arith.constant 4 : i32
      %add3A_302 = arith.addi %add3A_295, %add3A_301 : i32
      %lt3A_303 = arith.cmpi slt, %add3A_302, %select_n3A : i32
      %convert_element_type3A_304 = arith.extui %lt3A_303 : i1 to i32
      %cond3A_305 = arith.constant 0 : i32
      %cond3A_306 = arith.cmpi ne, %convert_element_type3A_304, %cond3A_305 : i32
      scf.if %cond3A_306 {
        %add3A_512 = arith.constant 4 : i32
        %add3A_513 = arith.addi %add3A_295, %add3A_512 : i32
        %dma_start3A_514 = arith.constant 7 : i32
        %dma_start3A_515 = arith.constant 7 : i32
        %dma_start3A_516 = arith.constant 0 : i32
        %dma_start3A_517 = arith.constant 0 : i32
        %dma_start3A_518 = tpu.memref_slice %arg9[%dma_start3A_514, %dma_start3A_516, %dma_start3A_517] : memref<8x128x16xf32, #tpu.memory_space<vmem>> -> memref<1x128x16xf32, #tpu.memory_space<vmem>>
        %dma_start3A_519 = tpu.memref_squeeze %dma_start3A_518 : memref<1x128x16xf32, #tpu.memory_space<vmem>> -> memref<128x16xf32, #tpu.memory_space<vmem>>
        %dma_start3A_520 = arith.constant 0 : i32
        %dma_start3A_521 = tpu.memref_slice %arg7[%add3A_513, %dma_start3A_520] : memref<152x128xi32, #tpu.memory_space<vmem>> -> memref<1x128xi32, #tpu.memory_space<vmem>>
        %dma_start3A_522 = tpu.memref_squeeze %dma_start3A_521 : memref<1x128xi32, #tpu.memory_space<vmem>> -> memref<128xi32, #tpu.memory_space<vmem>>
        %dma_start3A_523 = arith.constant 0 : i32
        %dma_start3A_524 = arith.constant 0 : i32
        %dma_start3A_525 = tpu.memref_slice %arg4[%dma_start3A_523, %dma_start3A_524] : memref<10240x16xf32, #tpu.memory_space<hbm>> -> memref<10240x16xf32, #tpu.memory_space<hbm>>
        %dma_start3A_526 = tpu.memref_slice %arg10[%dma_start3A_515] : memref<8x!tpu.dma_semaphore, #tpu.memory_space<semaphore_mem>> -> memref<1x!tpu.dma_semaphore, #tpu.memory_space<semaphore_mem>>
        %dma_start3A_527 = tpu.memref_squeeze %dma_start3A_526 : memref<1x!tpu.dma_semaphore, #tpu.memory_space<semaphore_mem>> -> memref<!tpu.dma_semaphore, #tpu.memory_space<semaphore_mem>>
        tpu.enqueue_indirect_dma source(%dma_start3A_525 : memref<10240x16xf32, #tpu.memory_space<hbm>>) target(%dma_start3A_519 : memref<128x16xf32, #tpu.memory_space<vmem>>) offsets(%dma_start3A_522 : memref<128xi32, #tpu.memory_space<vmem>>) semaphore(%dma_start3A_527 : memref<!tpu.dma_semaphore, #tpu.memory_space<semaphore_mem>>)
      } else {
      }
      %dma_wait3A_307 = arith.constant 0 : i32
      %dma_wait3A_308 = arith.constant 3 : i32
      %dma_wait3A_309 = arith.constant 3 : i32
      %dma_wait3A_310 = arith.constant 0 : i32
      %dma_wait3A_311 = arith.constant 0 : i32
      %dma_wait3A_312 = tpu.memref_slice %arg9[%dma_wait3A_308, %dma_wait3A_310, %dma_wait3A_311] : memref<8x128x16xf32, #tpu.memory_space<vmem>> -> memref<1x128x16xf32, #tpu.memory_space<vmem>>
      %dma_wait3A_313 = tpu.memref_squeeze %dma_wait3A_312 : memref<1x128x16xf32, #tpu.memory_space<vmem>> -> memref<128x16xf32, #tpu.memory_space<vmem>>
      %dma_wait3A_314 = arith.constant 0 : i32
      %dma_wait3A_315 = tpu.memref_slice %arg7[%dma_wait3A_307, %dma_wait3A_314] : memref<152x128xi32, #tpu.memory_space<vmem>> -> memref<1x128xi32, #tpu.memory_space<vmem>>
      %dma_wait3A_316 = tpu.memref_squeeze %dma_wait3A_315 : memref<1x128xi32, #tpu.memory_space<vmem>> -> memref<128xi32, #tpu.memory_space<vmem>>
      %dma_wait3A_317 = arith.constant 0 : i32
      %dma_wait3A_318 = arith.constant 0 : i32
      %dma_wait3A_319 = tpu.memref_slice %arg4[%dma_wait3A_317, %dma_wait3A_318] : memref<10240x16xf32, #tpu.memory_space<hbm>> -> memref<10240x16xf32, #tpu.memory_space<hbm>>
      %dma_wait3A_320 = tpu.memref_slice %arg10[%dma_wait3A_309] : memref<8x!tpu.dma_semaphore, #tpu.memory_space<semaphore_mem>> -> memref<1x!tpu.dma_semaphore, #tpu.memory_space<semaphore_mem>>
      %dma_wait3A_321 = tpu.memref_squeeze %dma_wait3A_320 : memref<1x!tpu.dma_semaphore, #tpu.memory_space<semaphore_mem>> -> memref<!tpu.dma_semaphore, #tpu.memory_space<semaphore_mem>>
      tpu.wait_indirect_dma semaphore(%dma_wait3A_321 : memref<!tpu.dma_semaphore, #tpu.memory_space<semaphore_mem>>) src(%dma_wait3A_319 : memref<10240x16xf32, #tpu.memory_space<hbm>>) dst(%dma_wait3A_313 : memref<128x16xf32, #tpu.memory_space<vmem>>)
      %dma_start3A_322 = arith.constant 3 : i32
      %dma_start3A_323 = arith.constant 3 : i32
      %dma_start3A_324 = arith.constant 0 : i32
      %dma_start3A_325 = arith.constant 0 : i32
      %dma_start3A_326 = tpu.memref_slice %arg9[%dma_start3A_322, %dma_start3A_324, %dma_start3A_325] : memref<8x128x16xf32, #tpu.memory_space<vmem>> -> memref<1x128x16xf32, #tpu.memory_space<vmem>>
      %dma_start3A_327 = tpu.memref_squeeze %dma_start3A_326 : memref<1x128x16xf32, #tpu.memory_space<vmem>> -> memref<128x16xf32, #tpu.memory_space<vmem>>
      %dma_start3A_328 = arith.constant 0 : i32
      %dma_start3A_329 = tpu.memref_slice %arg8[%add3A_295, %dma_start3A_328] : memref<152x128xi32, #tpu.memory_space<vmem>> -> memref<1x128xi32, #tpu.memory_space<vmem>>
      %dma_start3A_330 = tpu.memref_squeeze %dma_start3A_329 : memref<1x128xi32, #tpu.memory_space<vmem>> -> memref<128xi32, #tpu.memory_space<vmem>>
      %dma_start3A_331 = arith.constant 0 : i32
      %dma_start3A_332 = arith.constant 0 : i32
      %dma_start3A_333 = tpu.memref_slice %arg12[%dma_start3A_331, %dma_start3A_332] : memref<10240x16xf32, #tpu.memory_space<vmem_shared>> -> memref<10240x16xf32, #tpu.memory_space<vmem_shared>>
      %dma_start3A_334 = tpu.memref_slice %arg11[%dma_start3A_323] : memref<8x!tpu.dma_semaphore, #tpu.memory_space<semaphore_mem>> -> memref<1x!tpu.dma_semaphore, #tpu.memory_space<semaphore_mem>>
      %dma_start3A_335 = tpu.memref_squeeze %dma_start3A_334 : memref<1x!tpu.dma_semaphore, #tpu.memory_space<semaphore_mem>> -> memref<!tpu.dma_semaphore, #tpu.memory_space<semaphore_mem>>
      tpu.enqueue_indirect_dma source(%dma_start3A_327 : memref<128x16xf32, #tpu.memory_space<vmem>>) target(%dma_start3A_333 : memref<10240x16xf32, #tpu.memory_space<vmem_shared>>) offsets(%dma_start3A_330 : memref<128xi32, #tpu.memory_space<vmem>>) semaphore(%dma_start3A_335 : memref<!tpu.dma_semaphore, #tpu.memory_space<semaphore_mem>>) {add = true}
      %mul3A_336 = arith.constant 8 : i32
      %mul3A_337 = arith.muli %mul3A_336, %while3A_163 : i32
      %add3A_338 = arith.constant 4 : i32
      %add3A_339 = arith.addi %mul3A_337, %add3A_338 : i32
      %ge3A_340 = arith.constant 4 : i32
      %ge3A_341 = arith.cmpi sge, %add3A_339, %ge3A_340 : i32
      %convert_element_type3A_342 = arith.extui %ge3A_341 : i1 to i32
      %cond3A_343 = arith.constant 0 : i32
      %cond3A_344 = arith.cmpi ne, %convert_element_type3A_342, %cond3A_343 : i32
      scf.if %cond3A_344 {
        %dma_wait3A_512 = arith.constant 0 : i32
        %dma_wait3A_513 = arith.constant 0 : i32
        %dma_wait3A_514 = arith.constant 0 : i32
        %dma_wait3A_515 = arith.constant 0 : i32
        %dma_wait3A_516 = arith.constant 0 : i32
        %dma_wait3A_517 = tpu.memref_slice %arg9[%dma_wait3A_512, %dma_wait3A_515, %dma_wait3A_516] : memref<8x128x16xf32, #tpu.memory_space<vmem>> -> memref<1x128x16xf32, #tpu.memory_space<vmem>>
        %dma_wait3A_518 = tpu.memref_squeeze %dma_wait3A_517 : memref<1x128x16xf32, #tpu.memory_space<vmem>> -> memref<128x16xf32, #tpu.memory_space<vmem>>
        %dma_wait3A_519 = arith.constant 0 : i32
        %dma_wait3A_520 = tpu.memref_slice %arg8[%dma_wait3A_513, %dma_wait3A_519] : memref<152x128xi32, #tpu.memory_space<vmem>> -> memref<1x128xi32, #tpu.memory_space<vmem>>
        %dma_wait3A_521 = tpu.memref_squeeze %dma_wait3A_520 : memref<1x128xi32, #tpu.memory_space<vmem>> -> memref<128xi32, #tpu.memory_space<vmem>>
        %dma_wait3A_522 = arith.constant 0 : i32
        %dma_wait3A_523 = arith.constant 0 : i32
        %dma_wait3A_524 = tpu.memref_slice %arg12[%dma_wait3A_522, %dma_wait3A_523] : memref<10240x16xf32, #tpu.memory_space<vmem_shared>> -> memref<10240x16xf32, #tpu.memory_space<vmem_shared>>
        %dma_wait3A_525 = tpu.memref_slice %arg11[%dma_wait3A_514] : memref<8x!tpu.dma_semaphore, #tpu.memory_space<semaphore_mem>> -> memref<1x!tpu.dma_semaphore, #tpu.memory_space<semaphore_mem>>
        %dma_wait3A_526 = tpu.memref_squeeze %dma_wait3A_525 : memref<1x!tpu.dma_semaphore, #tpu.memory_space<semaphore_mem>> -> memref<!tpu.dma_semaphore, #tpu.memory_space<semaphore_mem>>
        tpu.wait_indirect_dma semaphore(%dma_wait3A_526 : memref<!tpu.dma_semaphore, #tpu.memory_space<semaphore_mem>>) src(%dma_wait3A_518 : memref<128x16xf32, #tpu.memory_space<vmem>>) dst(%dma_wait3A_524 : memref<10240x16xf32, #tpu.memory_space<vmem_shared>>)
      } else {
      }
      %add3A_345 = arith.constant 4 : i32
      %add3A_346 = arith.addi %add3A_339, %add3A_345 : i32
      %lt3A_347 = arith.cmpi slt, %add3A_346, %select_n3A : i32
      %convert_element_type3A_348 = arith.extui %lt3A_347 : i1 to i32
      %cond3A_349 = arith.constant 0 : i32
      %cond3A_350 = arith.cmpi ne, %convert_element_type3A_348, %cond3A_349 : i32
      scf.if %cond3A_350 {
        %add3A_512 = arith.constant 4 : i32
        %add3A_513 = arith.addi %add3A_339, %add3A_512 : i32
        %dma_start3A_514 = arith.constant 0 : i32
        %dma_start3A_515 = arith.constant 0 : i32
        %dma_start3A_516 = arith.constant 0 : i32
        %dma_start3A_517 = arith.constant 0 : i32
        %dma_start3A_518 = tpu.memref_slice %arg9[%dma_start3A_514, %dma_start3A_516, %dma_start3A_517] : memref<8x128x16xf32, #tpu.memory_space<vmem>> -> memref<1x128x16xf32, #tpu.memory_space<vmem>>
        %dma_start3A_519 = tpu.memref_squeeze %dma_start3A_518 : memref<1x128x16xf32, #tpu.memory_space<vmem>> -> memref<128x16xf32, #tpu.memory_space<vmem>>
        %dma_start3A_520 = arith.constant 0 : i32
        %dma_start3A_521 = tpu.memref_slice %arg7[%add3A_513, %dma_start3A_520] : memref<152x128xi32, #tpu.memory_space<vmem>> -> memref<1x128xi32, #tpu.memory_space<vmem>>
        %dma_start3A_522 = tpu.memref_squeeze %dma_start3A_521 : memref<1x128xi32, #tpu.memory_space<vmem>> -> memref<128xi32, #tpu.memory_space<vmem>>
        %dma_start3A_523 = arith.constant 0 : i32
        %dma_start3A_524 = arith.constant 0 : i32
        %dma_start3A_525 = tpu.memref_slice %arg4[%dma_start3A_523, %dma_start3A_524] : memref<10240x16xf32, #tpu.memory_space<hbm>> -> memref<10240x16xf32, #tpu.memory_space<hbm>>
        %dma_start3A_526 = tpu.memref_slice %arg10[%dma_start3A_515] : memref<8x!tpu.dma_semaphore, #tpu.memory_space<semaphore_mem>> -> memref<1x!tpu.dma_semaphore, #tpu.memory_space<semaphore_mem>>
        %dma_start3A_527 = tpu.memref_squeeze %dma_start3A_526 : memref<1x!tpu.dma_semaphore, #tpu.memory_space<semaphore_mem>> -> memref<!tpu.dma_semaphore, #tpu.memory_space<semaphore_mem>>
        tpu.enqueue_indirect_dma source(%dma_start3A_525 : memref<10240x16xf32, #tpu.memory_space<hbm>>) target(%dma_start3A_519 : memref<128x16xf32, #tpu.memory_space<vmem>>) offsets(%dma_start3A_522 : memref<128xi32, #tpu.memory_space<vmem>>) semaphore(%dma_start3A_527 : memref<!tpu.dma_semaphore, #tpu.memory_space<semaphore_mem>>)
      } else {
      }
      %dma_wait3A_351 = arith.constant 0 : i32
      %dma_wait3A_352 = arith.constant 4 : i32
      %dma_wait3A_353 = arith.constant 4 : i32
      %dma_wait3A_354 = arith.constant 0 : i32
      %dma_wait3A_355 = arith.constant 0 : i32
      %dma_wait3A_356 = tpu.memref_slice %arg9[%dma_wait3A_352, %dma_wait3A_354, %dma_wait3A_355] : memref<8x128x16xf32, #tpu.memory_space<vmem>> -> memref<1x128x16xf32, #tpu.memory_space<vmem>>
      %dma_wait3A_357 = tpu.memref_squeeze %dma_wait3A_356 : memref<1x128x16xf32, #tpu.memory_space<vmem>> -> memref<128x16xf32, #tpu.memory_space<vmem>>
      %dma_wait3A_358 = arith.constant 0 : i32
      %dma_wait3A_359 = tpu.memref_slice %arg7[%dma_wait3A_351, %dma_wait3A_358] : memref<152x128xi32, #tpu.memory_space<vmem>> -> memref<1x128xi32, #tpu.memory_space<vmem>>
      %dma_wait3A_360 = tpu.memref_squeeze %dma_wait3A_359 : memref<1x128xi32, #tpu.memory_space<vmem>> -> memref<128xi32, #tpu.memory_space<vmem>>
      %dma_wait3A_361 = arith.constant 0 : i32
      %dma_wait3A_362 = arith.constant 0 : i32
      %dma_wait3A_363 = tpu.memref_slice %arg4[%dma_wait3A_361, %dma_wait3A_362] : memref<10240x16xf32, #tpu.memory_space<hbm>> -> memref<10240x16xf32, #tpu.memory_space<hbm>>
      %dma_wait3A_364 = tpu.memref_slice %arg10[%dma_wait3A_353] : memref<8x!tpu.dma_semaphore, #tpu.memory_space<semaphore_mem>> -> memref<1x!tpu.dma_semaphore, #tpu.memory_space<semaphore_mem>>
      %dma_wait3A_365 = tpu.memref_squeeze %dma_wait3A_364 : memref<1x!tpu.dma_semaphore, #tpu.memory_space<semaphore_mem>> -> memref<!tpu.dma_semaphore, #tpu.memory_space<semaphore_mem>>
      tpu.wait_indirect_dma semaphore(%dma_wait3A_365 : memref<!tpu.dma_semaphore, #tpu.memory_space<semaphore_mem>>) src(%dma_wait3A_363 : memref<10240x16xf32, #tpu.memory_space<hbm>>) dst(%dma_wait3A_357 : memref<128x16xf32, #tpu.memory_space<vmem>>)
      %dma_start3A_366 = arith.constant 4 : i32
      %dma_start3A_367 = arith.constant 4 : i32
      %dma_start3A_368 = arith.constant 0 : i32
      %dma_start3A_369 = arith.constant 0 : i32
      %dma_start3A_370 = tpu.memref_slice %arg9[%dma_start3A_366, %dma_start3A_368, %dma_start3A_369] : memref<8x128x16xf32, #tpu.memory_space<vmem>> -> memref<1x128x16xf32, #tpu.memory_space<vmem>>
      %dma_start3A_371 = tpu.memref_squeeze %dma_start3A_370 : memref<1x128x16xf32, #tpu.memory_space<vmem>> -> memref<128x16xf32, #tpu.memory_space<vmem>>
      %dma_start3A_372 = arith.constant 0 : i32
      %dma_start3A_373 = tpu.memref_slice %arg8[%add3A_339, %dma_start3A_372] : memref<152x128xi32, #tpu.memory_space<vmem>> -> memref<1x128xi32, #tpu.memory_space<vmem>>
      %dma_start3A_374 = tpu.memref_squeeze %dma_start3A_373 : memref<1x128xi32, #tpu.memory_space<vmem>> -> memref<128xi32, #tpu.memory_space<vmem>>
      %dma_start3A_375 = arith.constant 0 : i32
      %dma_start3A_376 = arith.constant 0 : i32
      %dma_start3A_377 = tpu.memref_slice %arg12[%dma_start3A_375, %dma_start3A_376] : memref<10240x16xf32, #tpu.memory_space<vmem_shared>> -> memref<10240x16xf32, #tpu.memory_space<vmem_shared>>
      %dma_start3A_378 = tpu.memref_slice %arg11[%dma_start3A_367] : memref<8x!tpu.dma_semaphore, #tpu.memory_space<semaphore_mem>> -> memref<1x!tpu.dma_semaphore, #tpu.memory_space<semaphore_mem>>
      %dma_start3A_379 = tpu.memref_squeeze %dma_start3A_378 : memref<1x!tpu.dma_semaphore, #tpu.memory_space<semaphore_mem>> -> memref<!tpu.dma_semaphore, #tpu.memory_space<semaphore_mem>>
      tpu.enqueue_indirect_dma source(%dma_start3A_371 : memref<128x16xf32, #tpu.memory_space<vmem>>) target(%dma_start3A_377 : memref<10240x16xf32, #tpu.memory_space<vmem_shared>>) offsets(%dma_start3A_374 : memref<128xi32, #tpu.memory_space<vmem>>) semaphore(%dma_start3A_379 : memref<!tpu.dma_semaphore, #tpu.memory_space<semaphore_mem>>) {add = true}
      %mul3A_380 = arith.constant 8 : i32
      %mul3A_381 = arith.muli %mul3A_380, %while3A_163 : i32
      %add3A_382 = arith.constant 5 : i32
      %add3A_383 = arith.addi %mul3A_381, %add3A_382 : i32
      %ge3A_384 = arith.constant 4 : i32
      %ge3A_385 = arith.cmpi sge, %add3A_383, %ge3A_384 : i32
      %convert_element_type3A_386 = arith.extui %ge3A_385 : i1 to i32
      %cond3A_387 = arith.constant 0 : i32
      %cond3A_388 = arith.cmpi ne, %convert_element_type3A_386, %cond3A_387 : i32
      scf.if %cond3A_388 {
        %dma_wait3A_512 = arith.constant 1 : i32
        %dma_wait3A_513 = arith.constant 0 : i32
        %dma_wait3A_514 = arith.constant 1 : i32
        %dma_wait3A_515 = arith.constant 0 : i32
        %dma_wait3A_516 = arith.constant 0 : i32
        %dma_wait3A_517 = tpu.memref_slice %arg9[%dma_wait3A_512, %dma_wait3A_515, %dma_wait3A_516] : memref<8x128x16xf32, #tpu.memory_space<vmem>> -> memref<1x128x16xf32, #tpu.memory_space<vmem>>
        %dma_wait3A_518 = tpu.memref_squeeze %dma_wait3A_517 : memref<1x128x16xf32, #tpu.memory_space<vmem>> -> memref<128x16xf32, #tpu.memory_space<vmem>>
        %dma_wait3A_519 = arith.constant 0 : i32
        %dma_wait3A_520 = tpu.memref_slice %arg8[%dma_wait3A_513, %dma_wait3A_519] : memref<152x128xi32, #tpu.memory_space<vmem>> -> memref<1x128xi32, #tpu.memory_space<vmem>>
        %dma_wait3A_521 = tpu.memref_squeeze %dma_wait3A_520 : memref<1x128xi32, #tpu.memory_space<vmem>> -> memref<128xi32, #tpu.memory_space<vmem>>
        %dma_wait3A_522 = arith.constant 0 : i32
        %dma_wait3A_523 = arith.constant 0 : i32
        %dma_wait3A_524 = tpu.memref_slice %arg12[%dma_wait3A_522, %dma_wait3A_523] : memref<10240x16xf32, #tpu.memory_space<vmem_shared>> -> memref<10240x16xf32, #tpu.memory_space<vmem_shared>>
        %dma_wait3A_525 = tpu.memref_slice %arg11[%dma_wait3A_514] : memref<8x!tpu.dma_semaphore, #tpu.memory_space<semaphore_mem>> -> memref<1x!tpu.dma_semaphore, #tpu.memory_space<semaphore_mem>>
        %dma_wait3A_526 = tpu.memref_squeeze %dma_wait3A_525 : memref<1x!tpu.dma_semaphore, #tpu.memory_space<semaphore_mem>> -> memref<!tpu.dma_semaphore, #tpu.memory_space<semaphore_mem>>
        tpu.wait_indirect_dma semaphore(%dma_wait3A_526 : memref<!tpu.dma_semaphore, #tpu.memory_space<semaphore_mem>>) src(%dma_wait3A_518 : memref<128x16xf32, #tpu.memory_space<vmem>>) dst(%dma_wait3A_524 : memref<10240x16xf32, #tpu.memory_space<vmem_shared>>)
      } else {
      }
      %add3A_389 = arith.constant 4 : i32
      %add3A_390 = arith.addi %add3A_383, %add3A_389 : i32
      %lt3A_391 = arith.cmpi slt, %add3A_390, %select_n3A : i32
      %convert_element_type3A_392 = arith.extui %lt3A_391 : i1 to i32
      %cond3A_393 = arith.constant 0 : i32
      %cond3A_394 = arith.cmpi ne, %convert_element_type3A_392, %cond3A_393 : i32
      scf.if %cond3A_394 {
        %add3A_512 = arith.constant 4 : i32
        %add3A_513 = arith.addi %add3A_383, %add3A_512 : i32
        %dma_start3A_514 = arith.constant 1 : i32
        %dma_start3A_515 = arith.constant 1 : i32
        %dma_start3A_516 = arith.constant 0 : i32
        %dma_start3A_517 = arith.constant 0 : i32
        %dma_start3A_518 = tpu.memref_slice %arg9[%dma_start3A_514, %dma_start3A_516, %dma_start3A_517] : memref<8x128x16xf32, #tpu.memory_space<vmem>> -> memref<1x128x16xf32, #tpu.memory_space<vmem>>
        %dma_start3A_519 = tpu.memref_squeeze %dma_start3A_518 : memref<1x128x16xf32, #tpu.memory_space<vmem>> -> memref<128x16xf32, #tpu.memory_space<vmem>>
        %dma_start3A_520 = arith.constant 0 : i32
        %dma_start3A_521 = tpu.memref_slice %arg7[%add3A_513, %dma_start3A_520] : memref<152x128xi32, #tpu.memory_space<vmem>> -> memref<1x128xi32, #tpu.memory_space<vmem>>
        %dma_start3A_522 = tpu.memref_squeeze %dma_start3A_521 : memref<1x128xi32, #tpu.memory_space<vmem>> -> memref<128xi32, #tpu.memory_space<vmem>>
        %dma_start3A_523 = arith.constant 0 : i32
        %dma_start3A_524 = arith.constant 0 : i32
        %dma_start3A_525 = tpu.memref_slice %arg4[%dma_start3A_523, %dma_start3A_524] : memref<10240x16xf32, #tpu.memory_space<hbm>> -> memref<10240x16xf32, #tpu.memory_space<hbm>>
        %dma_start3A_526 = tpu.memref_slice %arg10[%dma_start3A_515] : memref<8x!tpu.dma_semaphore, #tpu.memory_space<semaphore_mem>> -> memref<1x!tpu.dma_semaphore, #tpu.memory_space<semaphore_mem>>
        %dma_start3A_527 = tpu.memref_squeeze %dma_start3A_526 : memref<1x!tpu.dma_semaphore, #tpu.memory_space<semaphore_mem>> -> memref<!tpu.dma_semaphore, #tpu.memory_space<semaphore_mem>>
        tpu.enqueue_indirect_dma source(%dma_start3A_525 : memref<10240x16xf32, #tpu.memory_space<hbm>>) target(%dma_start3A_519 : memref<128x16xf32, #tpu.memory_space<vmem>>) offsets(%dma_start3A_522 : memref<128xi32, #tpu.memory_space<vmem>>) semaphore(%dma_start3A_527 : memref<!tpu.dma_semaphore, #tpu.memory_space<semaphore_mem>>)
      } else {
      }
      %dma_wait3A_395 = arith.constant 0 : i32
      %dma_wait3A_396 = arith.constant 5 : i32
      %dma_wait3A_397 = arith.constant 5 : i32
      %dma_wait3A_398 = arith.constant 0 : i32
      %dma_wait3A_399 = arith.constant 0 : i32
      %dma_wait3A_400 = tpu.memref_slice %arg9[%dma_wait3A_396, %dma_wait3A_398, %dma_wait3A_399] : memref<8x128x16xf32, #tpu.memory_space<vmem>> -> memref<1x128x16xf32, #tpu.memory_space<vmem>>
      %dma_wait3A_401 = tpu.memref_squeeze %dma_wait3A_400 : memref<1x128x16xf32, #tpu.memory_space<vmem>> -> memref<128x16xf32, #tpu.memory_space<vmem>>
      %dma_wait3A_402 = arith.constant 0 : i32
      %dma_wait3A_403 = tpu.memref_slice %arg7[%dma_wait3A_395, %dma_wait3A_402] : memref<152x128xi32, #tpu.memory_space<vmem>> -> memref<1x128xi32, #tpu.memory_space<vmem>>
      %dma_wait3A_404 = tpu.memref_squeeze %dma_wait3A_403 : memref<1x128xi32, #tpu.memory_space<vmem>> -> memref<128xi32, #tpu.memory_space<vmem>>
      %dma_wait3A_405 = arith.constant 0 : i32
      %dma_wait3A_406 = arith.constant 0 : i32
      %dma_wait3A_407 = tpu.memref_slice %arg4[%dma_wait3A_405, %dma_wait3A_406] : memref<10240x16xf32, #tpu.memory_space<hbm>> -> memref<10240x16xf32, #tpu.memory_space<hbm>>
      %dma_wait3A_408 = tpu.memref_slice %arg10[%dma_wait3A_397] : memref<8x!tpu.dma_semaphore, #tpu.memory_space<semaphore_mem>> -> memref<1x!tpu.dma_semaphore, #tpu.memory_space<semaphore_mem>>
      %dma_wait3A_409 = tpu.memref_squeeze %dma_wait3A_408 : memref<1x!tpu.dma_semaphore, #tpu.memory_space<semaphore_mem>> -> memref<!tpu.dma_semaphore, #tpu.memory_space<semaphore_mem>>
      tpu.wait_indirect_dma semaphore(%dma_wait3A_409 : memref<!tpu.dma_semaphore, #tpu.memory_space<semaphore_mem>>) src(%dma_wait3A_407 : memref<10240x16xf32, #tpu.memory_space<hbm>>) dst(%dma_wait3A_401 : memref<128x16xf32, #tpu.memory_space<vmem>>)
      %dma_start3A_410 = arith.constant 5 : i32
      %dma_start3A_411 = arith.constant 5 : i32
      %dma_start3A_412 = arith.constant 0 : i32
      %dma_start3A_413 = arith.constant 0 : i32
      %dma_start3A_414 = tpu.memref_slice %arg9[%dma_start3A_410, %dma_start3A_412, %dma_start3A_413] : memref<8x128x16xf32, #tpu.memory_space<vmem>> -> memref<1x128x16xf32, #tpu.memory_space<vmem>>
      %dma_start3A_415 = tpu.memref_squeeze %dma_start3A_414 : memref<1x128x16xf32, #tpu.memory_space<vmem>> -> memref<128x16xf32, #tpu.memory_space<vmem>>
      %dma_start3A_416 = arith.constant 0 : i32
      %dma_start3A_417 = tpu.memref_slice %arg8[%add3A_383, %dma_start3A_416] : memref<152x128xi32, #tpu.memory_space<vmem>> -> memref<1x128xi32, #tpu.memory_space<vmem>>
      %dma_start3A_418 = tpu.memref_squeeze %dma_start3A_417 : memref<1x128xi32, #tpu.memory_space<vmem>> -> memref<128xi32, #tpu.memory_space<vmem>>
      %dma_start3A_419 = arith.constant 0 : i32
      %dma_start3A_420 = arith.constant 0 : i32
      %dma_start3A_421 = tpu.memref_slice %arg12[%dma_start3A_419, %dma_start3A_420] : memref<10240x16xf32, #tpu.memory_space<vmem_shared>> -> memref<10240x16xf32, #tpu.memory_space<vmem_shared>>
      %dma_start3A_422 = tpu.memref_slice %arg11[%dma_start3A_411] : memref<8x!tpu.dma_semaphore, #tpu.memory_space<semaphore_mem>> -> memref<1x!tpu.dma_semaphore, #tpu.memory_space<semaphore_mem>>
      %dma_start3A_423 = tpu.memref_squeeze %dma_start3A_422 : memref<1x!tpu.dma_semaphore, #tpu.memory_space<semaphore_mem>> -> memref<!tpu.dma_semaphore, #tpu.memory_space<semaphore_mem>>
      tpu.enqueue_indirect_dma source(%dma_start3A_415 : memref<128x16xf32, #tpu.memory_space<vmem>>) target(%dma_start3A_421 : memref<10240x16xf32, #tpu.memory_space<vmem_shared>>) offsets(%dma_start3A_418 : memref<128xi32, #tpu.memory_space<vmem>>) semaphore(%dma_start3A_423 : memref<!tpu.dma_semaphore, #tpu.memory_space<semaphore_mem>>) {add = true}
      %mul3A_424 = arith.constant 8 : i32
      %mul3A_425 = arith.muli %mul3A_424, %while3A_163 : i32
      %add3A_426 = arith.constant 6 : i32
      %add3A_427 = arith.addi %mul3A_425, %add3A_426 : i32
      %ge3A_428 = arith.constant 4 : i32
      %ge3A_429 = arith.cmpi sge, %add3A_427, %ge3A_428 : i32
      %convert_element_type3A_430 = arith.extui %ge3A_429 : i1 to i32
      %cond3A_431 = arith.constant 0 : i32
      %cond3A_432 = arith.cmpi ne, %convert_element_type3A_430, %cond3A_431 : i32
      scf.if %cond3A_432 {
        %dma_wait3A_512 = arith.constant 2 : i32
        %dma_wait3A_513 = arith.constant 0 : i32
        %dma_wait3A_514 = arith.constant 2 : i32
        %dma_wait3A_515 = arith.constant 0 : i32
        %dma_wait3A_516 = arith.constant 0 : i32
        %dma_wait3A_517 = tpu.memref_slice %arg9[%dma_wait3A_512, %dma_wait3A_515, %dma_wait3A_516] : memref<8x128x16xf32, #tpu.memory_space<vmem>> -> memref<1x128x16xf32, #tpu.memory_space<vmem>>
        %dma_wait3A_518 = tpu.memref_squeeze %dma_wait3A_517 : memref<1x128x16xf32, #tpu.memory_space<vmem>> -> memref<128x16xf32, #tpu.memory_space<vmem>>
        %dma_wait3A_519 = arith.constant 0 : i32
        %dma_wait3A_520 = tpu.memref_slice %arg8[%dma_wait3A_513, %dma_wait3A_519] : memref<152x128xi32, #tpu.memory_space<vmem>> -> memref<1x128xi32, #tpu.memory_space<vmem>>
        %dma_wait3A_521 = tpu.memref_squeeze %dma_wait3A_520 : memref<1x128xi32, #tpu.memory_space<vmem>> -> memref<128xi32, #tpu.memory_space<vmem>>
        %dma_wait3A_522 = arith.constant 0 : i32
        %dma_wait3A_523 = arith.constant 0 : i32
        %dma_wait3A_524 = tpu.memref_slice %arg12[%dma_wait3A_522, %dma_wait3A_523] : memref<10240x16xf32, #tpu.memory_space<vmem_shared>> -> memref<10240x16xf32, #tpu.memory_space<vmem_shared>>
        %dma_wait3A_525 = tpu.memref_slice %arg11[%dma_wait3A_514] : memref<8x!tpu.dma_semaphore, #tpu.memory_space<semaphore_mem>> -> memref<1x!tpu.dma_semaphore, #tpu.memory_space<semaphore_mem>>
        %dma_wait3A_526 = tpu.memref_squeeze %dma_wait3A_525 : memref<1x!tpu.dma_semaphore, #tpu.memory_space<semaphore_mem>> -> memref<!tpu.dma_semaphore, #tpu.memory_space<semaphore_mem>>
        tpu.wait_indirect_dma semaphore(%dma_wait3A_526 : memref<!tpu.dma_semaphore, #tpu.memory_space<semaphore_mem>>) src(%dma_wait3A_518 : memref<128x16xf32, #tpu.memory_space<vmem>>) dst(%dma_wait3A_524 : memref<10240x16xf32, #tpu.memory_space<vmem_shared>>)
      } else {
      }
      %add3A_433 = arith.constant 4 : i32
      %add3A_434 = arith.addi %add3A_427, %add3A_433 : i32
      %lt3A_435 = arith.cmpi slt, %add3A_434, %select_n3A : i32
      %convert_element_type3A_436 = arith.extui %lt3A_435 : i1 to i32
      %cond3A_437 = arith.constant 0 : i32
      %cond3A_438 = arith.cmpi ne, %convert_element_type3A_436, %cond3A_437 : i32
      scf.if %cond3A_438 {
        %add3A_512 = arith.constant 4 : i32
        %add3A_513 = arith.addi %add3A_427, %add3A_512 : i32
        %dma_start3A_514 = arith.constant 2 : i32
        %dma_start3A_515 = arith.constant 2 : i32
        %dma_start3A_516 = arith.constant 0 : i32
        %dma_start3A_517 = arith.constant 0 : i32
        %dma_start3A_518 = tpu.memref_slice %arg9[%dma_start3A_514, %dma_start3A_516, %dma_start3A_517] : memref<8x128x16xf32, #tpu.memory_space<vmem>> -> memref<1x128x16xf32, #tpu.memory_space<vmem>>
        %dma_start3A_519 = tpu.memref_squeeze %dma_start3A_518 : memref<1x128x16xf32, #tpu.memory_space<vmem>> -> memref<128x16xf32, #tpu.memory_space<vmem>>
        %dma_start3A_520 = arith.constant 0 : i32
        %dma_start3A_521 = tpu.memref_slice %arg7[%add3A_513, %dma_start3A_520] : memref<152x128xi32, #tpu.memory_space<vmem>> -> memref<1x128xi32, #tpu.memory_space<vmem>>
        %dma_start3A_522 = tpu.memref_squeeze %dma_start3A_521 : memref<1x128xi32, #tpu.memory_space<vmem>> -> memref<128xi32, #tpu.memory_space<vmem>>
        %dma_start3A_523 = arith.constant 0 : i32
        %dma_start3A_524 = arith.constant 0 : i32
        %dma_start3A_525 = tpu.memref_slice %arg4[%dma_start3A_523, %dma_start3A_524] : memref<10240x16xf32, #tpu.memory_space<hbm>> -> memref<10240x16xf32, #tpu.memory_space<hbm>>
        %dma_start3A_526 = tpu.memref_slice %arg10[%dma_start3A_515] : memref<8x!tpu.dma_semaphore, #tpu.memory_space<semaphore_mem>> -> memref<1x!tpu.dma_semaphore, #tpu.memory_space<semaphore_mem>>
        %dma_start3A_527 = tpu.memref_squeeze %dma_start3A_526 : memref<1x!tpu.dma_semaphore, #tpu.memory_space<semaphore_mem>> -> memref<!tpu.dma_semaphore, #tpu.memory_space<semaphore_mem>>
        tpu.enqueue_indirect_dma source(%dma_start3A_525 : memref<10240x16xf32, #tpu.memory_space<hbm>>) target(%dma_start3A_519 : memref<128x16xf32, #tpu.memory_space<vmem>>) offsets(%dma_start3A_522 : memref<128xi32, #tpu.memory_space<vmem>>) semaphore(%dma_start3A_527 : memref<!tpu.dma_semaphore, #tpu.memory_space<semaphore_mem>>)
      } else {
      }
      %dma_wait3A_439 = arith.constant 0 : i32
      %dma_wait3A_440 = arith.constant 6 : i32
      %dma_wait3A_441 = arith.constant 6 : i32
      %dma_wait3A_442 = arith.constant 0 : i32
      %dma_wait3A_443 = arith.constant 0 : i32
      %dma_wait3A_444 = tpu.memref_slice %arg9[%dma_wait3A_440, %dma_wait3A_442, %dma_wait3A_443] : memref<8x128x16xf32, #tpu.memory_space<vmem>> -> memref<1x128x16xf32, #tpu.memory_space<vmem>>
      %dma_wait3A_445 = tpu.memref_squeeze %dma_wait3A_444 : memref<1x128x16xf32, #tpu.memory_space<vmem>> -> memref<128x16xf32, #tpu.memory_space<vmem>>
      %dma_wait3A_446 = arith.constant 0 : i32
      %dma_wait3A_447 = tpu.memref_slice %arg7[%dma_wait3A_439, %dma_wait3A_446] : memref<152x128xi32, #tpu.memory_space<vmem>> -> memref<1x128xi32, #tpu.memory_space<vmem>>
      %dma_wait3A_448 = tpu.memref_squeeze %dma_wait3A_447 : memref<1x128xi32, #tpu.memory_space<vmem>> -> memref<128xi32, #tpu.memory_space<vmem>>
      %dma_wait3A_449 = arith.constant 0 : i32
      %dma_wait3A_450 = arith.constant 0 : i32
      %dma_wait3A_451 = tpu.memref_slice %arg4[%dma_wait3A_449, %dma_wait3A_450] : memref<10240x16xf32, #tpu.memory_space<hbm>> -> memref<10240x16xf32, #tpu.memory_space<hbm>>
      %dma_wait3A_452 = tpu.memref_slice %arg10[%dma_wait3A_441] : memref<8x!tpu.dma_semaphore, #tpu.memory_space<semaphore_mem>> -> memref<1x!tpu.dma_semaphore, #tpu.memory_space<semaphore_mem>>
      %dma_wait3A_453 = tpu.memref_squeeze %dma_wait3A_452 : memref<1x!tpu.dma_semaphore, #tpu.memory_space<semaphore_mem>> -> memref<!tpu.dma_semaphore, #tpu.memory_space<semaphore_mem>>
      tpu.wait_indirect_dma semaphore(%dma_wait3A_453 : memref<!tpu.dma_semaphore, #tpu.memory_space<semaphore_mem>>) src(%dma_wait3A_451 : memref<10240x16xf32, #tpu.memory_space<hbm>>) dst(%dma_wait3A_445 : memref<128x16xf32, #tpu.memory_space<vmem>>)
      %dma_start3A_454 = arith.constant 6 : i32
      %dma_start3A_455 = arith.constant 6 : i32
      %dma_start3A_456 = arith.constant 0 : i32
      %dma_start3A_457 = arith.constant 0 : i32
      %dma_start3A_458 = tpu.memref_slice %arg9[%dma_start3A_454, %dma_start3A_456, %dma_start3A_457] : memref<8x128x16xf32, #tpu.memory_space<vmem>> -> memref<1x128x16xf32, #tpu.memory_space<vmem>>
      %dma_start3A_459 = tpu.memref_squeeze %dma_start3A_458 : memref<1x128x16xf32, #tpu.memory_space<vmem>> -> memref<128x16xf32, #tpu.memory_space<vmem>>
      %dma_start3A_460 = arith.constant 0 : i32
      %dma_start3A_461 = tpu.memref_slice %arg8[%add3A_427, %dma_start3A_460] : memref<152x128xi32, #tpu.memory_space<vmem>> -> memref<1x128xi32, #tpu.memory_space<vmem>>
      %dma_start3A_462 = tpu.memref_squeeze %dma_start3A_461 : memref<1x128xi32, #tpu.memory_space<vmem>> -> memref<128xi32, #tpu.memory_space<vmem>>
      %dma_start3A_463 = arith.constant 0 : i32
      %dma_start3A_464 = arith.constant 0 : i32
      %dma_start3A_465 = tpu.memref_slice %arg12[%dma_start3A_463, %dma_start3A_464] : memref<10240x16xf32, #tpu.memory_space<vmem_shared>> -> memref<10240x16xf32, #tpu.memory_space<vmem_shared>>
      %dma_start3A_466 = tpu.memref_slice %arg11[%dma_start3A_455] : memref<8x!tpu.dma_semaphore, #tpu.memory_space<semaphore_mem>> -> memref<1x!tpu.dma_semaphore, #tpu.memory_space<semaphore_mem>>
      %dma_start3A_467 = tpu.memref_squeeze %dma_start3A_466 : memref<1x!tpu.dma_semaphore, #tpu.memory_space<semaphore_mem>> -> memref<!tpu.dma_semaphore, #tpu.memory_space<semaphore_mem>>
      tpu.enqueue_indirect_dma source(%dma_start3A_459 : memref<128x16xf32, #tpu.memory_space<vmem>>) target(%dma_start3A_465 : memref<10240x16xf32, #tpu.memory_space<vmem_shared>>) offsets(%dma_start3A_462 : memref<128xi32, #tpu.memory_space<vmem>>) semaphore(%dma_start3A_467 : memref<!tpu.dma_semaphore, #tpu.memory_space<semaphore_mem>>) {add = true}
      %mul3A_468 = arith.constant 8 : i32
      %mul3A_469 = arith.muli %mul3A_468, %while3A_163 : i32
      %add3A_470 = arith.constant 7 : i32
      %add3A_471 = arith.addi %mul3A_469, %add3A_470 : i32
      %ge3A_472 = arith.constant 4 : i32
      %ge3A_473 = arith.cmpi sge, %add3A_471, %ge3A_472 : i32
      %convert_element_type3A_474 = arith.extui %ge3A_473 : i1 to i32
      %cond3A_475 = arith.constant 0 : i32
      %cond3A_476 = arith.cmpi ne, %convert_element_type3A_474, %cond3A_475 : i32
      scf.if %cond3A_476 {
        %dma_wait3A_512 = arith.constant 3 : i32
        %dma_wait3A_513 = arith.constant 0 : i32
        %dma_wait3A_514 = arith.constant 3 : i32
        %dma_wait3A_515 = arith.constant 0 : i32
        %dma_wait3A_516 = arith.constant 0 : i32
        %dma_wait3A_517 = tpu.memref_slice %arg9[%dma_wait3A_512, %dma_wait3A_515, %dma_wait3A_516] : memref<8x128x16xf32, #tpu.memory_space<vmem>> -> memref<1x128x16xf32, #tpu.memory_space<vmem>>
        %dma_wait3A_518 = tpu.memref_squeeze %dma_wait3A_517 : memref<1x128x16xf32, #tpu.memory_space<vmem>> -> memref<128x16xf32, #tpu.memory_space<vmem>>
        %dma_wait3A_519 = arith.constant 0 : i32
        %dma_wait3A_520 = tpu.memref_slice %arg8[%dma_wait3A_513, %dma_wait3A_519] : memref<152x128xi32, #tpu.memory_space<vmem>> -> memref<1x128xi32, #tpu.memory_space<vmem>>
        %dma_wait3A_521 = tpu.memref_squeeze %dma_wait3A_520 : memref<1x128xi32, #tpu.memory_space<vmem>> -> memref<128xi32, #tpu.memory_space<vmem>>
        %dma_wait3A_522 = arith.constant 0 : i32
        %dma_wait3A_523 = arith.constant 0 : i32
        %dma_wait3A_524 = tpu.memref_slice %arg12[%dma_wait3A_522, %dma_wait3A_523] : memref<10240x16xf32, #tpu.memory_space<vmem_shared>> -> memref<10240x16xf32, #tpu.memory_space<vmem_shared>>
        %dma_wait3A_525 = tpu.memref_slice %arg11[%dma_wait3A_514] : memref<8x!tpu.dma_semaphore, #tpu.memory_space<semaphore_mem>> -> memref<1x!tpu.dma_semaphore, #tpu.memory_space<semaphore_mem>>
        %dma_wait3A_526 = tpu.memref_squeeze %dma_wait3A_525 : memref<1x!tpu.dma_semaphore, #tpu.memory_space<semaphore_mem>> -> memref<!tpu.dma_semaphore, #tpu.memory_space<semaphore_mem>>
        tpu.wait_indirect_dma semaphore(%dma_wait3A_526 : memref<!tpu.dma_semaphore, #tpu.memory_space<semaphore_mem>>) src(%dma_wait3A_518 : memref<128x16xf32, #tpu.memory_space<vmem>>) dst(%dma_wait3A_524 : memref<10240x16xf32, #tpu.memory_space<vmem_shared>>)
      } else {
      }
      %add3A_477 = arith.constant 4 : i32
      %add3A_478 = arith.addi %add3A_471, %add3A_477 : i32
      %lt3A_479 = arith.cmpi slt, %add3A_478, %select_n3A : i32
      %convert_element_type3A_480 = arith.extui %lt3A_479 : i1 to i32
      %cond3A_481 = arith.constant 0 : i32
      %cond3A_482 = arith.cmpi ne, %convert_element_type3A_480, %cond3A_481 : i32
      scf.if %cond3A_482 {
        %add3A_512 = arith.constant 4 : i32
        %add3A_513 = arith.addi %add3A_471, %add3A_512 : i32
        %dma_start3A_514 = arith.constant 3 : i32
        %dma_start3A_515 = arith.constant 3 : i32
        %dma_start3A_516 = arith.constant 0 : i32
        %dma_start3A_517 = arith.constant 0 : i32
        %dma_start3A_518 = tpu.memref_slice %arg9[%dma_start3A_514, %dma_start3A_516, %dma_start3A_517] : memref<8x128x16xf32, #tpu.memory_space<vmem>> -> memref<1x128x16xf32, #tpu.memory_space<vmem>>
        %dma_start3A_519 = tpu.memref_squeeze %dma_start3A_518 : memref<1x128x16xf32, #tpu.memory_space<vmem>> -> memref<128x16xf32, #tpu.memory_space<vmem>>
        %dma_start3A_520 = arith.constant 0 : i32
        %dma_start3A_521 = tpu.memref_slice %arg7[%add3A_513, %dma_start3A_520] : memref<152x128xi32, #tpu.memory_space<vmem>> -> memref<1x128xi32, #tpu.memory_space<vmem>>
        %dma_start3A_522 = tpu.memref_squeeze %dma_start3A_521 : memref<1x128xi32, #tpu.memory_space<vmem>> -> memref<128xi32, #tpu.memory_space<vmem>>
        %dma_start3A_523 = arith.constant 0 : i32
        %dma_start3A_524 = arith.constant 0 : i32
        %dma_start3A_525 = tpu.memref_slice %arg4[%dma_start3A_523, %dma_start3A_524] : memref<10240x16xf32, #tpu.memory_space<hbm>> -> memref<10240x16xf32, #tpu.memory_space<hbm>>
        %dma_start3A_526 = tpu.memref_slice %arg10[%dma_start3A_515] : memref<8x!tpu.dma_semaphore, #tpu.memory_space<semaphore_mem>> -> memref<1x!tpu.dma_semaphore, #tpu.memory_space<semaphore_mem>>
        %dma_start3A_527 = tpu.memref_squeeze %dma_start3A_526 : memref<1x!tpu.dma_semaphore, #tpu.memory_space<semaphore_mem>> -> memref<!tpu.dma_semaphore, #tpu.memory_space<semaphore_mem>>
        tpu.enqueue_indirect_dma source(%dma_start3A_525 : memref<10240x16xf32, #tpu.memory_space<hbm>>) target(%dma_start3A_519 : memref<128x16xf32, #tpu.memory_space<vmem>>) offsets(%dma_start3A_522 : memref<128xi32, #tpu.memory_space<vmem>>) semaphore(%dma_start3A_527 : memref<!tpu.dma_semaphore, #tpu.memory_space<semaphore_mem>>)
      } else {
      }
      %dma_wait3A_483 = arith.constant 0 : i32
      %dma_wait3A_484 = arith.constant 7 : i32
      %dma_wait3A_485 = arith.constant 7 : i32
      %dma_wait3A_486 = arith.constant 0 : i32
      %dma_wait3A_487 = arith.constant 0 : i32
      %dma_wait3A_488 = tpu.memref_slice %arg9[%dma_wait3A_484, %dma_wait3A_486, %dma_wait3A_487] : memref<8x128x16xf32, #tpu.memory_space<vmem>> -> memref<1x128x16xf32, #tpu.memory_space<vmem>>
      %dma_wait3A_489 = tpu.memref_squeeze %dma_wait3A_488 : memref<1x128x16xf32, #tpu.memory_space<vmem>> -> memref<128x16xf32, #tpu.memory_space<vmem>>
      %dma_wait3A_490 = arith.constant 0 : i32
      %dma_wait3A_491 = tpu.memref_slice %arg7[%dma_wait3A_483, %dma_wait3A_490] : memref<152x128xi32, #tpu.memory_space<vmem>> -> memref<1x128xi32, #tpu.memory_space<vmem>>
      %dma_wait3A_492 = tpu.memref_squeeze %dma_wait3A_491 : memref<1x128xi32, #tpu.memory_space<vmem>> -> memref<128xi32, #tpu.memory_space<vmem>>
      %dma_wait3A_493 = arith.constant 0 : i32
      %dma_wait3A_494 = arith.constant 0 : i32
      %dma_wait3A_495 = tpu.memref_slice %arg4[%dma_wait3A_493, %dma_wait3A_494] : memref<10240x16xf32, #tpu.memory_space<hbm>> -> memref<10240x16xf32, #tpu.memory_space<hbm>>
      %dma_wait3A_496 = tpu.memref_slice %arg10[%dma_wait3A_485] : memref<8x!tpu.dma_semaphore, #tpu.memory_space<semaphore_mem>> -> memref<1x!tpu.dma_semaphore, #tpu.memory_space<semaphore_mem>>
      %dma_wait3A_497 = tpu.memref_squeeze %dma_wait3A_496 : memref<1x!tpu.dma_semaphore, #tpu.memory_space<semaphore_mem>> -> memref<!tpu.dma_semaphore, #tpu.memory_space<semaphore_mem>>
      tpu.wait_indirect_dma semaphore(%dma_wait3A_497 : memref<!tpu.dma_semaphore, #tpu.memory_space<semaphore_mem>>) src(%dma_wait3A_495 : memref<10240x16xf32, #tpu.memory_space<hbm>>) dst(%dma_wait3A_489 : memref<128x16xf32, #tpu.memory_space<vmem>>)
      %dma_start3A_498 = arith.constant 7 : i32
      %dma_start3A_499 = arith.constant 7 : i32
      %dma_start3A_500 = arith.constant 0 : i32
      %dma_start3A_501 = arith.constant 0 : i32
      %dma_start3A_502 = tpu.memref_slice %arg9[%dma_start3A_498, %dma_start3A_500, %dma_start3A_501] : memref<8x128x16xf32, #tpu.memory_space<vmem>> -> memref<1x128x16xf32, #tpu.memory_space<vmem>>
      %dma_start3A_503 = tpu.memref_squeeze %dma_start3A_502 : memref<1x128x16xf32, #tpu.memory_space<vmem>> -> memref<128x16xf32, #tpu.memory_space<vmem>>
      %dma_start3A_504 = arith.constant 0 : i32
      %dma_start3A_505 = tpu.memref_slice %arg8[%add3A_471, %dma_start3A_504] : memref<152x128xi32, #tpu.memory_space<vmem>> -> memref<1x128xi32, #tpu.memory_space<vmem>>
      %dma_start3A_506 = tpu.memref_squeeze %dma_start3A_505 : memref<1x128xi32, #tpu.memory_space<vmem>> -> memref<128xi32, #tpu.memory_space<vmem>>
      %dma_start3A_507 = arith.constant 0 : i32
      %dma_start3A_508 = arith.constant 0 : i32
      %dma_start3A_509 = tpu.memref_slice %arg12[%dma_start3A_507, %dma_start3A_508] : memref<10240x16xf32, #tpu.memory_space<vmem_shared>> -> memref<10240x16xf32, #tpu.memory_space<vmem_shared>>
      %dma_start3A_510 = tpu.memref_slice %arg11[%dma_start3A_499] : memref<8x!tpu.dma_semaphore, #tpu.memory_space<semaphore_mem>> -> memref<1x!tpu.dma_semaphore, #tpu.memory_space<semaphore_mem>>
      %dma_start3A_511 = tpu.memref_squeeze %dma_start3A_510 : memref<1x!tpu.dma_semaphore, #tpu.memory_space<semaphore_mem>> -> memref<!tpu.dma_semaphore, #tpu.memory_space<semaphore_mem>>
      tpu.enqueue_indirect_dma source(%dma_start3A_503 : memref<128x16xf32, #tpu.memory_space<vmem>>) target(%dma_start3A_509 : memref<10240x16xf32, #tpu.memory_space<vmem_shared>>) offsets(%dma_start3A_506 : memref<128xi32, #tpu.memory_space<vmem>>) semaphore(%dma_start3A_511 : memref<!tpu.dma_semaphore, #tpu.memory_space<semaphore_mem>>) {add = true}
    }
    %while3A_98 = arith.constant 1 : i32
    scf.for %while3A_163 = %while3A_96 to %while3A_92 step %while3A_98  : i32 {
      %mul3A_164 = arith.constant 8 : i32
      %mul3A_165 = arith.muli %mul3A_164, %while3A_163 : i32
      %add3A_166 = arith.constant 0 : i32
      %add3A_167 = arith.addi %mul3A_165, %add3A_166 : i32
      %ge3A = arith.constant 4 : i32
      %ge3A_168 = arith.cmpi sge, %add3A_167, %ge3A : i32
      %convert_element_type3A = arith.extui %ge3A_168 : i1 to i32
      %cond3A = arith.constant 0 : i32
      %cond3A_169 = arith.cmpi ne, %convert_element_type3A, %cond3A : i32
      scf.if %cond3A_169 {
        %dma_wait3A_512 = arith.constant 4 : i32
        %dma_wait3A_513 = arith.constant 0 : i32
        %dma_wait3A_514 = arith.constant 4 : i32
        %dma_wait3A_515 = arith.constant 0 : i32
        %dma_wait3A_516 = arith.constant 0 : i32
        %dma_wait3A_517 = tpu.memref_slice %arg9[%dma_wait3A_512, %dma_wait3A_515, %dma_wait3A_516] : memref<8x128x16xf32, #tpu.memory_space<vmem>> -> memref<1x128x16xf32, #tpu.memory_space<vmem>>
        %dma_wait3A_518 = tpu.memref_squeeze %dma_wait3A_517 : memref<1x128x16xf32, #tpu.memory_space<vmem>> -> memref<128x16xf32, #tpu.memory_space<vmem>>
        %dma_wait3A_519 = arith.constant 0 : i32
        %dma_wait3A_520 = tpu.memref_slice %arg8[%dma_wait3A_513, %dma_wait3A_519] : memref<152x128xi32, #tpu.memory_space<vmem>> -> memref<1x128xi32, #tpu.memory_space<vmem>>
        %dma_wait3A_521 = tpu.memref_squeeze %dma_wait3A_520 : memref<1x128xi32, #tpu.memory_space<vmem>> -> memref<128xi32, #tpu.memory_space<vmem>>
        %dma_wait3A_522 = arith.constant 0 : i32
        %dma_wait3A_523 = arith.constant 0 : i32
        %dma_wait3A_524 = tpu.memref_slice %arg12[%dma_wait3A_522, %dma_wait3A_523] : memref<10240x16xf32, #tpu.memory_space<vmem_shared>> -> memref<10240x16xf32, #tpu.memory_space<vmem_shared>>
        %dma_wait3A_525 = tpu.memref_slice %arg11[%dma_wait3A_514] : memref<8x!tpu.dma_semaphore, #tpu.memory_space<semaphore_mem>> -> memref<1x!tpu.dma_semaphore, #tpu.memory_space<semaphore_mem>>
        %dma_wait3A_526 = tpu.memref_squeeze %dma_wait3A_525 : memref<1x!tpu.dma_semaphore, #tpu.memory_space<semaphore_mem>> -> memref<!tpu.dma_semaphore, #tpu.memory_space<semaphore_mem>>
        tpu.wait_indirect_dma semaphore(%dma_wait3A_526 : memref<!tpu.dma_semaphore, #tpu.memory_space<semaphore_mem>>) src(%dma_wait3A_518 : memref<128x16xf32, #tpu.memory_space<vmem>>) dst(%dma_wait3A_524 : memref<10240x16xf32, #tpu.memory_space<vmem_shared>>)
      } else {
      }
      %add3A_170 = arith.constant 4 : i32
      %add3A_171 = arith.addi %add3A_167, %add3A_170 : i32
      %lt3A = arith.cmpi slt, %add3A_171, %select_n3A : i32
      %convert_element_type3A_172 = arith.extui %lt3A : i1 to i32
      %cond3A_173 = arith.constant 0 : i32
      %cond3A_174 = arith.cmpi ne, %convert_element_type3A_172, %cond3A_173 : i32
      scf.if %cond3A_174 {
        %add3A_512 = arith.constant 4 : i32
        %add3A_513 = arith.addi %add3A_167, %add3A_512 : i32
        %dma_start3A_514 = arith.constant 4 : i32
        %dma_start3A_515 = arith.constant 4 : i32
        %dma_start3A_516 = arith.constant 0 : i32
        %dma_start3A_517 = arith.constant 0 : i32
        %dma_start3A_518 = tpu.memref_slice %arg9[%dma_start3A_514, %dma_start3A_516, %dma_start3A_517] : memref<8x128x16xf32, #tpu.memory_space<vmem>> -> memref<1x128x16xf32, #tpu.memory_space<vmem>>
        %dma_start3A_519 = tpu.memref_squeeze %dma_start3A_518 : memref<1x128x16xf32, #tpu.memory_space<vmem>> -> memref<128x16xf32, #tpu.memory_space<vmem>>
        %dma_start3A_520 = arith.constant 0 : i32
        %dma_start3A_521 = tpu.memref_slice %arg7[%add3A_513, %dma_start3A_520] : memref<152x128xi32, #tpu.memory_space<vmem>> -> memref<1x128xi32, #tpu.memory_space<vmem>>
        %dma_start3A_522 = tpu.memref_squeeze %dma_start3A_521 : memref<1x128xi32, #tpu.memory_space<vmem>> -> memref<128xi32, #tpu.memory_space<vmem>>
        %dma_start3A_523 = arith.constant 0 : i32
        %dma_start3A_524 = arith.constant 0 : i32
        %dma_start3A_525 = tpu.memref_slice %arg4[%dma_start3A_523, %dma_start3A_524] : memref<10240x16xf32, #tpu.memory_space<hbm>> -> memref<10240x16xf32, #tpu.memory_space<hbm>>
        %dma_start3A_526 = tpu.memref_slice %arg10[%dma_start3A_515] : memref<8x!tpu.dma_semaphore, #tpu.memory_space<semaphore_mem>> -> memref<1x!tpu.dma_semaphore, #tpu.memory_space<semaphore_mem>>
        %dma_start3A_527 = tpu.memref_squeeze %dma_start3A_526 : memref<1x!tpu.dma_semaphore, #tpu.memory_space<semaphore_mem>> -> memref<!tpu.dma_semaphore, #tpu.memory_space<semaphore_mem>>
        tpu.enqueue_indirect_dma source(%dma_start3A_525 : memref<10240x16xf32, #tpu.memory_space<hbm>>) target(%dma_start3A_519 : memref<128x16xf32, #tpu.memory_space<vmem>>) offsets(%dma_start3A_522 : memref<128xi32, #tpu.memory_space<vmem>>) semaphore(%dma_start3A_527 : memref<!tpu.dma_semaphore, #tpu.memory_space<semaphore_mem>>)
      } else {
      }
      %dma_wait3A_175 = arith.constant 0 : i32
      %dma_wait3A_176 = arith.constant 0 : i32
      %dma_wait3A_177 = arith.constant 0 : i32
      %dma_wait3A_178 = arith.constant 0 : i32
      %dma_wait3A_179 = arith.constant 0 : i32
      %dma_wait3A_180 = tpu.memref_slice %arg9[%dma_wait3A_176, %dma_wait3A_178, %dma_wait3A_179] : memref<8x128x16xf32, #tpu.memory_space<vmem>> -> memref<1x128x16xf32, #tpu.memory_space<vmem>>
      %dma_wait3A_181 = tpu.memref_squeeze %dma_wait3A_180 : memref<1x128x16xf32, #tpu.memory_space<vmem>> -> memref<128x16xf32, #tpu.memory_space<vmem>>
      %dma_wait3A_182 = arith.constant 0 : i32
      %dma_wait3A_183 = tpu.memref_slice %arg7[%dma_wait3A_175, %dma_wait3A_182] : memref<152x128xi32, #tpu.memory_space<vmem>> -> memref<1x128xi32, #tpu.memory_space<vmem>>
      %dma_wait3A_184 = tpu.memref_squeeze %dma_wait3A_183 : memref<1x128xi32, #tpu.memory_space<vmem>> -> memref<128xi32, #tpu.memory_space<vmem>>
      %dma_wait3A_185 = arith.constant 0 : i32
      %dma_wait3A_186 = arith.constant 0 : i32
      %dma_wait3A_187 = tpu.memref_slice %arg4[%dma_wait3A_185, %dma_wait3A_186] : memref<10240x16xf32, #tpu.memory_space<hbm>> -> memref<10240x16xf32, #tpu.memory_space<hbm>>
      %dma_wait3A_188 = tpu.memref_slice %arg10[%dma_wait3A_177] : memref<8x!tpu.dma_semaphore, #tpu.memory_space<semaphore_mem>> -> memref<1x!tpu.dma_semaphore, #tpu.memory_space<semaphore_mem>>
      %dma_wait3A_189 = tpu.memref_squeeze %dma_wait3A_188 : memref<1x!tpu.dma_semaphore, #tpu.memory_space<semaphore_mem>> -> memref<!tpu.dma_semaphore, #tpu.memory_space<semaphore_mem>>
      tpu.wait_indirect_dma semaphore(%dma_wait3A_189 : memref<!tpu.dma_semaphore, #tpu.memory_space<semaphore_mem>>) src(%dma_wait3A_187 : memref<10240x16xf32, #tpu.memory_space<hbm>>) dst(%dma_wait3A_181 : memref<128x16xf32, #tpu.memory_space<vmem>>)
      %dma_start3A_190 = arith.constant 0 : i32
      %dma_start3A_191 = arith.constant 0 : i32
      %dma_start3A_192 = arith.constant 0 : i32
      %dma_start3A_193 = arith.constant 0 : i32
      %dma_start3A_194 = tpu.memref_slice %arg9[%dma_start3A_190, %dma_start3A_192, %dma_start3A_193] : memref<8x128x16xf32, #tpu.memory_space<vmem>> -> memref<1x128x16xf32, #tpu.memory_space<vmem>>
      %dma_start3A_195 = tpu.memref_squeeze %dma_start3A_194 : memref<1x128x16xf32, #tpu.memory_space<vmem>> -> memref<128x16xf32, #tpu.memory_space<vmem>>
      %dma_start3A_196 = arith.constant 0 : i32
      %dma_start3A_197 = tpu.memref_slice %arg8[%add3A_167, %dma_start3A_196] : memref<152x128xi32, #tpu.memory_space<vmem>> -> memref<1x128xi32, #tpu.memory_space<vmem>>
      %dma_start3A_198 = tpu.memref_squeeze %dma_start3A_197 : memref<1x128xi32, #tpu.memory_space<vmem>> -> memref<128xi32, #tpu.memory_space<vmem>>
      %dma_start3A_199 = arith.constant 0 : i32
      %dma_start3A_200 = arith.constant 0 : i32
      %dma_start3A_201 = tpu.memref_slice %arg12[%dma_start3A_199, %dma_start3A_200] : memref<10240x16xf32, #tpu.memory_space<vmem_shared>> -> memref<10240x16xf32, #tpu.memory_space<vmem_shared>>
      %dma_start3A_202 = tpu.memref_slice %arg11[%dma_start3A_191] : memref<8x!tpu.dma_semaphore, #tpu.memory_space<semaphore_mem>> -> memref<1x!tpu.dma_semaphore, #tpu.memory_space<semaphore_mem>>
      %dma_start3A_203 = tpu.memref_squeeze %dma_start3A_202 : memref<1x!tpu.dma_semaphore, #tpu.memory_space<semaphore_mem>> -> memref<!tpu.dma_semaphore, #tpu.memory_space<semaphore_mem>>
      tpu.enqueue_indirect_dma source(%dma_start3A_195 : memref<128x16xf32, #tpu.memory_space<vmem>>) target(%dma_start3A_201 : memref<10240x16xf32, #tpu.memory_space<vmem_shared>>) offsets(%dma_start3A_198 : memref<128xi32, #tpu.memory_space<vmem>>) semaphore(%dma_start3A_203 : memref<!tpu.dma_semaphore, #tpu.memory_space<semaphore_mem>>) {add = true}
      %mul3A_204 = arith.constant 8 : i32
      %mul3A_205 = arith.muli %mul3A_204, %while3A_163 : i32
      %add3A_206 = arith.constant 1 : i32
      %add3A_207 = arith.addi %mul3A_205, %add3A_206 : i32
      %ge3A_208 = arith.constant 4 : i32
      %ge3A_209 = arith.cmpi sge, %add3A_207, %ge3A_208 : i32
      %convert_element_type3A_210 = arith.extui %ge3A_209 : i1 to i32
      %cond3A_211 = arith.constant 0 : i32
      %cond3A_212 = arith.cmpi ne, %convert_element_type3A_210, %cond3A_211 : i32
      scf.if %cond3A_212 {
        %dma_wait3A_512 = arith.constant 5 : i32
        %dma_wait3A_513 = arith.constant 0 : i32
        %dma_wait3A_514 = arith.constant 5 : i32
        %dma_wait3A_515 = arith.constant 0 : i32
        %dma_wait3A_516 = arith.constant 0 : i32
        %dma_wait3A_517 = tpu.memref_slice %arg9[%dma_wait3A_512, %dma_wait3A_515, %dma_wait3A_516] : memref<8x128x16xf32, #tpu.memory_space<vmem>> -> memref<1x128x16xf32, #tpu.memory_space<vmem>>
        %dma_wait3A_518 = tpu.memref_squeeze %dma_wait3A_517 : memref<1x128x16xf32, #tpu.memory_space<vmem>> -> memref<128x16xf32, #tpu.memory_space<vmem>>
        %dma_wait3A_519 = arith.constant 0 : i32
        %dma_wait3A_520 = tpu.memref_slice %arg8[%dma_wait3A_513, %dma_wait3A_519] : memref<152x128xi32, #tpu.memory_space<vmem>> -> memref<1x128xi32, #tpu.memory_space<vmem>>
        %dma_wait3A_521 = tpu.memref_squeeze %dma_wait3A_520 : memref<1x128xi32, #tpu.memory_space<vmem>> -> memref<128xi32, #tpu.memory_space<vmem>>
        %dma_wait3A_522 = arith.constant 0 : i32
        %dma_wait3A_523 = arith.constant 0 : i32
        %dma_wait3A_524 = tpu.memref_slice %arg12[%dma_wait3A_522, %dma_wait3A_523] : memref<10240x16xf32, #tpu.memory_space<vmem_shared>> -> memref<10240x16xf32, #tpu.memory_space<vmem_shared>>
        %dma_wait3A_525 = tpu.memref_slice %arg11[%dma_wait3A_514] : memref<8x!tpu.dma_semaphore, #tpu.memory_space<semaphore_mem>> -> memref<1x!tpu.dma_semaphore, #tpu.memory_space<semaphore_mem>>
        %dma_wait3A_526 = tpu.memref_squeeze %dma_wait3A_525 : memref<1x!tpu.dma_semaphore, #tpu.memory_space<semaphore_mem>> -> memref<!tpu.dma_semaphore, #tpu.memory_space<semaphore_mem>>
        tpu.wait_indirect_dma semaphore(%dma_wait3A_526 : memref<!tpu.dma_semaphore, #tpu.memory_space<semaphore_mem>>) src(%dma_wait3A_518 : memref<128x16xf32, #tpu.memory_space<vmem>>) dst(%dma_wait3A_524 : memref<10240x16xf32, #tpu.memory_space<vmem_shared>>)
      } else {
      }
      %add3A_213 = arith.constant 4 : i32
      %add3A_214 = arith.addi %add3A_207, %add3A_213 : i32
      %lt3A_215 = arith.cmpi slt, %add3A_214, %select_n3A : i32
      %convert_element_type3A_216 = arith.extui %lt3A_215 : i1 to i32
      %cond3A_217 = arith.constant 0 : i32
      %cond3A_218 = arith.cmpi ne, %convert_element_type3A_216, %cond3A_217 : i32
      scf.if %cond3A_218 {
        %add3A_512 = arith.constant 4 : i32
        %add3A_513 = arith.addi %add3A_207, %add3A_512 : i32
        %dma_start3A_514 = arith.constant 5 : i32
        %dma_start3A_515 = arith.constant 5 : i32
        %dma_start3A_516 = arith.constant 0 : i32
        %dma_start3A_517 = arith.constant 0 : i32
        %dma_start3A_518 = tpu.memref_slice %arg9[%dma_start3A_514, %dma_start3A_516, %dma_start3A_517] : memref<8x128x16xf32, #tpu.memory_space<vmem>> -> memref<1x128x16xf32, #tpu.memory_space<vmem>>
        %dma_start3A_519 = tpu.memref_squeeze %dma_start3A_518 : memref<1x128x16xf32, #tpu.memory_space<vmem>> -> memref<128x16xf32, #tpu.memory_space<vmem>>
        %dma_start3A_520 = arith.constant 0 : i32
        %dma_start3A_521 = tpu.memref_slice %arg7[%add3A_513, %dma_start3A_520] : memref<152x128xi32, #tpu.memory_space<vmem>> -> memref<1x128xi32, #tpu.memory_space<vmem>>
        %dma_start3A_522 = tpu.memref_squeeze %dma_start3A_521 : memref<1x128xi32, #tpu.memory_space<vmem>> -> memref<128xi32, #tpu.memory_space<vmem>>
        %dma_start3A_523 = arith.constant 0 : i32
        %dma_start3A_524 = arith.constant 0 : i32
        %dma_start3A_525 = tpu.memref_slice %arg4[%dma_start3A_523, %dma_start3A_524] : memref<10240x16xf32, #tpu.memory_space<hbm>> -> memref<10240x16xf32, #tpu.memory_space<hbm>>
        %dma_start3A_526 = tpu.memref_slice %arg10[%dma_start3A_515] : memref<8x!tpu.dma_semaphore, #tpu.memory_space<semaphore_mem>> -> memref<1x!tpu.dma_semaphore, #tpu.memory_space<semaphore_mem>>
        %dma_start3A_527 = tpu.memref_squeeze %dma_start3A_526 : memref<1x!tpu.dma_semaphore, #tpu.memory_space<semaphore_mem>> -> memref<!tpu.dma_semaphore, #tpu.memory_space<semaphore_mem>>
        tpu.enqueue_indirect_dma source(%dma_start3A_525 : memref<10240x16xf32, #tpu.memory_space<hbm>>) target(%dma_start3A_519 : memref<128x16xf32, #tpu.memory_space<vmem>>) offsets(%dma_start3A_522 : memref<128xi32, #tpu.memory_space<vmem>>) semaphore(%dma_start3A_527 : memref<!tpu.dma_semaphore, #tpu.memory_space<semaphore_mem>>)
      } else {
      }
      %dma_wait3A_219 = arith.constant 0 : i32
      %dma_wait3A_220 = arith.constant 1 : i32
      %dma_wait3A_221 = arith.constant 1 : i32
      %dma_wait3A_222 = arith.constant 0 : i32
      %dma_wait3A_223 = arith.constant 0 : i32
      %dma_wait3A_224 = tpu.memref_slice %arg9[%dma_wait3A_220, %dma_wait3A_222, %dma_wait3A_223] : memref<8x128x16xf32, #tpu.memory_space<vmem>> -> memref<1x128x16xf32, #tpu.memory_space<vmem>>
      %dma_wait3A_225 = tpu.memref_squeeze %dma_wait3A_224 : memref<1x128x16xf32, #tpu.memory_space<vmem>> -> memref<128x16xf32, #tpu.memory_space<vmem>>
      %dma_wait3A_226 = arith.constant 0 : i32
      %dma_wait3A_227 = tpu.memref_slice %arg7[%dma_wait3A_219, %dma_wait3A_226] : memref<152x128xi32, #tpu.memory_space<vmem>> -> memref<1x128xi32, #tpu.memory_space<vmem>>
      %dma_wait3A_228 = tpu.memref_squeeze %dma_wait3A_227 : memref<1x128xi32, #tpu.memory_space<vmem>> -> memref<128xi32, #tpu.memory_space<vmem>>
      %dma_wait3A_229 = arith.constant 0 : i32
      %dma_wait3A_230 = arith.constant 0 : i32
      %dma_wait3A_231 = tpu.memref_slice %arg4[%dma_wait3A_229, %dma_wait3A_230] : memref<10240x16xf32, #tpu.memory_space<hbm>> -> memref<10240x16xf32, #tpu.memory_space<hbm>>
      %dma_wait3A_232 = tpu.memref_slice %arg10[%dma_wait3A_221] : memref<8x!tpu.dma_semaphore, #tpu.memory_space<semaphore_mem>> -> memref<1x!tpu.dma_semaphore, #tpu.memory_space<semaphore_mem>>
      %dma_wait3A_233 = tpu.memref_squeeze %dma_wait3A_232 : memref<1x!tpu.dma_semaphore, #tpu.memory_space<semaphore_mem>> -> memref<!tpu.dma_semaphore, #tpu.memory_space<semaphore_mem>>
      tpu.wait_indirect_dma semaphore(%dma_wait3A_233 : memref<!tpu.dma_semaphore, #tpu.memory_space<semaphore_mem>>) src(%dma_wait3A_231 : memref<10240x16xf32, #tpu.memory_space<hbm>>) dst(%dma_wait3A_225 : memref<128x16xf32, #tpu.memory_space<vmem>>)
      %dma_start3A_234 = arith.constant 1 : i32
      %dma_start3A_235 = arith.constant 1 : i32
      %dma_start3A_236 = arith.constant 0 : i32
      %dma_start3A_237 = arith.constant 0 : i32
      %dma_start3A_238 = tpu.memref_slice %arg9[%dma_start3A_234, %dma_start3A_236, %dma_start3A_237] : memref<8x128x16xf32, #tpu.memory_space<vmem>> -> memref<1x128x16xf32, #tpu.memory_space<vmem>>
      %dma_start3A_239 = tpu.memref_squeeze %dma_start3A_238 : memref<1x128x16xf32, #tpu.memory_space<vmem>> -> memref<128x16xf32, #tpu.memory_space<vmem>>
      %dma_start3A_240 = arith.constant 0 : i32
      %dma_start3A_241 = tpu.memref_slice %arg8[%add3A_207, %dma_start3A_240] : memref<152x128xi32, #tpu.memory_space<vmem>> -> memref<1x128xi32, #tpu.memory_space<vmem>>
      %dma_start3A_242 = tpu.memref_squeeze %dma_start3A_241 : memref<1x128xi32, #tpu.memory_space<vmem>> -> memref<128xi32, #tpu.memory_space<vmem>>
      %dma_start3A_243 = arith.constant 0 : i32
      %dma_start3A_244 = arith.constant 0 : i32
      %dma_start3A_245 = tpu.memref_slice %arg12[%dma_start3A_243, %dma_start3A_244] : memref<10240x16xf32, #tpu.memory_space<vmem_shared>> -> memref<10240x16xf32, #tpu.memory_space<vmem_shared>>
      %dma_start3A_246 = tpu.memref_slice %arg11[%dma_start3A_235] : memref<8x!tpu.dma_semaphore, #tpu.memory_space<semaphore_mem>> -> memref<1x!tpu.dma_semaphore, #tpu.memory_space<semaphore_mem>>
      %dma_start3A_247 = tpu.memref_squeeze %dma_start3A_246 : memref<1x!tpu.dma_semaphore, #tpu.memory_space<semaphore_mem>> -> memref<!tpu.dma_semaphore, #tpu.memory_space<semaphore_mem>>
      tpu.enqueue_indirect_dma source(%dma_start3A_239 : memref<128x16xf32, #tpu.memory_space<vmem>>) target(%dma_start3A_245 : memref<10240x16xf32, #tpu.memory_space<vmem_shared>>) offsets(%dma_start3A_242 : memref<128xi32, #tpu.memory_space<vmem>>) semaphore(%dma_start3A_247 : memref<!tpu.dma_semaphore, #tpu.memory_space<semaphore_mem>>) {add = true}
      %mul3A_248 = arith.constant 8 : i32
      %mul3A_249 = arith.muli %mul3A_248, %while3A_163 : i32
      %add3A_250 = arith.constant 2 : i32
      %add3A_251 = arith.addi %mul3A_249, %add3A_250 : i32
      %ge3A_252 = arith.constant 4 : i32
      %ge3A_253 = arith.cmpi sge, %add3A_251, %ge3A_252 : i32
      %convert_element_type3A_254 = arith.extui %ge3A_253 : i1 to i32
      %cond3A_255 = arith.constant 0 : i32
      %cond3A_256 = arith.cmpi ne, %convert_element_type3A_254, %cond3A_255 : i32
      scf.if %cond3A_256 {
        %dma_wait3A_512 = arith.constant 6 : i32
        %dma_wait3A_513 = arith.constant 0 : i32
        %dma_wait3A_514 = arith.constant 6 : i32
        %dma_wait3A_515 = arith.constant 0 : i32
        %dma_wait3A_516 = arith.constant 0 : i32
        %dma_wait3A_517 = tpu.memref_slice %arg9[%dma_wait3A_512, %dma_wait3A_515, %dma_wait3A_516] : memref<8x128x16xf32, #tpu.memory_space<vmem>> -> memref<1x128x16xf32, #tpu.memory_space<vmem>>
        %dma_wait3A_518 = tpu.memref_squeeze %dma_wait3A_517 : memref<1x128x16xf32, #tpu.memory_space<vmem>> -> memref<128x16xf32, #tpu.memory_space<vmem>>
        %dma_wait3A_519 = arith.constant 0 : i32
        %dma_wait3A_520 = tpu.memref_slice %arg8[%dma_wait3A_513, %dma_wait3A_519] : memref<152x128xi32, #tpu.memory_space<vmem>> -> memref<1x128xi32, #tpu.memory_space<vmem>>
        %dma_wait3A_521 = tpu.memref_squeeze %dma_wait3A_520 : memref<1x128xi32, #tpu.memory_space<vmem>> -> memref<128xi32, #tpu.memory_space<vmem>>
        %dma_wait3A_522 = arith.constant 0 : i32
        %dma_wait3A_523 = arith.constant 0 : i32
        %dma_wait3A_524 = tpu.memref_slice %arg12[%dma_wait3A_522, %dma_wait3A_523] : memref<10240x16xf32, #tpu.memory_space<vmem_shared>> -> memref<10240x16xf32, #tpu.memory_space<vmem_shared>>
        %dma_wait3A_525 = tpu.memref_slice %arg11[%dma_wait3A_514] : memref<8x!tpu.dma_semaphore, #tpu.memory_space<semaphore_mem>> -> memref<1x!tpu.dma_semaphore, #tpu.memory_space<semaphore_mem>>
        %dma_wait3A_526 = tpu.memref_squeeze %dma_wait3A_525 : memref<1x!tpu.dma_semaphore, #tpu.memory_space<semaphore_mem>> -> memref<!tpu.dma_semaphore, #tpu.memory_space<semaphore_mem>>
        tpu.wait_indirect_dma semaphore(%dma_wait3A_526 : memref<!tpu.dma_semaphore, #tpu.memory_space<semaphore_mem>>) src(%dma_wait3A_518 : memref<128x16xf32, #tpu.memory_space<vmem>>) dst(%dma_wait3A_524 : memref<10240x16xf32, #tpu.memory_space<vmem_shared>>)
      } else {
      }
      %add3A_257 = arith.constant 4 : i32
      %add3A_258 = arith.addi %add3A_251, %add3A_257 : i32
      %lt3A_259 = arith.cmpi slt, %add3A_258, %select_n3A : i32
      %convert_element_type3A_260 = arith.extui %lt3A_259 : i1 to i32
      %cond3A_261 = arith.constant 0 : i32
      %cond3A_262 = arith.cmpi ne, %convert_element_type3A_260, %cond3A_261 : i32
      scf.if %cond3A_262 {
        %add3A_512 = arith.constant 4 : i32
        %add3A_513 = arith.addi %add3A_251, %add3A_512 : i32
        %dma_start3A_514 = arith.constant 6 : i32
        %dma_start3A_515 = arith.constant 6 : i32
        %dma_start3A_516 = arith.constant 0 : i32
        %dma_start3A_517 = arith.constant 0 : i32
        %dma_start3A_518 = tpu.memref_slice %arg9[%dma_start3A_514, %dma_start3A_516, %dma_start3A_517] : memref<8x128x16xf32, #tpu.memory_space<vmem>> -> memref<1x128x16xf32, #tpu.memory_space<vmem>>
        %dma_start3A_519 = tpu.memref_squeeze %dma_start3A_518 : memref<1x128x16xf32, #tpu.memory_space<vmem>> -> memref<128x16xf32, #tpu.memory_space<vmem>>
        %dma_start3A_520 = arith.constant 0 : i32
        %dma_start3A_521 = tpu.memref_slice %arg7[%add3A_513, %dma_start3A_520] : memref<152x128xi32, #tpu.memory_space<vmem>> -> memref<1x128xi32, #tpu.memory_space<vmem>>
        %dma_start3A_522 = tpu.memref_squeeze %dma_start3A_521 : memref<1x128xi32, #tpu.memory_space<vmem>> -> memref<128xi32, #tpu.memory_space<vmem>>
        %dma_start3A_523 = arith.constant 0 : i32
        %dma_start3A_524 = arith.constant 0 : i32
        %dma_start3A_525 = tpu.memref_slice %arg4[%dma_start3A_523, %dma_start3A_524] : memref<10240x16xf32, #tpu.memory_space<hbm>> -> memref<10240x16xf32, #tpu.memory_space<hbm>>
        %dma_start3A_526 = tpu.memref_slice %arg10[%dma_start3A_515] : memref<8x!tpu.dma_semaphore, #tpu.memory_space<semaphore_mem>> -> memref<1x!tpu.dma_semaphore, #tpu.memory_space<semaphore_mem>>
        %dma_start3A_527 = tpu.memref_squeeze %dma_start3A_526 : memref<1x!tpu.dma_semaphore, #tpu.memory_space<semaphore_mem>> -> memref<!tpu.dma_semaphore, #tpu.memory_space<semaphore_mem>>
        tpu.enqueue_indirect_dma source(%dma_start3A_525 : memref<10240x16xf32, #tpu.memory_space<hbm>>) target(%dma_start3A_519 : memref<128x16xf32, #tpu.memory_space<vmem>>) offsets(%dma_start3A_522 : memref<128xi32, #tpu.memory_space<vmem>>) semaphore(%dma_start3A_527 : memref<!tpu.dma_semaphore, #tpu.memory_space<semaphore_mem>>)
      } else {
      }
      %dma_wait3A_263 = arith.constant 0 : i32
      %dma_wait3A_264 = arith.constant 2 : i32
      %dma_wait3A_265 = arith.constant 2 : i32
      %dma_wait3A_266 = arith.constant 0 : i32
      %dma_wait3A_267 = arith.constant 0 : i32
      %dma_wait3A_268 = tpu.memref_slice %arg9[%dma_wait3A_264, %dma_wait3A_266, %dma_wait3A_267] : memref<8x128x16xf32, #tpu.memory_space<vmem>> -> memref<1x128x16xf32, #tpu.memory_space<vmem>>
      %dma_wait3A_269 = tpu.memref_squeeze %dma_wait3A_268 : memref<1x128x16xf32, #tpu.memory_space<vmem>> -> memref<128x16xf32, #tpu.memory_space<vmem>>
      %dma_wait3A_270 = arith.constant 0 : i32
      %dma_wait3A_271 = tpu.memref_slice %arg7[%dma_wait3A_263, %dma_wait3A_270] : memref<152x128xi32, #tpu.memory_space<vmem>> -> memref<1x128xi32, #tpu.memory_space<vmem>>
      %dma_wait3A_272 = tpu.memref_squeeze %dma_wait3A_271 : memref<1x128xi32, #tpu.memory_space<vmem>> -> memref<128xi32, #tpu.memory_space<vmem>>
      %dma_wait3A_273 = arith.constant 0 : i32
      %dma_wait3A_274 = arith.constant 0 : i32
      %dma_wait3A_275 = tpu.memref_slice %arg4[%dma_wait3A_273, %dma_wait3A_274] : memref<10240x16xf32, #tpu.memory_space<hbm>> -> memref<10240x16xf32, #tpu.memory_space<hbm>>
      %dma_wait3A_276 = tpu.memref_slice %arg10[%dma_wait3A_265] : memref<8x!tpu.dma_semaphore, #tpu.memory_space<semaphore_mem>> -> memref<1x!tpu.dma_semaphore, #tpu.memory_space<semaphore_mem>>
      %dma_wait3A_277 = tpu.memref_squeeze %dma_wait3A_276 : memref<1x!tpu.dma_semaphore, #tpu.memory_space<semaphore_mem>> -> memref<!tpu.dma_semaphore, #tpu.memory_space<semaphore_mem>>
      tpu.wait_indirect_dma semaphore(%dma_wait3A_277 : memref<!tpu.dma_semaphore, #tpu.memory_space<semaphore_mem>>) src(%dma_wait3A_275 : memref<10240x16xf32, #tpu.memory_space<hbm>>) dst(%dma_wait3A_269 : memref<128x16xf32, #tpu.memory_space<vmem>>)
      %dma_start3A_278 = arith.constant 2 : i32
      %dma_start3A_279 = arith.constant 2 : i32
      %dma_start3A_280 = arith.constant 0 : i32
      %dma_start3A_281 = arith.constant 0 : i32
      %dma_start3A_282 = tpu.memref_slice %arg9[%dma_start3A_278, %dma_start3A_280, %dma_start3A_281] : memref<8x128x16xf32, #tpu.memory_space<vmem>> -> memref<1x128x16xf32, #tpu.memory_space<vmem>>
      %dma_start3A_283 = tpu.memref_squeeze %dma_start3A_282 : memref<1x128x16xf32, #tpu.memory_space<vmem>> -> memref<128x16xf32, #tpu.memory_space<vmem>>
      %dma_start3A_284 = arith.constant 0 : i32
      %dma_start3A_285 = tpu.memref_slice %arg8[%add3A_251, %dma_start3A_284] : memref<152x128xi32, #tpu.memory_space<vmem>> -> memref<1x128xi32, #tpu.memory_space<vmem>>
      %dma_start3A_286 = tpu.memref_squeeze %dma_start3A_285 : memref<1x128xi32, #tpu.memory_space<vmem>> -> memref<128xi32, #tpu.memory_space<vmem>>
      %dma_start3A_287 = arith.constant 0 : i32
      %dma_start3A_288 = arith.constant 0 : i32
      %dma_start3A_289 = tpu.memref_slice %arg12[%dma_start3A_287, %dma_start3A_288] : memref<10240x16xf32, #tpu.memory_space<vmem_shared>> -> memref<10240x16xf32, #tpu.memory_space<vmem_shared>>
      %dma_start3A_290 = tpu.memref_slice %arg11[%dma_start3A_279] : memref<8x!tpu.dma_semaphore, #tpu.memory_space<semaphore_mem>> -> memref<1x!tpu.dma_semaphore, #tpu.memory_space<semaphore_mem>>
      %dma_start3A_291 = tpu.memref_squeeze %dma_start3A_290 : memref<1x!tpu.dma_semaphore, #tpu.memory_space<semaphore_mem>> -> memref<!tpu.dma_semaphore, #tpu.memory_space<semaphore_mem>>
      tpu.enqueue_indirect_dma source(%dma_start3A_283 : memref<128x16xf32, #tpu.memory_space<vmem>>) target(%dma_start3A_289 : memref<10240x16xf32, #tpu.memory_space<vmem_shared>>) offsets(%dma_start3A_286 : memref<128xi32, #tpu.memory_space<vmem>>) semaphore(%dma_start3A_291 : memref<!tpu.dma_semaphore, #tpu.memory_space<semaphore_mem>>) {add = true}
      %mul3A_292 = arith.constant 8 : i32
      %mul3A_293 = arith.muli %mul3A_292, %while3A_163 : i32
      %add3A_294 = arith.constant 3 : i32
      %add3A_295 = arith.addi %mul3A_293, %add3A_294 : i32
      %ge3A_296 = arith.constant 4 : i32
      %ge3A_297 = arith.cmpi sge, %add3A_295, %ge3A_296 : i32
      %convert_element_type3A_298 = arith.extui %ge3A_297 : i1 to i32
      %cond3A_299 = arith.constant 0 : i32
      %cond3A_300 = arith.cmpi ne, %convert_element_type3A_298, %cond3A_299 : i32
      scf.if %cond3A_300 {
        %dma_wait3A_512 = arith.constant 7 : i32
        %dma_wait3A_513 = arith.constant 0 : i32
        %dma_wait3A_514 = arith.constant 7 : i32
        %dma_wait3A_515 = arith.constant 0 : i32
        %dma_wait3A_516 = arith.constant 0 : i32
        %dma_wait3A_517 = tpu.memref_slice %arg9[%dma_wait3A_512, %dma_wait3A_515, %dma_wait3A_516] : memref<8x128x16xf32, #tpu.memory_space<vmem>> -> memref<1x128x16xf32, #tpu.memory_space<vmem>>
        %dma_wait3A_518 = tpu.memref_squeeze %dma_wait3A_517 : memref<1x128x16xf32, #tpu.memory_space<vmem>> -> memref<128x16xf32, #tpu.memory_space<vmem>>
        %dma_wait3A_519 = arith.constant 0 : i32
        %dma_wait3A_520 = tpu.memref_slice %arg8[%dma_wait3A_513, %dma_wait3A_519] : memref<152x128xi32, #tpu.memory_space<vmem>> -> memref<1x128xi32, #tpu.memory_space<vmem>>
        %dma_wait3A_521 = tpu.memref_squeeze %dma_wait3A_520 : memref<1x128xi32, #tpu.memory_space<vmem>> -> memref<128xi32, #tpu.memory_space<vmem>>
        %dma_wait3A_522 = arith.constant 0 : i32
        %dma_wait3A_523 = arith.constant 0 : i32
        %dma_wait3A_524 = tpu.memref_slice %arg12[%dma_wait3A_522, %dma_wait3A_523] : memref<10240x16xf32, #tpu.memory_space<vmem_shared>> -> memref<10240x16xf32, #tpu.memory_space<vmem_shared>>
        %dma_wait3A_525 = tpu.memref_slice %arg11[%dma_wait3A_514] : memref<8x!tpu.dma_semaphore, #tpu.memory_space<semaphore_mem>> -> memref<1x!tpu.dma_semaphore, #tpu.memory_space<semaphore_mem>>
        %dma_wait3A_526 = tpu.memref_squeeze %dma_wait3A_525 : memref<1x!tpu.dma_semaphore, #tpu.memory_space<semaphore_mem>> -> memref<!tpu.dma_semaphore, #tpu.memory_space<semaphore_mem>>
        tpu.wait_indirect_dma semaphore(%dma_wait3A_526 : memref<!tpu.dma_semaphore, #tpu.memory_space<semaphore_mem>>) src(%dma_wait3A_518 : memref<128x16xf32, #tpu.memory_space<vmem>>) dst(%dma_wait3A_524 : memref<10240x16xf32, #tpu.memory_space<vmem_shared>>)
      } else {
      }
      %add3A_301 = arith.constant 4 : i32
      %add3A_302 = arith.addi %add3A_295, %add3A_301 : i32
      %lt3A_303 = arith.cmpi slt, %add3A_302, %select_n3A : i32
      %convert_element_type3A_304 = arith.extui %lt3A_303 : i1 to i32
      %cond3A_305 = arith.constant 0 : i32
      %cond3A_306 = arith.cmpi ne, %convert_element_type3A_304, %cond3A_305 : i32
      scf.if %cond3A_306 {
        %add3A_512 = arith.constant 4 : i32
        %add3A_513 = arith.addi %add3A_295, %add3A_512 : i32
        %dma_start3A_514 = arith.constant 7 : i32
        %dma_start3A_515 = arith.constant 7 : i32
        %dma_start3A_516 = arith.constant 0 : i32
        %dma_start3A_517 = arith.constant 0 : i32
        %dma_start3A_518 = tpu.memref_slice %arg9[%dma_start3A_514, %dma_start3A_516, %dma_start3A_517] : memref<8x128x16xf32, #tpu.memory_space<vmem>> -> memref<1x128x16xf32, #tpu.memory_space<vmem>>
        %dma_start3A_519 = tpu.memref_squeeze %dma_start3A_518 : memref<1x128x16xf32, #tpu.memory_space<vmem>> -> memref<128x16xf32, #tpu.memory_space<vmem>>
        %dma_start3A_520 = arith.constant 0 : i32
        %dma_start3A_521 = tpu.memref_slice %arg7[%add3A_513, %dma_start3A_520] : memref<152x128xi32, #tpu.memory_space<vmem>> -> memref<1x128xi32, #tpu.memory_space<vmem>>
        %dma_start3A_522 = tpu.memref_squeeze %dma_start3A_521 : memref<1x128xi32, #tpu.memory_space<vmem>> -> memref<128xi32, #tpu.memory_space<vmem>>
        %dma_start3A_523 = arith.constant 0 : i32
        %dma_start3A_524 = arith.constant 0 : i32
        %dma_start3A_525 = tpu.memref_slice %arg4[%dma_start3A_523, %dma_start3A_524] : memref<10240x16xf32, #tpu.memory_space<hbm>> -> memref<10240x16xf32, #tpu.memory_space<hbm>>
        %dma_start3A_526 = tpu.memref_slice %arg10[%dma_start3A_515] : memref<8x!tpu.dma_semaphore, #tpu.memory_space<semaphore_mem>> -> memref<1x!tpu.dma_semaphore, #tpu.memory_space<semaphore_mem>>
        %dma_start3A_527 = tpu.memref_squeeze %dma_start3A_526 : memref<1x!tpu.dma_semaphore, #tpu.memory_space<semaphore_mem>> -> memref<!tpu.dma_semaphore, #tpu.memory_space<semaphore_mem>>
        tpu.enqueue_indirect_dma source(%dma_start3A_525 : memref<10240x16xf32, #tpu.memory_space<hbm>>) target(%dma_start3A_519 : memref<128x16xf32, #tpu.memory_space<vmem>>) offsets(%dma_start3A_522 : memref<128xi32, #tpu.memory_space<vmem>>) semaphore(%dma_start3A_527 : memref<!tpu.dma_semaphore, #tpu.memory_space<semaphore_mem>>)
      } else {
      }
      %dma_wait3A_307 = arith.constant 0 : i32
      %dma_wait3A_308 = arith.constant 3 : i32
      %dma_wait3A_309 = arith.constant 3 : i32
      %dma_wait3A_310 = arith.constant 0 : i32
      %dma_wait3A_311 = arith.constant 0 : i32
      %dma_wait3A_312 = tpu.memref_slice %arg9[%dma_wait3A_308, %dma_wait3A_310, %dma_wait3A_311] : memref<8x128x16xf32, #tpu.memory_space<vmem>> -> memref<1x128x16xf32, #tpu.memory_space<vmem>>
      %dma_wait3A_313 = tpu.memref_squeeze %dma_wait3A_312 : memref<1x128x16xf32, #tpu.memory_space<vmem>> -> memref<128x16xf32, #tpu.memory_space<vmem>>
      %dma_wait3A_314 = arith.constant 0 : i32
      %dma_wait3A_315 = tpu.memref_slice %arg7[%dma_wait3A_307, %dma_wait3A_314] : memref<152x128xi32, #tpu.memory_space<vmem>> -> memref<1x128xi32, #tpu.memory_space<vmem>>
      %dma_wait3A_316 = tpu.memref_squeeze %dma_wait3A_315 : memref<1x128xi32, #tpu.memory_space<vmem>> -> memref<128xi32, #tpu.memory_space<vmem>>
      %dma_wait3A_317 = arith.constant 0 : i32
      %dma_wait3A_318 = arith.constant 0 : i32
      %dma_wait3A_319 = tpu.memref_slice %arg4[%dma_wait3A_317, %dma_wait3A_318] : memref<10240x16xf32, #tpu.memory_space<hbm>> -> memref<10240x16xf32, #tpu.memory_space<hbm>>
      %dma_wait3A_320 = tpu.memref_slice %arg10[%dma_wait3A_309] : memref<8x!tpu.dma_semaphore, #tpu.memory_space<semaphore_mem>> -> memref<1x!tpu.dma_semaphore, #tpu.memory_space<semaphore_mem>>
      %dma_wait3A_321 = tpu.memref_squeeze %dma_wait3A_320 : memref<1x!tpu.dma_semaphore, #tpu.memory_space<semaphore_mem>> -> memref<!tpu.dma_semaphore, #tpu.memory_space<semaphore_mem>>
      tpu.wait_indirect_dma semaphore(%dma_wait3A_321 : memref<!tpu.dma_semaphore, #tpu.memory_space<semaphore_mem>>) src(%dma_wait3A_319 : memref<10240x16xf32, #tpu.memory_space<hbm>>) dst(%dma_wait3A_313 : memref<128x16xf32, #tpu.memory_space<vmem>>)
      %dma_start3A_322 = arith.constant 3 : i32
      %dma_start3A_323 = arith.constant 3 : i32
      %dma_start3A_324 = arith.constant 0 : i32
      %dma_start3A_325 = arith.constant 0 : i32
      %dma_start3A_326 = tpu.memref_slice %arg9[%dma_start3A_322, %dma_start3A_324, %dma_start3A_325] : memref<8x128x16xf32, #tpu.memory_space<vmem>> -> memref<1x128x16xf32, #tpu.memory_space<vmem>>
      %dma_start3A_327 = tpu.memref_squeeze %dma_start3A_326 : memref<1x128x16xf32, #tpu.memory_space<vmem>> -> memref<128x16xf32, #tpu.memory_space<vmem>>
      %dma_start3A_328 = arith.constant 0 : i32
      %dma_start3A_329 = tpu.memref_slice %arg8[%add3A_295, %dma_start3A_328] : memref<152x128xi32, #tpu.memory_space<vmem>> -> memref<1x128xi32, #tpu.memory_space<vmem>>
      %dma_start3A_330 = tpu.memref_squeeze %dma_start3A_329 : memref<1x128xi32, #tpu.memory_space<vmem>> -> memref<128xi32, #tpu.memory_space<vmem>>
      %dma_start3A_331 = arith.constant 0 : i32
      %dma_start3A_332 = arith.constant 0 : i32
      %dma_start3A_333 = tpu.memref_slice %arg12[%dma_start3A_331, %dma_start3A_332] : memref<10240x16xf32, #tpu.memory_space<vmem_shared>> -> memref<10240x16xf32, #tpu.memory_space<vmem_shared>>
      %dma_start3A_334 = tpu.memref_slice %arg11[%dma_start3A_323] : memref<8x!tpu.dma_semaphore, #tpu.memory_space<semaphore_mem>> -> memref<1x!tpu.dma_semaphore, #tpu.memory_space<semaphore_mem>>
      %dma_start3A_335 = tpu.memref_squeeze %dma_start3A_334 : memref<1x!tpu.dma_semaphore, #tpu.memory_space<semaphore_mem>> -> memref<!tpu.dma_semaphore, #tpu.memory_space<semaphore_mem>>
      tpu.enqueue_indirect_dma source(%dma_start3A_327 : memref<128x16xf32, #tpu.memory_space<vmem>>) target(%dma_start3A_333 : memref<10240x16xf32, #tpu.memory_space<vmem_shared>>) offsets(%dma_start3A_330 : memref<128xi32, #tpu.memory_space<vmem>>) semaphore(%dma_start3A_335 : memref<!tpu.dma_semaphore, #tpu.memory_space<semaphore_mem>>) {add = true}
      %mul3A_336 = arith.constant 8 : i32
      %mul3A_337 = arith.muli %mul3A_336, %while3A_163 : i32
      %add3A_338 = arith.constant 4 : i32
      %add3A_339 = arith.addi %mul3A_337, %add3A_338 : i32
      %ge3A_340 = arith.constant 4 : i32
      %ge3A_341 = arith.cmpi sge, %add3A_339, %ge3A_340 : i32
      %convert_element_type3A_342 = arith.extui %ge3A_341 : i1 to i32
      %cond3A_343 = arith.constant 0 : i32
      %cond3A_344 = arith.cmpi ne, %convert_element_type3A_342, %cond3A_343 : i32
      scf.if %cond3A_344 {
        %dma_wait3A_512 = arith.constant 0 : i32
        %dma_wait3A_513 = arith.constant 0 : i32
        %dma_wait3A_514 = arith.constant 0 : i32
        %dma_wait3A_515 = arith.constant 0 : i32
        %dma_wait3A_516 = arith.constant 0 : i32
        %dma_wait3A_517 = tpu.memref_slice %arg9[%dma_wait3A_512, %dma_wait3A_515, %dma_wait3A_516] : memref<8x128x16xf32, #tpu.memory_space<vmem>> -> memref<1x128x16xf32, #tpu.memory_space<vmem>>
        %dma_wait3A_518 = tpu.memref_squeeze %dma_wait3A_517 : memref<1x128x16xf32, #tpu.memory_space<vmem>> -> memref<128x16xf32, #tpu.memory_space<vmem>>
        %dma_wait3A_519 = arith.constant 0 : i32
        %dma_wait3A_520 = tpu.memref_slice %arg8[%dma_wait3A_513, %dma_wait3A_519] : memref<152x128xi32, #tpu.memory_space<vmem>> -> memref<1x128xi32, #tpu.memory_space<vmem>>
        %dma_wait3A_521 = tpu.memref_squeeze %dma_wait3A_520 : memref<1x128xi32, #tpu.memory_space<vmem>> -> memref<128xi32, #tpu.memory_space<vmem>>
        %dma_wait3A_522 = arith.constant 0 : i32
        %dma_wait3A_523 = arith.constant 0 : i32
        %dma_wait3A_524 = tpu.memref_slice %arg12[%dma_wait3A_522, %dma_wait3A_523] : memref<10240x16xf32, #tpu.memory_space<vmem_shared>> -> memref<10240x16xf32, #tpu.memory_space<vmem_shared>>
        %dma_wait3A_525 = tpu.memref_slice %arg11[%dma_wait3A_514] : memref<8x!tpu.dma_semaphore, #tpu.memory_space<semaphore_mem>> -> memref<1x!tpu.dma_semaphore, #tpu.memory_space<semaphore_mem>>
        %dma_wait3A_526 = tpu.memref_squeeze %dma_wait3A_525 : memref<1x!tpu.dma_semaphore, #tpu.memory_space<semaphore_mem>> -> memref<!tpu.dma_semaphore, #tpu.memory_space<semaphore_mem>>
        tpu.wait_indirect_dma semaphore(%dma_wait3A_526 : memref<!tpu.dma_semaphore, #tpu.memory_space<semaphore_mem>>) src(%dma_wait3A_518 : memref<128x16xf32, #tpu.memory_space<vmem>>) dst(%dma_wait3A_524 : memref<10240x16xf32, #tpu.memory_space<vmem_shared>>)
      } else {
      }
      %add3A_345 = arith.constant 4 : i32
      %add3A_346 = arith.addi %add3A_339, %add3A_345 : i32
      %lt3A_347 = arith.cmpi slt, %add3A_346, %select_n3A : i32
      %convert_element_type3A_348 = arith.extui %lt3A_347 : i1 to i32
      %cond3A_349 = arith.constant 0 : i32
      %cond3A_350 = arith.cmpi ne, %convert_element_type3A_348, %cond3A_349 : i32
      scf.if %cond3A_350 {
        %add3A_512 = arith.constant 4 : i32
        %add3A_513 = arith.addi %add3A_339, %add3A_512 : i32
        %dma_start3A_514 = arith.constant 0 : i32
        %dma_start3A_515 = arith.constant 0 : i32
        %dma_start3A_516 = arith.constant 0 : i32
        %dma_start3A_517 = arith.constant 0 : i32
        %dma_start3A_518 = tpu.memref_slice %arg9[%dma_start3A_514, %dma_start3A_516, %dma_start3A_517] : memref<8x128x16xf32, #tpu.memory_space<vmem>> -> memref<1x128x16xf32, #tpu.memory_space<vmem>>
        %dma_start3A_519 = tpu.memref_squeeze %dma_start3A_518 : memref<1x128x16xf32, #tpu.memory_space<vmem>> -> memref<128x16xf32, #tpu.memory_space<vmem>>
        %dma_start3A_520 = arith.constant 0 : i32
        %dma_start3A_521 = tpu.memref_slice %arg7[%add3A_513, %dma_start3A_520] : memref<152x128xi32, #tpu.memory_space<vmem>> -> memref<1x128xi32, #tpu.memory_space<vmem>>
        %dma_start3A_522 = tpu.memref_squeeze %dma_start3A_521 : memref<1x128xi32, #tpu.memory_space<vmem>> -> memref<128xi32, #tpu.memory_space<vmem>>
        %dma_start3A_523 = arith.constant 0 : i32
        %dma_start3A_524 = arith.constant 0 : i32
        %dma_start3A_525 = tpu.memref_slice %arg4[%dma_start3A_523, %dma_start3A_524] : memref<10240x16xf32, #tpu.memory_space<hbm>> -> memref<10240x16xf32, #tpu.memory_space<hbm>>
        %dma_start3A_526 = tpu.memref_slice %arg10[%dma_start3A_515] : memref<8x!tpu.dma_semaphore, #tpu.memory_space<semaphore_mem>> -> memref<1x!tpu.dma_semaphore, #tpu.memory_space<semaphore_mem>>
        %dma_start3A_527 = tpu.memref_squeeze %dma_start3A_526 : memref<1x!tpu.dma_semaphore, #tpu.memory_space<semaphore_mem>> -> memref<!tpu.dma_semaphore, #tpu.memory_space<semaphore_mem>>
        tpu.enqueue_indirect_dma source(%dma_start3A_525 : memref<10240x16xf32, #tpu.memory_space<hbm>>) target(%dma_start3A_519 : memref<128x16xf32, #tpu.memory_space<vmem>>) offsets(%dma_start3A_522 : memref<128xi32, #tpu.memory_space<vmem>>) semaphore(%dma_start3A_527 : memref<!tpu.dma_semaphore, #tpu.memory_space<semaphore_mem>>)
      } else {
      }
      %dma_wait3A_351 = arith.constant 0 : i32
      %dma_wait3A_352 = arith.constant 4 : i32
      %dma_wait3A_353 = arith.constant 4 : i32
      %dma_wait3A_354 = arith.constant 0 : i32
      %dma_wait3A_355 = arith.constant 0 : i32
      %dma_wait3A_356 = tpu.memref_slice %arg9[%dma_wait3A_352, %dma_wait3A_354, %dma_wait3A_355] : memref<8x128x16xf32, #tpu.memory_space<vmem>> -> memref<1x128x16xf32, #tpu.memory_space<vmem>>
      %dma_wait3A_357 = tpu.memref_squeeze %dma_wait3A_356 : memref<1x128x16xf32, #tpu.memory_space<vmem>> -> memref<128x16xf32, #tpu.memory_space<vmem>>
      %dma_wait3A_358 = arith.constant 0 : i32
      %dma_wait3A_359 = tpu.memref_slice %arg7[%dma_wait3A_351, %dma_wait3A_358] : memref<152x128xi32, #tpu.memory_space<vmem>> -> memref<1x128xi32, #tpu.memory_space<vmem>>
      %dma_wait3A_360 = tpu.memref_squeeze %dma_wait3A_359 : memref<1x128xi32, #tpu.memory_space<vmem>> -> memref<128xi32, #tpu.memory_space<vmem>>
      %dma_wait3A_361 = arith.constant 0 : i32
      %dma_wait3A_362 = arith.constant 0 : i32
      %dma_wait3A_363 = tpu.memref_slice %arg4[%dma_wait3A_361, %dma_wait3A_362] : memref<10240x16xf32, #tpu.memory_space<hbm>> -> memref<10240x16xf32, #tpu.memory_space<hbm>>
      %dma_wait3A_364 = tpu.memref_slice %arg10[%dma_wait3A_353] : memref<8x!tpu.dma_semaphore, #tpu.memory_space<semaphore_mem>> -> memref<1x!tpu.dma_semaphore, #tpu.memory_space<semaphore_mem>>
      %dma_wait3A_365 = tpu.memref_squeeze %dma_wait3A_364 : memref<1x!tpu.dma_semaphore, #tpu.memory_space<semaphore_mem>> -> memref<!tpu.dma_semaphore, #tpu.memory_space<semaphore_mem>>
      tpu.wait_indirect_dma semaphore(%dma_wait3A_365 : memref<!tpu.dma_semaphore, #tpu.memory_space<semaphore_mem>>) src(%dma_wait3A_363 : memref<10240x16xf32, #tpu.memory_space<hbm>>) dst(%dma_wait3A_357 : memref<128x16xf32, #tpu.memory_space<vmem>>)
      %dma_start3A_366 = arith.constant 4 : i32
      %dma_start3A_367 = arith.constant 4 : i32
      %dma_start3A_368 = arith.constant 0 : i32
      %dma_start3A_369 = arith.constant 0 : i32
      %dma_start3A_370 = tpu.memref_slice %arg9[%dma_start3A_366, %dma_start3A_368, %dma_start3A_369] : memref<8x128x16xf32, #tpu.memory_space<vmem>> -> memref<1x128x16xf32, #tpu.memory_space<vmem>>
      %dma_start3A_371 = tpu.memref_squeeze %dma_start3A_370 : memref<1x128x16xf32, #tpu.memory_space<vmem>> -> memref<128x16xf32, #tpu.memory_space<vmem>>
      %dma_start3A_372 = arith.constant 0 : i32
      %dma_start3A_373 = tpu.memref_slice %arg8[%add3A_339, %dma_start3A_372] : memref<152x128xi32, #tpu.memory_space<vmem>> -> memref<1x128xi32, #tpu.memory_space<vmem>>
      %dma_start3A_374 = tpu.memref_squeeze %dma_start3A_373 : memref<1x128xi32, #tpu.memory_space<vmem>> -> memref<128xi32, #tpu.memory_space<vmem>>
      %dma_start3A_375 = arith.constant 0 : i32
      %dma_start3A_376 = arith.constant 0 : i32
      %dma_start3A_377 = tpu.memref_slice %arg12[%dma_start3A_375, %dma_start3A_376] : memref<10240x16xf32, #tpu.memory_space<vmem_shared>> -> memref<10240x16xf32, #tpu.memory_space<vmem_shared>>
      %dma_start3A_378 = tpu.memref_slice %arg11[%dma_start3A_367] : memref<8x!tpu.dma_semaphore, #tpu.memory_space<semaphore_mem>> -> memref<1x!tpu.dma_semaphore, #tpu.memory_space<semaphore_mem>>
      %dma_start3A_379 = tpu.memref_squeeze %dma_start3A_378 : memref<1x!tpu.dma_semaphore, #tpu.memory_space<semaphore_mem>> -> memref<!tpu.dma_semaphore, #tpu.memory_space<semaphore_mem>>
      tpu.enqueue_indirect_dma source(%dma_start3A_371 : memref<128x16xf32, #tpu.memory_space<vmem>>) target(%dma_start3A_377 : memref<10240x16xf32, #tpu.memory_space<vmem_shared>>) offsets(%dma_start3A_374 : memref<128xi32, #tpu.memory_space<vmem>>) semaphore(%dma_start3A_379 : memref<!tpu.dma_semaphore, #tpu.memory_space<semaphore_mem>>) {add = true}
      %mul3A_380 = arith.constant 8 : i32
      %mul3A_381 = arith.muli %mul3A_380, %while3A_163 : i32
      %add3A_382 = arith.constant 5 : i32
      %add3A_383 = arith.addi %mul3A_381, %add3A_382 : i32
      %ge3A_384 = arith.constant 4 : i32
      %ge3A_385 = arith.cmpi sge, %add3A_383, %ge3A_384 : i32
      %convert_element_type3A_386 = arith.extui %ge3A_385 : i1 to i32
      %cond3A_387 = arith.constant 0 : i32
      %cond3A_388 = arith.cmpi ne, %convert_element_type3A_386, %cond3A_387 : i32
      scf.if %cond3A_388 {
        %dma_wait3A_512 = arith.constant 1 : i32
        %dma_wait3A_513 = arith.constant 0 : i32
        %dma_wait3A_514 = arith.constant 1 : i32
        %dma_wait3A_515 = arith.constant 0 : i32
        %dma_wait3A_516 = arith.constant 0 : i32
        %dma_wait3A_517 = tpu.memref_slice %arg9[%dma_wait3A_512, %dma_wait3A_515, %dma_wait3A_516] : memref<8x128x16xf32, #tpu.memory_space<vmem>> -> memref<1x128x16xf32, #tpu.memory_space<vmem>>
        %dma_wait3A_518 = tpu.memref_squeeze %dma_wait3A_517 : memref<1x128x16xf32, #tpu.memory_space<vmem>> -> memref<128x16xf32, #tpu.memory_space<vmem>>
        %dma_wait3A_519 = arith.constant 0 : i32
        %dma_wait3A_520 = tpu.memref_slice %arg8[%dma_wait3A_513, %dma_wait3A_519] : memref<152x128xi32, #tpu.memory_space<vmem>> -> memref<1x128xi32, #tpu.memory_space<vmem>>
        %dma_wait3A_521 = tpu.memref_squeeze %dma_wait3A_520 : memref<1x128xi32, #tpu.memory_space<vmem>> -> memref<128xi32, #tpu.memory_space<vmem>>
        %dma_wait3A_522 = arith.constant 0 : i32
        %dma_wait3A_523 = arith.constant 0 : i32
        %dma_wait3A_524 = tpu.memref_slice %arg12[%dma_wait3A_522, %dma_wait3A_523] : memref<10240x16xf32, #tpu.memory_space<vmem_shared>> -> memref<10240x16xf32, #tpu.memory_space<vmem_shared>>
        %dma_wait3A_525 = tpu.memref_slice %arg11[%dma_wait3A_514] : memref<8x!tpu.dma_semaphore, #tpu.memory_space<semaphore_mem>> -> memref<1x!tpu.dma_semaphore, #tpu.memory_space<semaphore_mem>>
        %dma_wait3A_526 = tpu.memref_squeeze %dma_wait3A_525 : memref<1x!tpu.dma_semaphore, #tpu.memory_space<semaphore_mem>> -> memref<!tpu.dma_semaphore, #tpu.memory_space<semaphore_mem>>
        tpu.wait_indirect_dma semaphore(%dma_wait3A_526 : memref<!tpu.dma_semaphore, #tpu.memory_space<semaphore_mem>>) src(%dma_wait3A_518 : memref<128x16xf32, #tpu.memory_space<vmem>>) dst(%dma_wait3A_524 : memref<10240x16xf32, #tpu.memory_space<vmem_shared>>)
      } else {
      }
      %add3A_389 = arith.constant 4 : i32
      %add3A_390 = arith.addi %add3A_383, %add3A_389 : i32
      %lt3A_391 = arith.cmpi slt, %add3A_390, %select_n3A : i32
      %convert_element_type3A_392 = arith.extui %lt3A_391 : i1 to i32
      %cond3A_393 = arith.constant 0 : i32
      %cond3A_394 = arith.cmpi ne, %convert_element_type3A_392, %cond3A_393 : i32
      scf.if %cond3A_394 {
        %add3A_512 = arith.constant 4 : i32
        %add3A_513 = arith.addi %add3A_383, %add3A_512 : i32
        %dma_start3A_514 = arith.constant 1 : i32
        %dma_start3A_515 = arith.constant 1 : i32
        %dma_start3A_516 = arith.constant 0 : i32
        %dma_start3A_517 = arith.constant 0 : i32
        %dma_start3A_518 = tpu.memref_slice %arg9[%dma_start3A_514, %dma_start3A_516, %dma_start3A_517] : memref<8x128x16xf32, #tpu.memory_space<vmem>> -> memref<1x128x16xf32, #tpu.memory_space<vmem>>
        %dma_start3A_519 = tpu.memref_squeeze %dma_start3A_518 : memref<1x128x16xf32, #tpu.memory_space<vmem>> -> memref<128x16xf32, #tpu.memory_space<vmem>>
        %dma_start3A_520 = arith.constant 0 : i32
        %dma_start3A_521 = tpu.memref_slice %arg7[%add3A_513, %dma_start3A_520] : memref<152x128xi32, #tpu.memory_space<vmem>> -> memref<1x128xi32, #tpu.memory_space<vmem>>
        %dma_start3A_522 = tpu.memref_squeeze %dma_start3A_521 : memref<1x128xi32, #tpu.memory_space<vmem>> -> memref<128xi32, #tpu.memory_space<vmem>>
        %dma_start3A_523 = arith.constant 0 : i32
        %dma_start3A_524 = arith.constant 0 : i32
        %dma_start3A_525 = tpu.memref_slice %arg4[%dma_start3A_523, %dma_start3A_524] : memref<10240x16xf32, #tpu.memory_space<hbm>> -> memref<10240x16xf32, #tpu.memory_space<hbm>>
        %dma_start3A_526 = tpu.memref_slice %arg10[%dma_start3A_515] : memref<8x!tpu.dma_semaphore, #tpu.memory_space<semaphore_mem>> -> memref<1x!tpu.dma_semaphore, #tpu.memory_space<semaphore_mem>>
        %dma_start3A_527 = tpu.memref_squeeze %dma_start3A_526 : memref<1x!tpu.dma_semaphore, #tpu.memory_space<semaphore_mem>> -> memref<!tpu.dma_semaphore, #tpu.memory_space<semaphore_mem>>
        tpu.enqueue_indirect_dma source(%dma_start3A_525 : memref<10240x16xf32, #tpu.memory_space<hbm>>) target(%dma_start3A_519 : memref<128x16xf32, #tpu.memory_space<vmem>>) offsets(%dma_start3A_522 : memref<128xi32, #tpu.memory_space<vmem>>) semaphore(%dma_start3A_527 : memref<!tpu.dma_semaphore, #tpu.memory_space<semaphore_mem>>)
      } else {
      }
      %dma_wait3A_395 = arith.constant 0 : i32
      %dma_wait3A_396 = arith.constant 5 : i32
      %dma_wait3A_397 = arith.constant 5 : i32
      %dma_wait3A_398 = arith.constant 0 : i32
      %dma_wait3A_399 = arith.constant 0 : i32
      %dma_wait3A_400 = tpu.memref_slice %arg9[%dma_wait3A_396, %dma_wait3A_398, %dma_wait3A_399] : memref<8x128x16xf32, #tpu.memory_space<vmem>> -> memref<1x128x16xf32, #tpu.memory_space<vmem>>
      %dma_wait3A_401 = tpu.memref_squeeze %dma_wait3A_400 : memref<1x128x16xf32, #tpu.memory_space<vmem>> -> memref<128x16xf32, #tpu.memory_space<vmem>>
      %dma_wait3A_402 = arith.constant 0 : i32
      %dma_wait3A_403 = tpu.memref_slice %arg7[%dma_wait3A_395, %dma_wait3A_402] : memref<152x128xi32, #tpu.memory_space<vmem>> -> memref<1x128xi32, #tpu.memory_space<vmem>>
      %dma_wait3A_404 = tpu.memref_squeeze %dma_wait3A_403 : memref<1x128xi32, #tpu.memory_space<vmem>> -> memref<128xi32, #tpu.memory_space<vmem>>
      %dma_wait3A_405 = arith.constant 0 : i32
      %dma_wait3A_406 = arith.constant 0 : i32
      %dma_wait3A_407 = tpu.memref_slice %arg4[%dma_wait3A_405, %dma_wait3A_406] : memref<10240x16xf32, #tpu.memory_space<hbm>> -> memref<10240x16xf32, #tpu.memory_space<hbm>>
      %dma_wait3A_408 = tpu.memref_slice %arg10[%dma_wait3A_397] : memref<8x!tpu.dma_semaphore, #tpu.memory_space<semaphore_mem>> -> memref<1x!tpu.dma_semaphore, #tpu.memory_space<semaphore_mem>>
      %dma_wait3A_409 = tpu.memref_squeeze %dma_wait3A_408 : memref<1x!tpu.dma_semaphore, #tpu.memory_space<semaphore_mem>> -> memref<!tpu.dma_semaphore, #tpu.memory_space<semaphore_mem>>
      tpu.wait_indirect_dma semaphore(%dma_wait3A_409 : memref<!tpu.dma_semaphore, #tpu.memory_space<semaphore_mem>>) src(%dma_wait3A_407 : memref<10240x16xf32, #tpu.memory_space<hbm>>) dst(%dma_wait3A_401 : memref<128x16xf32, #tpu.memory_space<vmem>>)
      %dma_start3A_410 = arith.constant 5 : i32
      %dma_start3A_411 = arith.constant 5 : i32
      %dma_start3A_412 = arith.constant 0 : i32
      %dma_start3A_413 = arith.constant 0 : i32
      %dma_start3A_414 = tpu.memref_slice %arg9[%dma_start3A_410, %dma_start3A_412, %dma_start3A_413] : memref<8x128x16xf32, #tpu.memory_space<vmem>> -> memref<1x128x16xf32, #tpu.memory_space<vmem>>
      %dma_start3A_415 = tpu.memref_squeeze %dma_start3A_414 : memref<1x128x16xf32, #tpu.memory_space<vmem>> -> memref<128x16xf32, #tpu.memory_space<vmem>>
      %dma_start3A_416 = arith.constant 0 : i32
      %dma_start3A_417 = tpu.memref_slice %arg8[%add3A_383, %dma_start3A_416] : memref<152x128xi32, #tpu.memory_space<vmem>> -> memref<1x128xi32, #tpu.memory_space<vmem>>
      %dma_start3A_418 = tpu.memref_squeeze %dma_start3A_417 : memref<1x128xi32, #tpu.memory_space<vmem>> -> memref<128xi32, #tpu.memory_space<vmem>>
      %dma_start3A_419 = arith.constant 0 : i32
      %dma_start3A_420 = arith.constant 0 : i32
      %dma_start3A_421 = tpu.memref_slice %arg12[%dma_start3A_419, %dma_start3A_420] : memref<10240x16xf32, #tpu.memory_space<vmem_shared>> -> memref<10240x16xf32, #tpu.memory_space<vmem_shared>>
      %dma_start3A_422 = tpu.memref_slice %arg11[%dma_start3A_411] : memref<8x!tpu.dma_semaphore, #tpu.memory_space<semaphore_mem>> -> memref<1x!tpu.dma_semaphore, #tpu.memory_space<semaphore_mem>>
      %dma_start3A_423 = tpu.memref_squeeze %dma_start3A_422 : memref<1x!tpu.dma_semaphore, #tpu.memory_space<semaphore_mem>> -> memref<!tpu.dma_semaphore, #tpu.memory_space<semaphore_mem>>
      tpu.enqueue_indirect_dma source(%dma_start3A_415 : memref<128x16xf32, #tpu.memory_space<vmem>>) target(%dma_start3A_421 : memref<10240x16xf32, #tpu.memory_space<vmem_shared>>) offsets(%dma_start3A_418 : memref<128xi32, #tpu.memory_space<vmem>>) semaphore(%dma_start3A_423 : memref<!tpu.dma_semaphore, #tpu.memory_space<semaphore_mem>>) {add = true}
      %mul3A_424 = arith.constant 8 : i32
      %mul3A_425 = arith.muli %mul3A_424, %while3A_163 : i32
      %add3A_426 = arith.constant 6 : i32
      %add3A_427 = arith.addi %mul3A_425, %add3A_426 : i32
      %ge3A_428 = arith.constant 4 : i32
      %ge3A_429 = arith.cmpi sge, %add3A_427, %ge3A_428 : i32
      %convert_element_type3A_430 = arith.extui %ge3A_429 : i1 to i32
      %cond3A_431 = arith.constant 0 : i32
      %cond3A_432 = arith.cmpi ne, %convert_element_type3A_430, %cond3A_431 : i32
      scf.if %cond3A_432 {
        %dma_wait3A_512 = arith.constant 2 : i32
        %dma_wait3A_513 = arith.constant 0 : i32
        %dma_wait3A_514 = arith.constant 2 : i32
        %dma_wait3A_515 = arith.constant 0 : i32
        %dma_wait3A_516 = arith.constant 0 : i32
        %dma_wait3A_517 = tpu.memref_slice %arg9[%dma_wait3A_512, %dma_wait3A_515, %dma_wait3A_516] : memref<8x128x16xf32, #tpu.memory_space<vmem>> -> memref<1x128x16xf32, #tpu.memory_space<vmem>>
        %dma_wait3A_518 = tpu.memref_squeeze %dma_wait3A_517 : memref<1x128x16xf32, #tpu.memory_space<vmem>> -> memref<128x16xf32, #tpu.memory_space<vmem>>
        %dma_wait3A_519 = arith.constant 0 : i32
        %dma_wait3A_520 = tpu.memref_slice %arg8[%dma_wait3A_513, %dma_wait3A_519] : memref<152x128xi32, #tpu.memory_space<vmem>> -> memref<1x128xi32, #tpu.memory_space<vmem>>
        %dma_wait3A_521 = tpu.memref_squeeze %dma_wait3A_520 : memref<1x128xi32, #tpu.memory_space<vmem>> -> memref<128xi32, #tpu.memory_space<vmem>>
        %dma_wait3A_522 = arith.constant 0 : i32
        %dma_wait3A_523 = arith.constant 0 : i32
        %dma_wait3A_524 = tpu.memref_slice %arg12[%dma_wait3A_522, %dma_wait3A_523] : memref<10240x16xf32, #tpu.memory_space<vmem_shared>> -> memref<10240x16xf32, #tpu.memory_space<vmem_shared>>
        %dma_wait3A_525 = tpu.memref_slice %arg11[%dma_wait3A_514] : memref<8x!tpu.dma_semaphore, #tpu.memory_space<semaphore_mem>> -> memref<1x!tpu.dma_semaphore, #tpu.memory_space<semaphore_mem>>
        %dma_wait3A_526 = tpu.memref_squeeze %dma_wait3A_525 : memref<1x!tpu.dma_semaphore, #tpu.memory_space<semaphore_mem>> -> memref<!tpu.dma_semaphore, #tpu.memory_space<semaphore_mem>>
        tpu.wait_indirect_dma semaphore(%dma_wait3A_526 : memref<!tpu.dma_semaphore, #tpu.memory_space<semaphore_mem>>) src(%dma_wait3A_518 : memref<128x16xf32, #tpu.memory_space<vmem>>) dst(%dma_wait3A_524 : memref<10240x16xf32, #tpu.memory_space<vmem_shared>>)
      } else {
      }
      %add3A_433 = arith.constant 4 : i32
      %add3A_434 = arith.addi %add3A_427, %add3A_433 : i32
      %lt3A_435 = arith.cmpi slt, %add3A_434, %select_n3A : i32
      %convert_element_type3A_436 = arith.extui %lt3A_435 : i1 to i32
      %cond3A_437 = arith.constant 0 : i32
      %cond3A_438 = arith.cmpi ne, %convert_element_type3A_436, %cond3A_437 : i32
      scf.if %cond3A_438 {
        %add3A_512 = arith.constant 4 : i32
        %add3A_513 = arith.addi %add3A_427, %add3A_512 : i32
        %dma_start3A_514 = arith.constant 2 : i32
        %dma_start3A_515 = arith.constant 2 : i32
        %dma_start3A_516 = arith.constant 0 : i32
        %dma_start3A_517 = arith.constant 0 : i32
        %dma_start3A_518 = tpu.memref_slice %arg9[%dma_start3A_514, %dma_start3A_516, %dma_start3A_517] : memref<8x128x16xf32, #tpu.memory_space<vmem>> -> memref<1x128x16xf32, #tpu.memory_space<vmem>>
        %dma_start3A_519 = tpu.memref_squeeze %dma_start3A_518 : memref<1x128x16xf32, #tpu.memory_space<vmem>> -> memref<128x16xf32, #tpu.memory_space<vmem>>
        %dma_start3A_520 = arith.constant 0 : i32
        %dma_start3A_521 = tpu.memref_slice %arg7[%add3A_513, %dma_start3A_520] : memref<152x128xi32, #tpu.memory_space<vmem>> -> memref<1x128xi32, #tpu.memory_space<vmem>>
        %dma_start3A_522 = tpu.memref_squeeze %dma_start3A_521 : memref<1x128xi32, #tpu.memory_space<vmem>> -> memref<128xi32, #tpu.memory_space<vmem>>
        %dma_start3A_523 = arith.constant 0 : i32
        %dma_start3A_524 = arith.constant 0 : i32
        %dma_start3A_525 = tpu.memref_slice %arg4[%dma_start3A_523, %dma_start3A_524] : memref<10240x16xf32, #tpu.memory_space<hbm>> -> memref<10240x16xf32, #tpu.memory_space<hbm>>
        %dma_start3A_526 = tpu.memref_slice %arg10[%dma_start3A_515] : memref<8x!tpu.dma_semaphore, #tpu.memory_space<semaphore_mem>> -> memref<1x!tpu.dma_semaphore, #tpu.memory_space<semaphore_mem>>
        %dma_start3A_527 = tpu.memref_squeeze %dma_start3A_526 : memref<1x!tpu.dma_semaphore, #tpu.memory_space<semaphore_mem>> -> memref<!tpu.dma_semaphore, #tpu.memory_space<semaphore_mem>>
        tpu.enqueue_indirect_dma source(%dma_start3A_525 : memref<10240x16xf32, #tpu.memory_space<hbm>>) target(%dma_start3A_519 : memref<128x16xf32, #tpu.memory_space<vmem>>) offsets(%dma_start3A_522 : memref<128xi32, #tpu.memory_space<vmem>>) semaphore(%dma_start3A_527 : memref<!tpu.dma_semaphore, #tpu.memory_space<semaphore_mem>>)
      } else {
      }
      %dma_wait3A_439 = arith.constant 0 : i32
      %dma_wait3A_440 = arith.constant 6 : i32
      %dma_wait3A_441 = arith.constant 6 : i32
      %dma_wait3A_442 = arith.constant 0 : i32
      %dma_wait3A_443 = arith.constant 0 : i32
      %dma_wait3A_444 = tpu.memref_slice %arg9[%dma_wait3A_440, %dma_wait3A_442, %dma_wait3A_443] : memref<8x128x16xf32, #tpu.memory_space<vmem>> -> memref<1x128x16xf32, #tpu.memory_space<vmem>>
      %dma_wait3A_445 = tpu.memref_squeeze %dma_wait3A_444 : memref<1x128x16xf32, #tpu.memory_space<vmem>> -> memref<128x16xf32, #tpu.memory_space<vmem>>
      %dma_wait3A_446 = arith.constant 0 : i32
      %dma_wait3A_447 = tpu.memref_slice %arg7[%dma_wait3A_439, %dma_wait3A_446] : memref<152x128xi32, #tpu.memory_space<vmem>> -> memref<1x128xi32, #tpu.memory_space<vmem>>
      %dma_wait3A_448 = tpu.memref_squeeze %dma_wait3A_447 : memref<1x128xi32, #tpu.memory_space<vmem>> -> memref<128xi32, #tpu.memory_space<vmem>>
      %dma_wait3A_449 = arith.constant 0 : i32
      %dma_wait3A_450 = arith.constant 0 : i32
      %dma_wait3A_451 = tpu.memref_slice %arg4[%dma_wait3A_449, %dma_wait3A_450] : memref<10240x16xf32, #tpu.memory_space<hbm>> -> memref<10240x16xf32, #tpu.memory_space<hbm>>
      %dma_wait3A_452 = tpu.memref_slice %arg10[%dma_wait3A_441] : memref<8x!tpu.dma_semaphore, #tpu.memory_space<semaphore_mem>> -> memref<1x!tpu.dma_semaphore, #tpu.memory_space<semaphore_mem>>
      %dma_wait3A_453 = tpu.memref_squeeze %dma_wait3A_452 : memref<1x!tpu.dma_semaphore, #tpu.memory_space<semaphore_mem>> -> memref<!tpu.dma_semaphore, #tpu.memory_space<semaphore_mem>>
      tpu.wait_indirect_dma semaphore(%dma_wait3A_453 : memref<!tpu.dma_semaphore, #tpu.memory_space<semaphore_mem>>) src(%dma_wait3A_451 : memref<10240x16xf32, #tpu.memory_space<hbm>>) dst(%dma_wait3A_445 : memref<128x16xf32, #tpu.memory_space<vmem>>)
      %dma_start3A_454 = arith.constant 6 : i32
      %dma_start3A_455 = arith.constant 6 : i32
      %dma_start3A_456 = arith.constant 0 : i32
      %dma_start3A_457 = arith.constant 0 : i32
      %dma_start3A_458 = tpu.memref_slice %arg9[%dma_start3A_454, %dma_start3A_456, %dma_start3A_457] : memref<8x128x16xf32, #tpu.memory_space<vmem>> -> memref<1x128x16xf32, #tpu.memory_space<vmem>>
      %dma_start3A_459 = tpu.memref_squeeze %dma_start3A_458 : memref<1x128x16xf32, #tpu.memory_space<vmem>> -> memref<128x16xf32, #tpu.memory_space<vmem>>
      %dma_start3A_460 = arith.constant 0 : i32
      %dma_start3A_461 = tpu.memref_slice %arg8[%add3A_427, %dma_start3A_460] : memref<152x128xi32, #tpu.memory_space<vmem>> -> memref<1x128xi32, #tpu.memory_space<vmem>>
      %dma_start3A_462 = tpu.memref_squeeze %dma_start3A_461 : memref<1x128xi32, #tpu.memory_space<vmem>> -> memref<128xi32, #tpu.memory_space<vmem>>
      %dma_start3A_463 = arith.constant 0 : i32
      %dma_start3A_464 = arith.constant 0 : i32
      %dma_start3A_465 = tpu.memref_slice %arg12[%dma_start3A_463, %dma_start3A_464] : memref<10240x16xf32, #tpu.memory_space<vmem_shared>> -> memref<10240x16xf32, #tpu.memory_space<vmem_shared>>
      %dma_start3A_466 = tpu.memref_slice %arg11[%dma_start3A_455] : memref<8x!tpu.dma_semaphore, #tpu.memory_space<semaphore_mem>> -> memref<1x!tpu.dma_semaphore, #tpu.memory_space<semaphore_mem>>
      %dma_start3A_467 = tpu.memref_squeeze %dma_start3A_466 : memref<1x!tpu.dma_semaphore, #tpu.memory_space<semaphore_mem>> -> memref<!tpu.dma_semaphore, #tpu.memory_space<semaphore_mem>>
      tpu.enqueue_indirect_dma source(%dma_start3A_459 : memref<128x16xf32, #tpu.memory_space<vmem>>) target(%dma_start3A_465 : memref<10240x16xf32, #tpu.memory_space<vmem_shared>>) offsets(%dma_start3A_462 : memref<128xi32, #tpu.memory_space<vmem>>) semaphore(%dma_start3A_467 : memref<!tpu.dma_semaphore, #tpu.memory_space<semaphore_mem>>) {add = true}
      %mul3A_468 = arith.constant 8 : i32
      %mul3A_469 = arith.muli %mul3A_468, %while3A_163 : i32
      %add3A_470 = arith.constant 7 : i32
      %add3A_471 = arith.addi %mul3A_469, %add3A_470 : i32
      %ge3A_472 = arith.constant 4 : i32
      %ge3A_473 = arith.cmpi sge, %add3A_471, %ge3A_472 : i32
      %convert_element_type3A_474 = arith.extui %ge3A_473 : i1 to i32
      %cond3A_475 = arith.constant 0 : i32
      %cond3A_476 = arith.cmpi ne, %convert_element_type3A_474, %cond3A_475 : i32
      scf.if %cond3A_476 {
        %dma_wait3A_512 = arith.constant 3 : i32
        %dma_wait3A_513 = arith.constant 0 : i32
        %dma_wait3A_514 = arith.constant 3 : i32
        %dma_wait3A_515 = arith.constant 0 : i32
        %dma_wait3A_516 = arith.constant 0 : i32
        %dma_wait3A_517 = tpu.memref_slice %arg9[%dma_wait3A_512, %dma_wait3A_515, %dma_wait3A_516] : memref<8x128x16xf32, #tpu.memory_space<vmem>> -> memref<1x128x16xf32, #tpu.memory_space<vmem>>
        %dma_wait3A_518 = tpu.memref_squeeze %dma_wait3A_517 : memref<1x128x16xf32, #tpu.memory_space<vmem>> -> memref<128x16xf32, #tpu.memory_space<vmem>>
        %dma_wait3A_519 = arith.constant 0 : i32
        %dma_wait3A_520 = tpu.memref_slice %arg8[%dma_wait3A_513, %dma_wait3A_519] : memref<152x128xi32, #tpu.memory_space<vmem>> -> memref<1x128xi32, #tpu.memory_space<vmem>>
        %dma_wait3A_521 = tpu.memref_squeeze %dma_wait3A_520 : memref<1x128xi32, #tpu.memory_space<vmem>> -> memref<128xi32, #tpu.memory_space<vmem>>
        %dma_wait3A_522 = arith.constant 0 : i32
        %dma_wait3A_523 = arith.constant 0 : i32
        %dma_wait3A_524 = tpu.memref_slice %arg12[%dma_wait3A_522, %dma_wait3A_523] : memref<10240x16xf32, #tpu.memory_space<vmem_shared>> -> memref<10240x16xf32, #tpu.memory_space<vmem_shared>>
        %dma_wait3A_525 = tpu.memref_slice %arg11[%dma_wait3A_514] : memref<8x!tpu.dma_semaphore, #tpu.memory_space<semaphore_mem>> -> memref<1x!tpu.dma_semaphore, #tpu.memory_space<semaphore_mem>>
        %dma_wait3A_526 = tpu.memref_squeeze %dma_wait3A_525 : memref<1x!tpu.dma_semaphore, #tpu.memory_space<semaphore_mem>> -> memref<!tpu.dma_semaphore, #tpu.memory_space<semaphore_mem>>
        tpu.wait_indirect_dma semaphore(%dma_wait3A_526 : memref<!tpu.dma_semaphore, #tpu.memory_space<semaphore_mem>>) src(%dma_wait3A_518 : memref<128x16xf32, #tpu.memory_space<vmem>>) dst(%dma_wait3A_524 : memref<10240x16xf32, #tpu.memory_space<vmem_shared>>)
      } else {
      }
      %add3A_477 = arith.constant 4 : i32
      %add3A_478 = arith.addi %add3A_471, %add3A_477 : i32
      %lt3A_479 = arith.cmpi slt, %add3A_478, %select_n3A : i32
      %convert_element_type3A_480 = arith.extui %lt3A_479 : i1 to i32
      %cond3A_481 = arith.constant 0 : i32
      %cond3A_482 = arith.cmpi ne, %convert_element_type3A_480, %cond3A_481 : i32
      scf.if %cond3A_482 {
        %add3A_512 = arith.constant 4 : i32
        %add3A_513 = arith.addi %add3A_471, %add3A_512 : i32
        %dma_start3A_514 = arith.constant 3 : i32
        %dma_start3A_515 = arith.constant 3 : i32
        %dma_start3A_516 = arith.constant 0 : i32
        %dma_start3A_517 = arith.constant 0 : i32
        %dma_start3A_518 = tpu.memref_slice %arg9[%dma_start3A_514, %dma_start3A_516, %dma_start3A_517] : memref<8x128x16xf32, #tpu.memory_space<vmem>> -> memref<1x128x16xf32, #tpu.memory_space<vmem>>
        %dma_start3A_519 = tpu.memref_squeeze %dma_start3A_518 : memref<1x128x16xf32, #tpu.memory_space<vmem>> -> memref<128x16xf32, #tpu.memory_space<vmem>>
        %dma_start3A_520 = arith.constant 0 : i32
        %dma_start3A_521 = tpu.memref_slice %arg7[%add3A_513, %dma_start3A_520] : memref<152x128xi32, #tpu.memory_space<vmem>> -> memref<1x128xi32, #tpu.memory_space<vmem>>
        %dma_start3A_522 = tpu.memref_squeeze %dma_start3A_521 : memref<1x128xi32, #tpu.memory_space<vmem>> -> memref<128xi32, #tpu.memory_space<vmem>>
        %dma_start3A_523 = arith.constant 0 : i32
        %dma_start3A_524 = arith.constant 0 : i32
        %dma_start3A_525 = tpu.memref_slice %arg4[%dma_start3A_523, %dma_start3A_524] : memref<10240x16xf32, #tpu.memory_space<hbm>> -> memref<10240x16xf32, #tpu.memory_space<hbm>>
        %dma_start3A_526 = tpu.memref_slice %arg10[%dma_start3A_515] : memref<8x!tpu.dma_semaphore, #tpu.memory_space<semaphore_mem>> -> memref<1x!tpu.dma_semaphore, #tpu.memory_space<semaphore_mem>>
        %dma_start3A_527 = tpu.memref_squeeze %dma_start3A_526 : memref<1x!tpu.dma_semaphore, #tpu.memory_space<semaphore_mem>> -> memref<!tpu.dma_semaphore, #tpu.memory_space<semaphore_mem>>
        tpu.enqueue_indirect_dma source(%dma_start3A_525 : memref<10240x16xf32, #tpu.memory_space<hbm>>) target(%dma_start3A_519 : memref<128x16xf32, #tpu.memory_space<vmem>>) offsets(%dma_start3A_522 : memref<128xi32, #tpu.memory_space<vmem>>) semaphore(%dma_start3A_527 : memref<!tpu.dma_semaphore, #tpu.memory_space<semaphore_mem>>)
      } else {
      }
      %dma_wait3A_483 = arith.constant 0 : i32
      %dma_wait3A_484 = arith.constant 7 : i32
      %dma_wait3A_485 = arith.constant 7 : i32
      %dma_wait3A_486 = arith.constant 0 : i32
      %dma_wait3A_487 = arith.constant 0 : i32
      %dma_wait3A_488 = tpu.memref_slice %arg9[%dma_wait3A_484, %dma_wait3A_486, %dma_wait3A_487] : memref<8x128x16xf32, #tpu.memory_space<vmem>> -> memref<1x128x16xf32, #tpu.memory_space<vmem>>
      %dma_wait3A_489 = tpu.memref_squeeze %dma_wait3A_488 : memref<1x128x16xf32, #tpu.memory_space<vmem>> -> memref<128x16xf32, #tpu.memory_space<vmem>>
      %dma_wait3A_490 = arith.constant 0 : i32
      %dma_wait3A_491 = tpu.memref_slice %arg7[%dma_wait3A_483, %dma_wait3A_490] : memref<152x128xi32, #tpu.memory_space<vmem>> -> memref<1x128xi32, #tpu.memory_space<vmem>>
      %dma_wait3A_492 = tpu.memref_squeeze %dma_wait3A_491 : memref<1x128xi32, #tpu.memory_space<vmem>> -> memref<128xi32, #tpu.memory_space<vmem>>
      %dma_wait3A_493 = arith.constant 0 : i32
      %dma_wait3A_494 = arith.constant 0 : i32
      %dma_wait3A_495 = tpu.memref_slice %arg4[%dma_wait3A_493, %dma_wait3A_494] : memref<10240x16xf32, #tpu.memory_space<hbm>> -> memref<10240x16xf32, #tpu.memory_space<hbm>>
      %dma_wait3A_496 = tpu.memref_slice %arg10[%dma_wait3A_485] : memref<8x!tpu.dma_semaphore, #tpu.memory_space<semaphore_mem>> -> memref<1x!tpu.dma_semaphore, #tpu.memory_space<semaphore_mem>>
      %dma_wait3A_497 = tpu.memref_squeeze %dma_wait3A_496 : memref<1x!tpu.dma_semaphore, #tpu.memory_space<semaphore_mem>> -> memref<!tpu.dma_semaphore, #tpu.memory_space<semaphore_mem>>
      tpu.wait_indirect_dma semaphore(%dma_wait3A_497 : memref<!tpu.dma_semaphore, #tpu.memory_space<semaphore_mem>>) src(%dma_wait3A_495 : memref<10240x16xf32, #tpu.memory_space<hbm>>) dst(%dma_wait3A_489 : memref<128x16xf32, #tpu.memory_space<vmem>>)
      %dma_start3A_498 = arith.constant 7 : i32
      %dma_start3A_499 = arith.constant 7 : i32
      %dma_start3A_500 = arith.constant 0 : i32
      %dma_start3A_501 = arith.constant 0 : i32
      %dma_start3A_502 = tpu.memref_slice %arg9[%dma_start3A_498, %dma_start3A_500, %dma_start3A_501] : memref<8x128x16xf32, #tpu.memory_space<vmem>> -> memref<1x128x16xf32, #tpu.memory_space<vmem>>
      %dma_start3A_503 = tpu.memref_squeeze %dma_start3A_502 : memref<1x128x16xf32, #tpu.memory_space<vmem>> -> memref<128x16xf32, #tpu.memory_space<vmem>>
      %dma_start3A_504 = arith.constant 0 : i32
      %dma_start3A_505 = tpu.memref_slice %arg8[%add3A_471, %dma_start3A_504] : memref<152x128xi32, #tpu.memory_space<vmem>> -> memref<1x128xi32, #tpu.memory_space<vmem>>
      %dma_start3A_506 = tpu.memref_squeeze %dma_start3A_505 : memref<1x128xi32, #tpu.memory_space<vmem>> -> memref<128xi32, #tpu.memory_space<vmem>>
      %dma_start3A_507 = arith.constant 0 : i32
      %dma_start3A_508 = arith.constant 0 : i32
      %dma_start3A_509 = tpu.memref_slice %arg12[%dma_start3A_507, %dma_start3A_508] : memref<10240x16xf32, #tpu.memory_space<vmem_shared>> -> memref<10240x16xf32, #tpu.memory_space<vmem_shared>>
      %dma_start3A_510 = tpu.memref_slice %arg11[%dma_start3A_499] : memref<8x!tpu.dma_semaphore, #tpu.memory_space<semaphore_mem>> -> memref<1x!tpu.dma_semaphore, #tpu.memory_space<semaphore_mem>>
      %dma_start3A_511 = tpu.memref_squeeze %dma_start3A_510 : memref<1x!tpu.dma_semaphore, #tpu.memory_space<semaphore_mem>> -> memref<!tpu.dma_semaphore, #tpu.memory_space<semaphore_mem>>
      tpu.enqueue_indirect_dma source(%dma_start3A_503 : memref<128x16xf32, #tpu.memory_space<vmem>>) target(%dma_start3A_509 : memref<10240x16xf32, #tpu.memory_space<vmem_shared>>) offsets(%dma_start3A_506 : memref<128xi32, #tpu.memory_space<vmem>>) semaphore(%dma_start3A_511 : memref<!tpu.dma_semaphore, #tpu.memory_space<semaphore_mem>>) {add = true}
    }
    %dma_wait3A = arith.constant 4 : i32
    %dma_wait3A_99 = arith.constant 0 : i32
    %dma_wait3A_100 = arith.constant 4 : i32
    %dma_wait3A_101 = arith.constant 0 : i32
    %dma_wait3A_102 = arith.constant 0 : i32
    %dma_wait3A_103 = tpu.memref_slice %arg9[%dma_wait3A, %dma_wait3A_101, %dma_wait3A_102] : memref<8x128x16xf32, #tpu.memory_space<vmem>> -> memref<1x128x16xf32, #tpu.memory_space<vmem>>
    %dma_wait3A_104 = tpu.memref_squeeze %dma_wait3A_103 : memref<1x128x16xf32, #tpu.memory_space<vmem>> -> memref<128x16xf32, #tpu.memory_space<vmem>>
    %dma_wait3A_105 = arith.constant 0 : i32
    %dma_wait3A_106 = tpu.memref_slice %arg8[%dma_wait3A_99, %dma_wait3A_105] : memref<152x128xi32, #tpu.memory_space<vmem>> -> memref<1x128xi32, #tpu.memory_space<vmem>>
    %dma_wait3A_107 = tpu.memref_squeeze %dma_wait3A_106 : memref<1x128xi32, #tpu.memory_space<vmem>> -> memref<128xi32, #tpu.memory_space<vmem>>
    %dma_wait3A_108 = arith.constant 0 : i32
    %dma_wait3A_109 = arith.constant 0 : i32
    %dma_wait3A_110 = tpu.memref_slice %arg12[%dma_wait3A_108, %dma_wait3A_109] : memref<10240x16xf32, #tpu.memory_space<vmem_shared>> -> memref<10240x16xf32, #tpu.memory_space<vmem_shared>>
    %dma_wait3A_111 = tpu.memref_slice %arg11[%dma_wait3A_100] : memref<8x!tpu.dma_semaphore, #tpu.memory_space<semaphore_mem>> -> memref<1x!tpu.dma_semaphore, #tpu.memory_space<semaphore_mem>>
    %dma_wait3A_112 = tpu.memref_squeeze %dma_wait3A_111 : memref<1x!tpu.dma_semaphore, #tpu.memory_space<semaphore_mem>> -> memref<!tpu.dma_semaphore, #tpu.memory_space<semaphore_mem>>
    tpu.wait_indirect_dma semaphore(%dma_wait3A_112 : memref<!tpu.dma_semaphore, #tpu.memory_space<semaphore_mem>>) src(%dma_wait3A_104 : memref<128x16xf32, #tpu.memory_space<vmem>>) dst(%dma_wait3A_110 : memref<10240x16xf32, #tpu.memory_space<vmem_shared>>)
    %dma_wait3A_113 = arith.constant 5 : i32
    %dma_wait3A_114 = arith.constant 0 : i32
    %dma_wait3A_115 = arith.constant 5 : i32
    %dma_wait3A_116 = arith.constant 0 : i32
    %dma_wait3A_117 = arith.constant 0 : i32
    %dma_wait3A_118 = tpu.memref_slice %arg9[%dma_wait3A_113, %dma_wait3A_116, %dma_wait3A_117] : memref<8x128x16xf32, #tpu.memory_space<vmem>> -> memref<1x128x16xf32, #tpu.memory_space<vmem>>
    %dma_wait3A_119 = tpu.memref_squeeze %dma_wait3A_118 : memref<1x128x16xf32, #tpu.memory_space<vmem>> -> memref<128x16xf32, #tpu.memory_space<vmem>>
    %dma_wait3A_120 = arith.constant 0 : i32
    %dma_wait3A_121 = tpu.memref_slice %arg8[%dma_wait3A_114, %dma_wait3A_120] : memref<152x128xi32, #tpu.memory_space<vmem>> -> memref<1x128xi32, #tpu.memory_space<vmem>>
    %dma_wait3A_122 = tpu.memref_squeeze %dma_wait3A_121 : memref<1x128xi32, #tpu.memory_space<vmem>> -> memref<128xi32, #tpu.memory_space<vmem>>
    %dma_wait3A_123 = arith.constant 0 : i32
    %dma_wait3A_124 = arith.constant 0 : i32
    %dma_wait3A_125 = tpu.memref_slice %arg12[%dma_wait3A_123, %dma_wait3A_124] : memref<10240x16xf32, #tpu.memory_space<vmem_shared>> -> memref<10240x16xf32, #tpu.memory_space<vmem_shared>>
    %dma_wait3A_126 = tpu.memref_slice %arg11[%dma_wait3A_115] : memref<8x!tpu.dma_semaphore, #tpu.memory_space<semaphore_mem>> -> memref<1x!tpu.dma_semaphore, #tpu.memory_space<semaphore_mem>>
    %dma_wait3A_127 = tpu.memref_squeeze %dma_wait3A_126 : memref<1x!tpu.dma_semaphore, #tpu.memory_space<semaphore_mem>> -> memref<!tpu.dma_semaphore, #tpu.memory_space<semaphore_mem>>
    tpu.wait_indirect_dma semaphore(%dma_wait3A_127 : memref<!tpu.dma_semaphore, #tpu.memory_space<semaphore_mem>>) src(%dma_wait3A_119 : memref<128x16xf32, #tpu.memory_space<vmem>>) dst(%dma_wait3A_125 : memref<10240x16xf32, #tpu.memory_space<vmem_shared>>)
    %dma_wait3A_128 = arith.constant 6 : i32
    %dma_wait3A_129 = arith.constant 0 : i32
    %dma_wait3A_130 = arith.constant 6 : i32
    %dma_wait3A_131 = arith.constant 0 : i32
    %dma_wait3A_132 = arith.constant 0 : i32
    %dma_wait3A_133 = tpu.memref_slice %arg9[%dma_wait3A_128, %dma_wait3A_131, %dma_wait3A_132] : memref<8x128x16xf32, #tpu.memory_space<vmem>> -> memref<1x128x16xf32, #tpu.memory_space<vmem>>
    %dma_wait3A_134 = tpu.memref_squeeze %dma_wait3A_133 : memref<1x128x16xf32, #tpu.memory_space<vmem>> -> memref<128x16xf32, #tpu.memory_space<vmem>>
    %dma_wait3A_135 = arith.constant 0 : i32
    %dma_wait3A_136 = tpu.memref_slice %arg8[%dma_wait3A_129, %dma_wait3A_135] : memref<152x128xi32, #tpu.memory_space<vmem>> -> memref<1x128xi32, #tpu.memory_space<vmem>>
    %dma_wait3A_137 = tpu.memref_squeeze %dma_wait3A_136 : memref<1x128xi32, #tpu.memory_space<vmem>> -> memref<128xi32, #tpu.memory_space<vmem>>
    %dma_wait3A_138 = arith.constant 0 : i32
    %dma_wait3A_139 = arith.constant 0 : i32
    %dma_wait3A_140 = tpu.memref_slice %arg12[%dma_wait3A_138, %dma_wait3A_139] : memref<10240x16xf32, #tpu.memory_space<vmem_shared>> -> memref<10240x16xf32, #tpu.memory_space<vmem_shared>>
    %dma_wait3A_141 = tpu.memref_slice %arg11[%dma_wait3A_130] : memref<8x!tpu.dma_semaphore, #tpu.memory_space<semaphore_mem>> -> memref<1x!tpu.dma_semaphore, #tpu.memory_space<semaphore_mem>>
    %dma_wait3A_142 = tpu.memref_squeeze %dma_wait3A_141 : memref<1x!tpu.dma_semaphore, #tpu.memory_space<semaphore_mem>> -> memref<!tpu.dma_semaphore, #tpu.memory_space<semaphore_mem>>
    tpu.wait_indirect_dma semaphore(%dma_wait3A_142 : memref<!tpu.dma_semaphore, #tpu.memory_space<semaphore_mem>>) src(%dma_wait3A_134 : memref<128x16xf32, #tpu.memory_space<vmem>>) dst(%dma_wait3A_140 : memref<10240x16xf32, #tpu.memory_space<vmem_shared>>)
    %dma_wait3A_143 = arith.constant 7 : i32
    %dma_wait3A_144 = arith.constant 0 : i32
    %dma_wait3A_145 = arith.constant 7 : i32
    %dma_wait3A_146 = arith.constant 0 : i32
    %dma_wait3A_147 = arith.constant 0 : i32
    %dma_wait3A_148 = tpu.memref_slice %arg9[%dma_wait3A_143, %dma_wait3A_146, %dma_wait3A_147] : memref<8x128x16xf32, #tpu.memory_space<vmem>> -> memref<1x128x16xf32, #tpu.memory_space<vmem>>
    %dma_wait3A_149 = tpu.memref_squeeze %dma_wait3A_148 : memref<1x128x16xf32, #tpu.memory_space<vmem>> -> memref<128x16xf32, #tpu.memory_space<vmem>>
    %dma_wait3A_150 = arith.constant 0 : i32
    %dma_wait3A_151 = tpu.memref_slice %arg8[%dma_wait3A_144, %dma_wait3A_150] : memref<152x128xi32, #tpu.memory_space<vmem>> -> memref<1x128xi32, #tpu.memory_space<vmem>>
    %dma_wait3A_152 = tpu.memref_squeeze %dma_wait3A_151 : memref<1x128xi32, #tpu.memory_space<vmem>> -> memref<128xi32, #tpu.memory_space<vmem>>
    %dma_wait3A_153 = arith.constant 0 : i32
    %dma_wait3A_154 = arith.constant 0 : i32
    %dma_wait3A_155 = tpu.memref_slice %arg12[%dma_wait3A_153, %dma_wait3A_154] : memref<10240x16xf32, #tpu.memory_space<vmem_shared>> -> memref<10240x16xf32, #tpu.memory_space<vmem_shared>>
    %dma_wait3A_156 = tpu.memref_slice %arg11[%dma_wait3A_145] : memref<8x!tpu.dma_semaphore, #tpu.memory_space<semaphore_mem>> -> memref<1x!tpu.dma_semaphore, #tpu.memory_space<semaphore_mem>>
    %dma_wait3A_157 = tpu.memref_squeeze %dma_wait3A_156 : memref<1x!tpu.dma_semaphore, #tpu.memory_space<semaphore_mem>> -> memref<!tpu.dma_semaphore, #tpu.memory_space<semaphore_mem>>
    tpu.wait_indirect_dma semaphore(%dma_wait3A_157 : memref<!tpu.dma_semaphore, #tpu.memory_space<semaphore_mem>>) src(%dma_wait3A_149 : memref<128x16xf32, #tpu.memory_space<vmem>>) dst(%dma_wait3A_155 : memref<10240x16xf32, #tpu.memory_space<vmem_shared>>)
    %barrier3A_158 = arith.constant 0 : index
    tpu.barrier barrier_id(%barrier3A_158)
    %mul3A_159 = arith.constant 640 : i32
    %mul3A_160 = arith.muli %arg1, %mul3A_159 : i32
    %mul3A_161 = arith.constant 640 : i32
    %mul3A_162 = arith.muli %arg1, %mul3A_161 : i32
    "tpu.region"() ({
      %run_scoped3A = tpu.sem_alloc : memref<!tpu.dma_semaphore, #tpu.memory_space<semaphore_mem>>
      %dma_start3A_163 = arith.constant 0 : i32
      %dma_start3A_164 = arith.constant 0 : i32
      %dma_start3A_165 = tpu.memref_slice %arg6[%arg0, %dma_start3A_163, %dma_start3A_164] : memref<2x10240x16xf32, #tpu.memory_space<hbm>> -> memref<1x10240x16xf32, #tpu.memory_space<hbm>>
      %dma_start3A_166 = tpu.memref_squeeze %dma_start3A_165 : memref<1x10240x16xf32, #tpu.memory_space<hbm>> -> memref<10240x16xf32, #tpu.memory_space<hbm>>
      %dma_start3A_167 = arith.constant 0 : i32
      %dma_start3A_168 = tpu.memref_slice %dma_start3A_166[%mul3A_162, %dma_start3A_167] : memref<10240x16xf32, #tpu.memory_space<hbm>> -> memref<640x16xf32, #tpu.memory_space<hbm>>
      %dma_start3A_169 = arith.constant 0 : i32
      %dma_start3A_170 = tpu.memref_slice %arg12[%mul3A_160, %dma_start3A_169] : memref<10240x16xf32, #tpu.memory_space<vmem_shared>> -> memref<640x16xf32, #tpu.memory_space<vmem_shared>>
      tpu.enqueue_dma source(%dma_start3A_170 : memref<640x16xf32, #tpu.memory_space<vmem_shared>>) target(%dma_start3A_168 : memref<640x16xf32, #tpu.memory_space<hbm>>) target_semaphore(%run_scoped3A : memref<!tpu.dma_semaphore, #tpu.memory_space<semaphore_mem>>)
      %dma_wait3A_171 = arith.constant 0 : i32
      %dma_wait3A_172 = arith.constant 0 : i32
      %dma_wait3A_173 = tpu.memref_slice %arg6[%arg0, %dma_wait3A_171, %dma_wait3A_172] : memref<2x10240x16xf32, #tpu.memory_space<hbm>> -> memref<1x10240x16xf32, #tpu.memory_space<hbm>>
      %dma_wait3A_174 = tpu.memref_squeeze %dma_wait3A_173 : memref<1x10240x16xf32, #tpu.memory_space<hbm>> -> memref<10240x16xf32, #tpu.memory_space<hbm>>
      %dma_wait3A_175 = arith.constant 0 : i32
      %dma_wait3A_176 = tpu.memref_slice %dma_wait3A_174[%mul3A_162, %dma_wait3A_175] : memref<10240x16xf32, #tpu.memory_space<hbm>> -> memref<640x16xf32, #tpu.memory_space<hbm>>
      %dma_wait3A_177 = arith.constant 0 : i32
      %dma_wait3A_178 = tpu.memref_slice %arg12[%mul3A_160, %dma_wait3A_177] : memref<10240x16xf32, #tpu.memory_space<vmem_shared>> -> memref<640x16xf32, #tpu.memory_space<vmem_shared>>
      tpu.wait_dma2 semaphore(%run_scoped3A : memref<!tpu.dma_semaphore, #tpu.memory_space<semaphore_mem>>) src(%dma_wait3A_178 : memref<640x16xf32, #tpu.memory_space<vmem_shared>>) dst(%dma_wait3A_176 : memref<640x16xf32, #tpu.memory_space<hbm>>)
      tpu.yield
    }) : () -> ()
    return
  }
}

module attributes {stable_mosaic.version = 14 : i64} {
  func.func @_tc1_body(%arg0: memref<10240x128xf32, #tpu.memory_space<vmem>>, %arg1: memref<128x16xf32, #tpu.memory_space<vmem>>, %arg2: memref<2x10240xf32, #tpu.memory_space<vmem>>, %arg3: memref<10240x16xf32, #tpu.memory_space<vmem>>, %arg4: memref<10240xf32, #tpu.memory_space<vmem>>) attributes {dimension_semantics = [], scalar_prefetch = 0 : i64, scratch_operands = 0 : i64, tpu.core_type = #tpu.core_type<tc>} {
    %get3A = arith.constant 0 : index
    %get3A_0 = arith.constant 0 : index
    %get3A_1 = vector.load %arg2[%get3A, %get3A_0] : memref<2x10240xf32, #tpu.memory_space<vmem>>, vector<1x10240xf32>
    %get3A_2 = vector.shape_cast %get3A_1 : vector<1x10240xf32> to vector<10240xf32>
    %get3A_3 = arith.constant 1 : index
    %get3A_4 = arith.constant 0 : index
    %get3A_5 = vector.load %arg2[%get3A_3, %get3A_4] : memref<2x10240xf32, #tpu.memory_space<vmem>>, vector<1x10240xf32>
    %get3A_6 = vector.shape_cast %get3A_5 : vector<1x10240xf32> to vector<10240xf32>
    %add3A = arith.addf %get3A_2, %get3A_6 : vector<10240xf32>
    %add3A_7 = arith.constant 1.000000e+00 : f32
    %add3A_8 = vector.broadcast %add3A_7 : f32 to vector<10240xf32>
    %add3A_9 = arith.addf %add3A, %add3A_8 : vector<10240xf32>
    %rsqrt3A = math.rsqrt %add3A_9 : vector<10240xf32>
    %get3A_10 = arith.constant 0 : index
    %get3A_11 = arith.constant 0 : index
    %get3A_12 = vector.load %arg0[%get3A_10, %get3A_11] : memref<10240x128xf32, #tpu.memory_space<vmem>>, vector<10240x128xf32>
    %get3A_13 = arith.constant 0 : index
    %get3A_14 = arith.constant 0 : index
    %get3A_15 = vector.load %arg1[%get3A_13, %get3A_14] : memref<128x16xf32, #tpu.memory_space<vmem>>, vector<128x16xf32>
    %dot_general3A = arith.constant dense<0.000000e+00> : vector<10240x16xf32>
    %dot_general3A_16 = tpu.matmul %get3A_12, %get3A_15, %dot_general3A {dimension_numbers = #tpu.dot_dimension_numbers<[1], [0], [0], [1], [0, 0, 1, 1], [], []>, transpose_lhs_hint = false} : vector<10240x128xf32>, vector<128x16xf32>, vector<10240x16xf32> -> vector<10240x16xf32>
    %broadcast_in_dim3A = vector.shape_cast %rsqrt3A : vector<10240xf32> to vector<10240x1xf32>
    %mul3A = vector.broadcast %broadcast_in_dim3A : vector<10240x1xf32> to vector<10240x16xf32>
    %mul3A_17 = arith.mulf %dot_general3A_16, %mul3A : vector<10240x16xf32>
    %swap3A = arith.constant 0 : index
    %swap3A_18 = arith.constant 0 : index
    %swap3A_19 = vector.load %arg3[%swap3A, %swap3A_18] : memref<10240x16xf32, #tpu.memory_space<vmem>>, vector<10240x16xf32>
    tpu.vector_store %arg3[%swap3A, %swap3A_18], %mul3A_17 {strides = array<i32>} : memref<10240x16xf32, #tpu.memory_space<vmem>>, vector<10240x16xf32>,
    %swap3A_20 = arith.constant 0 : index
    %swap3A_21 = vector.load %arg4[%swap3A_20] : memref<10240xf32, #tpu.memory_space<vmem>>, vector<10240xf32>
    tpu.vector_store %arg4[%swap3A_20], %rsqrt3A {strides = array<i32>} : memref<10240xf32, #tpu.memory_space<vmem>>, vector<10240xf32>,
    return
  }
}

module attributes {stable_mosaic.version = 14 : i64} {
  func.func @_tc2_body(%arg0: memref<2x10240x16xf32, #tpu.memory_space<vmem>>, %arg1: memref<10240x16xf32, #tpu.memory_space<vmem>>, %arg2: memref<10240xf32, #tpu.memory_space<vmem>>, %arg3: memref<16xf32, #tpu.memory_space<vmem>>, %arg4: memref<16x32xf32, #tpu.memory_space<vmem>>, %arg5: memref<10240x32xf32, #tpu.memory_space<vmem>>) attributes {dimension_semantics = [], scalar_prefetch = 0 : i64, scratch_operands = 0 : i64, tpu.core_type = #tpu.core_type<tc>} {
    %get3A = arith.constant 0 : index
    %get3A_0 = vector.load %arg2[%get3A] : memref<10240xf32, #tpu.memory_space<vmem>>, vector<10240xf32>
    %get3A_1 = arith.constant 0 : index
    %get3A_2 = arith.constant 0 : index
    %get3A_3 = arith.constant 0 : index
    %get3A_4 = vector.load %arg0[%get3A_1, %get3A_2, %get3A_3] : memref<2x10240x16xf32, #tpu.memory_space<vmem>>, vector<1x10240x16xf32>
    %get3A_5 = vector.shape_cast %get3A_4 : vector<1x10240x16xf32> to vector<10240x16xf32>
    %get3A_6 = arith.constant 1 : index
    %get3A_7 = arith.constant 0 : index
    %get3A_8 = arith.constant 0 : index
    %get3A_9 = vector.load %arg0[%get3A_6, %get3A_7, %get3A_8] : memref<2x10240x16xf32, #tpu.memory_space<vmem>>, vector<1x10240x16xf32>
    %get3A_10 = vector.shape_cast %get3A_9 : vector<1x10240x16xf32> to vector<10240x16xf32>
    %add3A = arith.addf %get3A_5, %get3A_10 : vector<10240x16xf32>
    %get3A_11 = arith.constant 0 : index
    %get3A_12 = arith.constant 0 : index
    %get3A_13 = vector.load %arg1[%get3A_11, %get3A_12] : memref<10240x16xf32, #tpu.memory_space<vmem>>, vector<10240x16xf32>
    %add3A_14 = arith.addf %add3A, %get3A_13 : vector<10240x16xf32>
    %broadcast_in_dim3A = vector.shape_cast %get3A_0 : vector<10240xf32> to vector<10240x1xf32>
    %mul3A = vector.broadcast %broadcast_in_dim3A : vector<10240x1xf32> to vector<10240x16xf32>
    %mul3A_15 = arith.mulf %add3A_14, %mul3A : vector<10240x16xf32>
    %get3A_16 = arith.constant 0 : index
    %get3A_17 = vector.load %arg3[%get3A_16] : memref<16xf32, #tpu.memory_space<vmem>>, vector<16xf32>
    %broadcast_in_dim3A_18 = vector.shape_cast %get3A_17 : vector<16xf32> to vector<1x16xf32>
    %add3A_19 = vector.broadcast %broadcast_in_dim3A_18 : vector<1x16xf32> to vector<10240x16xf32>
    %add3A_20 = arith.addf %mul3A_15, %add3A_19 : vector<10240x16xf32>
    %max3A = arith.constant 0.000000e+00 : f32
    %max3A_21 = vector.broadcast %max3A : f32 to vector<10240x16xf32>
    %max3A_22 = arith.maximumf %add3A_20, %max3A_21 : vector<10240x16xf32>
    %get3A_23 = arith.constant 0 : index
    %get3A_24 = arith.constant 0 : index
    %get3A_25 = vector.load %arg4[%get3A_23, %get3A_24] : memref<16x32xf32, #tpu.memory_space<vmem>>, vector<16x32xf32>
    %dot_general3A = arith.constant dense<0.000000e+00> : vector<10240x32xf32>
    %dot_general3A_26 = tpu.matmul %max3A_22, %get3A_25, %dot_general3A {dimension_numbers = #tpu.dot_dimension_numbers<[1], [0], [0], [1], [0, 0, 1, 1], [], []>, transpose_lhs_hint = false} : vector<10240x16xf32>, vector<16x32xf32>, vector<10240x32xf32> -> vector<10240x32xf32>
    %broadcast_in_dim3A_27 = vector.shape_cast %get3A_0 : vector<10240xf32> to vector<10240x1xf32>
    %mul3A_28 = vector.broadcast %broadcast_in_dim3A_27 : vector<10240x1xf32> to vector<10240x32xf32>
    %mul3A_29 = arith.mulf %dot_general3A_26, %mul3A_28 : vector<10240x32xf32>
    %swap3A = arith.constant 0 : index
    %swap3A_30 = arith.constant 0 : index
    %swap3A_31 = vector.load %arg5[%swap3A, %swap3A_30] : memref<10240x32xf32, #tpu.memory_space<vmem>>, vector<10240x32xf32>
    tpu.vector_store %arg5[%swap3A, %swap3A_30], %mul3A_29 {strides = array<i32>} : memref<10240x32xf32, #tpu.memory_space<vmem>>, vector<10240x32xf32>,
    return
  }
}

module attributes {stable_mosaic.version = 14 : i64} {
  func.func @_tc3_body(%arg0: memref<2x10240x32xf32, #tpu.memory_space<vmem>>, %arg1: memref<10240x32xf32, #tpu.memory_space<vmem>>, %arg2: memref<10240xf32, #tpu.memory_space<vmem>>, %arg3: memref<32xf32, #tpu.memory_space<vmem>>, %arg4: memref<10000xi32, #tpu.memory_space<vmem>>, %arg5: memref<32x2xf32, #tpu.memory_space<vmem>>, %arg6: memref<2xf32, #tpu.memory_space<vmem>>, %arg7: memref<128x2xf32, #tpu.memory_space<vmem>>) attributes {dimension_semantics = [], scalar_prefetch = 0 : i64, scratch_operands = 0 : i64, tpu.core_type = #tpu.core_type<tc>} {
    %get3A = arith.constant 0 : index
    %get3A_0 = vector.load %arg2[%get3A] : memref<10240xf32, #tpu.memory_space<vmem>>, vector<10240xf32>
    %get3A_1 = arith.constant 0 : index
    %get3A_2 = arith.constant 0 : index
    %get3A_3 = arith.constant 0 : index
    %get3A_4 = vector.load %arg0[%get3A_1, %get3A_2, %get3A_3] : memref<2x10240x32xf32, #tpu.memory_space<vmem>>, vector<1x10240x32xf32>
    %get3A_5 = vector.shape_cast %get3A_4 : vector<1x10240x32xf32> to vector<10240x32xf32>
    %get3A_6 = arith.constant 1 : index
    %get3A_7 = arith.constant 0 : index
    %get3A_8 = arith.constant 0 : index
    %get3A_9 = vector.load %arg0[%get3A_6, %get3A_7, %get3A_8] : memref<2x10240x32xf32, #tpu.memory_space<vmem>>, vector<1x10240x32xf32>
    %get3A_10 = vector.shape_cast %get3A_9 : vector<1x10240x32xf32> to vector<10240x32xf32>
    %add3A = arith.addf %get3A_5, %get3A_10 : vector<10240x32xf32>
    %get3A_11 = arith.constant 0 : index
    %get3A_12 = arith.constant 0 : index
    %get3A_13 = vector.load %arg1[%get3A_11, %get3A_12] : memref<10240x32xf32, #tpu.memory_space<vmem>>, vector<10240x32xf32>
    %add3A_14 = arith.addf %add3A, %get3A_13 : vector<10240x32xf32>
    %broadcast_in_dim3A = vector.shape_cast %get3A_0 : vector<10240xf32> to vector<10240x1xf32>
    %mul3A = vector.broadcast %broadcast_in_dim3A : vector<10240x1xf32> to vector<10240x32xf32>
    %mul3A_15 = arith.mulf %add3A_14, %mul3A : vector<10240x32xf32>
    %get3A_16 = arith.constant 0 : index
    %get3A_17 = vector.load %arg3[%get3A_16] : memref<32xf32, #tpu.memory_space<vmem>>, vector<32xf32>
    %broadcast_in_dim3A_18 = vector.shape_cast %get3A_17 : vector<32xf32> to vector<1x32xf32>
    %add3A_19 = vector.broadcast %broadcast_in_dim3A_18 : vector<1x32xf32> to vector<10240x32xf32>
    %add3A_20 = arith.addf %mul3A_15, %add3A_19 : vector<10240x32xf32>
    %max3A = arith.constant 0.000000e+00 : f32
    %max3A_21 = vector.broadcast %max3A : f32 to vector<10240x32xf32>
    %max3A_22 = arith.maximumf %add3A_20, %max3A_21 : vector<10240x32xf32>
    %slice3A = vector.extract_strided_slice %max3A_22 {offsets = [0, 0], sizes = [10000, 32], strides = [1, 1]} : vector<10240x32xf32> to vector<10000x32xf32>
    %get3A_23 = arith.constant 0 : index
    %get3A_24 = vector.load %arg4[%get3A_23] : memref<10000xi32, #tpu.memory_space<vmem>>, vector<10000xi32>
    %broadcast_in_dim3A_25 = vector.shape_cast %get3A_24 : vector<10000xi32> to vector<1x10000xi32>
    %iota3A = tpu.iota {dimensions = array<i32: 0>} : vector<128x1xi32>
    %eq3A = vector.broadcast %broadcast_in_dim3A_25 : vector<1x10000xi32> to vector<128x10000xi32>
    %eq3A_26 = vector.broadcast %iota3A : vector<128x1xi32> to vector<128x10000xi32>
    %eq3A_27 = arith.cmpi eq, %eq3A, %eq3A_26 : vector<128x10000xi32>
    %convert_element_type3A = arith.extui %eq3A_27 : vector<128x10000xi1> to vector<128x10000xi32>
    %convert_element_type3A_28 = arith.sitofp %convert_element_type3A : vector<128x10000xi32> to vector<128x10000xf32>
    %dot_general3A = arith.constant dense<0.000000e+00> : vector<128x32xf32>
    %dot_general3A_29 = tpu.matmul %convert_element_type3A_28, %slice3A, %dot_general3A {dimension_numbers = #tpu.dot_dimension_numbers<[1], [0], [0], [1], [0, 0, 1, 1], [], []>, transpose_lhs_hint = false} : vector<128x10000xf32>, vector<10000x32xf32>, vector<128x32xf32> -> vector<128x32xf32>
    %reduce_sum3A = arith.constant dense<0.000000e+00> : vector<128xf32>
    %reduce_sum3A_30 = vector.multi_reduction <add>, %convert_element_type3A_28, %reduce_sum3A [1] : vector<128x10000xf32> to vector<128xf32>
    %max3A_31 = arith.constant 1.000000e+00 : f32
    %max3A_32 = vector.broadcast %max3A_31 : f32 to vector<128xf32>
    %max3A_33 = arith.maximumf %reduce_sum3A_30, %max3A_32 : vector<128xf32>
    %broadcast_in_dim3A_34 = vector.shape_cast %max3A_33 : vector<128xf32> to vector<128x1xf32>
    %div3A = vector.broadcast %broadcast_in_dim3A_34 : vector<128x1xf32> to vector<128x32xf32>
    %div3A_35 = arith.divf %dot_general3A_29, %div3A : vector<128x32xf32>
    %get3A_36 = arith.constant 0 : index
    %get3A_37 = arith.constant 0 : index
    %get3A_38 = vector.load %arg5[%get3A_36, %get3A_37] : memref<32x2xf32, #tpu.memory_space<vmem>>, vector<32x2xf32>
    %dot_general3A_39 = arith.constant dense<0.000000e+00> : vector<128x2xf32>
    %dot_general3A_40 = tpu.matmul %div3A_35, %get3A_38, %dot_general3A_39 {dimension_numbers = #tpu.dot_dimension_numbers<[1], [0], [0], [1], [0, 0, 1, 1], [], []>, transpose_lhs_hint = false} : vector<128x32xf32>, vector<32x2xf32>, vector<128x2xf32> -> vector<128x2xf32>
    %get3A_41 = arith.constant 0 : index
    %get3A_42 = vector.load %arg6[%get3A_41] : memref<2xf32, #tpu.memory_space<vmem>>, vector<2xf32>
    %broadcast_in_dim3A_43 = vector.shape_cast %get3A_42 : vector<2xf32> to vector<1x2xf32>
    %add3A_44 = vector.broadcast %broadcast_in_dim3A_43 : vector<1x2xf32> to vector<128x2xf32>
    %add3A_45 = arith.addf %dot_general3A_40, %add3A_44 : vector<128x2xf32>
    %reduce_max3A = arith.constant dense<0xFF800000> : vector<128xf32>
    %reduce_max3A_46 = vector.multi_reduction <maximumf>, %add3A_45, %reduce_max3A [1] : vector<128x2xf32> to vector<128xf32>
    %broadcast_in_dim3A_47 = vector.shape_cast %reduce_max3A_46 : vector<128xf32> to vector<128x1xf32>
    %sub3A = vector.broadcast %broadcast_in_dim3A_47 : vector<128x1xf32> to vector<128x2xf32>
    %sub3A_48 = arith.subf %add3A_45, %sub3A : vector<128x2xf32>
    %exp3A = math.exp %sub3A_48 : vector<128x2xf32>
    %reduce_sum3A_49 = arith.constant dense<0.000000e+00> : vector<128xf32>
    %reduce_sum3A_50 = vector.multi_reduction <add>, %exp3A, %reduce_sum3A_49 [1] : vector<128x2xf32> to vector<128xf32>
    %broadcast_in_dim3A_51 = vector.shape_cast %reduce_sum3A_50 : vector<128xf32> to vector<128x1xf32>
    %log3A = math.log %broadcast_in_dim3A_51 : vector<128x1xf32>
    %sub3A_52 = vector.broadcast %log3A : vector<128x1xf32> to vector<128x2xf32>
    %sub3A_53 = arith.subf %sub3A_48, %sub3A_52 : vector<128x2xf32>
    %swap3A = arith.constant 0 : index
    %swap3A_54 = arith.constant 0 : index
    %swap3A_55 = vector.load %arg7[%swap3A, %swap3A_54] : memref<128x2xf32, #tpu.memory_space<vmem>>, vector<128x2xf32>
    tpu.vector_store %arg7[%swap3A, %swap3A_54], %sub3A_53 {strides = array<i32>} : memref<128x2xf32, #tpu.memory_space<vmem>>, vector<128x2xf32>,
    return
  }
}

</mosaic_0001>

<sc_bundles>
// kernel: kernel.11.cloned.1.call-start
scs
__scs_entry_jumppad:
0x0: {  	(pc) =	sbr.rel $0x88, $3  }
0x1: {  	(tag) =	ssettag $0x0;
	lr =	simm.s32 $0x1  }
0x2: {  	[smem:$0x3F98] =	sst lr;
	_ =	strace $0xD0000000  }
0x3: {  	_ = 	snop  }
0x4: {  	_ = 	snop  }
0x5: {  	_ = 	snop  }
0x6: {  	_ = 	snop  }
0x7: {  	_ = 	snop  }
__scs_overlays_trampoline_lowered:
0x8: {  	[smem:$0x3FA7] =	sst s0  }
0x9: {  	[smem:$0x3FA8] =	sst s1  }
0xa: {  	[smem:$0x3FA9] =	sst s2  }
0xb: {  	[smem:$0x3FAA] =	sst s3  }
0xc: {  	[smem:$0x3FAB] =	sst s4  }
0xd: {  	[smem:$0x3FAC] =	sst s5  }
0xe: {  	[smem:$0x3FAD] =	sst s6  }
0xf: {  	[smem:$0x3FAE] =	sst s7  }
0x10: {  	[smem:$0x3FAF] =	sst s8  }
0x11: {  	[smem:$0x3FB0] =	sst s9;
	s0 =	simm.s32 @!p0 $0x0  }
0x12: {  	s1 =	sld [smem:$0x3F96];
	s0 =	simm.s32 @p0 $0x1  }
0x13: {  	[smem:$0x3FB1] =	sst s0;
	s0 =	simm.s32 @!p1 $0x0  }
0x14: {  	s2 =	sld [smem:$0x3F95];
	s0 =	simm.s32 @p1 $0x1  }
0x15: {  	[smem:$0x3FB2] =	sst s0;
	s0 =	simm.s32 @!p2 $0x0  }
0x16: {  	s3 =	sld [smem:$0x3FDB];
	s0 =	simm.s32 @p2 $0x1  }
0x17: {  	s4 =	simm.s32 $0x1BF5;
	[smem:$0x3FB4] =	sst s0  }
0x18: {  	s0 =	sld [smem:$0x3F97];
	_ =	swait.ge [sflag:s4], $0x0  }
0x19: {  	s7 =	sld [smem:$0x3F98]  }
0x1a: {  	s8 =	sadd.s32 $0xFFFFE003, lr  }
0x1b: {  	s9 =	sadd.s32 $0xFFFFFEF7, lr;
	s5 =	simm.s32 $0xFFFFFFFF;
	p2 =	slt.u32 s8, $0xFFFFF086  }
0x1c: {  	p1 =	slt.u32 s9, $0xF7A;
	s5 =	simm.s32 @!p2 $0x0  }
0x1d: {  	s5 =	simm.s32 @p1 $0x1;
	p0 =	seq.s32 s7, s2  }
0x1e: {  	s7 =	smul.u32 @!p0 $0xF7A, s2;
	p2 =	seq.s32 @!p0 s5, $0x0  }
0x1f: {  	s9 =	smul.u32 $0xF7A, s1;
	s8 =	simm.s32 @!p0 $0x1BF5;
	p2 =	por !p2, p0  }
0x20: {  	[sflag:s8] =	ssyncset.s32 @!p0 $0xFFFFF086;
	s6 =	sadd.s32 @!p0 s3, s7;
	s7 =	simm.s32 @!p0 $0x108  }
0x21: {  	s3 =	sadd.s32 s3, s9;
	s6 =	sadd.s32 @!p0 $0x88, s6;
	s7 =	simm.s32 @p2 $0x1082  }
0x22: {  	[simem:s7], [sflag:s8] =	dma.local @!p0 [hbm:s6], $0xF7A  }
0x23: {  	s9 =	sor.u32 $0xD0000000, s2;
	s6 =	simm.s32 $0x108;
	_ =	swait.ge @!p0 [sflag:s8], $0x0  }
0x24: {  	s3 =	sadd.s32 $0x88, s3;
	s6 =	simm.s32 @!p1 $0x1082;
	[sflag:s4] =	ssyncset.s32 $0xFFFFF086  }
0x25: {  	[simem:s6], [sflag:s4] =	dma.local [hbm:s3], $0xF7A  }
0x26: {  	[smem:$0x3F98] =	sst s1;
	(tag) =	ssettag s2;
	_ =	strace s9  }
0x27: {  	s1 =	sld [smem:$0x3FA8]  }
0x28: {  	s2 =	sld [smem:$0x3FA9]  }
0x29: {  	s4 =	sld [smem:$0x3FAB]  }
0x2a: {  	p0 =	seq.s32 s5, $0x0;
	s5 =	sld [smem:$0x3FAC]  }
0x2b: {  	s6 =	sld [smem:$0x3FAD]  }
0x2c: {  	s7 =	sld [smem:$0x3FAE]  }
0x2d: {  	s3 =	simm.s32 $0x108;
	s8 =	sld [smem:$0x3FAF]  }
0x2e: {  	s3 =	simm.s32 @!p0 $0x1082;
	s9 =	sld [smem:$0x3FB0]  }
0x2f: {  	lr =	sadd.s32 s0, s3;
	s0 =	sld [smem:$0x3FA7]  }
0x30: {  	s3 =	sld [smem:$0x3FAA]  }
0x31: {  	[smem:$0x3FB3] =	sst s10  }
0x32: {  	s10 =	sld [smem:$0x3FB1];
	_ =	sdelay $0x3  }
0x33: {  	p0 =	seq.s32 s10, $0x1;
	s10 =	sld [smem:$0x3FB3];
	_ =	sdelay $0x3  }
0x34: {  	[smem:$0x3FB3] =	sst s10  }
0x35: {  	s10 =	sld [smem:$0x3FB2];
	_ =	sdelay $0x3  }
0x36: {  	p1 =	seq.s32 s10, $0x1;
	s10 =	sld [smem:$0x3FB3];
	_ =	sdelay $0x3  }
0x37: {  	[smem:$0x3FB3] =	sst s10  }
0x38: {  	s10 =	sld [smem:$0x3FB4]  }
0x39: {  	_ = 	snop;
	(pc) =	sbr.ind lr, $3  }
0x3a: {  	_ = 	snop  }
0x3b: {  	_ = 	snop  }
0x3c: {  	p2 =	seq.s32 s10, $0x1;
	s10 =	sld [smem:$0x3FB3]  }
0x3d: {  	_ =	shalt  }
0x3e: {  	_ =	shalt  }
0x3f: {  	_ =	shalt  }
0x40: {  	_ =	shalt  }
0x41: {  	_ =	shalt  }
0x42: {  	_ =	shalt  }
0x43: {  	_ =	shalt  }
0x44: {  	_ =	shalt  }
0x45: {  	_ =	shalt  }
0x46: {  	_ =	shalt  }
0x47: {  	_ =	shalt  }
0x48: {  	_ =	shalt  }
0x49: {  	_ =	shalt  }
0x4a: {  	_ =	shalt  }
0x4b: {  	_ =	shalt  }
0x4c: {  	_ =	shalt  }
0x4d: {  	_ =	shalt  }
0x4e: {  	_ =	shalt  }
0x4f: {  	_ =	shalt  }
0x50: {  	_ =	shalt  }
0x51: {  	_ =	shalt  }
0x52: {  	_ =	shalt  }
0x53: {  	_ =	shalt  }
0x54: {  	_ =	shalt  }
0x55: {  	_ =	shalt  }
0x56: {  	_ =	shalt  }
0x57: {  	_ =	shalt  }
0x58: {  	_ =	shalt  }
0x59: {  	_ =	shalt  }
0x5a: {  	_ =	shalt  }
0x5b: {  	_ =	shalt  }
0x5c: {  	_ =	shalt  }
0x5d: {  	_ =	shalt  }
0x5e: {  	_ =	shalt  }
0x5f: {  	_ =	shalt  }
0x60: {  	_ =	shalt  }
0x61: {  	_ =	shalt  }
0x62: {  	_ =	shalt  }
0x63: {  	_ =	shalt  }
0x64: {  	_ =	shalt  }
0x65: {  	_ =	shalt  }
0x66: {  	_ =	shalt  }
0x67: {  	_ =	shalt  }
0x68: {  	_ =	shalt  }
0x69: {  	_ =	shalt  }
0x6a: {  	_ =	shalt  }
0x6b: {  	_ =	shalt  }
0x6c: {  	_ =	shalt  }
0x6d: {  	_ =	shalt  }
0x6e: {  	_ =	shalt  }
0x6f: {  	_ =	shalt  }
0x70: {  	_ =	shalt  }
0x71: {  	_ =	shalt  }
0x72: {  	_ =	shalt  }
0x73: {  	_ =	shalt  }
0x74: {  	_ =	shalt  }
0x75: {  	_ =	shalt  }
0x76: {  	_ =	shalt  }
0x77: {  	_ =	shalt  }
0x78: {  	_ =	shalt  }
0x79: {  	_ =	shalt  }
0x7a: {  	_ =	shalt  }
0x7b: {  	_ =	shalt  }
0x7c: {  	_ =	shalt  }
0x7d: {  	_ =	shalt  }
0x7e: {  	_ =	shalt  }
0x7f: {  	_ =	shalt  }
0x80: {  	_ =	shalt  }
0x81: {  	_ =	shalt  }
0x82: {  	_ =	shalt  }
0x83: {  	_ =	shalt  }
0x84: {  	_ =	shalt  }
0x85: {  	_ =	shalt  }
0x86: {  	_ =	shalt  }
0x87: {  	_ =	shalt  }
.Lfunc_end0:
.L_simem_size_0:
called_computation.1_lowered:
.L_overlay_start_0:
0x88: {  	s2 =	sld [smem:$0x3FD9]  }
0x89: {  	s3 =	sld [smem:$0x3FFE];
	_ =	sdelay $0x1  }
0x8a: {  	s1 =	srdreg.scid  }
0x8b: {  	s0 =	sand.u32 $0x1, s1  }
0x8c: {  	s16 =	sshll.u32 s0, $0xA;
	s2 =	sadd.s32 s3, s2  }
0x8d: {  	s2 =	sadd.s32 s2, s16  }
0x8e: {  	[smem:$0x3FBF] =	sst s2  }
0x8f: {  	_ = 	snop  }
0x90: {  	(tm) =	ssettm $0x1  }
0x91: {  	s17 =	sld [smem:$0x3FFB];
	_ =	sdelay $0x3  }
0x92: {  	_ =	strace s17  }
0x93: {  	s2 =	sld [smem:$0x3FFC];
	_ =	sdelay $0x3  }
0x94: {  	_ =	strace s2  }
0x95: {  	s2 =	sld [smem:$0x3FFD];
	_ =	sdelay $0x3  }
0x96: {  	_ =	strace s2  }
0x97: {  	_ =	strace $0x8FFFFFFF  }
0x98: {  	s18 =	sld [smem:$0x3FDB];
	_ =	sdelay $0x1  }
0x99: {  	s19 =	simm.s32 $_scs_section_size  }
0x9a: {  	s4 =	simm.s32 $_size__tile_overlayer_lowered;
	s5 =	simm.s32 $_tile_overlayer_lowered  }
0x9b: {  	s22 =	simm.s32 $0x1BFF;
	s21 =	sshll.u32 s5, $0x1;
	s2 =	sadd.s32 s19, s18  }
0x9c: {  	s6 =	simm.s32 $0x0;
	s20 =	sshll.u32 s4, $0x1;
	s4 =	sadd.s32 s21, s2  }
0x9d: {  	[timem:s6], [sflag:s22] =	dma.local [hbm:s4], s20  }
0x9e: {  	_ =	swait.ge [sflag:s22], s20  }
0x9f: {  	s3 =	ssub.s32 $0x0, s20;
	[sflag:s22] =	ssyncset.done $0x0  }
0xa0: {  	[sflag:s22] =	ssyncadd.s32 s3;
	_ =	sdelay $0x1  }
0xa1: {  	s23 =	simm.s32 $0x1B8B  }
0xa2: {  	_ =	swait.ge [sflag:s23], $0x1  }
0xa3: {  	[sflag:s23] =	ssyncset.done $0x0  }
0xa4: {  	s25 =	simm.s32 $0x1B8E;
	s24 =	sld [smem:$0x3FFE];
	[sflag:s23] =	ssyncadd.s32 $0xFFFFFFFF  }
0xa5: {  	s26 =	simm.s32 $execute0_lowered;
	[smem:$0x3FD2] =	sst s25  }
0xa6: {  	s4 =	sshll.u32 s26, $0x1;
	_ =	strace $0x80000049;
	[dreg:$0x1] =	wrdreg $0xFFFFFFFF  }
0xa7: {  	s28 =	simm.s32 $_size_execute0_lowered;
	s2 =	sadd.s32 s2, s4;
	[dreg:$0x0] =	wrdreg $0x0  }
0xa8: {  	s4 =	sshll.u32 s28, $0x1;
	[dreg:$0x2] =	wrdreg s2  }
0xa9: {  	[dreg:$0x3] =	wrdreg s4  }
0xaa: {  	[dreg:$0x4] =	wrdreg $0xC0  }
0xab: {  	_ =	task [dreg:s6], $0x5FFFF  }
0xac: {  	[dreg:$0x1] =	wrdreg $0xFFFFFFFF  }
0xad: {  	[dreg:$0x0] =	wrdreg $0x60  }
0xae: {  	[dreg:$0x2] =	wrdreg s24  }
0xaf: {  	[dreg:$0x3] =	wrdreg $0xD8000  }
0xb0: {  	[dreg:$0x4] =	wrdreg $0x9  }
0xb1: {  	_ =	task.clear_ibuf [dreg:s6], $0x5FFFF;
	_ =	strace $0x90000049  }
0xb2: {  	s29 =	simm.s32 $0x9;
	_ =	strace $0x8000004B  }
0xb3: {  	_ =	swait.ge [sflag:s29], $0x1  }
0xb4: {  	[sflag:s29] =	ssyncadd.s32 $0xFFFFFFFF  }
0xb5: {  	_ =	strace $0x9000004B  }
0xb6: {  	_ =	sfence  }
0xb7: {  	s30 =	sld [smem:$0x0];
	_ =	sdelay $0x2  }
0xb8: {  	s31 =	sshll.u32 s1, $0xD;
	s1 =	sshrl.u32 s1, $0x2  }
0xb9: {  	s3 =	sand.u32 $0x4000, s31;
	s1 =	sadd.s32 s1, s30  }
0xba: {  	s0 =	sor.u32 s3, s0;
	s1 =	sshll.u32 s1, $0x11  }
0xbb: {  	s0 =	sor.u32 s1, s0  }
0xbc: {  	s0 =	sadd.s32 $0x8F2B, s0  }
0xbd: {  	[sflag:s0] =	ssyncadd.remote.s32 $0x1  }
0xbe: {  	_ =	sfence.sel $0xFFFF  }
0xbf: {  	[dreg:$0x0] =	wrdreg $0xFFFFFFFF;
	(pc) =	sbr.abs _section_cstart, $3  }
0xc0: {  	[dreg:$0x1] =	wrdreg $0xFFFFFFFF  }
0xc1: {  	_ =	task.clear_ibuf [dreg:s6], $0x2FFFF;
	_ =	strace $0x9FFFFFFF  }
0xc2: {  	(tm) =	ssettm $0x7FFFFFFF  }
0xc3: {  	_ =	shalt  }
tec
execute0_lowered:
.L_overlay_start_1:
0x0: {  	(tag) =	ssettag $0x1  }
0x1: {  	s0 =	rddreg [dreg:$0x0]  }
0x2: {  	s2 =	rddreg [dreg:$0x1]  }
0x3: {  	s5 =	simm.s32 $0x0;
	s1 =	srdreg.scid;
	s10 =	stileid.u32  }
0x4: {  	s12 =	simm.s32 $0x11;
	s14 =	simm.s32 $0x80;
	s15 =	simm.s32 $0x9800  }
0x5: {  	s16 =	simm.s32 $0xA000;
	s23 =	simm.s32 $0xB800;
	s24 =	simm.s32 $0xC000  }
0x6: {  	s25 =	simm.s32 $0xC800;
	s26 =	simm.s32 $0xD000;
	s28 =	simm.s32 $0x5  }
0x7: {  	s29 =	simm.s32 $0xA;
	s30 =	simm.s32 $0x6;
	s31 =	simm.s32 $0xB  }
0x8: {  	s13 =	simm.s32 $0x8;
	s1 =	sand.u32 $0x1, s1;
	s3 =	smul.u32 $0x98, s10  }
0x9: {  	s4 =	sshll.u32 s10, $0x3;
	[smem:$0x7FF] =	sst s5;
	s18 =	smul.u32 $0x2800, s10  }
0xa: {  	s5 =	simm.s32 $0x98;
	_ =	strace $0x8000004A;
	[dreg:$0x4] =	wrdreg s23  }
0xb: {  	s20 =	sshll.u32 s10, $0x6;
	p0 =	seq.s32 s1, $0x0;
	[dreg:$0x5] =	wrdreg s24  }
0xc: {  	s4 =	sor.u32 $0x980, s4;
	s19 =	smul.u32 $0x5000, s1;
	[dreg:$0x6] =	wrdreg s25  }
0xd: {  	s1 =	ssub.s32 $0x2, s1;
	[dreg:$0x7] =	wrdreg s26;
	s23 =	simm.s32 $0x3  }
0xe: {  	s25 =	simm.s32 $0x4;
	s26 =	simm.s32 $0x9;
	s4 =	smov.u32 @p0 s3  }
0xf: {  	s8 =	sshrl.u32 s18, $0x3;
	s9 =	sshrl.u32 s1, $0x1;
	s5 =	simm.s32 @!p0 $0x8  }
0x10: {  	s3 =	sadd.s32 s18, s2;
	s18 =	simm.s32 $0xA800;
	s4 =	sshll.u32 s4, $0x4  }
0x11: {  	s7 =	sadd.s32 s8, s0;
	s1 =	ssub.s32 s1, s9;
	s22 =	sshll.u32 s5, $0x9  }
0x12: {  	s11 =	sshrl.u32 s3, $0x3;
	s9 =	simm.s32 $0x0;
	s6 =	sadd.s32 s4, s0  }
0x13: {  	s4 =	sadd.s32 $0x2000, s0;
	s0 =	sadd.s32 s19, s0;
	s7 =	sadd.s32 $0x7000, s7  }
0x14: {  	s1 =	smax.u32 s1, $0x1;
	[dreg:$0x3] =	wrdreg s22;
	s22 =	simm.s32 $0x2  }
0x15: {  	[dreg:$0x8] =	wrdreg s7;
	s7 =	sor.u32 $0x1C11, s20;
	s21 =	sadd.s32 $0x19000, s6  }
0x16: {  	s6 =	sadd.s32 $0xD000, s6;
	s0 =	sadd.s32 $0x24000, s0;
	[dreg:$0xb] =	wrdreg s1  }
0x17: {  	s20 =	simm.s32 $0xB000;
	s1 =	simm.s32 $0xC;
	[dreg:$0x9] =	wrdreg s21  }
0x18: {  	[dreg:$0xa] =	wrdreg s6;
	s21 =	simm.s32 $0x1;
	s0 =	sadd.s32 s8, s0  }
0x19: {  	s8 =	simm.s32 $0x10;
	[dreg:$0xc] =	wrdreg s0;
	s0 =	simm.s32 $0x7  }
.LBB2_1:
0x1a: {  	s3 =	rddreg [dreg:$0x8]  }
0x1b: {  	[spmem:s11], [sflag:s7] =	dma.local [hbm:s3], $0x500  }
0x1c: {  	_ =	swait.ge [sflag:s12], $0x500  }
0x1d: {  	[sflag:s12] =	ssyncset.done $0x0  }
0x1e: {  	s24 =	simm.s32 $0x0;
	s6 =	rddreg [dreg:$0x9];
	[sflag:s12] =	ssyncadd.s32 $0xFFFFFB00  }
0x1f: {  	[tilespmem:s24], [sflag:$0x11] =	stream.linear.gather [hbm4b:s6+s24], $0x4C00, $0x38;
	[tilespmem:$0x10000] =	vst v63  }
0x20: {  	_ =	swait.ge [sflag:s12], $0x4C00  }
0x21: {  	[sflag:s12] =	ssyncset.done $0x0  }
0x22: {  	s10 =	simm.s32 $0x4C00;
	s17 =	rddreg [dreg:$0xa];
	[sflag:s12] =	ssyncadd.s32 $0xFFFFB400  }
0x23: {  	[tilespmem:s10], [sflag:$0x11] =	stream.linear.gather [hbm4b:s17+s24], $0x4C00, $0x38;
	[tilespmem:$0x10000] =	vst v63  }
0x24: {  	_ =	swait.ge [sflag:s12], $0x4C00  }
0x25: {  	[sflag:s12] =	ssyncset.done $0x0  }
0x26: {  	[sflag:s12] =	ssyncadd.s32 $0xFFFFB400  }
0x27: {  	[bflag:$0x0] =	sbarrier.arrive $0xFFFF  }
0x28: {  	[tilespmem:s15], [sflag:$0x1] =	stream.indirect.gather [hbm4b:s4+s14], $0x10, s24, s14, $0xb8;
	[tilespmem:$0x10000] =	vst v63  }
0x29: {  	_ = 	snop  }
0x2a: {  	[tilespmem:s16], [sflag:$0x2] =	stream.indirect.gather [hbm4b:s4+s14], $0x10, s14, s14, $0xb8;
	[tilespmem:$0x10000] =	vst v63  }
0x2b: {  	s19 =	simm.s32 $0x100  }
0x2c: {  	[tilespmem:s18], [sflag:$0x3] =	stream.indirect.gather [hbm4b:s4+s14], $0x10, s19, s14, $0xb8;
	[tilespmem:$0x10000] =	vst v63  }
0x2d: {  	s24 =	simm.s32 $0x180  }
0x2e: {  	[tilespmem:s20], [sflag:$0x4] =	stream.indirect.gather [hbm4b:s4+s14], $0x10, s24, s14, $0xb8;
	[tilespmem:$0x10000] =	vst v63  }
0x2f: {  	s10 =	simm.s32 $0xB;
	s24 =	simm.s32 $0x0  }
.LBB2_2:
0x30: {  	p0 =	seq.s32 s24, $0x0  }
0x31: {  	s3 =	simm.s32 @!p0 $0xD  }
0x32: {  	s17 =	sadd.s32 $0xFFFFFFF9, s10;
	_ =	swait.ge @!p0 [sflag:s3], $0x800  }
0x33: {  	p1 =	sge.u32 s17, s5;
	[sflag:s3] =	ssyncset.done @!p0 $0x0  }
0x34: {  	[sflag:s3] =	ssyncadd.s32 @!p0 $0xFFFFF800;
	s3 =	sshra.s32 @!p1 s24, $0x2  }
0x35: {  	s17 =	simm.s32 @!p1 $0x80;
	s19 =	simm.s32 @!p1 $0xB800;
	s3 =	sadd.s32 @!p1 $0x200, s3  }
0x36: {  	[tilespmem:s19], [sflag:$0x5] =	stream.indirect.gather @!p1 [hbm4b:s4+s17], $0x10, s3, s17, $0xb8;
	[tilespmem:$0x10000] =	vst v63  }
0x37: {  	_ =	swait.ge [sflag:s21], $0x800  }
0x38: {  	s3 =	sshra.s32 s24, $0x2;
	[sflag:s21] =	ssyncset.done $0x0  }
0x39: {  	s17 =	simm.s32 @!p0 $0xE;
	s19 =	sadd.s32 $0x4C00, s3;
	[sflag:s21] =	ssyncadd.s32 $0xFFFFF800  }
0x3a: {  	[spmem:s2] =	stream.indirect.scatter.add.f32 [tilespmem:s15], [sflag:$0x9], $0x10, s19, s14, $0xb8;
	[tilespmem:$0x10000] =	vst v63  }
0x3b: {  	s6 =	sadd.s32 $0xFFFFFFFA, s10;
	_ =	swait.ge @!p0 [sflag:s17], $0x800  }
0x3c: {  	p1 =	sge.u32 s6, s5;
	[sflag:s17] =	ssyncset.done @!p0 $0x0  }
0x3d: {  	[sflag:s17] =	ssyncadd.s32 @!p0 $0xFFFFF800;
	s17 =	sshra.s32 @!p1 s24, $0x2  }
0x3e: {  	s6 =	simm.s32 @!p1 $0xC000;
	s19 =	simm.s32 @!p1 $0x80;
	s17 =	sadd.s32 @!p1 $0x280, s17  }
0x3f: {  	[tilespmem:s6], [sflag:$0x6] =	stream.indirect.gather @!p1 [hbm4b:s4+s19], $0x10, s17, s19, $0xb8;
	[tilespmem:$0x10000] =	vst v63  }
0x40: {  	_ =	swait.ge [sflag:s22], $0x800  }
0x41: {  	[sflag:s22] =	ssyncset.done $0x0  }
0x42: {  	s17 =	sadd.s32 $0x4C80, s3;
	s6 =	simm.s32 @!p0 $0xF;
	[sflag:s22] =	ssyncadd.s32 $0xFFFFF800  }
0x43: {  	[spmem:s2] =	stream.indirect.scatter.add.f32 [tilespmem:s16], [sflag:$0xA], $0x10, s17, s14, $0xb8;
	[tilespmem:$0x10000] =	vst v63  }
0x44: {  	s19 =	sadd.s32 $0xFFFFFFFB, s10;
	_ =	swait.ge @!p0 [sflag:s6], $0x800  }
0x45: {  	p1 =	sge.u32 s19, s5;
	[sflag:s6] =	ssyncset.done @!p0 $0x0  }
0x46: {  	[sflag:s6] =	ssyncadd.s32 @!p0 $0xFFFFF800;
	s6 =	sshra.s32 @!p1 s24, $0x2  }
0x47: {  	s19 =	simm.s32 @!p1 $0xC800;
	s17 =	simm.s32 @!p1 $0x80;
	s6 =	sadd.s32 @!p1 $0x300, s6  }
0x48: {  	[tilespmem:s19], [sflag:$0x7] =	stream.indirect.gather @!p1 [hbm4b:s4+s17], $0x10, s6, s17, $0xb8;
	[tilespmem:$0x10000] =	vst v63  }
0x49: {  	_ =	swait.ge [sflag:s23], $0x800  }
0x4a: {  	[sflag:s23] =	ssyncset.done $0x0  }
0x4b: {  	s17 =	sadd.s32 $0x4D00, s3;
	s6 =	simm.s32 @!p0 $0x10;
	[sflag:s23] =	ssyncadd.s32 $0xFFFFF800  }
0x4c: {  	[spmem:s2] =	stream.indirect.scatter.add.f32 [tilespmem:s18], [sflag:$0xB], $0x10, s17, s14, $0xb8;
	[tilespmem:$0x10000] =	vst v63  }
0x4d: {  	s19 =	sadd.s32 $0xFFFFFFFC, s10;
	_ =	swait.ge @!p0 [sflag:s6], $0x800  }
0x4e: {  	p1 =	sge.u32 s19, s5;
	[sflag:s6] =	ssyncset.done @!p0 $0x0  }
0x4f: {  	[sflag:s6] =	ssyncadd.s32 @!p0 $0xFFFFF800;
	s6 =	sshra.s32 @!p1 s24, $0x2  }
0x50: {  	s19 =	simm.s32 @!p1 $0xD000;
	s17 =	simm.s32 @!p1 $0x80;
	s6 =	sadd.s32 @!p1 $0x380, s6  }
0x51: {  	[tilespmem:s19], [sflag:$0x8] =	stream.indirect.gather @!p1 [hbm4b:s4+s17], $0x10, s6, s17, $0xb8;
	[tilespmem:$0x10000] =	vst v63  }
0x52: {  	_ =	swait.ge [sflag:s25], $0x800  }
0x53: {  	[sflag:s25] =	ssyncset.done $0x0  }
0x54: {  	s17 =	sadd.s32 $0x4D80, s3;
	s19 =	sadd.s32 $0xFFFFFFFD, s10;
	[sflag:s25] =	ssyncadd.s32 $0xFFFFF800  }
0x55: {  	[spmem:s2] =	stream.indirect.scatter.add.f32 [tilespmem:s20], [sflag:$0xC], $0x10, s17, s14, $0xb8;
	[tilespmem:$0x10000] =	vst v63  }
0x56: {  	p0 =	sge.u32 s19, s5;
	_ =	swait.ge [sflag:s26], $0x800  }
0x57: {  	s6 =	sshra.s32 @!p0 s24, $0x2;
	s19 =	simm.s32 @!p0 $0x9800;
	[sflag:s26] =	ssyncset.done $0x0  }
0x58: {  	s6 =	sadd.s32 @!p0 $0x400, s6;
	s17 =	simm.s32 @!p0 $0x80;
	[sflag:s26] =	ssyncadd.s32 $0xFFFFF800  }
0x59: {  	[tilespmem:s19], [sflag:$0x1] =	stream.indirect.gather @!p0 [hbm4b:s4+s17], $0x10, s6, s17, $0xb8;
	[tilespmem:$0x10000] =	vst v63  }
0x5a: {  	_ =	swait.ge [sflag:s28], $0x800  }
0x5b: {  	[sflag:s28] =	ssyncset.done $0x0  }
0x5c: {  	s19 =	sadd.s32 $0x4E00, s3;
	s17 =	rddreg [dreg:$0x4];
	[sflag:s28] =	ssyncadd.s32 $0xFFFFF800  }
0x5d: {  	[spmem:s2] =	stream.indirect.scatter.add.f32 [tilespmem:s17], [sflag:$0xD], $0x10, s19, s14, $0xb8;
	[tilespmem:$0x10000] =	vst v63  }
0x5e: {  	s19 =	sadd.s32 $0xFFFFFFFE, s10  }
0x5f: {  	_ =	swait.ge [sflag:s29], $0x800;
	p0 =	sge.u32 s19, s5  }
0x60: {  	[sflag:s29] =	ssyncset.done $0x0;
	s6 =	sshra.s32 @!p0 s24, $0x2;
	s17 =	simm.s32 @!p0 $0x80  }
0x61: {  	s19 =	simm.s32 @!p0 $0xA000;
	[sflag:s29] =	ssyncadd.s32 $0xFFFFF800;
	s6 =	sadd.s32 @!p0 $0x480, s6  }
0x62: {  	[tilespmem:s19], [sflag:$0x2] =	stream.indirect.gather @!p0 [hbm4b:s4+s17], $0x10, s6, s17, $0xb8;
	[tilespmem:$0x10000] =	vst v63  }
0x63: {  	_ =	swait.ge [sflag:s30], $0x800  }
0x64: {  	[sflag:s30] =	ssyncset.done $0x0  }
0x65: {  	s19 =	sadd.s32 $0x4E80, s3;
	s17 =	rddreg [dreg:$0x5];
	[sflag:s30] =	ssyncadd.s32 $0xFFFFF800  }
0x66: {  	[spmem:s2] =	stream.indirect.scatter.add.f32 [tilespmem:s17], [sflag:$0xE], $0x10, s19, s14, $0xb8;
	[tilespmem:$0x10000] =	vst v63  }
0x67: {  	s19 =	sadd.s32 $0xFFFFFFFF, s10  }
0x68: {  	_ =	swait.ge [sflag:s31], $0x800;
	p0 =	sge.u32 s19, s5  }
0x69: {  	[sflag:s31] =	ssyncset.done $0x0;
	s6 =	sshra.s32 @!p0 s24, $0x2;
	s17 =	simm.s32 @!p0 $0x80  }
0x6a: {  	s19 =	simm.s32 @!p0 $0xA800;
	[sflag:s31] =	ssyncadd.s32 $0xFFFFF800;
	s6 =	sadd.s32 @!p0 $0x500, s6  }
0x6b: {  	[tilespmem:s19], [sflag:$0x3] =	stream.indirect.gather @!p0 [hbm4b:s4+s17], $0x10, s6, s17, $0xb8;
	[tilespmem:$0x10000] =	vst v63  }
0x6c: {  	_ =	swait.ge [sflag:s0], $0x800  }
0x6d: {  	s19 =	sadd.s32 $0x4F00, s3;
	[sflag:s0] =	ssyncset.done $0x0  }
0x6e: {  	p0 =	sge.u32 s10, s5;
	s17 =	rddreg [dreg:$0x6];
	[sflag:s0] =	ssyncadd.s32 $0xFFFFF800  }
0x6f: {  	[spmem:s2] =	stream.indirect.scatter.add.f32 [tilespmem:s17], [sflag:$0xF], $0x10, s19, s14, $0xb8;
	[tilespmem:$0x10000] =	vst v63  }
0x70: {  	s6 =	sshra.s32 @!p0 s24, $0x2;
	_ =	swait.ge [sflag:s1], $0x800  }
0x71: {  	s6 =	sadd.s32 @!p0 $0x580, s6;
	[sflag:s1] =	ssyncset.done $0x0  }
0x72: {  	s17 =	simm.s32 @!p0 $0x80;
	s19 =	simm.s32 @!p0 $0xB000;
	[sflag:s1] =	ssyncadd.s32 $0xFFFFF800  }
0x73: {  	[tilespmem:s19], [sflag:$0x4] =	stream.indirect.gather @!p0 [hbm4b:s4+s17], $0x10, s6, s17, $0xb8;
	[tilespmem:$0x10000] =	vst v63  }
0x74: {  	_ =	swait.ge [sflag:s13], $0x800  }
0x75: {  	s24 =	sadd.s32 $0x1000, s24;
	s19 =	rddreg [dreg:$0x3]  }
0x76: {  	p0 =	sne.s32 s19, s24  }
.Ltmp0:
0x77: {  	_ = 	snop;
	(pc) =	sbr.rel @p0 .LBB2_2-.Ltmp0, $4  }
0x78: {  	_ = 	snop  }
0x79: {  	s3 =	sadd.s32 $0x4F80, s3;
	[sflag:s13] =	ssyncset.done $0x0  }
0x7a: {  	s10 =	sadd.s32 $0x8, s10;
	s17 =	rddreg [dreg:$0x7];
	[sflag:s13] =	ssyncadd.s32 $0xFFFFF800  }
0x7b: {  	[spmem:s2] =	stream.indirect.scatter.add.f32 [tilespmem:s17], [sflag:$0x10], $0x10, s3, s14, $0xb8;
	[tilespmem:$0x10000] =	vst v63  }
0x7c: {  	s3 =	simm.s32 $0xD  }
0x7d: {  	_ =	swait.ge [sflag:s3], $0x800  }
0x7e: {  	[sflag:s3] =	ssyncset.done $0x0  }
0x7f: {  	s10 =	simm.s32 $0xE;
	[sflag:s3] =	ssyncadd.s32 $0xFFFFF800  }
0x80: {  	_ =	swait.ge [sflag:s10], $0x800  }
0x81: {  	[sflag:s10] =	ssyncset.done $0x0  }
0x82: {  	s17 =	simm.s32 $0xF;
	[sflag:s10] =	ssyncadd.s32 $0xFFFFF800  }
0x83: {  	_ =	swait.ge [sflag:s17], $0x800  }
0x84: {  	[sflag:s17] =	ssyncset.done $0x0  }
0x85: {  	[sflag:s17] =	ssyncadd.s32 $0xFFFFF800  }
0x86: {  	_ =	swait.ge [sflag:s8], $0x800  }
0x87: {  	[sflag:s8] =	ssyncset.done $0x0  }
0x88: {  	[sflag:s8] =	ssyncadd.s32 $0xFFFFF800  }
0x89: {  	[bflag:$0x0] =	sbarrier.arrive $0xFFFF  }
0x8a: {  	s19 =	rddreg [dreg:$0xc]  }
0x8b: {  	[hbm:s19], [sflag:s7] =	dma.local [spmem:s11], $0x500  }
0x8c: {  	_ =	swait.ge [sflag:s12], $0x500  }
0x8d: {  	s9 =	sadd.s32 $0x1, s9;
	s24 =	rddreg [dreg:$0xb]  }
0x8e: {  	p0 =	sne.s32 s9, s24  }
.Ltmp1:
0x8f: {  	_ = 	snop;
	(pc) =	sbr.rel @p0 .LBB2_1-.Ltmp1, $3  }
0x90: {  	_ =	sdelay $0x1  }
0x91: {  	[sflag:s12] =	ssyncset.done $0x0  }
0x92: {  	[sflag:s12] =	ssyncadd.s32 $0xFFFFFB00  }
0x93: {  	_ =	sfence.sel $0x180000  }
0x94: {  	[bflag:$0x0] =	sbarrier.arrive $0xFFFF  }
0x95: {  	_ =	strace $0x9000004A  }
0x96: {  	s0 =	stileid.u32;
	[bflag:$0x2] =	sbarrier.arrive $0xFFFF  }
0x97: {  	p0 =	sne.s32 s0, $0x0;
	s0 =	rddreg [dreg:$0x2]  }
0x98: {  	s0 =	sadd.s32 @!p0 $0x100000, s0  }
0x99: {  	[sflag:s0] =	ssyncadd.tile.s32 @!p0 $0x1;
	_ =	shalt  }
.Lfunc_end2:
_tile_overlayer_lowered:
.L_overlay_start_2:
0x9a: {  	(tag) =	ssettag $0x2  }
0x9b: {  	s0 =	rddreg [dreg:$0x0];
	s2 =	stileid.u32  }
0x9c: {  	s1 =	rddreg [dreg:$0x1];
	p0 =	sne.s32 s2, $0x0  }
0x9d: {  	s3 =	rddreg [dreg:$0x2];
	[bflag:$0x3] =	sbarrier.arrive $0xFFFF;
	s2 =	simm.s32 @!p0 $0x1C11  }
0x9e: {  	[timem:s3], [sflag:s2] =	dma.local @!p0 [hbm:s0], s1  }
0x9f: {  	s0 =	simm.s32 @!p0 $0x11  }
0xa0: {  	_ =	swait.ge @!p0 [sflag:s0], s1  }
0xa1: {  	s1 =	ssub.s32 @!p0 $0x0, s1;
	[sflag:s0] =	ssyncset.done @!p0 $0x0  }
0xa2: {  	[sflag:s0] =	ssyncadd.s32 @!p0 s1  }
0xa3: {  	[bflag:$0x3] =	sbarrier.arrive $0xFFFF  }
0xa4: {  	_ =	shalt  }

// kernel: kernel.14.cloned.1.call-start
scs
__scs_entry_jumppad:
0x0: {  	(pc) =	sbr.rel $0x88, $3  }
0x1: {  	(tag) =	ssettag $0x0;
	lr =	simm.s32 $0x1  }
0x2: {  	[smem:$0x3F98] =	sst lr;
	_ =	strace $0xD0000000  }
0x3: {  	_ = 	snop  }
0x4: {  	_ = 	snop  }
0x5: {  	_ = 	snop  }
0x6: {  	_ = 	snop  }
0x7: {  	_ = 	snop  }
__scs_overlays_trampoline_lowered:
0x8: {  	[smem:$0x3FA7] =	sst s0  }
0x9: {  	[smem:$0x3FA8] =	sst s1  }
0xa: {  	[smem:$0x3FA9] =	sst s2  }
0xb: {  	[smem:$0x3FAA] =	sst s3  }
0xc: {  	[smem:$0x3FAB] =	sst s4  }
0xd: {  	[smem:$0x3FAC] =	sst s5  }
0xe: {  	[smem:$0x3FAD] =	sst s6  }
0xf: {  	[smem:$0x3FAE] =	sst s7  }
0x10: {  	[smem:$0x3FAF] =	sst s8  }
0x11: {  	[smem:$0x3FB0] =	sst s9;
	s0 =	simm.s32 @!p0 $0x0  }
0x12: {  	s1 =	sld [smem:$0x3F96];
	s0 =	simm.s32 @p0 $0x1  }
0x13: {  	[smem:$0x3FB1] =	sst s0;
	s0 =	simm.s32 @!p1 $0x0  }
0x14: {  	s2 =	sld [smem:$0x3F95];
	s0 =	simm.s32 @p1 $0x1  }
0x15: {  	[smem:$0x3FB2] =	sst s0;
	s0 =	simm.s32 @!p2 $0x0  }
0x16: {  	s3 =	sld [smem:$0x3FDB];
	s0 =	simm.s32 @p2 $0x1  }
0x17: {  	s4 =	simm.s32 $0x1BF5;
	[smem:$0x3FB4] =	sst s0  }
0x18: {  	s0 =	sld [smem:$0x3F97];
	_ =	swait.ge [sflag:s4], $0x0  }
0x19: {  	s7 =	sld [smem:$0x3F98]  }
0x1a: {  	s8 =	sadd.s32 $0xFFFFE003, lr  }
0x1b: {  	s9 =	sadd.s32 $0xFFFFFEF7, lr;
	s5 =	simm.s32 $0xFFFFFFFF;
	p2 =	slt.u32 s8, $0xFFFFF086  }
0x1c: {  	p1 =	slt.u32 s9, $0xF7A;
	s5 =	simm.s32 @!p2 $0x0  }
0x1d: {  	s5 =	simm.s32 @p1 $0x1;
	p0 =	seq.s32 s7, s2  }
0x1e: {  	s7 =	smul.u32 @!p0 $0xF7A, s2;
	p2 =	seq.s32 @!p0 s5, $0x0  }
0x1f: {  	s9 =	smul.u32 $0xF7A, s1;
	s8 =	simm.s32 @!p0 $0x1BF5;
	p2 =	por !p2, p0  }
0x20: {  	[sflag:s8] =	ssyncset.s32 @!p0 $0xFFFFF086;
	s6 =	sadd.s32 @!p0 s3, s7;
	s7 =	simm.s32 @!p0 $0x108  }
0x21: {  	s3 =	sadd.s32 s3, s9;
	s6 =	sadd.s32 @!p0 $0x88, s6;
	s7 =	simm.s32 @p2 $0x1082  }
0x22: {  	[simem:s7], [sflag:s8] =	dma.local @!p0 [hbm:s6], $0xF7A  }
0x23: {  	s9 =	sor.u32 $0xD0000000, s2;
	s6 =	simm.s32 $0x108;
	_ =	swait.ge @!p0 [sflag:s8], $0x0  }
0x24: {  	s3 =	sadd.s32 $0x88, s3;
	s6 =	simm.s32 @!p1 $0x1082;
	[sflag:s4] =	ssyncset.s32 $0xFFFFF086  }
0x25: {  	[simem:s6], [sflag:s4] =	dma.local [hbm:s3], $0xF7A  }
0x26: {  	[smem:$0x3F98] =	sst s1;
	(tag) =	ssettag s2;
	_ =	strace s9  }
0x27: {  	s1 =	sld [smem:$0x3FA8]  }
0x28: {  	s2 =	sld [smem:$0x3FA9]  }
0x29: {  	s4 =	sld [smem:$0x3FAB]  }
0x2a: {  	p0 =	seq.s32 s5, $0x0;
	s5 =	sld [smem:$0x3FAC]  }
0x2b: {  	s6 =	sld [smem:$0x3FAD]  }
0x2c: {  	s7 =	sld [smem:$0x3FAE]  }
0x2d: {  	s3 =	simm.s32 $0x108;
	s8 =	sld [smem:$0x3FAF]  }
0x2e: {  	s3 =	simm.s32 @!p0 $0x1082;
	s9 =	sld [smem:$0x3FB0]  }
0x2f: {  	lr =	sadd.s32 s0, s3;
	s0 =	sld [smem:$0x3FA7]  }
0x30: {  	s3 =	sld [smem:$0x3FAA]  }
0x31: {  	[smem:$0x3FB3] =	sst s10  }
0x32: {  	s10 =	sld [smem:$0x3FB1];
	_ =	sdelay $0x3  }
0x33: {  	p0 =	seq.s32 s10, $0x1;
	s10 =	sld [smem:$0x3FB3];
	_ =	sdelay $0x3  }
0x34: {  	[smem:$0x3FB3] =	sst s10  }
0x35: {  	s10 =	sld [smem:$0x3FB2];
	_ =	sdelay $0x3  }
0x36: {  	p1 =	seq.s32 s10, $0x1;
	s10 =	sld [smem:$0x3FB3];
	_ =	sdelay $0x3  }
0x37: {  	[smem:$0x3FB3] =	sst s10  }
0x38: {  	s10 =	sld [smem:$0x3FB4]  }
0x39: {  	_ = 	snop;
	(pc) =	sbr.ind lr, $3  }
0x3a: {  	_ = 	snop  }
0x3b: {  	_ = 	snop  }
0x3c: {  	p2 =	seq.s32 s10, $0x1;
	s10 =	sld [smem:$0x3FB3]  }
0x3d: {  	_ =	shalt  }
0x3e: {  	_ =	shalt  }
0x3f: {  	_ =	shalt  }
0x40: {  	_ =	shalt  }
0x41: {  	_ =	shalt  }
0x42: {  	_ =	shalt  }
0x43: {  	_ =	shalt  }
0x44: {  	_ =	shalt  }
0x45: {  	_ =	shalt  }
0x46: {  	_ =	shalt  }
0x47: {  	_ =	shalt  }
0x48: {  	_ =	shalt  }
0x49: {  	_ =	shalt  }
0x4a: {  	_ =	shalt  }
0x4b: {  	_ =	shalt  }
0x4c: {  	_ =	shalt  }
0x4d: {  	_ =	shalt  }
0x4e: {  	_ =	shalt  }
0x4f: {  	_ =	shalt  }
0x50: {  	_ =	shalt  }
0x51: {  	_ =	shalt  }
0x52: {  	_ =	shalt  }
0x53: {  	_ =	shalt  }
0x54: {  	_ =	shalt  }
0x55: {  	_ =	shalt  }
0x56: {  	_ =	shalt  }
0x57: {  	_ =	shalt  }
0x58: {  	_ =	shalt  }
0x59: {  	_ =	shalt  }
0x5a: {  	_ =	shalt  }
0x5b: {  	_ =	shalt  }
0x5c: {  	_ =	shalt  }
0x5d: {  	_ =	shalt  }
0x5e: {  	_ =	shalt  }
0x5f: {  	_ =	shalt  }
0x60: {  	_ =	shalt  }
0x61: {  	_ =	shalt  }
0x62: {  	_ =	shalt  }
0x63: {  	_ =	shalt  }
0x64: {  	_ =	shalt  }
0x65: {  	_ =	shalt  }
0x66: {  	_ =	shalt  }
0x67: {  	_ =	shalt  }
0x68: {  	_ =	shalt  }
0x69: {  	_ =	shalt  }
0x6a: {  	_ =	shalt  }
0x6b: {  	_ =	shalt  }
0x6c: {  	_ =	shalt  }
0x6d: {  	_ =	shalt  }
0x6e: {  	_ =	shalt  }
0x6f: {  	_ =	shalt  }
0x70: {  	_ =	shalt  }
0x71: {  	_ =	shalt  }
0x72: {  	_ =	shalt  }
0x73: {  	_ =	shalt  }
0x74: {  	_ =	shalt  }
0x75: {  	_ =	shalt  }
0x76: {  	_ =	shalt  }
0x77: {  	_ =	shalt  }
0x78: {  	_ =	shalt  }
0x79: {  	_ =	shalt  }
0x7a: {  	_ =	shalt  }
0x7b: {  	_ =	shalt  }
0x7c: {  	_ =	shalt  }
0x7d: {  	_ =	shalt  }
0x7e: {  	_ =	shalt  }
0x7f: {  	_ =	shalt  }
0x80: {  	_ =	shalt  }
0x81: {  	_ =	shalt  }
0x82: {  	_ =	shalt  }
0x83: {  	_ =	shalt  }
0x84: {  	_ =	shalt  }
0x85: {  	_ =	shalt  }
0x86: {  	_ =	shalt  }
0x87: {  	_ =	shalt  }
.Lfunc_end0:
.L_simem_size_0:
called_computation.2_lowered:
.L_overlay_start_0:
0x88: {  	s2 =	sld [smem:$0x3FD9]  }
0x89: {  	s3 =	sld [smem:$0x3FFE];
	_ =	sdelay $0x1  }
0x8a: {  	s1 =	srdreg.scid  }
0x8b: {  	s0 =	sand.u32 $0x1, s1  }
0x8c: {  	s16 =	sshll.u32 s0, $0xA;
	s2 =	sadd.s32 s3, s2  }
0x8d: {  	s2 =	sadd.s32 s2, s16  }
0x8e: {  	[smem:$0x3FBF] =	sst s2  }
0x8f: {  	_ = 	snop  }
0x90: {  	(tm) =	ssettm $0x1  }
0x91: {  	s17 =	sld [smem:$0x3FFB];
	_ =	sdelay $0x3  }
0x92: {  	_ =	strace s17  }
0x93: {  	s2 =	sld [smem:$0x3FFC];
	_ =	sdelay $0x3  }
0x94: {  	_ =	strace s2  }
0x95: {  	s2 =	sld [smem:$0x3FFD];
	_ =	sdelay $0x3  }
0x96: {  	_ =	strace s2  }
0x97: {  	_ =	strace $0x8FFFFFFF  }
0x98: {  	s18 =	sld [smem:$0x3FDB];
	_ =	sdelay $0x1  }
0x99: {  	s19 =	simm.s32 $_scs_section_size  }
0x9a: {  	s4 =	simm.s32 $_size__tile_overlayer_lowered;
	s5 =	simm.s32 $_tile_overlayer_lowered  }
0x9b: {  	s22 =	simm.s32 $0x1BFF;
	s21 =	sshll.u32 s5, $0x1;
	s2 =	sadd.s32 s19, s18  }
0x9c: {  	s6 =	simm.s32 $0x0;
	s20 =	sshll.u32 s4, $0x1;
	s4 =	sadd.s32 s21, s2  }
0x9d: {  	[timem:s6], [sflag:s22] =	dma.local [hbm:s4], s20  }
0x9e: {  	_ =	swait.ge [sflag:s22], s20  }
0x9f: {  	s3 =	ssub.s32 $0x0, s20;
	[sflag:s22] =	ssyncset.done $0x0  }
0xa0: {  	[sflag:s22] =	ssyncadd.s32 s3;
	_ =	sdelay $0x1  }
0xa1: {  	s23 =	simm.s32 $0x1B8B  }
0xa2: {  	_ =	swait.ge [sflag:s23], $0x1  }
0xa3: {  	[sflag:s23] =	ssyncset.done $0x0  }
0xa4: {  	s25 =	simm.s32 $0x1B8E;
	s24 =	sld [smem:$0x3FFE];
	[sflag:s23] =	ssyncadd.s32 $0xFFFFFFFF  }
0xa5: {  	s26 =	simm.s32 $execute0_lowered;
	[smem:$0x3FD2] =	sst s25  }
0xa6: {  	s4 =	sshll.u32 s26, $0x1;
	_ =	strace $0x8000004C;
	[dreg:$0x1] =	wrdreg $0xFFFFFFFF  }
0xa7: {  	s28 =	simm.s32 $_size_execute0_lowered;
	s2 =	sadd.s32 s2, s4;
	[dreg:$0x0] =	wrdreg $0x0  }
0xa8: {  	s4 =	sshll.u32 s28, $0x1;
	[dreg:$0x2] =	wrdreg s2  }
0xa9: {  	[dreg:$0x3] =	wrdreg s4  }
0xaa: {  	[dreg:$0x4] =	wrdreg $0xC0  }
0xab: {  	_ =	task [dreg:s6], $0x5FFFF  }
0xac: {  	[dreg:$0x1] =	wrdreg $0xFFFFFFFF  }
0xad: {  	[dreg:$0x0] =	wrdreg $0x60  }
0xae: {  	[dreg:$0x2] =	wrdreg s24  }
0xaf: {  	[dreg:$0x3] =	wrdreg $0x118000  }
0xb0: {  	[dreg:$0x4] =	wrdreg $0x9  }
0xb1: {  	_ =	task.clear_ibuf [dreg:s6], $0x5FFFF;
	_ =	strace $0x9000004C  }
0xb2: {  	s29 =	simm.s32 $0x9;
	_ =	strace $0x8000004E  }
0xb3: {  	_ =	swait.ge [sflag:s29], $0x1  }
0xb4: {  	[sflag:s29] =	ssyncadd.s32 $0xFFFFFFFF  }
0xb5: {  	_ =	strace $0x9000004E  }
0xb6: {  	_ =	sfence  }
0xb7: {  	s30 =	sld [smem:$0x0];
	_ =	sdelay $0x2  }
0xb8: {  	s31 =	sshll.u32 s1, $0xD;
	s1 =	sshrl.u32 s1, $0x2  }
0xb9: {  	s3 =	sand.u32 $0x4000, s31;
	s1 =	sadd.s32 s1, s30  }
0xba: {  	s0 =	sor.u32 s3, s0;
	s1 =	sshll.u32 s1, $0x11  }
0xbb: {  	s0 =	sor.u32 s1, s0  }
0xbc: {  	s0 =	sadd.s32 $0x8F2B, s0  }
0xbd: {  	[sflag:s0] =	ssyncadd.remote.s32 $0x1  }
0xbe: {  	_ =	sfence.sel $0xFFFF  }
0xbf: {  	[dreg:$0x0] =	wrdreg $0xFFFFFFFF;
	(pc) =	sbr.abs _section_cstart, $3  }
0xc0: {  	[dreg:$0x1] =	wrdreg $0xFFFFFFFF  }
0xc1: {  	_ =	task.clear_ibuf [dreg:s6], $0x2FFFF;
	_ =	strace $0x9FFFFFFF  }
0xc2: {  	(tm) =	ssettm $0x7FFFFFFF  }
0xc3: {  	_ =	shalt  }
tec
execute0_lowered:
.L_overlay_start_1:
0x0: {  	(tag) =	ssettag $0x1  }
0x1: {  	s0 =	rddreg [dreg:$0x0]  }
0x2: {  	s2 =	rddreg [dreg:$0x1]  }
0x3: {  	s5 =	simm.s32 $0x0;
	s1 =	srdreg.scid;
	s10 =	stileid.u32  }
0x4: {  	s12 =	simm.s32 $0x11;
	s14 =	simm.s32 $0x80;
	s15 =	simm.s32 $0x9800  }
0x5: {  	s16 =	simm.s32 $0xA800;
	s23 =	simm.s32 $0xD800;
	s24 =	simm.s32 $0xE800  }
0x6: {  	s25 =	simm.s32 $0xF800;
	s26 =	simm.s32 $0x10800;
	s28 =	simm.s32 $0x5  }
0x7: {  	s29 =	simm.s32 $0xA;
	s30 =	simm.s32 $0x6;
	s31 =	simm.s32 $0xB  }
0x8: {  	s13 =	simm.s32 $0x8;
	s1 =	sand.u32 $0x1, s1;
	s3 =	smul.u32 $0x98, s10  }
0x9: {  	s4 =	sshll.u32 s10, $0x3;
	[smem:$0x7FF] =	sst s5;
	s18 =	smul.u32 $0x5000, s10  }
0xa: {  	s5 =	simm.s32 $0x98;
	_ =	strace $0x8000004D;
	[dreg:$0x4] =	wrdreg s23  }
0xb: {  	s20 =	sshll.u32 s10, $0x6;
	p0 =	seq.s32 s1, $0x0;
	[dreg:$0x5] =	wrdreg s24  }
0xc: {  	s4 =	sor.u32 $0x980, s4;
	s19 =	smul.u32 $0xA000, s1;
	[dreg:$0x6] =	wrdreg s25  }
0xd: {  	s1 =	ssub.s32 $0x2, s1;
	[dreg:$0x7] =	wrdreg s26;
	s23 =	simm.s32 $0x3  }
0xe: {  	s25 =	simm.s32 $0x4;
	s26 =	simm.s32 $0x9;
	s4 =	smov.u32 @p0 s3  }
0xf: {  	s8 =	sshrl.u32 s18, $0x3;
	s9 =	sshrl.u32 s1, $0x1;
	s5 =	simm.s32 @!p0 $0x8  }
0x10: {  	s3 =	sadd.s32 s18, s2;
	s18 =	simm.s32 $0xB800;
	s4 =	sshll.u32 s4, $0x4  }
0x11: {  	s7 =	sadd.s32 s8, s0;
	s1 =	ssub.s32 s1, s9;
	s22 =	sshll.u32 s5, $0x9  }
0x12: {  	s11 =	sshrl.u32 s3, $0x3;
	s9 =	simm.s32 $0x0;
	s6 =	sadd.s32 s4, s0  }
0x13: {  	s4 =	sadd.s32 $0x2000, s0;
	s0 =	sadd.s32 s19, s0;
	s7 =	sadd.s32 $0x24000, s7  }
0x14: {  	s1 =	smax.u32 s1, $0x1;
	[dreg:$0x3] =	wrdreg s22;
	s22 =	simm.s32 $0x2  }
0x15: {  	[dreg:$0x8] =	wrdreg s7;
	s7 =	sor.u32 $0x1C11, s20;
	s21 =	sadd.s32 $0x19000, s6  }
0x16: {  	s6 =	sadd.s32 $0xD000, s6;
	s0 =	sadd.s32 $0x2E000, s0;
	[dreg:$0xb] =	wrdreg s1  }
0x17: {  	s20 =	simm.s32 $0xC800;
	s1 =	simm.s32 $0xC;
	[dreg:$0x9] =	wrdreg s21  }
0x18: {  	[dreg:$0xa] =	wrdreg s6;
	s21 =	simm.s32 $0x1;
	s0 =	sadd.s32 s8, s0  }
0x19: {  	s8 =	simm.s32 $0x10;
	[dreg:$0xc] =	wrdreg s0;
	s0 =	simm.s32 $0x7  }
.LBB2_1:
0x1a: {  	s3 =	rddreg [dreg:$0x8]  }
0x1b: {  	[spmem:s11], [sflag:s7] =	dma.local [hbm:s3], $0xA00  }
0x1c: {  	_ =	swait.ge [sflag:s12], $0xA00  }
0x1d: {  	[sflag:s12] =	ssyncset.done $0x0  }
0x1e: {  	s24 =	simm.s32 $0x0;
	s6 =	rddreg [dreg:$0x9];
	[sflag:s12] =	ssyncadd.s32 $0xFFFFF600  }
0x1f: {  	[tilespmem:s24], [sflag:$0x11] =	stream.linear.gather [hbm4b:s6+s24], $0x4C00, $0x38;
	[tilespmem:$0x16800] =	vst v63  }
0x20: {  	_ =	swait.ge [sflag:s12], $0x4C00  }
0x21: {  	[sflag:s12] =	ssyncset.done $0x0  }
0x22: {  	s10 =	simm.s32 $0x4C00;
	s17 =	rddreg [dreg:$0xa];
	[sflag:s12] =	ssyncadd.s32 $0xFFFFB400  }
0x23: {  	[tilespmem:s10], [sflag:$0x11] =	stream.linear.gather [hbm4b:s17+s24], $0x4C00, $0x38;
	[tilespmem:$0x16800] =	vst v63  }
0x24: {  	_ =	swait.ge [sflag:s12], $0x4C00  }
0x25: {  	[sflag:s12] =	ssyncset.done $0x0  }
0x26: {  	[sflag:s12] =	ssyncadd.s32 $0xFFFFB400  }
0x27: {  	[bflag:$0x0] =	sbarrier.arrive $0xFFFF  }
0x28: {  	[tilespmem:s15], [sflag:$0x1] =	stream.indirect.gather [hbm4b:s4+s14], $0x20, s24, s14, $0xb8;
	[tilespmem:$0x16800] =	vst v63  }
0x29: {  	_ = 	snop  }
0x2a: {  	[tilespmem:s16], [sflag:$0x2] =	stream.indirect.gather [hbm4b:s4+s14], $0x20, s14, s14, $0xb8;
	[tilespmem:$0x16800] =	vst v63  }
0x2b: {  	s19 =	simm.s32 $0x100  }
0x2c: {  	[tilespmem:s18], [sflag:$0x3] =	stream.indirect.gather [hbm4b:s4+s14], $0x20, s19, s14, $0xb8;
	[tilespmem:$0x16800] =	vst v63  }
0x2d: {  	s24 =	simm.s32 $0x180  }
0x2e: {  	[tilespmem:s20], [sflag:$0x4] =	stream.indirect.gather [hbm4b:s4+s14], $0x20, s24, s14, $0xb8;
	[tilespmem:$0x16800] =	vst v63  }
0x2f: {  	s10 =	simm.s32 $0xB;
	s24 =	simm.s32 $0x0  }
.LBB2_2:
0x30: {  	p0 =	seq.s32 s24, $0x0  }
0x31: {  	s3 =	simm.s32 @!p0 $0xD  }
0x32: {  	s17 =	sadd.s32 $0xFFFFFFF9, s10;
	_ =	swait.ge @!p0 [sflag:s3], $0x1000  }
0x33: {  	p1 =	sge.u32 s17, s5;
	[sflag:s3] =	ssyncset.done @!p0 $0x0  }
0x34: {  	[sflag:s3] =	ssyncadd.s32 @!p0 $0xFFFFF000;
	s3 =	sshra.s32 @!p1 s24, $0x2  }
0x35: {  	s17 =	simm.s32 @!p1 $0x80;
	s19 =	simm.s32 @!p1 $0xD800;
	s3 =	sadd.s32 @!p1 $0x200, s3  }
0x36: {  	[tilespmem:s19], [sflag:$0x5] =	stream.indirect.gather @!p1 [hbm4b:s4+s17], $0x20, s3, s17, $0xb8;
	[tilespmem:$0x16800] =	vst v63  }
0x37: {  	_ =	swait.ge [sflag:s21], $0x1000  }
0x38: {  	s3 =	sshra.s32 s24, $0x2;
	[sflag:s21] =	ssyncset.done $0x0  }
0x39: {  	s17 =	simm.s32 @!p0 $0xE;
	s19 =	sadd.s32 $0x4C00, s3;
	[sflag:s21] =	ssyncadd.s32 $0xFFFFF000  }
0x3a: {  	[spmem:s2] =	stream.indirect.scatter.add.f32 [tilespmem:s15], [sflag:$0x9], $0x20, s19, s14, $0xb8;
	[tilespmem:$0x16800] =	vst v63  }
0x3b: {  	s6 =	sadd.s32 $0xFFFFFFFA, s10;
	_ =	swait.ge @!p0 [sflag:s17], $0x1000  }
0x3c: {  	p1 =	sge.u32 s6, s5;
	[sflag:s17] =	ssyncset.done @!p0 $0x0  }
0x3d: {  	[sflag:s17] =	ssyncadd.s32 @!p0 $0xFFFFF000;
	s17 =	sshra.s32 @!p1 s24, $0x2  }
0x3e: {  	s6 =	simm.s32 @!p1 $0xE800;
	s19 =	simm.s32 @!p1 $0x80;
	s17 =	sadd.s32 @!p1 $0x280, s17  }
0x3f: {  	[tilespmem:s6], [sflag:$0x6] =	stream.indirect.gather @!p1 [hbm4b:s4+s19], $0x20, s17, s19, $0xb8;
	[tilespmem:$0x16800] =	vst v63  }
0x40: {  	_ =	swait.ge [sflag:s22], $0x1000  }
0x41: {  	[sflag:s22] =	ssyncset.done $0x0  }
0x42: {  	s17 =	sadd.s32 $0x4C80, s3;
	s6 =	simm.s32 @!p0 $0xF;
	[sflag:s22] =	ssyncadd.s32 $0xFFFFF000  }
0x43: {  	[spmem:s2] =	stream.indirect.scatter.add.f32 [tilespmem:s16], [sflag:$0xA], $0x20, s17, s14, $0xb8;
	[tilespmem:$0x16800] =	vst v63  }
0x44: {  	s19 =	sadd.s32 $0xFFFFFFFB, s10;
	_ =	swait.ge @!p0 [sflag:s6], $0x1000  }
0x45: {  	p1 =	sge.u32 s19, s5;
	[sflag:s6] =	ssyncset.done @!p0 $0x0  }
0x46: {  	[sflag:s6] =	ssyncadd.s32 @!p0 $0xFFFFF000;
	s6 =	sshra.s32 @!p1 s24, $0x2  }
0x47: {  	s19 =	simm.s32 @!p1 $0xF800;
	s17 =	simm.s32 @!p1 $0x80;
	s6 =	sadd.s32 @!p1 $0x300, s6  }
0x48: {  	[tilespmem:s19], [sflag:$0x7] =	stream.indirect.gather @!p1 [hbm4b:s4+s17], $0x20, s6, s17, $0xb8;
	[tilespmem:$0x16800] =	vst v63  }
0x49: {  	_ =	swait.ge [sflag:s23], $0x1000  }
0x4a: {  	[sflag:s23] =	ssyncset.done $0x0  }
0x4b: {  	s17 =	sadd.s32 $0x4D00, s3;
	s6 =	simm.s32 @!p0 $0x10;
	[sflag:s23] =	ssyncadd.s32 $0xFFFFF000  }
0x4c: {  	[spmem:s2] =	stream.indirect.scatter.add.f32 [tilespmem:s18], [sflag:$0xB], $0x20, s17, s14, $0xb8;
	[tilespmem:$0x16800] =	vst v63  }
0x4d: {  	s19 =	sadd.s32 $0xFFFFFFFC, s10;
	_ =	swait.ge @!p0 [sflag:s6], $0x1000  }
0x4e: {  	p1 =	sge.u32 s19, s5;
	[sflag:s6] =	ssyncset.done @!p0 $0x0  }
0x4f: {  	[sflag:s6] =	ssyncadd.s32 @!p0 $0xFFFFF000;
	s6 =	sshra.s32 @!p1 s24, $0x2  }
0x50: {  	s19 =	simm.s32 @!p1 $0x10800;
	s17 =	simm.s32 @!p1 $0x80;
	s6 =	sadd.s32 @!p1 $0x380, s6  }
0x51: {  	[tilespmem:s19], [sflag:$0x8] =	stream.indirect.gather @!p1 [hbm4b:s4+s17], $0x20, s6, s17, $0xb8;
	[tilespmem:$0x16800] =	vst v63  }
0x52: {  	_ =	swait.ge [sflag:s25], $0x1000  }
0x53: {  	[sflag:s25] =	ssyncset.done $0x0  }
0x54: {  	s17 =	sadd.s32 $0x4D80, s3;
	s19 =	sadd.s32 $0xFFFFFFFD, s10;
	[sflag:s25] =	ssyncadd.s32 $0xFFFFF000  }
0x55: {  	[spmem:s2] =	stream.indirect.scatter.add.f32 [tilespmem:s20], [sflag:$0xC], $0x20, s17, s14, $0xb8;
	[tilespmem:$0x16800] =	vst v63  }
0x56: {  	p0 =	sge.u32 s19, s5;
	_ =	swait.ge [sflag:s26], $0x1000  }
0x57: {  	s6 =	sshra.s32 @!p0 s24, $0x2;
	s19 =	simm.s32 @!p0 $0x9800;
	[sflag:s26] =	ssyncset.done $0x0  }
0x58: {  	s6 =	sadd.s32 @!p0 $0x400, s6;
	s17 =	simm.s32 @!p0 $0x80;
	[sflag:s26] =	ssyncadd.s32 $0xFFFFF000  }
0x59: {  	[tilespmem:s19], [sflag:$0x1] =	stream.indirect.gather @!p0 [hbm4b:s4+s17], $0x20, s6, s17, $0xb8;
	[tilespmem:$0x16800] =	vst v63  }
0x5a: {  	_ =	swait.ge [sflag:s28], $0x1000  }
0x5b: {  	[sflag:s28] =	ssyncset.done $0x0  }
0x5c: {  	s19 =	sadd.s32 $0x4E00, s3;
	s17 =	rddreg [dreg:$0x4];
	[sflag:s28] =	ssyncadd.s32 $0xFFFFF000  }
0x5d: {  	[spmem:s2] =	stream.indirect.scatter.add.f32 [tilespmem:s17], [sflag:$0xD], $0x20, s19, s14, $0xb8;
	[tilespmem:$0x16800] =	vst v63  }
0x5e: {  	s19 =	sadd.s32 $0xFFFFFFFE, s10  }
0x5f: {  	_ =	swait.ge [sflag:s29], $0x1000;
	p0 =	sge.u32 s19, s5  }
0x60: {  	[sflag:s29] =	ssyncset.done $0x0;
	s6 =	sshra.s32 @!p0 s24, $0x2;
	s17 =	simm.s32 @!p0 $0x80  }
0x61: {  	s19 =	simm.s32 @!p0 $0xA800;
	[sflag:s29] =	ssyncadd.s32 $0xFFFFF000;
	s6 =	sadd.s32 @!p0 $0x480, s6  }
0x62: {  	[tilespmem:s19], [sflag:$0x2] =	stream.indirect.gather @!p0 [hbm4b:s4+s17], $0x20, s6, s17, $0xb8;
	[tilespmem:$0x16800] =	vst v63  }
0x63: {  	_ =	swait.ge [sflag:s30], $0x1000  }
0x64: {  	[sflag:s30] =	ssyncset.done $0x0  }
0x65: {  	s19 =	sadd.s32 $0x4E80, s3;
	s17 =	rddreg [dreg:$0x5];
	[sflag:s30] =	ssyncadd.s32 $0xFFFFF000  }
0x66: {  	[spmem:s2] =	stream.indirect.scatter.add.f32 [tilespmem:s17], [sflag:$0xE], $0x20, s19, s14, $0xb8;
	[tilespmem:$0x16800] =	vst v63  }
0x67: {  	s19 =	sadd.s32 $0xFFFFFFFF, s10  }
0x68: {  	_ =	swait.ge [sflag:s31], $0x1000;
	p0 =	sge.u32 s19, s5  }
0x69: {  	[sflag:s31] =	ssyncset.done $0x0;
	s6 =	sshra.s32 @!p0 s24, $0x2;
	s17 =	simm.s32 @!p0 $0x80  }
0x6a: {  	s19 =	simm.s32 @!p0 $0xB800;
	[sflag:s31] =	ssyncadd.s32 $0xFFFFF000;
	s6 =	sadd.s32 @!p0 $0x500, s6  }
0x6b: {  	[tilespmem:s19], [sflag:$0x3] =	stream.indirect.gather @!p0 [hbm4b:s4+s17], $0x20, s6, s17, $0xb8;
	[tilespmem:$0x16800] =	vst v63  }
0x6c: {  	_ =	swait.ge [sflag:s0], $0x1000  }
0x6d: {  	s19 =	sadd.s32 $0x4F00, s3;
	[sflag:s0] =	ssyncset.done $0x0  }
0x6e: {  	p0 =	sge.u32 s10, s5;
	s17 =	rddreg [dreg:$0x6];
	[sflag:s0] =	ssyncadd.s32 $0xFFFFF000  }
0x6f: {  	[spmem:s2] =	stream.indirect.scatter.add.f32 [tilespmem:s17], [sflag:$0xF], $0x20, s19, s14, $0xb8;
	[tilespmem:$0x16800] =	vst v63  }
0x70: {  	s6 =	sshra.s32 @!p0 s24, $0x2;
	_ =	swait.ge [sflag:s1], $0x1000  }
0x71: {  	s6 =	sadd.s32 @!p0 $0x580, s6;
	[sflag:s1] =	ssyncset.done $0x0  }
0x72: {  	s17 =	simm.s32 @!p0 $0x80;
	s19 =	simm.s32 @!p0 $0xC800;
	[sflag:s1] =	ssyncadd.s32 $0xFFFFF000  }
0x73: {  	[tilespmem:s19], [sflag:$0x4] =	stream.indirect.gather @!p0 [hbm4b:s4+s17], $0x20, s6, s17, $0xb8;
	[tilespmem:$0x16800] =	vst v63  }
0x74: {  	_ =	swait.ge [sflag:s13], $0x1000  }
0x75: {  	s24 =	sadd.s32 $0x1000, s24;
	s19 =	rddreg [dreg:$0x3]  }
0x76: {  	p0 =	sne.s32 s19, s24  }
.Ltmp0:
0x77: {  	_ = 	snop;
	(pc) =	sbr.rel @p0 .LBB2_2-.Ltmp0, $4  }
0x78: {  	_ = 	snop  }
0x79: {  	s3 =	sadd.s32 $0x4F80, s3;
	[sflag:s13] =	ssyncset.done $0x0  }
0x7a: {  	s10 =	sadd.s32 $0x8, s10;
	s17 =	rddreg [dreg:$0x7];
	[sflag:s13] =	ssyncadd.s32 $0xFFFFF000  }
0x7b: {  	[spmem:s2] =	stream.indirect.scatter.add.f32 [tilespmem:s17], [sflag:$0x10], $0x20, s3, s14, $0xb8;
	[tilespmem:$0x16800] =	vst v63  }
0x7c: {  	s3 =	simm.s32 $0xD  }
0x7d: {  	_ =	swait.ge [sflag:s3], $0x1000  }
0x7e: {  	[sflag:s3] =	ssyncset.done $0x0  }
0x7f: {  	s10 =	simm.s32 $0xE;
	[sflag:s3] =	ssyncadd.s32 $0xFFFFF000  }
0x80: {  	_ =	swait.ge [sflag:s10], $0x1000  }
0x81: {  	[sflag:s10] =	ssyncset.done $0x0  }
0x82: {  	s17 =	simm.s32 $0xF;
	[sflag:s10] =	ssyncadd.s32 $0xFFFFF000  }
0x83: {  	_ =	swait.ge [sflag:s17], $0x1000  }
0x84: {  	[sflag:s17] =	ssyncset.done $0x0  }
0x85: {  	[sflag:s17] =	ssyncadd.s32 $0xFFFFF000  }
0x86: {  	_ =	swait.ge [sflag:s8], $0x1000  }
0x87: {  	[sflag:s8] =	ssyncset.done $0x0  }
0x88: {  	[sflag:s8] =	ssyncadd.s32 $0xFFFFF000  }
0x89: {  	[bflag:$0x0] =	sbarrier.arrive $0xFFFF  }
0x8a: {  	s19 =	rddreg [dreg:$0xc]  }
0x8b: {  	[hbm:s19], [sflag:s7] =	dma.local [spmem:s11], $0xA00  }
0x8c: {  	_ =	swait.ge [sflag:s12], $0xA00  }
0x8d: {  	s9 =	sadd.s32 $0x1, s9;
	s24 =	rddreg [dreg:$0xb]  }
0x8e: {  	p0 =	sne.s32 s9, s24  }
.Ltmp1:
0x8f: {  	_ = 	snop;
	(pc) =	sbr.rel @p0 .LBB2_1-.Ltmp1, $3  }
0x90: {  	_ =	sdelay $0x1  }
0x91: {  	[sflag:s12] =	ssyncset.done $0x0  }
0x92: {  	[sflag:s12] =	ssyncadd.s32 $0xFFFFF600  }
0x93: {  	_ =	sfence.sel $0x180000  }
0x94: {  	[bflag:$0x0] =	sbarrier.arrive $0xFFFF  }
0x95: {  	_ =	strace $0x9000004D  }
0x96: {  	s0 =	stileid.u32;
	[bflag:$0x2] =	sbarrier.arrive $0xFFFF  }
0x97: {  	p0 =	sne.s32 s0, $0x0;
	s0 =	rddreg [dreg:$0x2]  }
0x98: {  	s0 =	sadd.s32 @!p0 $0x100000, s0  }
0x99: {  	[sflag:s0] =	ssyncadd.tile.s32 @!p0 $0x1;
	_ =	shalt  }
.Lfunc_end2:
_tile_overlayer_lowered:
.L_overlay_start_2:
0x9a: {  	(tag) =	ssettag $0x2  }
0x9b: {  	s0 =	rddreg [dreg:$0x0];
	s2 =	stileid.u32  }
0x9c: {  	s1 =	rddreg [dreg:$0x1];
	p0 =	sne.s32 s2, $0x0  }
0x9d: {  	s3 =	rddreg [dreg:$0x2];
	[bflag:$0x3] =	sbarrier.arrive $0xFFFF;
	s2 =	simm.s32 @!p0 $0x1C11  }
0x9e: {  	[timem:s3], [sflag:s2] =	dma.local @!p0 [hbm:s0], s1  }
0x9f: {  	s0 =	simm.s32 @!p0 $0x11  }
0xa0: {  	_ =	swait.ge @!p0 [sflag:s0], s1  }
0xa1: {  	s1 =	ssub.s32 @!p0 $0x0, s1;
	[sflag:s0] =	ssyncset.done @!p0 $0x0  }
0xa2: {  	[sflag:s0] =	ssyncadd.s32 @!p0 s1  }
0xa3: {  	[bflag:$0x3] =	sbarrier.arrive $0xFFFF  }
0xa4: {  	_ =	shalt  }

// kernel: kernel.8.cloned.1.call-start
scs
__scs_entry_jumppad:
0x0: {  	(pc) =	sbr.rel $0x88, $3  }
0x1: {  	(tag) =	ssettag $0x0;
	lr =	simm.s32 $0x1  }
0x2: {  	[smem:$0x3F98] =	sst lr;
	_ =	strace $0xD0000000  }
0x3: {  	_ = 	snop  }
0x4: {  	_ = 	snop  }
0x5: {  	_ = 	snop  }
0x6: {  	_ = 	snop  }
0x7: {  	_ = 	snop  }
__scs_overlays_trampoline_lowered:
0x8: {  	[smem:$0x3FA7] =	sst s0  }
0x9: {  	[smem:$0x3FA8] =	sst s1  }
0xa: {  	[smem:$0x3FA9] =	sst s2  }
0xb: {  	[smem:$0x3FAA] =	sst s3  }
0xc: {  	[smem:$0x3FAB] =	sst s4  }
0xd: {  	[smem:$0x3FAC] =	sst s5  }
0xe: {  	[smem:$0x3FAD] =	sst s6  }
0xf: {  	[smem:$0x3FAE] =	sst s7  }
0x10: {  	[smem:$0x3FAF] =	sst s8  }
0x11: {  	[smem:$0x3FB0] =	sst s9;
	s0 =	simm.s32 @!p0 $0x0  }
0x12: {  	s1 =	sld [smem:$0x3F96];
	s0 =	simm.s32 @p0 $0x1  }
0x13: {  	[smem:$0x3FB1] =	sst s0;
	s0 =	simm.s32 @!p1 $0x0  }
0x14: {  	s2 =	sld [smem:$0x3F95];
	s0 =	simm.s32 @p1 $0x1  }
0x15: {  	[smem:$0x3FB2] =	sst s0;
	s0 =	simm.s32 @!p2 $0x0  }
0x16: {  	s3 =	sld [smem:$0x3FDB];
	s0 =	simm.s32 @p2 $0x1  }
0x17: {  	s4 =	simm.s32 $0x1BF5;
	[smem:$0x3FB4] =	sst s0  }
0x18: {  	s0 =	sld [smem:$0x3F97];
	_ =	swait.ge [sflag:s4], $0x0  }
0x19: {  	s7 =	sld [smem:$0x3F98]  }
0x1a: {  	s8 =	sadd.s32 $0xFFFFE003, lr  }
0x1b: {  	s9 =	sadd.s32 $0xFFFFFEF7, lr;
	s5 =	simm.s32 $0xFFFFFFFF;
	p2 =	slt.u32 s8, $0xFFFFF086  }
0x1c: {  	p1 =	slt.u32 s9, $0xF7A;
	s5 =	simm.s32 @!p2 $0x0  }
0x1d: {  	s5 =	simm.s32 @p1 $0x1;
	p0 =	seq.s32 s7, s2  }
0x1e: {  	s7 =	smul.u32 @!p0 $0xF7A, s2;
	p2 =	seq.s32 @!p0 s5, $0x0  }
0x1f: {  	s9 =	smul.u32 $0xF7A, s1;
	s8 =	simm.s32 @!p0 $0x1BF5;
	p2 =	por !p2, p0  }
0x20: {  	[sflag:s8] =	ssyncset.s32 @!p0 $0xFFFFF086;
	s6 =	sadd.s32 @!p0 s3, s7;
	s7 =	simm.s32 @!p0 $0x108  }
0x21: {  	s3 =	sadd.s32 s3, s9;
	s6 =	sadd.s32 @!p0 $0x88, s6;
	s7 =	simm.s32 @p2 $0x1082  }
0x22: {  	[simem:s7], [sflag:s8] =	dma.local @!p0 [hbm:s6], $0xF7A  }
0x23: {  	s9 =	sor.u32 $0xD0000000, s2;
	s6 =	simm.s32 $0x108;
	_ =	swait.ge @!p0 [sflag:s8], $0x0  }
0x24: {  	s3 =	sadd.s32 $0x88, s3;
	s6 =	simm.s32 @!p1 $0x1082;
	[sflag:s4] =	ssyncset.s32 $0xFFFFF086  }
0x25: {  	[simem:s6], [sflag:s4] =	dma.local [hbm:s3], $0xF7A  }
0x26: {  	[smem:$0x3F98] =	sst s1;
	(tag) =	ssettag s2;
	_ =	strace s9  }
0x27: {  	s1 =	sld [smem:$0x3FA8]  }
0x28: {  	s2 =	sld [smem:$0x3FA9]  }
0x29: {  	s4 =	sld [smem:$0x3FAB]  }
0x2a: {  	p0 =	seq.s32 s5, $0x0;
	s5 =	sld [smem:$0x3FAC]  }
0x2b: {  	s6 =	sld [smem:$0x3FAD]  }
0x2c: {  	s7 =	sld [smem:$0x3FAE]  }
0x2d: {  	s3 =	simm.s32 $0x108;
	s8 =	sld [smem:$0x3FAF]  }
0x2e: {  	s3 =	simm.s32 @!p0 $0x1082;
	s9 =	sld [smem:$0x3FB0]  }
0x2f: {  	lr =	sadd.s32 s0, s3;
	s0 =	sld [smem:$0x3FA7]  }
0x30: {  	s3 =	sld [smem:$0x3FAA]  }
0x31: {  	[smem:$0x3FB3] =	sst s10  }
0x32: {  	s10 =	sld [smem:$0x3FB1];
	_ =	sdelay $0x3  }
0x33: {  	p0 =	seq.s32 s10, $0x1;
	s10 =	sld [smem:$0x3FB3];
	_ =	sdelay $0x3  }
0x34: {  	[smem:$0x3FB3] =	sst s10  }
0x35: {  	s10 =	sld [smem:$0x3FB2];
	_ =	sdelay $0x3  }
0x36: {  	p1 =	seq.s32 s10, $0x1;
	s10 =	sld [smem:$0x3FB3];
	_ =	sdelay $0x3  }
0x37: {  	[smem:$0x3FB3] =	sst s10  }
0x38: {  	s10 =	sld [smem:$0x3FB4]  }
0x39: {  	_ = 	snop;
	(pc) =	sbr.ind lr, $3  }
0x3a: {  	_ = 	snop  }
0x3b: {  	_ = 	snop  }
0x3c: {  	p2 =	seq.s32 s10, $0x1;
	s10 =	sld [smem:$0x3FB3]  }
0x3d: {  	_ =	shalt  }
0x3e: {  	_ =	shalt  }
0x3f: {  	_ =	shalt  }
0x40: {  	_ =	shalt  }
0x41: {  	_ =	shalt  }
0x42: {  	_ =	shalt  }
0x43: {  	_ =	shalt  }
0x44: {  	_ =	shalt  }
0x45: {  	_ =	shalt  }
0x46: {  	_ =	shalt  }
0x47: {  	_ =	shalt  }
0x48: {  	_ =	shalt  }
0x49: {  	_ =	shalt  }
0x4a: {  	_ =	shalt  }
0x4b: {  	_ =	shalt  }
0x4c: {  	_ =	shalt  }
0x4d: {  	_ =	shalt  }
0x4e: {  	_ =	shalt  }
0x4f: {  	_ =	shalt  }
0x50: {  	_ =	shalt  }
0x51: {  	_ =	shalt  }
0x52: {  	_ =	shalt  }
0x53: {  	_ =	shalt  }
0x54: {  	_ =	shalt  }
0x55: {  	_ =	shalt  }
0x56: {  	_ =	shalt  }
0x57: {  	_ =	shalt  }
0x58: {  	_ =	shalt  }
0x59: {  	_ =	shalt  }
0x5a: {  	_ =	shalt  }
0x5b: {  	_ =	shalt  }
0x5c: {  	_ =	shalt  }
0x5d: {  	_ =	shalt  }
0x5e: {  	_ =	shalt  }
0x5f: {  	_ =	shalt  }
0x60: {  	_ =	shalt  }
0x61: {  	_ =	shalt  }
0x62: {  	_ =	shalt  }
0x63: {  	_ =	shalt  }
0x64: {  	_ =	shalt  }
0x65: {  	_ =	shalt  }
0x66: {  	_ =	shalt  }
0x67: {  	_ =	shalt  }
0x68: {  	_ =	shalt  }
0x69: {  	_ =	shalt  }
0x6a: {  	_ =	shalt  }
0x6b: {  	_ =	shalt  }
0x6c: {  	_ =	shalt  }
0x6d: {  	_ =	shalt  }
0x6e: {  	_ =	shalt  }
0x6f: {  	_ =	shalt  }
0x70: {  	_ =	shalt  }
0x71: {  	_ =	shalt  }
0x72: {  	_ =	shalt  }
0x73: {  	_ =	shalt  }
0x74: {  	_ =	shalt  }
0x75: {  	_ =	shalt  }
0x76: {  	_ =	shalt  }
0x77: {  	_ =	shalt  }
0x78: {  	_ =	shalt  }
0x79: {  	_ =	shalt  }
0x7a: {  	_ =	shalt  }
0x7b: {  	_ =	shalt  }
0x7c: {  	_ =	shalt  }
0x7d: {  	_ =	shalt  }
0x7e: {  	_ =	shalt  }
0x7f: {  	_ =	shalt  }
0x80: {  	_ =	shalt  }
0x81: {  	_ =	shalt  }
0x82: {  	_ =	shalt  }
0x83: {  	_ =	shalt  }
0x84: {  	_ =	shalt  }
0x85: {  	_ =	shalt  }
0x86: {  	_ =	shalt  }
0x87: {  	_ =	shalt  }
.Lfunc_end0:
.L_simem_size_0:
called_computation_lowered:
.L_overlay_start_0:
0x88: {  	s2 =	sld [smem:$0x3FD9]  }
0x89: {  	s3 =	sld [smem:$0x3FFE];
	_ =	sdelay $0x1  }
0x8a: {  	s1 =	srdreg.scid  }
0x8b: {  	s0 =	sand.u32 $0x1, s1  }
0x8c: {  	s17 =	sshll.u32 s0, $0xA;
	s2 =	sadd.s32 s3, s2  }
0x8d: {  	s2 =	sadd.s32 s2, s17  }
0x8e: {  	[smem:$0x3FBF] =	sst s2  }
0x8f: {  	_ = 	snop  }
0x90: {  	s2 =	sld [smem:$0x3FD0];
	(tm) =	ssettm $0x1  }
0x91: {  	s18 =	sld [smem:$0x3FFB];
	_ =	sdelay $0x3  }
0x92: {  	_ =	strace s18  }
0x93: {  	s3 =	sld [smem:$0x3FFC];
	_ =	sdelay $0x3  }
0x94: {  	_ =	strace s3  }
0x95: {  	s3 =	sld [smem:$0x3FFD];
	_ =	sdelay $0x3  }
0x96: {  	_ =	strace s3  }
0x97: {  	_ =	strace $0x8FFFFFFF  }
0x98: {  	s19 =	sld [smem:$0x3FDB];
	_ =	sdelay $0x1  }
0x99: {  	s4 =	simm.s32 $_scs_section_size  }
0x9a: {  	s5 =	simm.s32 $_size__tile_overlayer_lowered;
	s6 =	simm.s32 $_tile_overlayer_lowered  }
0x9b: {  	s22 =	simm.s32 $0x1BFF;
	s21 =	sshll.u32 s6, $0x1;
	s3 =	sadd.s32 s4, s19  }
0x9c: {  	s7 =	simm.s32 $0x0;
	s20 =	sshll.u32 s5, $0x1;
	s5 =	sadd.s32 s21, s3  }
0x9d: {  	[timem:s7], [sflag:s22] =	dma.local [hbm:s5], s20  }
0x9e: {  	_ =	swait.ge [sflag:s22], s20  }
0x9f: {  	s4 =	ssub.s32 $0x0, s20;
	[sflag:s22] =	ssyncset.done $0x0  }
0xa0: {  	[sflag:s22] =	ssyncadd.s32 s4;
	_ =	sdelay $0x1  }
0xa1: {  	s23 =	simm.s32 $0x1B8B  }
0xa2: {  	_ =	swait.ge [sflag:s23], $0x1  }
0xa3: {  	[sflag:s23] =	ssyncset.done $0x0  }
0xa4: {  	s25 =	simm.s32 $0x1B8E;
	s24 =	sld [smem:$0x3FFE];
	[sflag:s23] =	ssyncadd.s32 $0xFFFFFFFF  }
0xa5: {  	s26 =	simm.s32 $execute0_lowered;
	[smem:$0x3FD2] =	sst s25  }
0xa6: {  	s5 =	sshll.u32 s26, $0x1;
	_ =	strace $0x80000046;
	[dreg:$0x1] =	wrdreg $0xFFFFFFFF  }
0xa7: {  	s28 =	simm.s32 $_size_execute0_lowered;
	s3 =	sadd.s32 s3, s5;
	[dreg:$0x0] =	wrdreg $0x0  }
0xa8: {  	s5 =	sshll.u32 s28, $0x1;
	[dreg:$0x2] =	wrdreg s3  }
0xa9: {  	[dreg:$0x3] =	wrdreg s5  }
0xaa: {  	[dreg:$0x4] =	wrdreg $0xC0  }
0xab: {  	_ =	task [dreg:s7], $0x5FFFF  }
0xac: {  	[dreg:$0x1] =	wrdreg $0xFFFFFFFF  }
0xad: {  	[dreg:$0x0] =	wrdreg $0x60  }
0xae: {  	[dreg:$0x2] =	wrdreg s24  }
0xaf: {  	[dreg:$0x3] =	wrdreg s2  }
0xb0: {  	[dreg:$0x4] =	wrdreg $0x28800  }
0xb1: {  	[dreg:$0x5] =	wrdreg $0x9  }
0xb2: {  	_ =	task.clear_ibuf [dreg:s7], $0x6FFFF;
	_ =	strace $0x90000046  }
0xb3: {  	s29 =	simm.s32 $0x9;
	_ =	strace $0x80000048  }
0xb4: {  	_ =	swait.ge [sflag:s29], $0x1  }
0xb5: {  	[sflag:s29] =	ssyncadd.s32 $0xFFFFFFFF  }
0xb6: {  	_ =	strace $0x90000048  }
0xb7: {  	_ =	sfence  }
0xb8: {  	s30 =	sld [smem:$0x0];
	_ =	sdelay $0x2  }
0xb9: {  	s31 =	sshll.u32 s1, $0xD;
	s1 =	sshrl.u32 s1, $0x2  }
0xba: {  	s3 =	sand.u32 $0x4000, s31;
	s1 =	sadd.s32 s1, s30  }
0xbb: {  	s0 =	sor.u32 s3, s0;
	s1 =	sshll.u32 s1, $0x11  }
0xbc: {  	s0 =	sor.u32 s1, s0  }
0xbd: {  	s0 =	sadd.s32 $0x8F2B, s0  }
0xbe: {  	[sflag:s0] =	ssyncadd.remote.s32 $0x1  }
0xbf: {  	_ =	sfence.sel $0xFFFF  }
0xc0: {  	[dreg:$0x0] =	wrdreg $0xFFFFFFFF;
	(pc) =	sbr.abs _section_cstart, $3  }
0xc1: {  	[dreg:$0x1] =	wrdreg $0xFFFFFFFF  }
0xc2: {  	_ =	task.clear_ibuf [dreg:s7], $0x2FFFF;
	_ =	strace $0x9FFFFFFF  }
0xc3: {  	(tm) =	ssettm $0x7FFFFFFF  }
tec
execute0_lowered:
.L_overlay_start_1:
0x0: {  	(tag) =	ssettag $0x1  }
0x1: {  	s5 =	rddreg [dreg:$0x0]  }
0x2: {  	s1 =	rddreg [dreg:$0x1]  }
0x3: {  	s0 =	srdreg.scid;
	s3 =	rddreg [dreg:$0x2]  }
0x4: {  	s2 =	stileid.u32;
	s4 =	simm.s32 $0x0;
	s15 =	simm.s32 $0x10  }
0x5: {  	s16 =	simm.s32 $0x0;
	s6 =	sand.u32 $0x1, s0;
	s0 =	rddreg [dreg:$0x3]  }
0x6: {  	s9 =	smul.u32 $0x280, s2;
	[smem:$0x7FF] =	sst s4;
	s31 =	sshll.u32 s2, $0x6  }
0x7: {  	s14 =	smul.u32 $0xA0, s2;
	s7 =	sshll.u32 s6, $0x4;
	_ =	strace $0x80000047  }
0x8: {  	s6 =	ssub.s32 $0x2, s6;
	s8 =	sor.u32 s2, s7;
	s10 =	sshrl.u32 s9, $0x3  }
0x9: {  	s11 =	sshrl.u32 s6, $0x1;
	s12 =	sadd.s32 s7, s5;
	s9 =	sadd.s32 s9, s3  }
0xa: {  	s8 =	smul.u32 $0x500, s8;
	s10 =	sadd.s32 s10, s5;
	s11 =	ssub.s32 s6, s11  }
0xb: {  	s6 =	sor.u32 $0x1C01, s31;
	s13 =	sadd.s32 $0x18600, s12;
	s9 =	sshrl.u32 s9, $0x3  }
0xc: {  	s12 =	simm.s32 $0x80;
	s13 =	sadd.s32 s14, s13;
	s14 =	simm.s32 $0x20  }
0xd: {  	s8 =	sadd.s32 s8, s5;
	s5 =	sadd.s32 $0x18000, s10;
	s10 =	simm.s32 $0x1  }
0xe: {  	s7 =	sadd.s32 $0x2000, s8;
	s8 =	smax.u32 s11, $0x1;
	s11 =	simm.s32 $0x2800  }
.LBB2_1:
0xf: {  	[spmem:s9], [sflag:s6] =	dma.local [hbm:s5], $0x50  }
0x10: {  	_ =	swait.ge [sflag:s10], $0x50  }
0x11: {  	[sflag:s10] =	ssyncset.done $0x0  }
0x12: {  	[sflag:s10] =	ssyncadd.s32 $0xFFFFFFB0  }
0x13: {  	[tilespmem:s11], [sflag:$0x1] =	stream.linear.gather [hbm4b:s1+s4], $0x80, $0x38;
	[tilespmem:$0x2B00] =	vst v63  }
0x14: {  	_ =	swait.ge [sflag:s10], $0x80  }
0x15: {  	[sflag:s10] =	ssyncset.done $0x0  }
0x16: {  	[sflag:s10] =	ssyncadd.s32 $0xFFFFFF80  }
0x17: {  	[tilespmem:s4], [sflag:$0x1] =	stream.linear.gather [hbm4b:s7+s4], $0x2800, $0x38;
	[tilespmem:$0x2B00] =	vst v63  }
0x18: {  	_ =	swait.ge [sflag:s10], $0x2800  }
0x19: {  	[sflag:s10] =	ssyncset.done $0x0  }
0x1a: {  	[sflag:s10] =	ssyncadd.s32 $0xFFFFD800  }
0x1b: {  	s17 =	simm.s32 $0x0;
	[bflag:$0x0] =	sbarrier.arrive $0xFFFF  }
0x1c: {  	[spmem:s3] =	stream.indirect.scatter.add.f32 [tilespmem:s11], [sflag:$0x1], $0x1, s17, s12, $0xb8;
	[tilespmem:$0x2B00] =	vst v63  }
0x1d: {  	_ =	swait.ge [sflag:s10], $0x80  }
0x1e: {  	s17 =	simm.s32 $0x200;
	[sflag:s10] =	ssyncset.done $0x0  }
.LBB2_2:
0x1f: {  	s18 =	sshra.s32 s17, $0x2;
	[sflag:s10] =	ssyncadd.s32 $0xFFFFFF80;
	p0 =	sne.s32 s17, $0x9E00  }
0x20: {  	[spmem:s3] =	stream.indirect.scatter.add.f32 [tilespmem:s11], [sflag:$0x1], $0x1, s18, s12, $0xb8;
	[tilespmem:$0x2B00] =	vst v63  }
.Ltmp0:
0x21: {  	_ = 	snop;
	(pc) =	sbr.rel @p0 .LBB2_2-.Ltmp0, $4  }
0x22: {  	_ = 	snop  }
0x23: {  	s17 =	sadd.s32 $0x200, s17  }
0x24: {  	_ =	swait.ge [sflag:s10], $0x80  }
0x25: {  	[sflag:s10] =	ssyncset.done $0x0  }
0x26: {  	s16 =	sadd.s32 $0x1, s16  }
0x27: {  	[sflag:s10] =	ssyncadd.s32 $0xFFFFFF80;
	p0 =	sne.s32 s16, s8  }
.Ltmp1:
0x28: {  	[bflag:$0x0] =	sbarrier.arrive $0xFFFF;
	(pc) =	sbr.rel @p0 .LBB2_1-.Ltmp1, $4  }
0x29: {  	[hbm:s13@s14], [sflag:s6] =	dma.strided [spmem:s9@s15], $0x50, s10, $0x10   }
0x2a: {  	_ =	swait.ge [sflag:s10], $0x50  }
0x2b: {  	[sflag:s10] =	ssyncset.done $0x0  }
0x2c: {  	[sflag:s10] =	ssyncadd.s32 $0xFFFFFFB0  }
0x2d: {  	_ =	sfence.sel $0x180000  }
0x2e: {  	[bflag:$0x0] =	sbarrier.arrive $0xFFFF  }
0x2f: {  	p0 =	sne.s32 s2, $0x0;
	_ =	strace $0x90000047  }
0x30: {  	s0 =	sadd.s32 @!p0 $0x100000, s0;
	[bflag:$0x2] =	sbarrier.arrive $0xFFFF  }
0x31: {  	[sflag:s0] =	ssyncadd.tile.s32 @!p0 $0x1;
	_ =	shalt  }
.Lfunc_end2:
_tile_overlayer_lowered:
.L_overlay_start_2:
0x32: {  	(tag) =	ssettag $0x2  }
0x33: {  	s0 =	rddreg [dreg:$0x0];
	s2 =	stileid.u32  }
0x34: {  	s1 =	rddreg [dreg:$0x1];
	p0 =	sne.s32 s2, $0x0  }
0x35: {  	s3 =	rddreg [dreg:$0x2];
	[bflag:$0x3] =	sbarrier.arrive $0xFFFF;
	s2 =	simm.s32 @!p0 $0x1C01  }
0x36: {  	[timem:s3], [sflag:s2] =	dma.local @!p0 [hbm:s0], s1  }
0x37: {  	s0 =	simm.s32 @!p0 $0x1  }
0x38: {  	_ =	swait.ge @!p0 [sflag:s0], s1  }
0x39: {  	s1 =	ssub.s32 @!p0 $0x0, s1;
	[sflag:s0] =	ssyncset.done @!p0 $0x0  }
0x3a: {  	[sflag:s0] =	ssyncadd.s32 @!p0 s1  }
0x3b: {  	[bflag:$0x3] =	sbarrier.arrive $0xFFFF  }
0x3c: {  	_ =	shalt  }

</sc_bundles>
